<compile_context>
chip_gen: v7x
topology: tpu7x:2x2x1
jax: 0.10.2.dev20260603
libtpu: 0.0.44.dev20260713+nightly
codegen_flags: <defaults>
</compile_context>

<pallas_src>
import functools

import jax
import jax.numpy as jnp
from jax import lax
from jax.experimental import pallas as pl
from jax.experimental.pallas import tpu as pltpu
from jax.experimental.pallas import tpu_sc as plsc

N = 10000
E = 320000
D_IN = 128
H = 128
NH = 8
HD = H // NH
TD = 32
NL = 3
OUT = 2

NPAD = 10240
ROWS_BLK = 512

NC = 2
NS = 16
NW = NC * NS
CH = 128
NCHUNK = -(-E // (NW * CH))
PER_W = NCHUNK * CH
EP = NW * PER_W
ROWS_PER_TILE = NPAD // NS



def _proj_body(x_ref, w_ref, b_ref, o_ref):
    o_ref[...] = (
        jnp.dot(x_ref[...], w_ref[...], preferred_element_type=jnp.float32)
        + b_ref[...]
    )


def _proj(x, w, b):
    din = x.shape[1]
    dout = w.shape[1]
    return pl.pallas_call(
        _proj_body,
        grid=(NPAD // ROWS_BLK,),
        in_specs=[
            pl.BlockSpec((ROWS_BLK, din), lambda i: (i, 0)),
            pl.BlockSpec((din, dout), lambda i: (0, 0)),
            pl.BlockSpec((1, dout), lambda i: (0, 0)),
        ],
        out_specs=pl.BlockSpec((ROWS_BLK, dout), lambda i: (i, 0)),
        out_shape=jax.ShapeDtypeStruct((NPAD, dout), jnp.float32),
    )(x, w, b.reshape(1, dout))





_EM_BLK = 1024


def _edge_fused_body(qd_ref, ks_ref, vs_ref, msg_ref, exb_ref):
    p = qd_ref[...] * ks_ref[...]
    lane = lax.broadcasted_iota(jnp.int32, (H, NH), 0) // HD
    head = lax.broadcasted_iota(jnp.int32, (H, NH), 1)
    m_sum = (lane == head).astype(jnp.float32)
    s = jnp.dot(
        p, m_sum, preferred_element_type=jnp.float32) * (1.0 / (HD ** 0.5))
    ex = jnp.exp(s)
    lane2 = lax.broadcasted_iota(jnp.int32, (NH, H), 1) // HD
    head2 = lax.broadcasted_iota(jnp.int32, (NH, H), 0)
    m_exp = (lane2 == head2).astype(jnp.float32)
    exb = jnp.dot(ex, m_exp, preferred_element_type=jnp.float32)
    msg_ref[...] = exb * vs_ref[...]
    exb_ref[...] = exb


def _edge_fused(qd, ks, vs):
    return pl.pallas_call(
        _edge_fused_body,
        grid=(EP // _EM_BLK,),
        in_specs=[
            pl.BlockSpec((_EM_BLK, H), lambda i: (i, 0)),
            pl.BlockSpec((_EM_BLK, H), lambda i: (i, 0)),
            pl.BlockSpec((_EM_BLK, H), lambda i: (i, 0)),
        ],
        out_specs=[
            pl.BlockSpec((_EM_BLK, H), lambda i: (i, 0)),
            pl.BlockSpec((_EM_BLK, H), lambda i: (i, 0)),
        ],
        out_shape=[
            jax.ShapeDtypeStruct((EP, H), jnp.float32),
            jax.ShapeDtypeStruct((EP, H), jnp.float32),
        ],
    )(qd, ks, vs)





_SC_SCATTER_CACHE = {}


def _sc_mesh():
    return plsc.VectorSubcoreMesh(
        core_axis_name="c", subcore_axis_name="s",
        num_cores=NC, num_subcores=NS)


def _make_sc_scatter():
    if "s" in _SC_SCATTER_CACHE:
        return _SC_SCATTER_CACHE["s"]

    @functools.partial(
        pl.kernel, mesh=_sc_mesh(),
        out_type=jax.ShapeDtypeStruct((NC * NPAD, H), jnp.float32),
        scratch_types=[
            pltpu.VMEM((CH, H), jnp.float32),
            pltpu.VMEM_SHARED((NPAD, H), jnp.float32),
            pltpu.VMEM((CH,), jnp.int32),
            pltpu.VMEM((CH, H), jnp.float32),
            pltpu.VMEM((CH,), jnp.int32),
            pltpu.SemaphoreType.DMA,
            pltpu.SemaphoreType.DMA,
        ])
    def sc_scatter(msg_hbm, idx_hbm, zeros_hbm, out1, bufA, acc1, idx_v,
                   bufB, idx_w, sma, smb):
        cid = lax.axis_index("c")
        sid = lax.axis_index("s")
        wid = sid * NC + cid
        row0 = sid * ROWS_PER_TILE

        pltpu.sync_copy(zeros_hbm.at[pl.ds(0, CH)], bufA)

        def zbody(j, c):
            pltpu.sync_copy(bufA, acc1.at[pl.ds(row0 + j * CH, CH)])
            return c

        lax.fori_loop(0, ROWS_PER_TILE // CH, zbody, 0)
        plsc.subcore_barrier()

        def pair(g2, carry):
            base_a = wid * PER_W + (2 * g2) * CH
            base_b = base_a + CH
            pltpu.sync_copy(idx_hbm.at[pl.ds(base_a, CH)], idx_v)
            pltpu.sync_copy(idx_hbm.at[pl.ds(base_b, CH)], idx_w)
            ma = pltpu.async_copy(msg_hbm.at[pl.ds(base_a, CH)], bufA, sma)
            mb = pltpu.async_copy(msg_hbm.at[pl.ds(base_b, CH)], bufB, smb)
            ma.wait()
            pltpu.sync_copy(bufA, acc1.at[idx_v], add=True)
            mb.wait()
            pltpu.sync_copy(bufB, acc1.at[idx_w], add=True)
            return carry

        lax.fori_loop(0, NCHUNK // 2, pair, 0)
        base = wid * PER_W + (NCHUNK - 1) * CH
        pltpu.sync_copy(idx_hbm.at[pl.ds(base, CH)], idx_v)
        pltpu.sync_copy(msg_hbm.at[pl.ds(base, CH)], bufA)
        pltpu.sync_copy(bufA, acc1.at[idx_v], add=True)
        plsc.subcore_barrier()

        def fbody(j, c):
            pltpu.sync_copy(acc1.at[pl.ds(row0 + j * CH, CH)], bufA)
            pltpu.sync_copy(
                bufA, out1.at[pl.ds(cid * NPAD + row0 + j * CH, CH)])
            return c

        lax.fori_loop(0, ROWS_PER_TILE // CH, fbody, 0)

    def run(msg, idx):
        zeros = jnp.zeros((CH, H), jnp.float32)
        o1 = sc_scatter(msg, idx, zeros)
        return o1.reshape(NC, NPAD, H)

    _SC_SCATTER_CACHE["s"] = run
    return run



def _make_sc_gather3():
    if "g" in _SC_SCATTER_CACHE:
        return _SC_SCATTER_CACHE["g"]

    @functools.partial(
        pl.kernel, mesh=_sc_mesh(),
        out_type=(
            jax.ShapeDtypeStruct((EP, H), jnp.float32),
            jax.ShapeDtypeStruct((EP, H), jnp.float32),
            jax.ShapeDtypeStruct((EP, H), jnp.float32),
        ),
        scratch_types=[
            pltpu.VMEM((CH,), jnp.int32),
            pltpu.VMEM((CH,), jnp.int32),
            pltpu.VMEM((CH, H), jnp.float32),
            pltpu.VMEM((CH, H), jnp.float32),
            pltpu.VMEM((CH, H), jnp.float32),
            pltpu.SemaphoreType.DMA,
            pltpu.SemaphoreType.DMA,
            pltpu.SemaphoreType.DMA,
            pltpu.SemaphoreType.DMA,
        ])
    def sc_gather(q_hbm, k_hbm, v_hbm, dst_hbm, src_hbm,
                  qd_hbm, ks_hbm, vs_hbm,
                  idxd_v, idxs_v, bufQ, bufK, bufV, sem1, sem2, sem3, semw):
        cid = lax.axis_index("c")
        sid = lax.axis_index("s")
        wid = sid * NC + cid

        def body(g, carry):
            base = wid * PER_W + g * CH
            pltpu.sync_copy(dst_hbm.at[pl.ds(base, CH)], idxd_v)
            pltpu.sync_copy(src_hbm.at[pl.ds(base, CH)], idxs_v)
            d1 = pltpu.async_copy(q_hbm.at[idxd_v], bufQ, sem1)
            d2 = pltpu.async_copy(k_hbm.at[idxs_v], bufK, sem2)
            d3 = pltpu.async_copy(v_hbm.at[idxs_v], bufV, sem3)
            d1.wait()
            w1 = pltpu.async_copy(bufQ, qd_hbm.at[pl.ds(base, CH)], semw)
            d2.wait()
            w2 = pltpu.async_copy(bufK, ks_hbm.at[pl.ds(base, CH)], semw)
            d3.wait()
            w3 = pltpu.async_copy(bufV, vs_hbm.at[pl.ds(base, CH)], semw)
            w1.wait()
            w2.wait()
            w3.wait()
            return carry

        lax.fori_loop(0, NCHUNK, body, 0)

    _SC_SCATTER_CACHE["g"] = sc_gather
    return sc_gather



def _norm_proj_body(p0_ref, p1_ref, s0_ref, s1_ref, w_ref, b_ref, o_ref):
    uagg = p0_ref[...] + p1_ref[...]
    ssb = s0_ref[...] + s1_ref[...]
    ssb = jnp.where(ssb == 0.0, 1.0, ssb)
    agg = uagg / ssb
    o_ref[...] = jnp.dot(
        agg, w_ref[...], preferred_element_type=jnp.float32) + b_ref[...]


def _norm_proj(p128, s128, w, b):
    return pl.pallas_call(
        _norm_proj_body,
        grid=(NPAD // ROWS_BLK,),
        in_specs=[
            pl.BlockSpec((ROWS_BLK, H), lambda i: (i, 0)),
            pl.BlockSpec((ROWS_BLK, H), lambda i: (i, 0)),
            pl.BlockSpec((ROWS_BLK, H), lambda i: (i, 0)),
            pl.BlockSpec((ROWS_BLK, H), lambda i: (i, 0)),
            pl.BlockSpec((H, H), lambda i: (0, 0)),
            pl.BlockSpec((1, H), lambda i: (0, 0)),
        ],
        out_specs=pl.BlockSpec((ROWS_BLK, H), lambda i: (i, 0)),
        out_shape=jax.ShapeDtypeStruct((NPAD, H), jnp.float32),
    )(p128[0], p128[1], s128[0], s128[1], w, b.reshape(1, H))



def kernel(x, edge_index, batch, timestamps, W_in, b_in, time_freq,
           Wq, bq, Wk, bk, Wv, bv, Wo, bo, W1, b1, W2, b2):
    src = edge_index[0]
    dst = edge_index[1]
    pad_idx = jnp.full((EP - E,), NPAD - 1, jnp.int32)
    src_p = jnp.concatenate([src, pad_idx])
    dst_p = jnp.concatenate([dst, pad_idx])

    t_norm = (timestamps - jnp.min(timestamps)) / (
        jnp.max(timestamps) - jnp.min(timestamps) + 1e-08)
    om = t_norm[:, None] * time_freq[None, :]
    tf_e = jnp.concatenate(
        [jnp.cos(om), jnp.sin(om), jnp.ones((E, 1), jnp.float32),
         jnp.zeros((E, H - TD - 1), jnp.float32)], axis=1)
    msg_tf = jnp.concatenate(
        [tf_e, jnp.zeros((EP - E, H), jnp.float32)], axis=0)
    tf_part = _make_sc_scatter()(msg_tf, dst_p)
    tot = tf_part[0] + tf_part[1]
    node_tf_p = tot[:, :TD] / (tot[:, TD:TD + 1] + 1e-08)

    xp = jnp.zeros((NPAD, D_IN), jnp.float32).at[:N].set(x)
    h = _proj(xp, W_in, b_in)

    for l in range(NL):
        xt = jnp.concatenate([h, node_tf_p], axis=-1)
        Q = _proj(xt, Wq[l], bq[l])
        K = _proj(xt, Wk[l], bk[l])
        V = _proj(h, Wv[l], bv[l])
        Qd, Ks, Vs = _make_sc_gather3()(Q, K, V, dst_p, src_p)
        msg, exb = _edge_fused(Qd, Ks, Vs)
        p128 = _make_sc_scatter()(msg, dst_p)
        s128 = _make_sc_scatter()(exb, dst_p)
        out = _norm_proj((p128[0], p128[1]), (s128[0], s128[1]), Wo[l], bo[l])
        h = jax.nn.elu(out)

    hN = h[:N]
    g = jnp.mean(hN, axis=0, keepdims=True)
    logits = jax.nn.relu(g @ W1 + b1) @ W2 + b2
    return logits

# --- scband reference (transcript-rebuilt; emitter-appended) ---
"""Pipeline reference for scband-tgat-22617297781312 (READ-ONLY COPY).

The authoritative reference and input builder live on the scoring server;
editing this copy changes nothing except your own understanding.
"""

import jax, jax.numpy as jnp
import numpy as np

N = 10000
E = 320000
D_IN = 128
H = 128
NH = 8
HD = H // NH
TD = 32
NL = 3
OUT = 2


def setup_inputs(seed: int = 0) -> dict:
    key = jax.random.key(seed)
    ks = jax.random.split(key, 16)
    s = 0.05
    x = jax.random.normal(ks[0], (N, D_IN), dtype=jnp.float32)
    edge_index = jax.random.randint(ks[1], (2, E), 0, N, dtype=jnp.int32)
    batch = jnp.zeros((N,), dtype=jnp.int32)
    timestamps = jax.random.uniform(ks[2], (E,), dtype=jnp.float32)
    W_in = jax.random.normal(ks[3], (D_IN, H), jnp.float32) * s
    b_in = jnp.zeros((H,), jnp.float32)
    time_freq = jax.random.normal(ks[4], (TD // 2,), jnp.float32)
    Wq = jax.random.normal(ks[5], (NL, H + TD, H), jnp.float32) * s
    bq = jnp.zeros((NL, H), jnp.float32)
    Wk = jax.random.normal(ks[6], (NL, H + TD, H), jnp.float32) * s
    bk = jnp.zeros((NL, H), jnp.float32)
    Wv = jax.random.normal(ks[7], (NL, H, H), jnp.float32) * s
    bv = jnp.zeros((NL, H), jnp.float32)
    Wo = jax.random.normal(ks[8], (NL, H, H), jnp.float32) * s
    bo = jnp.zeros((NL, H), jnp.float32)
    W1 = jax.random.normal(ks[9], (H, H // 2), jnp.float32) * s
    b1 = jnp.zeros((H // 2,), jnp.float32)
    W2 = jax.random.normal(ks[10], (H // 2, OUT), jnp.float32) * s
    b2 = jnp.zeros((OUT,), jnp.float32)
    return dict(x=x, edge_index=edge_index, batch=batch, timestamps=timestamps,
                W_in=W_in, b_in=b_in, time_freq=time_freq,
                Wq=Wq, bq=bq, Wk=Wk, bk=bk, Wv=Wv, bv=bv, Wo=Wo, bo=bo,
                W1=W1, b1=b1, W2=W2, b2=b2)


def _forward(x, timestamps, W_in, b_in, time_freq, Wq, bq, Wk, bk, Wv, bv, Wo, bo, W1, b1, W2, b2, edge_index, batch):
    src = edge_index[0]
    dst = edge_index[1]
    # functional time encoding on per-edge timestamps
    t_norm = (timestamps - jnp.min(timestamps)) / (jnp.max(timestamps) - jnp.min(timestamps) + 1e-08)
    omega_t = t_norm[:, None] * time_freq[None, :]
    tf_e = jnp.concatenate([jnp.cos(omega_t), jnp.sin(omega_t)], axis=-1)
    # aggregate edge time features to destination nodes (scatter-add + degree normalize)
    node_tf = jnp.zeros((N, TD), jnp.float32).at[dst].add(tf_e)
    deg = jnp.zeros((N,), jnp.float32).at[dst].add(1.0)
    node_tf = node_tf / (deg[:, None] + 1e-08)
    h = x @ W_in + b_in
    for l in range(NL):
        xt = jnp.concatenate([h, node_tf], axis=-1)
        Q = (xt @ Wq[l] + bq[l]).reshape(N, NH, HD)
        K = (xt @ Wk[l] + bk[l]).reshape(N, NH, HD)
        V = (h @ Wv[l] + bv[l]).reshape(N, NH, HD)
        scores = (Q[dst] * K[src]).sum(axis=-1) / (HD ** 0.5)
        # per-destination softmax over incoming edges (matches the torch per-node loop)
        smax = jax.ops.segment_max(scores, dst, num_segments=N)
        smax = jnp.where(jnp.isfinite(smax), smax, 0.0)
        ex = jnp.exp(scores - smax[dst])
        ssum = jax.ops.segment_sum(ex, dst, num_segments=N)
        att = ex / ssum[dst]
        msg = att[:, :, None] * V[src]
        agg = jax.ops.segment_sum(msg, dst, num_segments=N).reshape(N, H)
        out = agg @ Wo[l] + bo[l]
        h = jax.nn.elu(out)
    # global mean pool over batch (single graph)
    counts = jax.ops.segment_sum(jnp.ones((N,), jnp.float32), batch, num_segments=1)
    g = jax.ops.segment_sum(h, batch, num_segments=1) / counts[:, None]
    logits = jax.nn.relu(g @ W1 + b1) @ W2 + b2
    return logits


def reference(x, edge_index, batch, timestamps, W_in, b_in, time_freq, Wq, bq, Wk, bk, Wv, bv, Wo, bo, W1, b1, W2, b2):
    return _forward(x, timestamps, W_in, b_in, time_freq, Wq, bq, Wk, bk, Wv, bv, Wo, bo, W1, b1, W2, b2, edge_index, batch)

if __name__ == "__main__":
    import jax
    _d = setup_inputs()
    print(jax.jit(kernel)(*tuple(_d.values())))

</pallas_src>

<mosaic_0001>
#map = affine_map<(d0, d1) -> (0, 0)>
#map1 = affine_map<(d0, d1) -> (0)>
module attributes {stable_mosaic.version = 14 : i64} {
  func.func @sc_gather(%arg0: i32, %arg1: i32, %arg2: memref<10240x128xf32, #tpu.memory_space<hbm>>, %arg3: memref<10240x128xf32, #tpu.memory_space<hbm>>, %arg4: memref<10240x128xf32, #tpu.memory_space<hbm>>, %arg5: memref<323584xi32, #tpu.memory_space<hbm>>, %arg6: memref<323584xi32, #tpu.memory_space<hbm>>, %arg7: memref<323584x128xf32, #tpu.memory_space<hbm>>, %arg8: memref<323584x128xf32, #tpu.memory_space<hbm>>, %arg9: memref<323584x128xf32, #tpu.memory_space<hbm>>, %arg10: memref<128xi32, #tpu.memory_space<vmem>>, %arg11: memref<128xi32, #tpu.memory_space<vmem>>, %arg12: memref<128x128xf32, #tpu.memory_space<vmem>>, %arg13: memref<128x128xf32, #tpu.memory_space<vmem>>, %arg14: memref<128x128xf32, #tpu.memory_space<vmem>>, %arg15: memref<!tpu.dma_semaphore, #tpu.memory_space<semaphore_mem>>, %arg16: memref<!tpu.dma_semaphore, #tpu.memory_space<semaphore_mem>>, %arg17: memref<!tpu.dma_semaphore, #tpu.memory_space<semaphore_mem>>, %arg18: memref<!tpu.dma_semaphore, #tpu.memory_space<semaphore_mem>>) attributes {dimension_semantics = [#tpu.dimension_semantics<core_parallel>, #tpu.dimension_semantics<subcore_parallel>], iteration_bounds = array<i64: 2, 16>, scalar_prefetch = 0 : i64, scratch_operands = 9 : i64, tpu.core_type = #tpu.core_type<sc_vector_subcore>, window_params = [{transform_indices = #map}, {transform_indices = #map}, {transform_indices = #map}, {transform_indices = #map1}, {transform_indices = #map1}, {transform_indices = #map}, {transform_indices = #map}, {transform_indices = #map}]} {
    %mul3A = arith.constant 2 : i32
    %mul3A_0 = arith.muli %arg1, %mul3A : i32
    %add3A = arith.addi %mul3A_0, %arg0 : i32
    %scan3A = arith.constant 0 : i32
    %scan3A_1 = arith.constant 0 : i32
    %scan3A_2 = arith.constant 79 : i32
    %scan3A_3 = arith.addi %scan3A_1, %scan3A_2 : i32
    %scan3A_4 = arith.constant 1 : i32
    scf.for %scan3A_6 = %scan3A_1 to %scan3A_3 step %scan3A_4  : i32 {
      %mul3A_7 = arith.constant 10112 : i32
      %mul3A_8 = arith.muli %add3A, %mul3A_7 : i32
      %mul3A_9 = arith.constant 128 : i32
      %mul3A_10 = arith.muli %scan3A_6, %mul3A_9 : i32
      %add3A_11 = arith.addi %mul3A_8, %mul3A_10 : i32
      "tpu.region"() ({
        %run_scoped3A = tpu.sem_alloc : memref<!tpu.dma_semaphore, #tpu.memory_space<semaphore_mem>>
        %dma_start3A_52 = tpu.memref_slice %arg5[%add3A_11] : memref<323584xi32, #tpu.memory_space<hbm>> -> memref<128xi32, #tpu.memory_space<hbm>>
        %dma_start3A_53 = tpu.memref_slice %arg5[%add3A_11] : memref<323584xi32, #tpu.memory_space<hbm>> -> memref<128xi32, #tpu.memory_space<hbm>>
        tpu.enqueue_dma source(%dma_start3A_53 : memref<128xi32, #tpu.memory_space<hbm>>) target(%arg10 : memref<128xi32, #tpu.memory_space<vmem>>) target_semaphore(%run_scoped3A : memref<!tpu.dma_semaphore, #tpu.memory_space<semaphore_mem>>)
        %dma_wait3A_54 = tpu.memref_slice %arg5[%add3A_11] : memref<323584xi32, #tpu.memory_space<hbm>> -> memref<128xi32, #tpu.memory_space<hbm>>
        %dma_wait3A_55 = tpu.memref_slice %arg5[%add3A_11] : memref<323584xi32, #tpu.memory_space<hbm>> -> memref<128xi32, #tpu.memory_space<hbm>>
        tpu.wait_dma2 semaphore(%run_scoped3A : memref<!tpu.dma_semaphore, #tpu.memory_space<semaphore_mem>>) src(%dma_wait3A_55 : memref<128xi32, #tpu.memory_space<hbm>>) dst(%arg10 : memref<128xi32, #tpu.memory_space<vmem>>)
        tpu.yield
      }) : () -> ()
      "tpu.region"() ({
        %run_scoped3A = tpu.sem_alloc : memref<!tpu.dma_semaphore, #tpu.memory_space<semaphore_mem>>
        %dma_start3A_52 = tpu.memref_slice %arg6[%add3A_11] : memref<323584xi32, #tpu.memory_space<hbm>> -> memref<128xi32, #tpu.memory_space<hbm>>
        %dma_start3A_53 = tpu.memref_slice %arg6[%add3A_11] : memref<323584xi32, #tpu.memory_space<hbm>> -> memref<128xi32, #tpu.memory_space<hbm>>
        tpu.enqueue_dma source(%dma_start3A_53 : memref<128xi32, #tpu.memory_space<hbm>>) target(%arg11 : memref<128xi32, #tpu.memory_space<vmem>>) target_semaphore(%run_scoped3A : memref<!tpu.dma_semaphore, #tpu.memory_space<semaphore_mem>>)
        %dma_wait3A_54 = tpu.memref_slice %arg6[%add3A_11] : memref<323584xi32, #tpu.memory_space<hbm>> -> memref<128xi32, #tpu.memory_space<hbm>>
        %dma_wait3A_55 = tpu.memref_slice %arg6[%add3A_11] : memref<323584xi32, #tpu.memory_space<hbm>> -> memref<128xi32, #tpu.memory_space<hbm>>
        tpu.wait_dma2 semaphore(%run_scoped3A : memref<!tpu.dma_semaphore, #tpu.memory_space<semaphore_mem>>) src(%dma_wait3A_55 : memref<128xi32, #tpu.memory_space<hbm>>) dst(%arg11 : memref<128xi32, #tpu.memory_space<vmem>>)
        tpu.yield
      }) : () -> ()
      %dma_start3A = arith.constant 0 : i32
      %dma_start3A_12 = arith.constant 0 : i32
      %dma_start3A_13 = tpu.memref_slice %arg2[%dma_start3A, %dma_start3A_12] : memref<10240x128xf32, #tpu.memory_space<hbm>> -> memref<10240x128xf32, #tpu.memory_space<hbm>>
      tpu.enqueue_indirect_dma source(%dma_start3A_13 : memref<10240x128xf32, #tpu.memory_space<hbm>>) target(%arg12 : memref<128x128xf32, #tpu.memory_space<vmem>>) offsets(%arg10 : memref<128xi32, #tpu.memory_space<vmem>>) semaphore(%arg15 : memref<!tpu.dma_semaphore, #tpu.memory_space<semaphore_mem>>)
      %dma_start3A_14 = arith.constant 0 : i32
      %dma_start3A_15 = arith.constant 0 : i32
      %dma_start3A_16 = tpu.memref_slice %arg3[%dma_start3A_14, %dma_start3A_15] : memref<10240x128xf32, #tpu.memory_space<hbm>> -> memref<10240x128xf32, #tpu.memory_space<hbm>>
      tpu.enqueue_indirect_dma source(%dma_start3A_16 : memref<10240x128xf32, #tpu.memory_space<hbm>>) target(%arg13 : memref<128x128xf32, #tpu.memory_space<vmem>>) offsets(%arg11 : memref<128xi32, #tpu.memory_space<vmem>>) semaphore(%arg16 : memref<!tpu.dma_semaphore, #tpu.memory_space<semaphore_mem>>)
      %dma_start3A_17 = arith.constant 0 : i32
      %dma_start3A_18 = arith.constant 0 : i32
      %dma_start3A_19 = tpu.memref_slice %arg4[%dma_start3A_17, %dma_start3A_18] : memref<10240x128xf32, #tpu.memory_space<hbm>> -> memref<10240x128xf32, #tpu.memory_space<hbm>>
      tpu.enqueue_indirect_dma source(%dma_start3A_19 : memref<10240x128xf32, #tpu.memory_space<hbm>>) target(%arg14 : memref<128x128xf32, #tpu.memory_space<vmem>>) offsets(%arg11 : memref<128xi32, #tpu.memory_space<vmem>>) semaphore(%arg17 : memref<!tpu.dma_semaphore, #tpu.memory_space<semaphore_mem>>)
      %dma_wait3A = arith.constant 0 : i32
      %dma_wait3A_20 = arith.constant 0 : i32
      %dma_wait3A_21 = tpu.memref_slice %arg2[%dma_wait3A, %dma_wait3A_20] : memref<10240x128xf32, #tpu.memory_space<hbm>> -> memref<10240x128xf32, #tpu.memory_space<hbm>>
      tpu.wait_indirect_dma semaphore(%arg15 : memref<!tpu.dma_semaphore, #tpu.memory_space<semaphore_mem>>) src(%dma_wait3A_21 : memref<10240x128xf32, #tpu.memory_space<hbm>>) dst(%arg12 : memref<128x128xf32, #tpu.memory_space<vmem>>)
      %dma_start3A_22 = arith.constant 0 : i32
      %dma_start3A_23 = tpu.memref_slice %arg7[%add3A_11, %dma_start3A_22] : memref<323584x128xf32, #tpu.memory_space<hbm>> -> memref<128x128xf32, #tpu.memory_space<hbm>>
      %dma_start3A_24 = arith.constant 0 : i32
      %dma_start3A_25 = tpu.memref_slice %arg7[%add3A_11, %dma_start3A_24] : memref<323584x128xf32, #tpu.memory_space<hbm>> -> memref<128x128xf32, #tpu.memory_space<hbm>>
      tpu.enqueue_dma source(%arg12 : memref<128x128xf32, #tpu.memory_space<vmem>>) target(%dma_start3A_25 : memref<128x128xf32, #tpu.memory_space<hbm>>) target_semaphore(%arg18 : memref<!tpu.dma_semaphore, #tpu.memory_space<semaphore_mem>>)
      %dma_wait3A_26 = arith.constant 0 : i32
      %dma_wait3A_27 = arith.constant 0 : i32
      %dma_wait3A_28 = tpu.memref_slice %arg3[%dma_wait3A_26, %dma_wait3A_27] : memref<10240x128xf32, #tpu.memory_space<hbm>> -> memref<10240x128xf32, #tpu.memory_space<hbm>>
      tpu.wait_indirect_dma semaphore(%arg16 : memref<!tpu.dma_semaphore, #tpu.memory_space<semaphore_mem>>) src(%dma_wait3A_28 : memref<10240x128xf32, #tpu.memory_space<hbm>>) dst(%arg13 : memref<128x128xf32, #tpu.memory_space<vmem>>)
      %dma_start3A_29 = arith.constant 0 : i32
      %dma_start3A_30 = tpu.memref_slice %arg8[%add3A_11, %dma_start3A_29] : memref<323584x128xf32, #tpu.memory_space<hbm>> -> memref<128x128xf32, #tpu.memory_space<hbm>>
      %dma_start3A_31 = arith.constant 0 : i32
      %dma_start3A_32 = tpu.memref_slice %arg8[%add3A_11, %dma_start3A_31] : memref<323584x128xf32, #tpu.memory_space<hbm>> -> memref<128x128xf32, #tpu.memory_space<hbm>>
      tpu.enqueue_dma source(%arg13 : memref<128x128xf32, #tpu.memory_space<vmem>>) target(%dma_start3A_32 : memref<128x128xf32, #tpu.memory_space<hbm>>) target_semaphore(%arg18 : memref<!tpu.dma_semaphore, #tpu.memory_space<semaphore_mem>>)
      %dma_wait3A_33 = arith.constant 0 : i32
      %dma_wait3A_34 = arith.constant 0 : i32
      %dma_wait3A_35 = tpu.memref_slice %arg4[%dma_wait3A_33, %dma_wait3A_34] : memref<10240x128xf32, #tpu.memory_space<hbm>> -> memref<10240x128xf32, #tpu.memory_space<hbm>>
      tpu.wait_indirect_dma semaphore(%arg17 : memref<!tpu.dma_semaphore, #tpu.memory_space<semaphore_mem>>) src(%dma_wait3A_35 : memref<10240x128xf32, #tpu.memory_space<hbm>>) dst(%arg14 : memref<128x128xf32, #tpu.memory_space<vmem>>)
      %dma_start3A_36 = arith.constant 0 : i32
      %dma_start3A_37 = tpu.memref_slice %arg9[%add3A_11, %dma_start3A_36] : memref<323584x128xf32, #tpu.memory_space<hbm>> -> memref<128x128xf32, #tpu.memory_space<hbm>>
      %dma_start3A_38 = arith.constant 0 : i32
      %dma_start3A_39 = tpu.memref_slice %arg9[%add3A_11, %dma_start3A_38] : memref<323584x128xf32, #tpu.memory_space<hbm>> -> memref<128x128xf32, #tpu.memory_space<hbm>>
      tpu.enqueue_dma source(%arg14 : memref<128x128xf32, #tpu.memory_space<vmem>>) target(%dma_start3A_39 : memref<128x128xf32, #tpu.memory_space<hbm>>) target_semaphore(%arg18 : memref<!tpu.dma_semaphore, #tpu.memory_space<semaphore_mem>>)
      %dma_wait3A_40 = arith.constant 0 : i32
      %dma_wait3A_41 = tpu.memref_slice %arg7[%add3A_11, %dma_wait3A_40] : memref<323584x128xf32, #tpu.memory_space<hbm>> -> memref<128x128xf32, #tpu.memory_space<hbm>>
      %dma_wait3A_42 = arith.constant 0 : i32
      %dma_wait3A_43 = tpu.memref_slice %arg7[%add3A_11, %dma_wait3A_42] : memref<323584x128xf32, #tpu.memory_space<hbm>> -> memref<128x128xf32, #tpu.memory_space<hbm>>
      tpu.wait_dma2 semaphore(%arg18 : memref<!tpu.dma_semaphore, #tpu.memory_space<semaphore_mem>>) src(%arg12 : memref<128x128xf32, #tpu.memory_space<vmem>>) dst(%dma_wait3A_43 : memref<128x128xf32, #tpu.memory_space<hbm>>)
      %dma_wait3A_44 = arith.constant 0 : i32
      %dma_wait3A_45 = tpu.memref_slice %arg8[%add3A_11, %dma_wait3A_44] : memref<323584x128xf32, #tpu.memory_space<hbm>> -> memref<128x128xf32, #tpu.memory_space<hbm>>
      %dma_wait3A_46 = arith.constant 0 : i32
      %dma_wait3A_47 = tpu.memref_slice %arg8[%add3A_11, %dma_wait3A_46] : memref<323584x128xf32, #tpu.memory_space<hbm>> -> memref<128x128xf32, #tpu.memory_space<hbm>>
      tpu.wait_dma2 semaphore(%arg18 : memref<!tpu.dma_semaphore, #tpu.memory_space<semaphore_mem>>) src(%arg13 : memref<128x128xf32, #tpu.memory_space<vmem>>) dst(%dma_wait3A_47 : memref<128x128xf32, #tpu.memory_space<hbm>>)
      %dma_wait3A_48 = arith.constant 0 : i32
      %dma_wait3A_49 = tpu.memref_slice %arg9[%add3A_11, %dma_wait3A_48] : memref<323584x128xf32, #tpu.memory_space<hbm>> -> memref<128x128xf32, #tpu.memory_space<hbm>>
      %dma_wait3A_50 = arith.constant 0 : i32
      %dma_wait3A_51 = tpu.memref_slice %arg9[%add3A_11, %dma_wait3A_50] : memref<323584x128xf32, #tpu.memory_space<hbm>> -> memref<128x128xf32, #tpu.memory_space<hbm>>
      tpu.wait_dma2 semaphore(%arg18 : memref<!tpu.dma_semaphore, #tpu.memory_space<semaphore_mem>>) src(%arg14 : memref<128x128xf32, #tpu.memory_space<vmem>>) dst(%dma_wait3A_51 : memref<128x128xf32, #tpu.memory_space<hbm>>)
    }
    %scan3A_5 = arith.constant 79 : i32
    return
  }
}

#map = affine_map<(d0, d1) -> (0, 0)>
#map1 = affine_map<(d0, d1) -> (0)>
module attributes {stable_mosaic.version = 14 : i64} {
  func.func @sc_scatter(%arg0: i32, %arg1: i32, %arg2: memref<323584x128xf32, #tpu.memory_space<hbm>>, %arg3: memref<323584xi32, #tpu.memory_space<hbm>>, %arg4: memref<128x128xf32, #tpu.memory_space<hbm>>, %arg5: memref<20480x128xf32, #tpu.memory_space<hbm>>, %arg6: memref<128x128xf32, #tpu.memory_space<vmem>>, %arg7: memref<10240x128xf32, #tpu.memory_space<vmem_shared>>, %arg8: memref<128xi32, #tpu.memory_space<vmem>>, %arg9: memref<128x128xf32, #tpu.memory_space<vmem>>, %arg10: memref<128xi32, #tpu.memory_space<vmem>>, %arg11: memref<!tpu.dma_semaphore, #tpu.memory_space<semaphore_mem>>, %arg12: memref<!tpu.dma_semaphore, #tpu.memory_space<semaphore_mem>>) attributes {dimension_semantics = [#tpu.dimension_semantics<core_parallel>, #tpu.dimension_semantics<subcore_parallel>], iteration_bounds = array<i64: 2, 16>, scalar_prefetch = 0 : i64, scratch_operands = 7 : i64, tpu.core_type = #tpu.core_type<sc_vector_subcore>, window_params = [{transform_indices = #map}, {transform_indices = #map1}, {transform_indices = #map}, {transform_indices = #map}]} {
    %mul3A = arith.constant 2 : i32
    %mul3A_0 = arith.muli %arg1, %mul3A : i32
    %add3A = arith.addi %mul3A_0, %arg0 : i32
    %mul3A_1 = arith.constant 640 : i32
    %mul3A_2 = arith.muli %arg1, %mul3A_1 : i32
    "tpu.region"() ({
      %run_scoped3A = tpu.sem_alloc : memref<!tpu.dma_semaphore, #tpu.memory_space<semaphore_mem>>
      %dma_start3A = arith.constant 0 : i32
      %dma_start3A_25 = arith.constant 0 : i32
      %dma_start3A_26 = tpu.memref_slice %arg4[%dma_start3A, %dma_start3A_25] : memref<128x128xf32, #tpu.memory_space<hbm>> -> memref<128x128xf32, #tpu.memory_space<hbm>>
      %dma_start3A_27 = arith.constant 0 : i32
      %dma_start3A_28 = arith.constant 0 : i32
      %dma_start3A_29 = tpu.memref_slice %arg4[%dma_start3A_27, %dma_start3A_28] : memref<128x128xf32, #tpu.memory_space<hbm>> -> memref<128x128xf32, #tpu.memory_space<hbm>>
      tpu.enqueue_dma source(%dma_start3A_29 : memref<128x128xf32, #tpu.memory_space<hbm>>) target(%arg6 : memref<128x128xf32, #tpu.memory_space<vmem>>) target_semaphore(%run_scoped3A : memref<!tpu.dma_semaphore, #tpu.memory_space<semaphore_mem>>)
      %dma_wait3A = arith.constant 0 : i32
      %dma_wait3A_30 = arith.constant 0 : i32
      %dma_wait3A_31 = tpu.memref_slice %arg4[%dma_wait3A, %dma_wait3A_30] : memref<128x128xf32, #tpu.memory_space<hbm>> -> memref<128x128xf32, #tpu.memory_space<hbm>>
      %dma_wait3A_32 = arith.constant 0 : i32
      %dma_wait3A_33 = arith.constant 0 : i32
      %dma_wait3A_34 = tpu.memref_slice %arg4[%dma_wait3A_32, %dma_wait3A_33] : memref<128x128xf32, #tpu.memory_space<hbm>> -> memref<128x128xf32, #tpu.memory_space<hbm>>
      tpu.wait_dma2 semaphore(%run_scoped3A : memref<!tpu.dma_semaphore, #tpu.memory_space<semaphore_mem>>) src(%dma_wait3A_34 : memref<128x128xf32, #tpu.memory_space<hbm>>) dst(%arg6 : memref<128x128xf32, #tpu.memory_space<vmem>>)
      tpu.yield
    }) : () -> ()
    %scan3A = arith.constant 0 : i32
    %scan3A_3 = arith.constant 0 : i32
    %scan3A_4 = arith.constant 5 : i32
    %scan3A_5 = arith.addi %scan3A_3, %scan3A_4 : i32
    %scan3A_6 = arith.constant 1 : i32
    scf.for %scan3A_25 = %scan3A_3 to %scan3A_5 step %scan3A_6  : i32 {
      %mul3A_26 = arith.constant 128 : i32
      %mul3A_27 = arith.muli %scan3A_25, %mul3A_26 : i32
      %add3A_28 = arith.addi %mul3A_2, %mul3A_27 : i32
      "tpu.region"() ({
        %run_scoped3A = tpu.sem_alloc : memref<!tpu.dma_semaphore, #tpu.memory_space<semaphore_mem>>
        %dma_start3A = arith.constant 0 : i32
        %dma_start3A_29 = tpu.memref_slice %arg7[%add3A_28, %dma_start3A] : memref<10240x128xf32, #tpu.memory_space<vmem_shared>> -> memref<128x128xf32, #tpu.memory_space<vmem_shared>>
        %dma_start3A_30 = arith.constant 0 : i32
        %dma_start3A_31 = tpu.memref_slice %arg7[%add3A_28, %dma_start3A_30] : memref<10240x128xf32, #tpu.memory_space<vmem_shared>> -> memref<128x128xf32, #tpu.memory_space<vmem_shared>>
        tpu.enqueue_dma source(%arg6 : memref<128x128xf32, #tpu.memory_space<vmem>>) target(%dma_start3A_31 : memref<128x128xf32, #tpu.memory_space<vmem_shared>>) target_semaphore(%run_scoped3A : memref<!tpu.dma_semaphore, #tpu.memory_space<semaphore_mem>>)
        %dma_wait3A = arith.constant 0 : i32
        %dma_wait3A_32 = tpu.memref_slice %arg7[%add3A_28, %dma_wait3A] : memref<10240x128xf32, #tpu.memory_space<vmem_shared>> -> memref<128x128xf32, #tpu.memory_space<vmem_shared>>
        %dma_wait3A_33 = arith.constant 0 : i32
        %dma_wait3A_34 = tpu.memref_slice %arg7[%add3A_28, %dma_wait3A_33] : memref<10240x128xf32, #tpu.memory_space<vmem_shared>> -> memref<128x128xf32, #tpu.memory_space<vmem_shared>>
        tpu.wait_dma2 semaphore(%run_scoped3A : memref<!tpu.dma_semaphore, #tpu.memory_space<semaphore_mem>>) src(%arg6 : memref<128x128xf32, #tpu.memory_space<vmem>>) dst(%dma_wait3A_34 : memref<128x128xf32, #tpu.memory_space<vmem_shared>>)
        tpu.yield
      }) : () -> ()
    }
    %scan3A_7 = arith.constant 5 : i32
    %barrier3A = arith.constant 0 : index
    tpu.barrier barrier_id(%barrier3A)
    %scan3A_8 = arith.constant 0 : i32
    %scan3A_9 = arith.constant 0 : i32
    %scan3A_10 = arith.constant 39 : i32
    %scan3A_11 = arith.addi %scan3A_9, %scan3A_10 : i32
    %scan3A_12 = arith.constant 1 : i32
    scf.for %scan3A_25 = %scan3A_9 to %scan3A_11 step %scan3A_12  : i32 {
      %mul3A_26 = arith.constant 10112 : i32
      %mul3A_27 = arith.muli %add3A, %mul3A_26 : i32
      %mul3A_28 = arith.constant 2 : i32
      %mul3A_29 = arith.muli %mul3A_28, %scan3A_25 : i32
      %mul3A_30 = arith.constant 128 : i32
      %mul3A_31 = arith.muli %mul3A_29, %mul3A_30 : i32
      %add3A_32 = arith.addi %mul3A_27, %mul3A_31 : i32
      %add3A_33 = arith.constant 128 : i32
      %add3A_34 = arith.addi %add3A_32, %add3A_33 : i32
      "tpu.region"() ({
        %run_scoped3A = tpu.sem_alloc : memref<!tpu.dma_semaphore, #tpu.memory_space<semaphore_mem>>
        %dma_start3A_49 = tpu.memref_slice %arg3[%add3A_32] : memref<323584xi32, #tpu.memory_space<hbm>> -> memref<128xi32, #tpu.memory_space<hbm>>
        %dma_start3A_50 = tpu.memref_slice %arg3[%add3A_32] : memref<323584xi32, #tpu.memory_space<hbm>> -> memref<128xi32, #tpu.memory_space<hbm>>
        tpu.enqueue_dma source(%dma_start3A_50 : memref<128xi32, #tpu.memory_space<hbm>>) target(%arg8 : memref<128xi32, #tpu.memory_space<vmem>>) target_semaphore(%run_scoped3A : memref<!tpu.dma_semaphore, #tpu.memory_space<semaphore_mem>>)
        %dma_wait3A_51 = tpu.memref_slice %arg3[%add3A_32] : memref<323584xi32, #tpu.memory_space<hbm>> -> memref<128xi32, #tpu.memory_space<hbm>>
        %dma_wait3A_52 = tpu.memref_slice %arg3[%add3A_32] : memref<323584xi32, #tpu.memory_space<hbm>> -> memref<128xi32, #tpu.memory_space<hbm>>
        tpu.wait_dma2 semaphore(%run_scoped3A : memref<!tpu.dma_semaphore, #tpu.memory_space<semaphore_mem>>) src(%dma_wait3A_52 : memref<128xi32, #tpu.memory_space<hbm>>) dst(%arg8 : memref<128xi32, #tpu.memory_space<vmem>>)
        tpu.yield
      }) : () -> ()
      "tpu.region"() ({
        %run_scoped3A = tpu.sem_alloc : memref<!tpu.dma_semaphore, #tpu.memory_space<semaphore_mem>>
        %dma_start3A_49 = tpu.memref_slice %arg3[%add3A_34] : memref<323584xi32, #tpu.memory_space<hbm>> -> memref<128xi32, #tpu.memory_space<hbm>>
        %dma_start3A_50 = tpu.memref_slice %arg3[%add3A_34] : memref<323584xi32, #tpu.memory_space<hbm>> -> memref<128xi32, #tpu.memory_space<hbm>>
        tpu.enqueue_dma source(%dma_start3A_50 : memref<128xi32, #tpu.memory_space<hbm>>) target(%arg10 : memref<128xi32, #tpu.memory_space<vmem>>) target_semaphore(%run_scoped3A : memref<!tpu.dma_semaphore, #tpu.memory_space<semaphore_mem>>)
        %dma_wait3A_51 = tpu.memref_slice %arg3[%add3A_34] : memref<323584xi32, #tpu.memory_space<hbm>> -> memref<128xi32, #tpu.memory_space<hbm>>
        %dma_wait3A_52 = tpu.memref_slice %arg3[%add3A_34] : memref<323584xi32, #tpu.memory_space<hbm>> -> memref<128xi32, #tpu.memory_space<hbm>>
        tpu.wait_dma2 semaphore(%run_scoped3A : memref<!tpu.dma_semaphore, #tpu.memory_space<semaphore_mem>>) src(%dma_wait3A_52 : memref<128xi32, #tpu.memory_space<hbm>>) dst(%arg10 : memref<128xi32, #tpu.memory_space<vmem>>)
        tpu.yield
      }) : () -> ()
      %dma_start3A = arith.constant 0 : i32
      %dma_start3A_35 = tpu.memref_slice %arg2[%add3A_32, %dma_start3A] : memref<323584x128xf32, #tpu.memory_space<hbm>> -> memref<128x128xf32, #tpu.memory_space<hbm>>
      %dma_start3A_36 = arith.constant 0 : i32
      %dma_start3A_37 = tpu.memref_slice %arg2[%add3A_32, %dma_start3A_36] : memref<323584x128xf32, #tpu.memory_space<hbm>> -> memref<128x128xf32, #tpu.memory_space<hbm>>
      tpu.enqueue_dma source(%dma_start3A_37 : memref<128x128xf32, #tpu.memory_space<hbm>>) target(%arg6 : memref<128x128xf32, #tpu.memory_space<vmem>>) target_semaphore(%arg11 : memref<!tpu.dma_semaphore, #tpu.memory_space<semaphore_mem>>)
      %dma_start3A_38 = arith.constant 0 : i32
      %dma_start3A_39 = tpu.memref_slice %arg2[%add3A_34, %dma_start3A_38] : memref<323584x128xf32, #tpu.memory_space<hbm>> -> memref<128x128xf32, #tpu.memory_space<hbm>>
      %dma_start3A_40 = arith.constant 0 : i32
      %dma_start3A_41 = tpu.memref_slice %arg2[%add3A_34, %dma_start3A_40] : memref<323584x128xf32, #tpu.memory_space<hbm>> -> memref<128x128xf32, #tpu.memory_space<hbm>>
      tpu.enqueue_dma source(%dma_start3A_41 : memref<128x128xf32, #tpu.memory_space<hbm>>) target(%arg9 : memref<128x128xf32, #tpu.memory_space<vmem>>) target_semaphore(%arg12 : memref<!tpu.dma_semaphore, #tpu.memory_space<semaphore_mem>>)
      %dma_wait3A = arith.constant 0 : i32
      %dma_wait3A_42 = tpu.memref_slice %arg2[%add3A_32, %dma_wait3A] : memref<323584x128xf32, #tpu.memory_space<hbm>> -> memref<128x128xf32, #tpu.memory_space<hbm>>
      %dma_wait3A_43 = arith.constant 0 : i32
      %dma_wait3A_44 = tpu.memref_slice %arg2[%add3A_32, %dma_wait3A_43] : memref<323584x128xf32, #tpu.memory_space<hbm>> -> memref<128x128xf32, #tpu.memory_space<hbm>>
      tpu.wait_dma2 semaphore(%arg11 : memref<!tpu.dma_semaphore, #tpu.memory_space<semaphore_mem>>) src(%dma_wait3A_44 : memref<128x128xf32, #tpu.memory_space<hbm>>) dst(%arg6 : memref<128x128xf32, #tpu.memory_space<vmem>>)
      "tpu.region"() ({
        %run_scoped3A = tpu.sem_alloc : memref<!tpu.dma_semaphore, #tpu.memory_space<semaphore_mem>>
        %dma_start3A_49 = arith.constant 0 : i32
        %dma_start3A_50 = arith.constant 0 : i32
        %dma_start3A_51 = tpu.memref_slice %arg7[%dma_start3A_49, %dma_start3A_50] : memref<10240x128xf32, #tpu.memory_space<vmem_shared>> -> memref<10240x128xf32, #tpu.memory_space<vmem_shared>>
        tpu.enqueue_indirect_dma source(%arg6 : memref<128x128xf32, #tpu.memory_space<vmem>>) target(%dma_start3A_51 : memref<10240x128xf32, #tpu.memory_space<vmem_shared>>) offsets(%arg8 : memref<128xi32, #tpu.memory_space<vmem>>) semaphore(%run_scoped3A : memref<!tpu.dma_semaphore, #tpu.memory_space<semaphore_mem>>) {add = true}
        %dma_wait3A_52 = arith.constant 0 : i32
        %dma_wait3A_53 = arith.constant 0 : i32
        %dma_wait3A_54 = tpu.memref_slice %arg7[%dma_wait3A_52, %dma_wait3A_53] : memref<10240x128xf32, #tpu.memory_space<vmem_shared>> -> memref<10240x128xf32, #tpu.memory_space<vmem_shared>>
        tpu.wait_indirect_dma semaphore(%run_scoped3A : memref<!tpu.dma_semaphore, #tpu.memory_space<semaphore_mem>>) src(%arg6 : memref<128x128xf32, #tpu.memory_space<vmem>>) dst(%dma_wait3A_54 : memref<10240x128xf32, #tpu.memory_space<vmem_shared>>)
        tpu.yield
      }) : () -> ()
      %dma_wait3A_45 = arith.constant 0 : i32
      %dma_wait3A_46 = tpu.memref_slice %arg2[%add3A_34, %dma_wait3A_45] : memref<323584x128xf32, #tpu.memory_space<hbm>> -> memref<128x128xf32, #tpu.memory_space<hbm>>
      %dma_wait3A_47 = arith.constant 0 : i32
      %dma_wait3A_48 = tpu.memref_slice %arg2[%add3A_34, %dma_wait3A_47] : memref<323584x128xf32, #tpu.memory_space<hbm>> -> memref<128x128xf32, #tpu.memory_space<hbm>>
      tpu.wait_dma2 semaphore(%arg12 : memref<!tpu.dma_semaphore, #tpu.memory_space<semaphore_mem>>) src(%dma_wait3A_48 : memref<128x128xf32, #tpu.memory_space<hbm>>) dst(%arg9 : memref<128x128xf32, #tpu.memory_space<vmem>>)
      "tpu.region"() ({
        %run_scoped3A = tpu.sem_alloc : memref<!tpu.dma_semaphore, #tpu.memory_space<semaphore_mem>>
        %dma_start3A_49 = arith.constant 0 : i32
        %dma_start3A_50 = arith.constant 0 : i32
        %dma_start3A_51 = tpu.memref_slice %arg7[%dma_start3A_49, %dma_start3A_50] : memref<10240x128xf32, #tpu.memory_space<vmem_shared>> -> memref<10240x128xf32, #tpu.memory_space<vmem_shared>>
        tpu.enqueue_indirect_dma source(%arg9 : memref<128x128xf32, #tpu.memory_space<vmem>>) target(%dma_start3A_51 : memref<10240x128xf32, #tpu.memory_space<vmem_shared>>) offsets(%arg10 : memref<128xi32, #tpu.memory_space<vmem>>) semaphore(%run_scoped3A : memref<!tpu.dma_semaphore, #tpu.memory_space<semaphore_mem>>) {add = true}
        %dma_wait3A_52 = arith.constant 0 : i32
        %dma_wait3A_53 = arith.constant 0 : i32
        %dma_wait3A_54 = tpu.memref_slice %arg7[%dma_wait3A_52, %dma_wait3A_53] : memref<10240x128xf32, #tpu.memory_space<vmem_shared>> -> memref<10240x128xf32, #tpu.memory_space<vmem_shared>>
        tpu.wait_indirect_dma semaphore(%run_scoped3A : memref<!tpu.dma_semaphore, #tpu.memory_space<semaphore_mem>>) src(%arg9 : memref<128x128xf32, #tpu.memory_space<vmem>>) dst(%dma_wait3A_54 : memref<10240x128xf32, #tpu.memory_space<vmem_shared>>)
        tpu.yield
      }) : () -> ()
    }
    %scan3A_13 = arith.constant 39 : i32
    %mul3A_14 = arith.constant 10112 : i32
    %mul3A_15 = arith.muli %add3A, %mul3A_14 : i32
    %add3A_16 = arith.constant 9984 : i32
    %add3A_17 = arith.addi %mul3A_15, %add3A_16 : i32
    "tpu.region"() ({
      %run_scoped3A = tpu.sem_alloc : memref<!tpu.dma_semaphore, #tpu.memory_space<semaphore_mem>>
      %dma_start3A = tpu.memref_slice %arg3[%add3A_17] : memref<323584xi32, #tpu.memory_space<hbm>> -> memref<128xi32, #tpu.memory_space<hbm>>
      %dma_start3A_25 = tpu.memref_slice %arg3[%add3A_17] : memref<323584xi32, #tpu.memory_space<hbm>> -> memref<128xi32, #tpu.memory_space<hbm>>
      tpu.enqueue_dma source(%dma_start3A_25 : memref<128xi32, #tpu.memory_space<hbm>>) target(%arg8 : memref<128xi32, #tpu.memory_space<vmem>>) target_semaphore(%run_scoped3A : memref<!tpu.dma_semaphore, #tpu.memory_space<semaphore_mem>>)
      %dma_wait3A = tpu.memref_slice %arg3[%add3A_17] : memref<323584xi32, #tpu.memory_space<hbm>> -> memref<128xi32, #tpu.memory_space<hbm>>
      %dma_wait3A_26 = tpu.memref_slice %arg3[%add3A_17] : memref<323584xi32, #tpu.memory_space<hbm>> -> memref<128xi32, #tpu.memory_space<hbm>>
      tpu.wait_dma2 semaphore(%run_scoped3A : memref<!tpu.dma_semaphore, #tpu.memory_space<semaphore_mem>>) src(%dma_wait3A_26 : memref<128xi32, #tpu.memory_space<hbm>>) dst(%arg8 : memref<128xi32, #tpu.memory_space<vmem>>)
      tpu.yield
    }) : () -> ()
    "tpu.region"() ({
      %run_scoped3A = tpu.sem_alloc : memref<!tpu.dma_semaphore, #tpu.memory_space<semaphore_mem>>
      %dma_start3A = arith.constant 0 : i32
      %dma_start3A_25 = tpu.memref_slice %arg2[%add3A_17, %dma_start3A] : memref<323584x128xf32, #tpu.memory_space<hbm>> -> memref<128x128xf32, #tpu.memory_space<hbm>>
      %dma_start3A_26 = arith.constant 0 : i32
      %dma_start3A_27 = tpu.memref_slice %arg2[%add3A_17, %dma_start3A_26] : memref<323584x128xf32, #tpu.memory_space<hbm>> -> memref<128x128xf32, #tpu.memory_space<hbm>>
      tpu.enqueue_dma source(%dma_start3A_27 : memref<128x128xf32, #tpu.memory_space<hbm>>) target(%arg6 : memref<128x128xf32, #tpu.memory_space<vmem>>) target_semaphore(%run_scoped3A : memref<!tpu.dma_semaphore, #tpu.memory_space<semaphore_mem>>)
      %dma_wait3A = arith.constant 0 : i32
      %dma_wait3A_28 = tpu.memref_slice %arg2[%add3A_17, %dma_wait3A] : memref<323584x128xf32, #tpu.memory_space<hbm>> -> memref<128x128xf32, #tpu.memory_space<hbm>>
      %dma_wait3A_29 = arith.constant 0 : i32
      %dma_wait3A_30 = tpu.memref_slice %arg2[%add3A_17, %dma_wait3A_29] : memref<323584x128xf32, #tpu.memory_space<hbm>> -> memref<128x128xf32, #tpu.memory_space<hbm>>
      tpu.wait_dma2 semaphore(%run_scoped3A : memref<!tpu.dma_semaphore, #tpu.memory_space<semaphore_mem>>) src(%dma_wait3A_30 : memref<128x128xf32, #tpu.memory_space<hbm>>) dst(%arg6 : memref<128x128xf32, #tpu.memory_space<vmem>>)
      tpu.yield
    }) : () -> ()
    "tpu.region"() ({
      %run_scoped3A = tpu.sem_alloc : memref<!tpu.dma_semaphore, #tpu.memory_space<semaphore_mem>>
      %dma_start3A = arith.constant 0 : i32
      %dma_start3A_25 = arith.constant 0 : i32
      %dma_start3A_26 = tpu.memref_slice %arg7[%dma_start3A, %dma_start3A_25] : memref<10240x128xf32, #tpu.memory_space<vmem_shared>> -> memref<10240x128xf32, #tpu.memory_space<vmem_shared>>
      tpu.enqueue_indirect_dma source(%arg6 : memref<128x128xf32, #tpu.memory_space<vmem>>) target(%dma_start3A_26 : memref<10240x128xf32, #tpu.memory_space<vmem_shared>>) offsets(%arg8 : memref<128xi32, #tpu.memory_space<vmem>>) semaphore(%run_scoped3A : memref<!tpu.dma_semaphore, #tpu.memory_space<semaphore_mem>>) {add = true}
      %dma_wait3A = arith.constant 0 : i32
      %dma_wait3A_27 = arith.constant 0 : i32
      %dma_wait3A_28 = tpu.memref_slice %arg7[%dma_wait3A, %dma_wait3A_27] : memref<10240x128xf32, #tpu.memory_space<vmem_shared>> -> memref<10240x128xf32, #tpu.memory_space<vmem_shared>>
      tpu.wait_indirect_dma semaphore(%run_scoped3A : memref<!tpu.dma_semaphore, #tpu.memory_space<semaphore_mem>>) src(%arg6 : memref<128x128xf32, #tpu.memory_space<vmem>>) dst(%dma_wait3A_28 : memref<10240x128xf32, #tpu.memory_space<vmem_shared>>)
      tpu.yield
    }) : () -> ()
    %barrier3A_18 = arith.constant 0 : index
    tpu.barrier barrier_id(%barrier3A_18)
    %scan3A_19 = arith.constant 0 : i32
    %scan3A_20 = arith.constant 0 : i32
    %scan3A_21 = arith.constant 5 : i32
    %scan3A_22 = arith.addi %scan3A_20, %scan3A_21 : i32
    %scan3A_23 = arith.constant 1 : i32
    scf.for %scan3A_25 = %scan3A_20 to %scan3A_22 step %scan3A_23  : i32 {
      %mul3A_26 = arith.constant 128 : i32
      %mul3A_27 = arith.muli %scan3A_25, %mul3A_26 : i32
      %add3A_28 = arith.addi %mul3A_2, %mul3A_27 : i32
      "tpu.region"() ({
        %run_scoped3A = tpu.sem_alloc : memref<!tpu.dma_semaphore, #tpu.memory_space<semaphore_mem>>
        %dma_start3A = arith.constant 0 : i32
        %dma_start3A_35 = tpu.memref_slice %arg7[%add3A_28, %dma_start3A] : memref<10240x128xf32, #tpu.memory_space<vmem_shared>> -> memref<128x128xf32, #tpu.memory_space<vmem_shared>>
        %dma_start3A_36 = arith.constant 0 : i32
        %dma_start3A_37 = tpu.memref_slice %arg7[%add3A_28, %dma_start3A_36] : memref<10240x128xf32, #tpu.memory_space<vmem_shared>> -> memref<128x128xf32, #tpu.memory_space<vmem_shared>>
        tpu.enqueue_dma source(%dma_start3A_37 : memref<128x128xf32, #tpu.memory_space<vmem_shared>>) target(%arg6 : memref<128x128xf32, #tpu.memory_space<vmem>>) target_semaphore(%run_scoped3A : memref<!tpu.dma_semaphore, #tpu.memory_space<semaphore_mem>>)
        %dma_wait3A = arith.constant 0 : i32
        %dma_wait3A_38 = tpu.memref_slice %arg7[%add3A_28, %dma_wait3A] : memref<10240x128xf32, #tpu.memory_space<vmem_shared>> -> memref<128x128xf32, #tpu.memory_space<vmem_shared>>
        %dma_wait3A_39 = arith.constant 0 : i32
        %dma_wait3A_40 = tpu.memref_slice %arg7[%add3A_28, %dma_wait3A_39] : memref<10240x128xf32, #tpu.memory_space<vmem_shared>> -> memref<128x128xf32, #tpu.memory_space<vmem_shared>>
        tpu.wait_dma2 semaphore(%run_scoped3A : memref<!tpu.dma_semaphore, #tpu.memory_space<semaphore_mem>>) src(%dma_wait3A_40 : memref<128x128xf32, #tpu.memory_space<vmem_shared>>) dst(%arg6 : memref<128x128xf32, #tpu.memory_space<vmem>>)
        tpu.yield
      }) : () -> ()
      %mul3A_29 = arith.constant 10240 : i32
      %mul3A_30 = arith.muli %arg0, %mul3A_29 : i32
      %add3A_31 = arith.addi %mul3A_30, %mul3A_2 : i32
      %mul3A_32 = arith.constant 128 : i32
      %mul3A_33 = arith.muli %scan3A_25, %mul3A_32 : i32
      %add3A_34 = arith.addi %add3A_31, %mul3A_33 : i32
      "tpu.region"() ({
        %run_scoped3A = tpu.sem_alloc : memref<!tpu.dma_semaphore, #tpu.memory_space<semaphore_mem>>
        %dma_start3A = arith.constant 0 : i32
        %dma_start3A_35 = tpu.memref_slice %arg5[%add3A_34, %dma_start3A] : memref<20480x128xf32, #tpu.memory_space<hbm>> -> memref<128x128xf32, #tpu.memory_space<hbm>>
        %dma_start3A_36 = arith.constant 0 : i32
        %dma_start3A_37 = tpu.memref_slice %arg5[%add3A_34, %dma_start3A_36] : memref<20480x128xf32, #tpu.memory_space<hbm>> -> memref<128x128xf32, #tpu.memory_space<hbm>>
        tpu.enqueue_dma source(%arg6 : memref<128x128xf32, #tpu.memory_space<vmem>>) target(%dma_start3A_37 : memref<128x128xf32, #tpu.memory_space<hbm>>) target_semaphore(%run_scoped3A : memref<!tpu.dma_semaphore, #tpu.memory_space<semaphore_mem>>)
        %dma_wait3A = arith.constant 0 : i32
        %dma_wait3A_38 = tpu.memref_slice %arg5[%add3A_34, %dma_wait3A] : memref<20480x128xf32, #tpu.memory_space<hbm>> -> memref<128x128xf32, #tpu.memory_space<hbm>>
        %dma_wait3A_39 = arith.constant 0 : i32
        %dma_wait3A_40 = tpu.memref_slice %arg5[%add3A_34, %dma_wait3A_39] : memref<20480x128xf32, #tpu.memory_space<hbm>> -> memref<128x128xf32, #tpu.memory_space<hbm>>
        tpu.wait_dma2 semaphore(%run_scoped3A : memref<!tpu.dma_semaphore, #tpu.memory_space<semaphore_mem>>) src(%arg6 : memref<128x128xf32, #tpu.memory_space<vmem>>) dst(%dma_wait3A_40 : memref<128x128xf32, #tpu.memory_space<hbm>>)
        tpu.yield
      }) : () -> ()
    }
    %scan3A_24 = arith.constant 5 : i32
    return
  }
}

#map = affine_map<(d0, d1) -> (0, 0)>
#map1 = affine_map<(d0, d1) -> (0)>
module attributes {stable_mosaic.version = 14 : i64} {
  func.func @sc_scatter(%arg0: i32, %arg1: i32, %arg2: memref<323584x128xf32, #tpu.memory_space<hbm>>, %arg3: memref<323584xi32, #tpu.memory_space<hbm>>, %arg4: memref<128x128xf32, #tpu.memory_space<hbm>>, %arg5: memref<20480x128xf32, #tpu.memory_space<hbm>>, %arg6: memref<128x128xf32, #tpu.memory_space<vmem>>, %arg7: memref<10240x128xf32, #tpu.memory_space<vmem_shared>>, %arg8: memref<128xi32, #tpu.memory_space<vmem>>, %arg9: memref<128x128xf32, #tpu.memory_space<vmem>>, %arg10: memref<128xi32, #tpu.memory_space<vmem>>, %arg11: memref<!tpu.dma_semaphore, #tpu.memory_space<semaphore_mem>>, %arg12: memref<!tpu.dma_semaphore, #tpu.memory_space<semaphore_mem>>) attributes {dimension_semantics = [#tpu.dimension_semantics<core_parallel>, #tpu.dimension_semantics<subcore_parallel>], iteration_bounds = array<i64: 2, 16>, scalar_prefetch = 0 : i64, scratch_operands = 7 : i64, tpu.core_type = #tpu.core_type<sc_vector_subcore>, window_params = [{transform_indices = #map}, {transform_indices = #map1}, {transform_indices = #map}, {transform_indices = #map}]} {
    %mul3A = arith.constant 2 : i32
    %mul3A_0 = arith.muli %arg1, %mul3A : i32
    %add3A = arith.addi %mul3A_0, %arg0 : i32
    %mul3A_1 = arith.constant 640 : i32
    %mul3A_2 = arith.muli %arg1, %mul3A_1 : i32
    "tpu.region"() ({
      %run_scoped3A = tpu.sem_alloc : memref<!tpu.dma_semaphore, #tpu.memory_space<semaphore_mem>>
      %dma_start3A = arith.constant 0 : i32
      %dma_start3A_25 = arith.constant 0 : i32
      %dma_start3A_26 = tpu.memref_slice %arg4[%dma_start3A, %dma_start3A_25] : memref<128x128xf32, #tpu.memory_space<hbm>> -> memref<128x128xf32, #tpu.memory_space<hbm>>
      %dma_start3A_27 = arith.constant 0 : i32
      %dma_start3A_28 = arith.constant 0 : i32
      %dma_start3A_29 = tpu.memref_slice %arg4[%dma_start3A_27, %dma_start3A_28] : memref<128x128xf32, #tpu.memory_space<hbm>> -> memref<128x128xf32, #tpu.memory_space<hbm>>
      tpu.enqueue_dma source(%dma_start3A_29 : memref<128x128xf32, #tpu.memory_space<hbm>>) target(%arg6 : memref<128x128xf32, #tpu.memory_space<vmem>>) target_semaphore(%run_scoped3A : memref<!tpu.dma_semaphore, #tpu.memory_space<semaphore_mem>>)
      %dma_wait3A = arith.constant 0 : i32
      %dma_wait3A_30 = arith.constant 0 : i32
      %dma_wait3A_31 = tpu.memref_slice %arg4[%dma_wait3A, %dma_wait3A_30] : memref<128x128xf32, #tpu.memory_space<hbm>> -> memref<128x128xf32, #tpu.memory_space<hbm>>
      %dma_wait3A_32 = arith.constant 0 : i32
      %dma_wait3A_33 = arith.constant 0 : i32
      %dma_wait3A_34 = tpu.memref_slice %arg4[%dma_wait3A_32, %dma_wait3A_33] : memref<128x128xf32, #tpu.memory_space<hbm>> -> memref<128x128xf32, #tpu.memory_space<hbm>>
      tpu.wait_dma2 semaphore(%run_scoped3A : memref<!tpu.dma_semaphore, #tpu.memory_space<semaphore_mem>>) src(%dma_wait3A_34 : memref<128x128xf32, #tpu.memory_space<hbm>>) dst(%arg6 : memref<128x128xf32, #tpu.memory_space<vmem>>)
      tpu.yield
    }) : () -> ()
    %scan3A = arith.constant 0 : i32
    %scan3A_3 = arith.constant 0 : i32
    %scan3A_4 = arith.constant 5 : i32
    %scan3A_5 = arith.addi %scan3A_3, %scan3A_4 : i32
    %scan3A_6 = arith.constant 1 : i32
    scf.for %scan3A_25 = %scan3A_3 to %scan3A_5 step %scan3A_6  : i32 {
      %mul3A_26 = arith.constant 128 : i32
      %mul3A_27 = arith.muli %scan3A_25, %mul3A_26 : i32
      %add3A_28 = arith.addi %mul3A_2, %mul3A_27 : i32
      "tpu.region"() ({
        %run_scoped3A = tpu.sem_alloc : memref<!tpu.dma_semaphore, #tpu.memory_space<semaphore_mem>>
        %dma_start3A = arith.constant 0 : i32
        %dma_start3A_29 = tpu.memref_slice %arg7[%add3A_28, %dma_start3A] : memref<10240x128xf32, #tpu.memory_space<vmem_shared>> -> memref<128x128xf32, #tpu.memory_space<vmem_shared>>
        %dma_start3A_30 = arith.constant 0 : i32
        %dma_start3A_31 = tpu.memref_slice %arg7[%add3A_28, %dma_start3A_30] : memref<10240x128xf32, #tpu.memory_space<vmem_shared>> -> memref<128x128xf32, #tpu.memory_space<vmem_shared>>
        tpu.enqueue_dma source(%arg6 : memref<128x128xf32, #tpu.memory_space<vmem>>) target(%dma_start3A_31 : memref<128x128xf32, #tpu.memory_space<vmem_shared>>) target_semaphore(%run_scoped3A : memref<!tpu.dma_semaphore, #tpu.memory_space<semaphore_mem>>)
        %dma_wait3A = arith.constant 0 : i32
        %dma_wait3A_32 = tpu.memref_slice %arg7[%add3A_28, %dma_wait3A] : memref<10240x128xf32, #tpu.memory_space<vmem_shared>> -> memref<128x128xf32, #tpu.memory_space<vmem_shared>>
        %dma_wait3A_33 = arith.constant 0 : i32
        %dma_wait3A_34 = tpu.memref_slice %arg7[%add3A_28, %dma_wait3A_33] : memref<10240x128xf32, #tpu.memory_space<vmem_shared>> -> memref<128x128xf32, #tpu.memory_space<vmem_shared>>
        tpu.wait_dma2 semaphore(%run_scoped3A : memref<!tpu.dma_semaphore, #tpu.memory_space<semaphore_mem>>) src(%arg6 : memref<128x128xf32, #tpu.memory_space<vmem>>) dst(%dma_wait3A_34 : memref<128x128xf32, #tpu.memory_space<vmem_shared>>)
        tpu.yield
      }) : () -> ()
    }
    %scan3A_7 = arith.constant 5 : i32
    %barrier3A = arith.constant 0 : index
    tpu.barrier barrier_id(%barrier3A)
    %scan3A_8 = arith.constant 0 : i32
    %scan3A_9 = arith.constant 0 : i32
    %scan3A_10 = arith.constant 39 : i32
    %scan3A_11 = arith.addi %scan3A_9, %scan3A_10 : i32
    %scan3A_12 = arith.constant 1 : i32
    scf.for %scan3A_25 = %scan3A_9 to %scan3A_11 step %scan3A_12  : i32 {
      %mul3A_26 = arith.constant 10112 : i32
      %mul3A_27 = arith.muli %add3A, %mul3A_26 : i32
      %mul3A_28 = arith.constant 2 : i32
      %mul3A_29 = arith.muli %mul3A_28, %scan3A_25 : i32
      %mul3A_30 = arith.constant 128 : i32
      %mul3A_31 = arith.muli %mul3A_29, %mul3A_30 : i32
      %add3A_32 = arith.addi %mul3A_27, %mul3A_31 : i32
      %add3A_33 = arith.constant 128 : i32
      %add3A_34 = arith.addi %add3A_32, %add3A_33 : i32
      "tpu.region"() ({
        %run_scoped3A = tpu.sem_alloc : memref<!tpu.dma_semaphore, #tpu.memory_space<semaphore_mem>>
        %dma_start3A_49 = tpu.memref_slice %arg3[%add3A_32] : memref<323584xi32, #tpu.memory_space<hbm>> -> memref<128xi32, #tpu.memory_space<hbm>>
        %dma_start3A_50 = tpu.memref_slice %arg3[%add3A_32] : memref<323584xi32, #tpu.memory_space<hbm>> -> memref<128xi32, #tpu.memory_space<hbm>>
        tpu.enqueue_dma source(%dma_start3A_50 : memref<128xi32, #tpu.memory_space<hbm>>) target(%arg8 : memref<128xi32, #tpu.memory_space<vmem>>) target_semaphore(%run_scoped3A : memref<!tpu.dma_semaphore, #tpu.memory_space<semaphore_mem>>)
        %dma_wait3A_51 = tpu.memref_slice %arg3[%add3A_32] : memref<323584xi32, #tpu.memory_space<hbm>> -> memref<128xi32, #tpu.memory_space<hbm>>
        %dma_wait3A_52 = tpu.memref_slice %arg3[%add3A_32] : memref<323584xi32, #tpu.memory_space<hbm>> -> memref<128xi32, #tpu.memory_space<hbm>>
        tpu.wait_dma2 semaphore(%run_scoped3A : memref<!tpu.dma_semaphore, #tpu.memory_space<semaphore_mem>>) src(%dma_wait3A_52 : memref<128xi32, #tpu.memory_space<hbm>>) dst(%arg8 : memref<128xi32, #tpu.memory_space<vmem>>)
        tpu.yield
      }) : () -> ()
      "tpu.region"() ({
        %run_scoped3A = tpu.sem_alloc : memref<!tpu.dma_semaphore, #tpu.memory_space<semaphore_mem>>
        %dma_start3A_49 = tpu.memref_slice %arg3[%add3A_34] : memref<323584xi32, #tpu.memory_space<hbm>> -> memref<128xi32, #tpu.memory_space<hbm>>
        %dma_start3A_50 = tpu.memref_slice %arg3[%add3A_34] : memref<323584xi32, #tpu.memory_space<hbm>> -> memref<128xi32, #tpu.memory_space<hbm>>
        tpu.enqueue_dma source(%dma_start3A_50 : memref<128xi32, #tpu.memory_space<hbm>>) target(%arg10 : memref<128xi32, #tpu.memory_space<vmem>>) target_semaphore(%run_scoped3A : memref<!tpu.dma_semaphore, #tpu.memory_space<semaphore_mem>>)
        %dma_wait3A_51 = tpu.memref_slice %arg3[%add3A_34] : memref<323584xi32, #tpu.memory_space<hbm>> -> memref<128xi32, #tpu.memory_space<hbm>>
        %dma_wait3A_52 = tpu.memref_slice %arg3[%add3A_34] : memref<323584xi32, #tpu.memory_space<hbm>> -> memref<128xi32, #tpu.memory_space<hbm>>
        tpu.wait_dma2 semaphore(%run_scoped3A : memref<!tpu.dma_semaphore, #tpu.memory_space<semaphore_mem>>) src(%dma_wait3A_52 : memref<128xi32, #tpu.memory_space<hbm>>) dst(%arg10 : memref<128xi32, #tpu.memory_space<vmem>>)
        tpu.yield
      }) : () -> ()
      %dma_start3A = arith.constant 0 : i32
      %dma_start3A_35 = tpu.memref_slice %arg2[%add3A_32, %dma_start3A] : memref<323584x128xf32, #tpu.memory_space<hbm>> -> memref<128x128xf32, #tpu.memory_space<hbm>>
      %dma_start3A_36 = arith.constant 0 : i32
      %dma_start3A_37 = tpu.memref_slice %arg2[%add3A_32, %dma_start3A_36] : memref<323584x128xf32, #tpu.memory_space<hbm>> -> memref<128x128xf32, #tpu.memory_space<hbm>>
      tpu.enqueue_dma source(%dma_start3A_37 : memref<128x128xf32, #tpu.memory_space<hbm>>) target(%arg6 : memref<128x128xf32, #tpu.memory_space<vmem>>) target_semaphore(%arg11 : memref<!tpu.dma_semaphore, #tpu.memory_space<semaphore_mem>>)
      %dma_start3A_38 = arith.constant 0 : i32
      %dma_start3A_39 = tpu.memref_slice %arg2[%add3A_34, %dma_start3A_38] : memref<323584x128xf32, #tpu.memory_space<hbm>> -> memref<128x128xf32, #tpu.memory_space<hbm>>
      %dma_start3A_40 = arith.constant 0 : i32
      %dma_start3A_41 = tpu.memref_slice %arg2[%add3A_34, %dma_start3A_40] : memref<323584x128xf32, #tpu.memory_space<hbm>> -> memref<128x128xf32, #tpu.memory_space<hbm>>
      tpu.enqueue_dma source(%dma_start3A_41 : memref<128x128xf32, #tpu.memory_space<hbm>>) target(%arg9 : memref<128x128xf32, #tpu.memory_space<vmem>>) target_semaphore(%arg12 : memref<!tpu.dma_semaphore, #tpu.memory_space<semaphore_mem>>)
      %dma_wait3A = arith.constant 0 : i32
      %dma_wait3A_42 = tpu.memref_slice %arg2[%add3A_32, %dma_wait3A] : memref<323584x128xf32, #tpu.memory_space<hbm>> -> memref<128x128xf32, #tpu.memory_space<hbm>>
      %dma_wait3A_43 = arith.constant 0 : i32
      %dma_wait3A_44 = tpu.memref_slice %arg2[%add3A_32, %dma_wait3A_43] : memref<323584x128xf32, #tpu.memory_space<hbm>> -> memref<128x128xf32, #tpu.memory_space<hbm>>
      tpu.wait_dma2 semaphore(%arg11 : memref<!tpu.dma_semaphore, #tpu.memory_space<semaphore_mem>>) src(%dma_wait3A_44 : memref<128x128xf32, #tpu.memory_space<hbm>>) dst(%arg6 : memref<128x128xf32, #tpu.memory_space<vmem>>)
      "tpu.region"() ({
        %run_scoped3A = tpu.sem_alloc : memref<!tpu.dma_semaphore, #tpu.memory_space<semaphore_mem>>
        %dma_start3A_49 = arith.constant 0 : i32
        %dma_start3A_50 = arith.constant 0 : i32
        %dma_start3A_51 = tpu.memref_slice %arg7[%dma_start3A_49, %dma_start3A_50] : memref<10240x128xf32, #tpu.memory_space<vmem_shared>> -> memref<10240x128xf32, #tpu.memory_space<vmem_shared>>
        tpu.enqueue_indirect_dma source(%arg6 : memref<128x128xf32, #tpu.memory_space<vmem>>) target(%dma_start3A_51 : memref<10240x128xf32, #tpu.memory_space<vmem_shared>>) offsets(%arg8 : memref<128xi32, #tpu.memory_space<vmem>>) semaphore(%run_scoped3A : memref<!tpu.dma_semaphore, #tpu.memory_space<semaphore_mem>>) {add = true}
        %dma_wait3A_52 = arith.constant 0 : i32
        %dma_wait3A_53 = arith.constant 0 : i32
        %dma_wait3A_54 = tpu.memref_slice %arg7[%dma_wait3A_52, %dma_wait3A_53] : memref<10240x128xf32, #tpu.memory_space<vmem_shared>> -> memref<10240x128xf32, #tpu.memory_space<vmem_shared>>
        tpu.wait_indirect_dma semaphore(%run_scoped3A : memref<!tpu.dma_semaphore, #tpu.memory_space<semaphore_mem>>) src(%arg6 : memref<128x128xf32, #tpu.memory_space<vmem>>) dst(%dma_wait3A_54 : memref<10240x128xf32, #tpu.memory_space<vmem_shared>>)
        tpu.yield
      }) : () -> ()
      %dma_wait3A_45 = arith.constant 0 : i32
      %dma_wait3A_46 = tpu.memref_slice %arg2[%add3A_34, %dma_wait3A_45] : memref<323584x128xf32, #tpu.memory_space<hbm>> -> memref<128x128xf32, #tpu.memory_space<hbm>>
      %dma_wait3A_47 = arith.constant 0 : i32
      %dma_wait3A_48 = tpu.memref_slice %arg2[%add3A_34, %dma_wait3A_47] : memref<323584x128xf32, #tpu.memory_space<hbm>> -> memref<128x128xf32, #tpu.memory_space<hbm>>
      tpu.wait_dma2 semaphore(%arg12 : memref<!tpu.dma_semaphore, #tpu.memory_space<semaphore_mem>>) src(%dma_wait3A_48 : memref<128x128xf32, #tpu.memory_space<hbm>>) dst(%arg9 : memref<128x128xf32, #tpu.memory_space<vmem>>)
      "tpu.region"() ({
        %run_scoped3A = tpu.sem_alloc : memref<!tpu.dma_semaphore, #tpu.memory_space<semaphore_mem>>
        %dma_start3A_49 = arith.constant 0 : i32
        %dma_start3A_50 = arith.constant 0 : i32
        %dma_start3A_51 = tpu.memref_slice %arg7[%dma_start3A_49, %dma_start3A_50] : memref<10240x128xf32, #tpu.memory_space<vmem_shared>> -> memref<10240x128xf32, #tpu.memory_space<vmem_shared>>
        tpu.enqueue_indirect_dma source(%arg9 : memref<128x128xf32, #tpu.memory_space<vmem>>) target(%dma_start3A_51 : memref<10240x128xf32, #tpu.memory_space<vmem_shared>>) offsets(%arg10 : memref<128xi32, #tpu.memory_space<vmem>>) semaphore(%run_scoped3A : memref<!tpu.dma_semaphore, #tpu.memory_space<semaphore_mem>>) {add = true}
        %dma_wait3A_52 = arith.constant 0 : i32
        %dma_wait3A_53 = arith.constant 0 : i32
        %dma_wait3A_54 = tpu.memref_slice %arg7[%dma_wait3A_52, %dma_wait3A_53] : memref<10240x128xf32, #tpu.memory_space<vmem_shared>> -> memref<10240x128xf32, #tpu.memory_space<vmem_shared>>
        tpu.wait_indirect_dma semaphore(%run_scoped3A : memref<!tpu.dma_semaphore, #tpu.memory_space<semaphore_mem>>) src(%arg9 : memref<128x128xf32, #tpu.memory_space<vmem>>) dst(%dma_wait3A_54 : memref<10240x128xf32, #tpu.memory_space<vmem_shared>>)
        tpu.yield
      }) : () -> ()
    }
    %scan3A_13 = arith.constant 39 : i32
    %mul3A_14 = arith.constant 10112 : i32
    %mul3A_15 = arith.muli %add3A, %mul3A_14 : i32
    %add3A_16 = arith.constant 9984 : i32
    %add3A_17 = arith.addi %mul3A_15, %add3A_16 : i32
    "tpu.region"() ({
      %run_scoped3A = tpu.sem_alloc : memref<!tpu.dma_semaphore, #tpu.memory_space<semaphore_mem>>
      %dma_start3A = tpu.memref_slice %arg3[%add3A_17] : memref<323584xi32, #tpu.memory_space<hbm>> -> memref<128xi32, #tpu.memory_space<hbm>>
      %dma_start3A_25 = tpu.memref_slice %arg3[%add3A_17] : memref<323584xi32, #tpu.memory_space<hbm>> -> memref<128xi32, #tpu.memory_space<hbm>>
      tpu.enqueue_dma source(%dma_start3A_25 : memref<128xi32, #tpu.memory_space<hbm>>) target(%arg8 : memref<128xi32, #tpu.memory_space<vmem>>) target_semaphore(%run_scoped3A : memref<!tpu.dma_semaphore, #tpu.memory_space<semaphore_mem>>)
      %dma_wait3A = tpu.memref_slice %arg3[%add3A_17] : memref<323584xi32, #tpu.memory_space<hbm>> -> memref<128xi32, #tpu.memory_space<hbm>>
      %dma_wait3A_26 = tpu.memref_slice %arg3[%add3A_17] : memref<323584xi32, #tpu.memory_space<hbm>> -> memref<128xi32, #tpu.memory_space<hbm>>
      tpu.wait_dma2 semaphore(%run_scoped3A : memref<!tpu.dma_semaphore, #tpu.memory_space<semaphore_mem>>) src(%dma_wait3A_26 : memref<128xi32, #tpu.memory_space<hbm>>) dst(%arg8 : memref<128xi32, #tpu.memory_space<vmem>>)
      tpu.yield
    }) : () -> ()
    "tpu.region"() ({
      %run_scoped3A = tpu.sem_alloc : memref<!tpu.dma_semaphore, #tpu.memory_space<semaphore_mem>>
      %dma_start3A = arith.constant 0 : i32
      %dma_start3A_25 = tpu.memref_slice %arg2[%add3A_17, %dma_start3A] : memref<323584x128xf32, #tpu.memory_space<hbm>> -> memref<128x128xf32, #tpu.memory_space<hbm>>
      %dma_start3A_26 = arith.constant 0 : i32
      %dma_start3A_27 = tpu.memref_slice %arg2[%add3A_17, %dma_start3A_26] : memref<323584x128xf32, #tpu.memory_space<hbm>> -> memref<128x128xf32, #tpu.memory_space<hbm>>
      tpu.enqueue_dma source(%dma_start3A_27 : memref<128x128xf32, #tpu.memory_space<hbm>>) target(%arg6 : memref<128x128xf32, #tpu.memory_space<vmem>>) target_semaphore(%run_scoped3A : memref<!tpu.dma_semaphore, #tpu.memory_space<semaphore_mem>>)
      %dma_wait3A = arith.constant 0 : i32
      %dma_wait3A_28 = tpu.memref_slice %arg2[%add3A_17, %dma_wait3A] : memref<323584x128xf32, #tpu.memory_space<hbm>> -> memref<128x128xf32, #tpu.memory_space<hbm>>
      %dma_wait3A_29 = arith.constant 0 : i32
      %dma_wait3A_30 = tpu.memref_slice %arg2[%add3A_17, %dma_wait3A_29] : memref<323584x128xf32, #tpu.memory_space<hbm>> -> memref<128x128xf32, #tpu.memory_space<hbm>>
      tpu.wait_dma2 semaphore(%run_scoped3A : memref<!tpu.dma_semaphore, #tpu.memory_space<semaphore_mem>>) src(%dma_wait3A_30 : memref<128x128xf32, #tpu.memory_space<hbm>>) dst(%arg6 : memref<128x128xf32, #tpu.memory_space<vmem>>)
      tpu.yield
    }) : () -> ()
    "tpu.region"() ({
      %run_scoped3A = tpu.sem_alloc : memref<!tpu.dma_semaphore, #tpu.memory_space<semaphore_mem>>
      %dma_start3A = arith.constant 0 : i32
      %dma_start3A_25 = arith.constant 0 : i32
      %dma_start3A_26 = tpu.memref_slice %arg7[%dma_start3A, %dma_start3A_25] : memref<10240x128xf32, #tpu.memory_space<vmem_shared>> -> memref<10240x128xf32, #tpu.memory_space<vmem_shared>>
      tpu.enqueue_indirect_dma source(%arg6 : memref<128x128xf32, #tpu.memory_space<vmem>>) target(%dma_start3A_26 : memref<10240x128xf32, #tpu.memory_space<vmem_shared>>) offsets(%arg8 : memref<128xi32, #tpu.memory_space<vmem>>) semaphore(%run_scoped3A : memref<!tpu.dma_semaphore, #tpu.memory_space<semaphore_mem>>) {add = true}
      %dma_wait3A = arith.constant 0 : i32
      %dma_wait3A_27 = arith.constant 0 : i32
      %dma_wait3A_28 = tpu.memref_slice %arg7[%dma_wait3A, %dma_wait3A_27] : memref<10240x128xf32, #tpu.memory_space<vmem_shared>> -> memref<10240x128xf32, #tpu.memory_space<vmem_shared>>
      tpu.wait_indirect_dma semaphore(%run_scoped3A : memref<!tpu.dma_semaphore, #tpu.memory_space<semaphore_mem>>) src(%arg6 : memref<128x128xf32, #tpu.memory_space<vmem>>) dst(%dma_wait3A_28 : memref<10240x128xf32, #tpu.memory_space<vmem_shared>>)
      tpu.yield
    }) : () -> ()
    %barrier3A_18 = arith.constant 0 : index
    tpu.barrier barrier_id(%barrier3A_18)
    %scan3A_19 = arith.constant 0 : i32
    %scan3A_20 = arith.constant 0 : i32
    %scan3A_21 = arith.constant 5 : i32
    %scan3A_22 = arith.addi %scan3A_20, %scan3A_21 : i32
    %scan3A_23 = arith.constant 1 : i32
    scf.for %scan3A_25 = %scan3A_20 to %scan3A_22 step %scan3A_23  : i32 {
      %mul3A_26 = arith.constant 128 : i32
      %mul3A_27 = arith.muli %scan3A_25, %mul3A_26 : i32
      %add3A_28 = arith.addi %mul3A_2, %mul3A_27 : i32
      "tpu.region"() ({
        %run_scoped3A = tpu.sem_alloc : memref<!tpu.dma_semaphore, #tpu.memory_space<semaphore_mem>>
        %dma_start3A = arith.constant 0 : i32
        %dma_start3A_35 = tpu.memref_slice %arg7[%add3A_28, %dma_start3A] : memref<10240x128xf32, #tpu.memory_space<vmem_shared>> -> memref<128x128xf32, #tpu.memory_space<vmem_shared>>
        %dma_start3A_36 = arith.constant 0 : i32
        %dma_start3A_37 = tpu.memref_slice %arg7[%add3A_28, %dma_start3A_36] : memref<10240x128xf32, #tpu.memory_space<vmem_shared>> -> memref<128x128xf32, #tpu.memory_space<vmem_shared>>
        tpu.enqueue_dma source(%dma_start3A_37 : memref<128x128xf32, #tpu.memory_space<vmem_shared>>) target(%arg6 : memref<128x128xf32, #tpu.memory_space<vmem>>) target_semaphore(%run_scoped3A : memref<!tpu.dma_semaphore, #tpu.memory_space<semaphore_mem>>)
        %dma_wait3A = arith.constant 0 : i32
        %dma_wait3A_38 = tpu.memref_slice %arg7[%add3A_28, %dma_wait3A] : memref<10240x128xf32, #tpu.memory_space<vmem_shared>> -> memref<128x128xf32, #tpu.memory_space<vmem_shared>>
        %dma_wait3A_39 = arith.constant 0 : i32
        %dma_wait3A_40 = tpu.memref_slice %arg7[%add3A_28, %dma_wait3A_39] : memref<10240x128xf32, #tpu.memory_space<vmem_shared>> -> memref<128x128xf32, #tpu.memory_space<vmem_shared>>
        tpu.wait_dma2 semaphore(%run_scoped3A : memref<!tpu.dma_semaphore, #tpu.memory_space<semaphore_mem>>) src(%dma_wait3A_40 : memref<128x128xf32, #tpu.memory_space<vmem_shared>>) dst(%arg6 : memref<128x128xf32, #tpu.memory_space<vmem>>)
        tpu.yield
      }) : () -> ()
      %mul3A_29 = arith.constant 10240 : i32
      %mul3A_30 = arith.muli %arg0, %mul3A_29 : i32
      %add3A_31 = arith.addi %mul3A_30, %mul3A_2 : i32
      %mul3A_32 = arith.constant 128 : i32
      %mul3A_33 = arith.muli %scan3A_25, %mul3A_32 : i32
      %add3A_34 = arith.addi %add3A_31, %mul3A_33 : i32
      "tpu.region"() ({
        %run_scoped3A = tpu.sem_alloc : memref<!tpu.dma_semaphore, #tpu.memory_space<semaphore_mem>>
        %dma_start3A = arith.constant 0 : i32
        %dma_start3A_35 = tpu.memref_slice %arg5[%add3A_34, %dma_start3A] : memref<20480x128xf32, #tpu.memory_space<hbm>> -> memref<128x128xf32, #tpu.memory_space<hbm>>
        %dma_start3A_36 = arith.constant 0 : i32
        %dma_start3A_37 = tpu.memref_slice %arg5[%add3A_34, %dma_start3A_36] : memref<20480x128xf32, #tpu.memory_space<hbm>> -> memref<128x128xf32, #tpu.memory_space<hbm>>
        tpu.enqueue_dma source(%arg6 : memref<128x128xf32, #tpu.memory_space<vmem>>) target(%dma_start3A_37 : memref<128x128xf32, #tpu.memory_space<hbm>>) target_semaphore(%run_scoped3A : memref<!tpu.dma_semaphore, #tpu.memory_space<semaphore_mem>>)
        %dma_wait3A = arith.constant 0 : i32
        %dma_wait3A_38 = tpu.memref_slice %arg5[%add3A_34, %dma_wait3A] : memref<20480x128xf32, #tpu.memory_space<hbm>> -> memref<128x128xf32, #tpu.memory_space<hbm>>
        %dma_wait3A_39 = arith.constant 0 : i32
        %dma_wait3A_40 = tpu.memref_slice %arg5[%add3A_34, %dma_wait3A_39] : memref<20480x128xf32, #tpu.memory_space<hbm>> -> memref<128x128xf32, #tpu.memory_space<hbm>>
        tpu.wait_dma2 semaphore(%run_scoped3A : memref<!tpu.dma_semaphore, #tpu.memory_space<semaphore_mem>>) src(%arg6 : memref<128x128xf32, #tpu.memory_space<vmem>>) dst(%dma_wait3A_40 : memref<128x128xf32, #tpu.memory_space<hbm>>)
        tpu.yield
      }) : () -> ()
    }
    %scan3A_24 = arith.constant 5 : i32
    return
  }
}

#map = affine_map<(d0, d1) -> (0, 0)>
#map1 = affine_map<(d0, d1) -> (0)>
module attributes {stable_mosaic.version = 14 : i64} {
  func.func @sc_scatter(%arg0: i32, %arg1: i32, %arg2: memref<323584x128xf32, #tpu.memory_space<hbm>>, %arg3: memref<323584xi32, #tpu.memory_space<hbm>>, %arg4: memref<128x128xf32, #tpu.memory_space<hbm>>, %arg5: memref<20480x128xf32, #tpu.memory_space<hbm>>, %arg6: memref<128x128xf32, #tpu.memory_space<vmem>>, %arg7: memref<10240x128xf32, #tpu.memory_space<vmem_shared>>, %arg8: memref<128xi32, #tpu.memory_space<vmem>>, %arg9: memref<128x128xf32, #tpu.memory_space<vmem>>, %arg10: memref<128xi32, #tpu.memory_space<vmem>>, %arg11: memref<!tpu.dma_semaphore, #tpu.memory_space<semaphore_mem>>, %arg12: memref<!tpu.dma_semaphore, #tpu.memory_space<semaphore_mem>>) attributes {dimension_semantics = [#tpu.dimension_semantics<core_parallel>, #tpu.dimension_semantics<subcore_parallel>], iteration_bounds = array<i64: 2, 16>, scalar_prefetch = 0 : i64, scratch_operands = 7 : i64, tpu.core_type = #tpu.core_type<sc_vector_subcore>, window_params = [{transform_indices = #map}, {transform_indices = #map1}, {transform_indices = #map}, {transform_indices = #map}]} {
    %mul3A = arith.constant 2 : i32
    %mul3A_0 = arith.muli %arg1, %mul3A : i32
    %add3A = arith.addi %mul3A_0, %arg0 : i32
    %mul3A_1 = arith.constant 640 : i32
    %mul3A_2 = arith.muli %arg1, %mul3A_1 : i32
    "tpu.region"() ({
      %run_scoped3A = tpu.sem_alloc : memref<!tpu.dma_semaphore, #tpu.memory_space<semaphore_mem>>
      %dma_start3A = arith.constant 0 : i32
      %dma_start3A_25 = arith.constant 0 : i32
      %dma_start3A_26 = tpu.memref_slice %arg4[%dma_start3A, %dma_start3A_25] : memref<128x128xf32, #tpu.memory_space<hbm>> -> memref<128x128xf32, #tpu.memory_space<hbm>>
      %dma_start3A_27 = arith.constant 0 : i32
      %dma_start3A_28 = arith.constant 0 : i32
      %dma_start3A_29 = tpu.memref_slice %arg4[%dma_start3A_27, %dma_start3A_28] : memref<128x128xf32, #tpu.memory_space<hbm>> -> memref<128x128xf32, #tpu.memory_space<hbm>>
      tpu.enqueue_dma source(%dma_start3A_29 : memref<128x128xf32, #tpu.memory_space<hbm>>) target(%arg6 : memref<128x128xf32, #tpu.memory_space<vmem>>) target_semaphore(%run_scoped3A : memref<!tpu.dma_semaphore, #tpu.memory_space<semaphore_mem>>)
      %dma_wait3A = arith.constant 0 : i32
      %dma_wait3A_30 = arith.constant 0 : i32
      %dma_wait3A_31 = tpu.memref_slice %arg4[%dma_wait3A, %dma_wait3A_30] : memref<128x128xf32, #tpu.memory_space<hbm>> -> memref<128x128xf32, #tpu.memory_space<hbm>>
      %dma_wait3A_32 = arith.constant 0 : i32
      %dma_wait3A_33 = arith.constant 0 : i32
      %dma_wait3A_34 = tpu.memref_slice %arg4[%dma_wait3A_32, %dma_wait3A_33] : memref<128x128xf32, #tpu.memory_space<hbm>> -> memref<128x128xf32, #tpu.memory_space<hbm>>
      tpu.wait_dma2 semaphore(%run_scoped3A : memref<!tpu.dma_semaphore, #tpu.memory_space<semaphore_mem>>) src(%dma_wait3A_34 : memref<128x128xf32, #tpu.memory_space<hbm>>) dst(%arg6 : memref<128x128xf32, #tpu.memory_space<vmem>>)
      tpu.yield
    }) : () -> ()
    %scan3A = arith.constant 0 : i32
    %scan3A_3 = arith.constant 0 : i32
    %scan3A_4 = arith.constant 5 : i32
    %scan3A_5 = arith.addi %scan3A_3, %scan3A_4 : i32
    %scan3A_6 = arith.constant 1 : i32
    scf.for %scan3A_25 = %scan3A_3 to %scan3A_5 step %scan3A_6  : i32 {
      %mul3A_26 = arith.constant 128 : i32
      %mul3A_27 = arith.muli %scan3A_25, %mul3A_26 : i32
      %add3A_28 = arith.addi %mul3A_2, %mul3A_27 : i32
      "tpu.region"() ({
        %run_scoped3A = tpu.sem_alloc : memref<!tpu.dma_semaphore, #tpu.memory_space<semaphore_mem>>
        %dma_start3A = arith.constant 0 : i32
        %dma_start3A_29 = tpu.memref_slice %arg7[%add3A_28, %dma_start3A] : memref<10240x128xf32, #tpu.memory_space<vmem_shared>> -> memref<128x128xf32, #tpu.memory_space<vmem_shared>>
        %dma_start3A_30 = arith.constant 0 : i32
        %dma_start3A_31 = tpu.memref_slice %arg7[%add3A_28, %dma_start3A_30] : memref<10240x128xf32, #tpu.memory_space<vmem_shared>> -> memref<128x128xf32, #tpu.memory_space<vmem_shared>>
        tpu.enqueue_dma source(%arg6 : memref<128x128xf32, #tpu.memory_space<vmem>>) target(%dma_start3A_31 : memref<128x128xf32, #tpu.memory_space<vmem_shared>>) target_semaphore(%run_scoped3A : memref<!tpu.dma_semaphore, #tpu.memory_space<semaphore_mem>>)
        %dma_wait3A = arith.constant 0 : i32
        %dma_wait3A_32 = tpu.memref_slice %arg7[%add3A_28, %dma_wait3A] : memref<10240x128xf32, #tpu.memory_space<vmem_shared>> -> memref<128x128xf32, #tpu.memory_space<vmem_shared>>
        %dma_wait3A_33 = arith.constant 0 : i32
        %dma_wait3A_34 = tpu.memref_slice %arg7[%add3A_28, %dma_wait3A_33] : memref<10240x128xf32, #tpu.memory_space<vmem_shared>> -> memref<128x128xf32, #tpu.memory_space<vmem_shared>>
        tpu.wait_dma2 semaphore(%run_scoped3A : memref<!tpu.dma_semaphore, #tpu.memory_space<semaphore_mem>>) src(%arg6 : memref<128x128xf32, #tpu.memory_space<vmem>>) dst(%dma_wait3A_34 : memref<128x128xf32, #tpu.memory_space<vmem_shared>>)
        tpu.yield
      }) : () -> ()
    }
    %scan3A_7 = arith.constant 5 : i32
    %barrier3A = arith.constant 0 : index
    tpu.barrier barrier_id(%barrier3A)
    %scan3A_8 = arith.constant 0 : i32
    %scan3A_9 = arith.constant 0 : i32
    %scan3A_10 = arith.constant 39 : i32
    %scan3A_11 = arith.addi %scan3A_9, %scan3A_10 : i32
    %scan3A_12 = arith.constant 1 : i32
    scf.for %scan3A_25 = %scan3A_9 to %scan3A_11 step %scan3A_12  : i32 {
      %mul3A_26 = arith.constant 10112 : i32
      %mul3A_27 = arith.muli %add3A, %mul3A_26 : i32
      %mul3A_28 = arith.constant 2 : i32
      %mul3A_29 = arith.muli %mul3A_28, %scan3A_25 : i32
      %mul3A_30 = arith.constant 128 : i32
      %mul3A_31 = arith.muli %mul3A_29, %mul3A_30 : i32
      %add3A_32 = arith.addi %mul3A_27, %mul3A_31 : i32
      %add3A_33 = arith.constant 128 : i32
      %add3A_34 = arith.addi %add3A_32, %add3A_33 : i32
      "tpu.region"() ({
        %run_scoped3A = tpu.sem_alloc : memref<!tpu.dma_semaphore, #tpu.memory_space<semaphore_mem>>
        %dma_start3A_49 = tpu.memref_slice %arg3[%add3A_32] : memref<323584xi32, #tpu.memory_space<hbm>> -> memref<128xi32, #tpu.memory_space<hbm>>
        %dma_start3A_50 = tpu.memref_slice %arg3[%add3A_32] : memref<323584xi32, #tpu.memory_space<hbm>> -> memref<128xi32, #tpu.memory_space<hbm>>
        tpu.enqueue_dma source(%dma_start3A_50 : memref<128xi32, #tpu.memory_space<hbm>>) target(%arg8 : memref<128xi32, #tpu.memory_space<vmem>>) target_semaphore(%run_scoped3A : memref<!tpu.dma_semaphore, #tpu.memory_space<semaphore_mem>>)
        %dma_wait3A_51 = tpu.memref_slice %arg3[%add3A_32] : memref<323584xi32, #tpu.memory_space<hbm>> -> memref<128xi32, #tpu.memory_space<hbm>>
        %dma_wait3A_52 = tpu.memref_slice %arg3[%add3A_32] : memref<323584xi32, #tpu.memory_space<hbm>> -> memref<128xi32, #tpu.memory_space<hbm>>
        tpu.wait_dma2 semaphore(%run_scoped3A : memref<!tpu.dma_semaphore, #tpu.memory_space<semaphore_mem>>) src(%dma_wait3A_52 : memref<128xi32, #tpu.memory_space<hbm>>) dst(%arg8 : memref<128xi32, #tpu.memory_space<vmem>>)
        tpu.yield
      }) : () -> ()
      "tpu.region"() ({
        %run_scoped3A = tpu.sem_alloc : memref<!tpu.dma_semaphore, #tpu.memory_space<semaphore_mem>>
        %dma_start3A_49 = tpu.memref_slice %arg3[%add3A_34] : memref<323584xi32, #tpu.memory_space<hbm>> -> memref<128xi32, #tpu.memory_space<hbm>>
        %dma_start3A_50 = tpu.memref_slice %arg3[%add3A_34] : memref<323584xi32, #tpu.memory_space<hbm>> -> memref<128xi32, #tpu.memory_space<hbm>>
        tpu.enqueue_dma source(%dma_start3A_50 : memref<128xi32, #tpu.memory_space<hbm>>) target(%arg10 : memref<128xi32, #tpu.memory_space<vmem>>) target_semaphore(%run_scoped3A : memref<!tpu.dma_semaphore, #tpu.memory_space<semaphore_mem>>)
        %dma_wait3A_51 = tpu.memref_slice %arg3[%add3A_34] : memref<323584xi32, #tpu.memory_space<hbm>> -> memref<128xi32, #tpu.memory_space<hbm>>
        %dma_wait3A_52 = tpu.memref_slice %arg3[%add3A_34] : memref<323584xi32, #tpu.memory_space<hbm>> -> memref<128xi32, #tpu.memory_space<hbm>>
        tpu.wait_dma2 semaphore(%run_scoped3A : memref<!tpu.dma_semaphore, #tpu.memory_space<semaphore_mem>>) src(%dma_wait3A_52 : memref<128xi32, #tpu.memory_space<hbm>>) dst(%arg10 : memref<128xi32, #tpu.memory_space<vmem>>)
        tpu.yield
      }) : () -> ()
      %dma_start3A = arith.constant 0 : i32
      %dma_start3A_35 = tpu.memref_slice %arg2[%add3A_32, %dma_start3A] : memref<323584x128xf32, #tpu.memory_space<hbm>> -> memref<128x128xf32, #tpu.memory_space<hbm>>
      %dma_start3A_36 = arith.constant 0 : i32
      %dma_start3A_37 = tpu.memref_slice %arg2[%add3A_32, %dma_start3A_36] : memref<323584x128xf32, #tpu.memory_space<hbm>> -> memref<128x128xf32, #tpu.memory_space<hbm>>
      tpu.enqueue_dma source(%dma_start3A_37 : memref<128x128xf32, #tpu.memory_space<hbm>>) target(%arg6 : memref<128x128xf32, #tpu.memory_space<vmem>>) target_semaphore(%arg11 : memref<!tpu.dma_semaphore, #tpu.memory_space<semaphore_mem>>)
      %dma_start3A_38 = arith.constant 0 : i32
      %dma_start3A_39 = tpu.memref_slice %arg2[%add3A_34, %dma_start3A_38] : memref<323584x128xf32, #tpu.memory_space<hbm>> -> memref<128x128xf32, #tpu.memory_space<hbm>>
      %dma_start3A_40 = arith.constant 0 : i32
      %dma_start3A_41 = tpu.memref_slice %arg2[%add3A_34, %dma_start3A_40] : memref<323584x128xf32, #tpu.memory_space<hbm>> -> memref<128x128xf32, #tpu.memory_space<hbm>>
      tpu.enqueue_dma source(%dma_start3A_41 : memref<128x128xf32, #tpu.memory_space<hbm>>) target(%arg9 : memref<128x128xf32, #tpu.memory_space<vmem>>) target_semaphore(%arg12 : memref<!tpu.dma_semaphore, #tpu.memory_space<semaphore_mem>>)
      %dma_wait3A = arith.constant 0 : i32
      %dma_wait3A_42 = tpu.memref_slice %arg2[%add3A_32, %dma_wait3A] : memref<323584x128xf32, #tpu.memory_space<hbm>> -> memref<128x128xf32, #tpu.memory_space<hbm>>
      %dma_wait3A_43 = arith.constant 0 : i32
      %dma_wait3A_44 = tpu.memref_slice %arg2[%add3A_32, %dma_wait3A_43] : memref<323584x128xf32, #tpu.memory_space<hbm>> -> memref<128x128xf32, #tpu.memory_space<hbm>>
      tpu.wait_dma2 semaphore(%arg11 : memref<!tpu.dma_semaphore, #tpu.memory_space<semaphore_mem>>) src(%dma_wait3A_44 : memref<128x128xf32, #tpu.memory_space<hbm>>) dst(%arg6 : memref<128x128xf32, #tpu.memory_space<vmem>>)
      "tpu.region"() ({
        %run_scoped3A = tpu.sem_alloc : memref<!tpu.dma_semaphore, #tpu.memory_space<semaphore_mem>>
        %dma_start3A_49 = arith.constant 0 : i32
        %dma_start3A_50 = arith.constant 0 : i32
        %dma_start3A_51 = tpu.memref_slice %arg7[%dma_start3A_49, %dma_start3A_50] : memref<10240x128xf32, #tpu.memory_space<vmem_shared>> -> memref<10240x128xf32, #tpu.memory_space<vmem_shared>>
        tpu.enqueue_indirect_dma source(%arg6 : memref<128x128xf32, #tpu.memory_space<vmem>>) target(%dma_start3A_51 : memref<10240x128xf32, #tpu.memory_space<vmem_shared>>) offsets(%arg8 : memref<128xi32, #tpu.memory_space<vmem>>) semaphore(%run_scoped3A : memref<!tpu.dma_semaphore, #tpu.memory_space<semaphore_mem>>) {add = true}
        %dma_wait3A_52 = arith.constant 0 : i32
        %dma_wait3A_53 = arith.constant 0 : i32
        %dma_wait3A_54 = tpu.memref_slice %arg7[%dma_wait3A_52, %dma_wait3A_53] : memref<10240x128xf32, #tpu.memory_space<vmem_shared>> -> memref<10240x128xf32, #tpu.memory_space<vmem_shared>>
        tpu.wait_indirect_dma semaphore(%run_scoped3A : memref<!tpu.dma_semaphore, #tpu.memory_space<semaphore_mem>>) src(%arg6 : memref<128x128xf32, #tpu.memory_space<vmem>>) dst(%dma_wait3A_54 : memref<10240x128xf32, #tpu.memory_space<vmem_shared>>)
        tpu.yield
      }) : () -> ()
      %dma_wait3A_45 = arith.constant 0 : i32
      %dma_wait3A_46 = tpu.memref_slice %arg2[%add3A_34, %dma_wait3A_45] : memref<323584x128xf32, #tpu.memory_space<hbm>> -> memref<128x128xf32, #tpu.memory_space<hbm>>
      %dma_wait3A_47 = arith.constant 0 : i32
      %dma_wait3A_48 = tpu.memref_slice %arg2[%add3A_34, %dma_wait3A_47] : memref<323584x128xf32, #tpu.memory_space<hbm>> -> memref<128x128xf32, #tpu.memory_space<hbm>>
      tpu.wait_dma2 semaphore(%arg12 : memref<!tpu.dma_semaphore, #tpu.memory_space<semaphore_mem>>) src(%dma_wait3A_48 : memref<128x128xf32, #tpu.memory_space<hbm>>) dst(%arg9 : memref<128x128xf32, #tpu.memory_space<vmem>>)
      "tpu.region"() ({
        %run_scoped3A = tpu.sem_alloc : memref<!tpu.dma_semaphore, #tpu.memory_space<semaphore_mem>>
        %dma_start3A_49 = arith.constant 0 : i32
        %dma_start3A_50 = arith.constant 0 : i32
        %dma_start3A_51 = tpu.memref_slice %arg7[%dma_start3A_49, %dma_start3A_50] : memref<10240x128xf32, #tpu.memory_space<vmem_shared>> -> memref<10240x128xf32, #tpu.memory_space<vmem_shared>>
        tpu.enqueue_indirect_dma source(%arg9 : memref<128x128xf32, #tpu.memory_space<vmem>>) target(%dma_start3A_51 : memref<10240x128xf32, #tpu.memory_space<vmem_shared>>) offsets(%arg10 : memref<128xi32, #tpu.memory_space<vmem>>) semaphore(%run_scoped3A : memref<!tpu.dma_semaphore, #tpu.memory_space<semaphore_mem>>) {add = true}
        %dma_wait3A_52 = arith.constant 0 : i32
        %dma_wait3A_53 = arith.constant 0 : i32
        %dma_wait3A_54 = tpu.memref_slice %arg7[%dma_wait3A_52, %dma_wait3A_53] : memref<10240x128xf32, #tpu.memory_space<vmem_shared>> -> memref<10240x128xf32, #tpu.memory_space<vmem_shared>>
        tpu.wait_indirect_dma semaphore(%run_scoped3A : memref<!tpu.dma_semaphore, #tpu.memory_space<semaphore_mem>>) src(%arg9 : memref<128x128xf32, #tpu.memory_space<vmem>>) dst(%dma_wait3A_54 : memref<10240x128xf32, #tpu.memory_space<vmem_shared>>)
        tpu.yield
      }) : () -> ()
    }
    %scan3A_13 = arith.constant 39 : i32
    %mul3A_14 = arith.constant 10112 : i32
    %mul3A_15 = arith.muli %add3A, %mul3A_14 : i32
    %add3A_16 = arith.constant 9984 : i32
    %add3A_17 = arith.addi %mul3A_15, %add3A_16 : i32
    "tpu.region"() ({
      %run_scoped3A = tpu.sem_alloc : memref<!tpu.dma_semaphore, #tpu.memory_space<semaphore_mem>>
      %dma_start3A = tpu.memref_slice %arg3[%add3A_17] : memref<323584xi32, #tpu.memory_space<hbm>> -> memref<128xi32, #tpu.memory_space<hbm>>
      %dma_start3A_25 = tpu.memref_slice %arg3[%add3A_17] : memref<323584xi32, #tpu.memory_space<hbm>> -> memref<128xi32, #tpu.memory_space<hbm>>
      tpu.enqueue_dma source(%dma_start3A_25 : memref<128xi32, #tpu.memory_space<hbm>>) target(%arg8 : memref<128xi32, #tpu.memory_space<vmem>>) target_semaphore(%run_scoped3A : memref<!tpu.dma_semaphore, #tpu.memory_space<semaphore_mem>>)
      %dma_wait3A = tpu.memref_slice %arg3[%add3A_17] : memref<323584xi32, #tpu.memory_space<hbm>> -> memref<128xi32, #tpu.memory_space<hbm>>
      %dma_wait3A_26 = tpu.memref_slice %arg3[%add3A_17] : memref<323584xi32, #tpu.memory_space<hbm>> -> memref<128xi32, #tpu.memory_space<hbm>>
      tpu.wait_dma2 semaphore(%run_scoped3A : memref<!tpu.dma_semaphore, #tpu.memory_space<semaphore_mem>>) src(%dma_wait3A_26 : memref<128xi32, #tpu.memory_space<hbm>>) dst(%arg8 : memref<128xi32, #tpu.memory_space<vmem>>)
      tpu.yield
    }) : () -> ()
    "tpu.region"() ({
      %run_scoped3A = tpu.sem_alloc : memref<!tpu.dma_semaphore, #tpu.memory_space<semaphore_mem>>
      %dma_start3A = arith.constant 0 : i32
      %dma_start3A_25 = tpu.memref_slice %arg2[%add3A_17, %dma_start3A] : memref<323584x128xf32, #tpu.memory_space<hbm>> -> memref<128x128xf32, #tpu.memory_space<hbm>>
      %dma_start3A_26 = arith.constant 0 : i32
      %dma_start3A_27 = tpu.memref_slice %arg2[%add3A_17, %dma_start3A_26] : memref<323584x128xf32, #tpu.memory_space<hbm>> -> memref<128x128xf32, #tpu.memory_space<hbm>>
      tpu.enqueue_dma source(%dma_start3A_27 : memref<128x128xf32, #tpu.memory_space<hbm>>) target(%arg6 : memref<128x128xf32, #tpu.memory_space<vmem>>) target_semaphore(%run_scoped3A : memref<!tpu.dma_semaphore, #tpu.memory_space<semaphore_mem>>)
      %dma_wait3A = arith.constant 0 : i32
      %dma_wait3A_28 = tpu.memref_slice %arg2[%add3A_17, %dma_wait3A] : memref<323584x128xf32, #tpu.memory_space<hbm>> -> memref<128x128xf32, #tpu.memory_space<hbm>>
      %dma_wait3A_29 = arith.constant 0 : i32
      %dma_wait3A_30 = tpu.memref_slice %arg2[%add3A_17, %dma_wait3A_29] : memref<323584x128xf32, #tpu.memory_space<hbm>> -> memref<128x128xf32, #tpu.memory_space<hbm>>
      tpu.wait_dma2 semaphore(%run_scoped3A : memref<!tpu.dma_semaphore, #tpu.memory_space<semaphore_mem>>) src(%dma_wait3A_30 : memref<128x128xf32, #tpu.memory_space<hbm>>) dst(%arg6 : memref<128x128xf32, #tpu.memory_space<vmem>>)
      tpu.yield
    }) : () -> ()
    "tpu.region"() ({
      %run_scoped3A = tpu.sem_alloc : memref<!tpu.dma_semaphore, #tpu.memory_space<semaphore_mem>>
      %dma_start3A = arith.constant 0 : i32
      %dma_start3A_25 = arith.constant 0 : i32
      %dma_start3A_26 = tpu.memref_slice %arg7[%dma_start3A, %dma_start3A_25] : memref<10240x128xf32, #tpu.memory_space<vmem_shared>> -> memref<10240x128xf32, #tpu.memory_space<vmem_shared>>
      tpu.enqueue_indirect_dma source(%arg6 : memref<128x128xf32, #tpu.memory_space<vmem>>) target(%dma_start3A_26 : memref<10240x128xf32, #tpu.memory_space<vmem_shared>>) offsets(%arg8 : memref<128xi32, #tpu.memory_space<vmem>>) semaphore(%run_scoped3A : memref<!tpu.dma_semaphore, #tpu.memory_space<semaphore_mem>>) {add = true}
      %dma_wait3A = arith.constant 0 : i32
      %dma_wait3A_27 = arith.constant 0 : i32
      %dma_wait3A_28 = tpu.memref_slice %arg7[%dma_wait3A, %dma_wait3A_27] : memref<10240x128xf32, #tpu.memory_space<vmem_shared>> -> memref<10240x128xf32, #tpu.memory_space<vmem_shared>>
      tpu.wait_indirect_dma semaphore(%run_scoped3A : memref<!tpu.dma_semaphore, #tpu.memory_space<semaphore_mem>>) src(%arg6 : memref<128x128xf32, #tpu.memory_space<vmem>>) dst(%dma_wait3A_28 : memref<10240x128xf32, #tpu.memory_space<vmem_shared>>)
      tpu.yield
    }) : () -> ()
    %barrier3A_18 = arith.constant 0 : index
    tpu.barrier barrier_id(%barrier3A_18)
    %scan3A_19 = arith.constant 0 : i32
    %scan3A_20 = arith.constant 0 : i32
    %scan3A_21 = arith.constant 5 : i32
    %scan3A_22 = arith.addi %scan3A_20, %scan3A_21 : i32
    %scan3A_23 = arith.constant 1 : i32
    scf.for %scan3A_25 = %scan3A_20 to %scan3A_22 step %scan3A_23  : i32 {
      %mul3A_26 = arith.constant 128 : i32
      %mul3A_27 = arith.muli %scan3A_25, %mul3A_26 : i32
      %add3A_28 = arith.addi %mul3A_2, %mul3A_27 : i32
      "tpu.region"() ({
        %run_scoped3A = tpu.sem_alloc : memref<!tpu.dma_semaphore, #tpu.memory_space<semaphore_mem>>
        %dma_start3A = arith.constant 0 : i32
        %dma_start3A_35 = tpu.memref_slice %arg7[%add3A_28, %dma_start3A] : memref<10240x128xf32, #tpu.memory_space<vmem_shared>> -> memref<128x128xf32, #tpu.memory_space<vmem_shared>>
        %dma_start3A_36 = arith.constant 0 : i32
        %dma_start3A_37 = tpu.memref_slice %arg7[%add3A_28, %dma_start3A_36] : memref<10240x128xf32, #tpu.memory_space<vmem_shared>> -> memref<128x128xf32, #tpu.memory_space<vmem_shared>>
        tpu.enqueue_dma source(%dma_start3A_37 : memref<128x128xf32, #tpu.memory_space<vmem_shared>>) target(%arg6 : memref<128x128xf32, #tpu.memory_space<vmem>>) target_semaphore(%run_scoped3A : memref<!tpu.dma_semaphore, #tpu.memory_space<semaphore_mem>>)
        %dma_wait3A = arith.constant 0 : i32
        %dma_wait3A_38 = tpu.memref_slice %arg7[%add3A_28, %dma_wait3A] : memref<10240x128xf32, #tpu.memory_space<vmem_shared>> -> memref<128x128xf32, #tpu.memory_space<vmem_shared>>
        %dma_wait3A_39 = arith.constant 0 : i32
        %dma_wait3A_40 = tpu.memref_slice %arg7[%add3A_28, %dma_wait3A_39] : memref<10240x128xf32, #tpu.memory_space<vmem_shared>> -> memref<128x128xf32, #tpu.memory_space<vmem_shared>>
        tpu.wait_dma2 semaphore(%run_scoped3A : memref<!tpu.dma_semaphore, #tpu.memory_space<semaphore_mem>>) src(%dma_wait3A_40 : memref<128x128xf32, #tpu.memory_space<vmem_shared>>) dst(%arg6 : memref<128x128xf32, #tpu.memory_space<vmem>>)
        tpu.yield
      }) : () -> ()
      %mul3A_29 = arith.constant 10240 : i32
      %mul3A_30 = arith.muli %arg0, %mul3A_29 : i32
      %add3A_31 = arith.addi %mul3A_30, %mul3A_2 : i32
      %mul3A_32 = arith.constant 128 : i32
      %mul3A_33 = arith.muli %scan3A_25, %mul3A_32 : i32
      %add3A_34 = arith.addi %add3A_31, %mul3A_33 : i32
      "tpu.region"() ({
        %run_scoped3A = tpu.sem_alloc : memref<!tpu.dma_semaphore, #tpu.memory_space<semaphore_mem>>
        %dma_start3A = arith.constant 0 : i32
        %dma_start3A_35 = tpu.memref_slice %arg5[%add3A_34, %dma_start3A] : memref<20480x128xf32, #tpu.memory_space<hbm>> -> memref<128x128xf32, #tpu.memory_space<hbm>>
        %dma_start3A_36 = arith.constant 0 : i32
        %dma_start3A_37 = tpu.memref_slice %arg5[%add3A_34, %dma_start3A_36] : memref<20480x128xf32, #tpu.memory_space<hbm>> -> memref<128x128xf32, #tpu.memory_space<hbm>>
        tpu.enqueue_dma source(%arg6 : memref<128x128xf32, #tpu.memory_space<vmem>>) target(%dma_start3A_37 : memref<128x128xf32, #tpu.memory_space<hbm>>) target_semaphore(%run_scoped3A : memref<!tpu.dma_semaphore, #tpu.memory_space<semaphore_mem>>)
        %dma_wait3A = arith.constant 0 : i32
        %dma_wait3A_38 = tpu.memref_slice %arg5[%add3A_34, %dma_wait3A] : memref<20480x128xf32, #tpu.memory_space<hbm>> -> memref<128x128xf32, #tpu.memory_space<hbm>>
        %dma_wait3A_39 = arith.constant 0 : i32
        %dma_wait3A_40 = tpu.memref_slice %arg5[%add3A_34, %dma_wait3A_39] : memref<20480x128xf32, #tpu.memory_space<hbm>> -> memref<128x128xf32, #tpu.memory_space<hbm>>
        tpu.wait_dma2 semaphore(%run_scoped3A : memref<!tpu.dma_semaphore, #tpu.memory_space<semaphore_mem>>) src(%arg6 : memref<128x128xf32, #tpu.memory_space<vmem>>) dst(%dma_wait3A_40 : memref<128x128xf32, #tpu.memory_space<hbm>>)
        tpu.yield
      }) : () -> ()
    }
    %scan3A_24 = arith.constant 5 : i32
    return
  }
}

#map = affine_map<(d0, d1) -> (0, 0)>
#map1 = affine_map<(d0, d1) -> (0)>
module attributes {stable_mosaic.version = 14 : i64} {
  func.func @sc_gather(%arg0: i32, %arg1: i32, %arg2: memref<10240x128xf32, #tpu.memory_space<hbm>>, %arg3: memref<10240x128xf32, #tpu.memory_space<hbm>>, %arg4: memref<10240x128xf32, #tpu.memory_space<hbm>>, %arg5: memref<323584xi32, #tpu.memory_space<hbm>>, %arg6: memref<323584xi32, #tpu.memory_space<hbm>>, %arg7: memref<323584x128xf32, #tpu.memory_space<hbm>>, %arg8: memref<323584x128xf32, #tpu.memory_space<hbm>>, %arg9: memref<323584x128xf32, #tpu.memory_space<hbm>>, %arg10: memref<128xi32, #tpu.memory_space<vmem>>, %arg11: memref<128xi32, #tpu.memory_space<vmem>>, %arg12: memref<128x128xf32, #tpu.memory_space<vmem>>, %arg13: memref<128x128xf32, #tpu.memory_space<vmem>>, %arg14: memref<128x128xf32, #tpu.memory_space<vmem>>, %arg15: memref<!tpu.dma_semaphore, #tpu.memory_space<semaphore_mem>>, %arg16: memref<!tpu.dma_semaphore, #tpu.memory_space<semaphore_mem>>, %arg17: memref<!tpu.dma_semaphore, #tpu.memory_space<semaphore_mem>>, %arg18: memref<!tpu.dma_semaphore, #tpu.memory_space<semaphore_mem>>) attributes {dimension_semantics = [#tpu.dimension_semantics<core_parallel>, #tpu.dimension_semantics<subcore_parallel>], iteration_bounds = array<i64: 2, 16>, scalar_prefetch = 0 : i64, scratch_operands = 9 : i64, tpu.core_type = #tpu.core_type<sc_vector_subcore>, window_params = [{transform_indices = #map}, {transform_indices = #map}, {transform_indices = #map}, {transform_indices = #map1}, {transform_indices = #map1}, {transform_indices = #map}, {transform_indices = #map}, {transform_indices = #map}]} {
    %mul3A = arith.constant 2 : i32
    %mul3A_0 = arith.muli %arg1, %mul3A : i32
    %add3A = arith.addi %mul3A_0, %arg0 : i32
    %scan3A = arith.constant 0 : i32
    %scan3A_1 = arith.constant 0 : i32
    %scan3A_2 = arith.constant 79 : i32
    %scan3A_3 = arith.addi %scan3A_1, %scan3A_2 : i32
    %scan3A_4 = arith.constant 1 : i32
    scf.for %scan3A_6 = %scan3A_1 to %scan3A_3 step %scan3A_4  : i32 {
      %mul3A_7 = arith.constant 10112 : i32
      %mul3A_8 = arith.muli %add3A, %mul3A_7 : i32
      %mul3A_9 = arith.constant 128 : i32
      %mul3A_10 = arith.muli %scan3A_6, %mul3A_9 : i32
      %add3A_11 = arith.addi %mul3A_8, %mul3A_10 : i32
      "tpu.region"() ({
        %run_scoped3A = tpu.sem_alloc : memref<!tpu.dma_semaphore, #tpu.memory_space<semaphore_mem>>
        %dma_start3A_52 = tpu.memref_slice %arg5[%add3A_11] : memref<323584xi32, #tpu.memory_space<hbm>> -> memref<128xi32, #tpu.memory_space<hbm>>
        %dma_start3A_53 = tpu.memref_slice %arg5[%add3A_11] : memref<323584xi32, #tpu.memory_space<hbm>> -> memref<128xi32, #tpu.memory_space<hbm>>
        tpu.enqueue_dma source(%dma_start3A_53 : memref<128xi32, #tpu.memory_space<hbm>>) target(%arg10 : memref<128xi32, #tpu.memory_space<vmem>>) target_semaphore(%run_scoped3A : memref<!tpu.dma_semaphore, #tpu.memory_space<semaphore_mem>>)
        %dma_wait3A_54 = tpu.memref_slice %arg5[%add3A_11] : memref<323584xi32, #tpu.memory_space<hbm>> -> memref<128xi32, #tpu.memory_space<hbm>>
        %dma_wait3A_55 = tpu.memref_slice %arg5[%add3A_11] : memref<323584xi32, #tpu.memory_space<hbm>> -> memref<128xi32, #tpu.memory_space<hbm>>
        tpu.wait_dma2 semaphore(%run_scoped3A : memref<!tpu.dma_semaphore, #tpu.memory_space<semaphore_mem>>) src(%dma_wait3A_55 : memref<128xi32, #tpu.memory_space<hbm>>) dst(%arg10 : memref<128xi32, #tpu.memory_space<vmem>>)
        tpu.yield
      }) : () -> ()
      "tpu.region"() ({
        %run_scoped3A = tpu.sem_alloc : memref<!tpu.dma_semaphore, #tpu.memory_space<semaphore_mem>>
        %dma_start3A_52 = tpu.memref_slice %arg6[%add3A_11] : memref<323584xi32, #tpu.memory_space<hbm>> -> memref<128xi32, #tpu.memory_space<hbm>>
        %dma_start3A_53 = tpu.memref_slice %arg6[%add3A_11] : memref<323584xi32, #tpu.memory_space<hbm>> -> memref<128xi32, #tpu.memory_space<hbm>>
        tpu.enqueue_dma source(%dma_start3A_53 : memref<128xi32, #tpu.memory_space<hbm>>) target(%arg11 : memref<128xi32, #tpu.memory_space<vmem>>) target_semaphore(%run_scoped3A : memref<!tpu.dma_semaphore, #tpu.memory_space<semaphore_mem>>)
        %dma_wait3A_54 = tpu.memref_slice %arg6[%add3A_11] : memref<323584xi32, #tpu.memory_space<hbm>> -> memref<128xi32, #tpu.memory_space<hbm>>
        %dma_wait3A_55 = tpu.memref_slice %arg6[%add3A_11] : memref<323584xi32, #tpu.memory_space<hbm>> -> memref<128xi32, #tpu.memory_space<hbm>>
        tpu.wait_dma2 semaphore(%run_scoped3A : memref<!tpu.dma_semaphore, #tpu.memory_space<semaphore_mem>>) src(%dma_wait3A_55 : memref<128xi32, #tpu.memory_space<hbm>>) dst(%arg11 : memref<128xi32, #tpu.memory_space<vmem>>)
        tpu.yield
      }) : () -> ()
      %dma_start3A = arith.constant 0 : i32
      %dma_start3A_12 = arith.constant 0 : i32
      %dma_start3A_13 = tpu.memref_slice %arg2[%dma_start3A, %dma_start3A_12] : memref<10240x128xf32, #tpu.memory_space<hbm>> -> memref<10240x128xf32, #tpu.memory_space<hbm>>
      tpu.enqueue_indirect_dma source(%dma_start3A_13 : memref<10240x128xf32, #tpu.memory_space<hbm>>) target(%arg12 : memref<128x128xf32, #tpu.memory_space<vmem>>) offsets(%arg10 : memref<128xi32, #tpu.memory_space<vmem>>) semaphore(%arg15 : memref<!tpu.dma_semaphore, #tpu.memory_space<semaphore_mem>>)
      %dma_start3A_14 = arith.constant 0 : i32
      %dma_start3A_15 = arith.constant 0 : i32
      %dma_start3A_16 = tpu.memref_slice %arg3[%dma_start3A_14, %dma_start3A_15] : memref<10240x128xf32, #tpu.memory_space<hbm>> -> memref<10240x128xf32, #tpu.memory_space<hbm>>
      tpu.enqueue_indirect_dma source(%dma_start3A_16 : memref<10240x128xf32, #tpu.memory_space<hbm>>) target(%arg13 : memref<128x128xf32, #tpu.memory_space<vmem>>) offsets(%arg11 : memref<128xi32, #tpu.memory_space<vmem>>) semaphore(%arg16 : memref<!tpu.dma_semaphore, #tpu.memory_space<semaphore_mem>>)
      %dma_start3A_17 = arith.constant 0 : i32
      %dma_start3A_18 = arith.constant 0 : i32
      %dma_start3A_19 = tpu.memref_slice %arg4[%dma_start3A_17, %dma_start3A_18] : memref<10240x128xf32, #tpu.memory_space<hbm>> -> memref<10240x128xf32, #tpu.memory_space<hbm>>
      tpu.enqueue_indirect_dma source(%dma_start3A_19 : memref<10240x128xf32, #tpu.memory_space<hbm>>) target(%arg14 : memref<128x128xf32, #tpu.memory_space<vmem>>) offsets(%arg11 : memref<128xi32, #tpu.memory_space<vmem>>) semaphore(%arg17 : memref<!tpu.dma_semaphore, #tpu.memory_space<semaphore_mem>>)
      %dma_wait3A = arith.constant 0 : i32
      %dma_wait3A_20 = arith.constant 0 : i32
      %dma_wait3A_21 = tpu.memref_slice %arg2[%dma_wait3A, %dma_wait3A_20] : memref<10240x128xf32, #tpu.memory_space<hbm>> -> memref<10240x128xf32, #tpu.memory_space<hbm>>
      tpu.wait_indirect_dma semaphore(%arg15 : memref<!tpu.dma_semaphore, #tpu.memory_space<semaphore_mem>>) src(%dma_wait3A_21 : memref<10240x128xf32, #tpu.memory_space<hbm>>) dst(%arg12 : memref<128x128xf32, #tpu.memory_space<vmem>>)
      %dma_start3A_22 = arith.constant 0 : i32
      %dma_start3A_23 = tpu.memref_slice %arg7[%add3A_11, %dma_start3A_22] : memref<323584x128xf32, #tpu.memory_space<hbm>> -> memref<128x128xf32, #tpu.memory_space<hbm>>
      %dma_start3A_24 = arith.constant 0 : i32
      %dma_start3A_25 = tpu.memref_slice %arg7[%add3A_11, %dma_start3A_24] : memref<323584x128xf32, #tpu.memory_space<hbm>> -> memref<128x128xf32, #tpu.memory_space<hbm>>
      tpu.enqueue_dma source(%arg12 : memref<128x128xf32, #tpu.memory_space<vmem>>) target(%dma_start3A_25 : memref<128x128xf32, #tpu.memory_space<hbm>>) target_semaphore(%arg18 : memref<!tpu.dma_semaphore, #tpu.memory_space<semaphore_mem>>)
      %dma_wait3A_26 = arith.constant 0 : i32
      %dma_wait3A_27 = arith.constant 0 : i32
      %dma_wait3A_28 = tpu.memref_slice %arg3[%dma_wait3A_26, %dma_wait3A_27] : memref<10240x128xf32, #tpu.memory_space<hbm>> -> memref<10240x128xf32, #tpu.memory_space<hbm>>
      tpu.wait_indirect_dma semaphore(%arg16 : memref<!tpu.dma_semaphore, #tpu.memory_space<semaphore_mem>>) src(%dma_wait3A_28 : memref<10240x128xf32, #tpu.memory_space<hbm>>) dst(%arg13 : memref<128x128xf32, #tpu.memory_space<vmem>>)
      %dma_start3A_29 = arith.constant 0 : i32
      %dma_start3A_30 = tpu.memref_slice %arg8[%add3A_11, %dma_start3A_29] : memref<323584x128xf32, #tpu.memory_space<hbm>> -> memref<128x128xf32, #tpu.memory_space<hbm>>
      %dma_start3A_31 = arith.constant 0 : i32
      %dma_start3A_32 = tpu.memref_slice %arg8[%add3A_11, %dma_start3A_31] : memref<323584x128xf32, #tpu.memory_space<hbm>> -> memref<128x128xf32, #tpu.memory_space<hbm>>
      tpu.enqueue_dma source(%arg13 : memref<128x128xf32, #tpu.memory_space<vmem>>) target(%dma_start3A_32 : memref<128x128xf32, #tpu.memory_space<hbm>>) target_semaphore(%arg18 : memref<!tpu.dma_semaphore, #tpu.memory_space<semaphore_mem>>)
      %dma_wait3A_33 = arith.constant 0 : i32
      %dma_wait3A_34 = arith.constant 0 : i32
      %dma_wait3A_35 = tpu.memref_slice %arg4[%dma_wait3A_33, %dma_wait3A_34] : memref<10240x128xf32, #tpu.memory_space<hbm>> -> memref<10240x128xf32, #tpu.memory_space<hbm>>
      tpu.wait_indirect_dma semaphore(%arg17 : memref<!tpu.dma_semaphore, #tpu.memory_space<semaphore_mem>>) src(%dma_wait3A_35 : memref<10240x128xf32, #tpu.memory_space<hbm>>) dst(%arg14 : memref<128x128xf32, #tpu.memory_space<vmem>>)
      %dma_start3A_36 = arith.constant 0 : i32
      %dma_start3A_37 = tpu.memref_slice %arg9[%add3A_11, %dma_start3A_36] : memref<323584x128xf32, #tpu.memory_space<hbm>> -> memref<128x128xf32, #tpu.memory_space<hbm>>
      %dma_start3A_38 = arith.constant 0 : i32
      %dma_start3A_39 = tpu.memref_slice %arg9[%add3A_11, %dma_start3A_38] : memref<323584x128xf32, #tpu.memory_space<hbm>> -> memref<128x128xf32, #tpu.memory_space<hbm>>
      tpu.enqueue_dma source(%arg14 : memref<128x128xf32, #tpu.memory_space<vmem>>) target(%dma_start3A_39 : memref<128x128xf32, #tpu.memory_space<hbm>>) target_semaphore(%arg18 : memref<!tpu.dma_semaphore, #tpu.memory_space<semaphore_mem>>)
      %dma_wait3A_40 = arith.constant 0 : i32
      %dma_wait3A_41 = tpu.memref_slice %arg7[%add3A_11, %dma_wait3A_40] : memref<323584x128xf32, #tpu.memory_space<hbm>> -> memref<128x128xf32, #tpu.memory_space<hbm>>
      %dma_wait3A_42 = arith.constant 0 : i32
      %dma_wait3A_43 = tpu.memref_slice %arg7[%add3A_11, %dma_wait3A_42] : memref<323584x128xf32, #tpu.memory_space<hbm>> -> memref<128x128xf32, #tpu.memory_space<hbm>>
      tpu.wait_dma2 semaphore(%arg18 : memref<!tpu.dma_semaphore, #tpu.memory_space<semaphore_mem>>) src(%arg12 : memref<128x128xf32, #tpu.memory_space<vmem>>) dst(%dma_wait3A_43 : memref<128x128xf32, #tpu.memory_space<hbm>>)
      %dma_wait3A_44 = arith.constant 0 : i32
      %dma_wait3A_45 = tpu.memref_slice %arg8[%add3A_11, %dma_wait3A_44] : memref<323584x128xf32, #tpu.memory_space<hbm>> -> memref<128x128xf32, #tpu.memory_space<hbm>>
      %dma_wait3A_46 = arith.constant 0 : i32
      %dma_wait3A_47 = tpu.memref_slice %arg8[%add3A_11, %dma_wait3A_46] : memref<323584x128xf32, #tpu.memory_space<hbm>> -> memref<128x128xf32, #tpu.memory_space<hbm>>
      tpu.wait_dma2 semaphore(%arg18 : memref<!tpu.dma_semaphore, #tpu.memory_space<semaphore_mem>>) src(%arg13 : memref<128x128xf32, #tpu.memory_space<vmem>>) dst(%dma_wait3A_47 : memref<128x128xf32, #tpu.memory_space<hbm>>)
      %dma_wait3A_48 = arith.constant 0 : i32
      %dma_wait3A_49 = tpu.memref_slice %arg9[%add3A_11, %dma_wait3A_48] : memref<323584x128xf32, #tpu.memory_space<hbm>> -> memref<128x128xf32, #tpu.memory_space<hbm>>
      %dma_wait3A_50 = arith.constant 0 : i32
      %dma_wait3A_51 = tpu.memref_slice %arg9[%add3A_11, %dma_wait3A_50] : memref<323584x128xf32, #tpu.memory_space<hbm>> -> memref<128x128xf32, #tpu.memory_space<hbm>>
      tpu.wait_dma2 semaphore(%arg18 : memref<!tpu.dma_semaphore, #tpu.memory_space<semaphore_mem>>) src(%arg14 : memref<128x128xf32, #tpu.memory_space<vmem>>) dst(%dma_wait3A_51 : memref<128x128xf32, #tpu.memory_space<hbm>>)
    }
    %scan3A_5 = arith.constant 79 : i32
    return
  }
}

#map = affine_map<(d0, d1) -> (0, 0)>
#map1 = affine_map<(d0, d1) -> (0)>
module attributes {stable_mosaic.version = 14 : i64} {
  func.func @sc_scatter(%arg0: i32, %arg1: i32, %arg2: memref<323584x128xf32, #tpu.memory_space<hbm>>, %arg3: memref<323584xi32, #tpu.memory_space<hbm>>, %arg4: memref<128x128xf32, #tpu.memory_space<hbm>>, %arg5: memref<20480x128xf32, #tpu.memory_space<hbm>>, %arg6: memref<128x128xf32, #tpu.memory_space<vmem>>, %arg7: memref<10240x128xf32, #tpu.memory_space<vmem_shared>>, %arg8: memref<128xi32, #tpu.memory_space<vmem>>, %arg9: memref<128x128xf32, #tpu.memory_space<vmem>>, %arg10: memref<128xi32, #tpu.memory_space<vmem>>, %arg11: memref<!tpu.dma_semaphore, #tpu.memory_space<semaphore_mem>>, %arg12: memref<!tpu.dma_semaphore, #tpu.memory_space<semaphore_mem>>) attributes {dimension_semantics = [#tpu.dimension_semantics<core_parallel>, #tpu.dimension_semantics<subcore_parallel>], iteration_bounds = array<i64: 2, 16>, scalar_prefetch = 0 : i64, scratch_operands = 7 : i64, tpu.core_type = #tpu.core_type<sc_vector_subcore>, window_params = [{transform_indices = #map}, {transform_indices = #map1}, {transform_indices = #map}, {transform_indices = #map}]} {
    %mul3A = arith.constant 2 : i32
    %mul3A_0 = arith.muli %arg1, %mul3A : i32
    %add3A = arith.addi %mul3A_0, %arg0 : i32
    %mul3A_1 = arith.constant 640 : i32
    %mul3A_2 = arith.muli %arg1, %mul3A_1 : i32
    "tpu.region"() ({
      %run_scoped3A = tpu.sem_alloc : memref<!tpu.dma_semaphore, #tpu.memory_space<semaphore_mem>>
      %dma_start3A = arith.constant 0 : i32
      %dma_start3A_25 = arith.constant 0 : i32
      %dma_start3A_26 = tpu.memref_slice %arg4[%dma_start3A, %dma_start3A_25] : memref<128x128xf32, #tpu.memory_space<hbm>> -> memref<128x128xf32, #tpu.memory_space<hbm>>
      %dma_start3A_27 = arith.constant 0 : i32
      %dma_start3A_28 = arith.constant 0 : i32
      %dma_start3A_29 = tpu.memref_slice %arg4[%dma_start3A_27, %dma_start3A_28] : memref<128x128xf32, #tpu.memory_space<hbm>> -> memref<128x128xf32, #tpu.memory_space<hbm>>
      tpu.enqueue_dma source(%dma_start3A_29 : memref<128x128xf32, #tpu.memory_space<hbm>>) target(%arg6 : memref<128x128xf32, #tpu.memory_space<vmem>>) target_semaphore(%run_scoped3A : memref<!tpu.dma_semaphore, #tpu.memory_space<semaphore_mem>>)
      %dma_wait3A = arith.constant 0 : i32
      %dma_wait3A_30 = arith.constant 0 : i32
      %dma_wait3A_31 = tpu.memref_slice %arg4[%dma_wait3A, %dma_wait3A_30] : memref<128x128xf32, #tpu.memory_space<hbm>> -> memref<128x128xf32, #tpu.memory_space<hbm>>
      %dma_wait3A_32 = arith.constant 0 : i32
      %dma_wait3A_33 = arith.constant 0 : i32
      %dma_wait3A_34 = tpu.memref_slice %arg4[%dma_wait3A_32, %dma_wait3A_33] : memref<128x128xf32, #tpu.memory_space<hbm>> -> memref<128x128xf32, #tpu.memory_space<hbm>>
      tpu.wait_dma2 semaphore(%run_scoped3A : memref<!tpu.dma_semaphore, #tpu.memory_space<semaphore_mem>>) src(%dma_wait3A_34 : memref<128x128xf32, #tpu.memory_space<hbm>>) dst(%arg6 : memref<128x128xf32, #tpu.memory_space<vmem>>)
      tpu.yield
    }) : () -> ()
    %scan3A = arith.constant 0 : i32
    %scan3A_3 = arith.constant 0 : i32
    %scan3A_4 = arith.constant 5 : i32
    %scan3A_5 = arith.addi %scan3A_3, %scan3A_4 : i32
    %scan3A_6 = arith.constant 1 : i32
    scf.for %scan3A_25 = %scan3A_3 to %scan3A_5 step %scan3A_6  : i32 {
      %mul3A_26 = arith.constant 128 : i32
      %mul3A_27 = arith.muli %scan3A_25, %mul3A_26 : i32
      %add3A_28 = arith.addi %mul3A_2, %mul3A_27 : i32
      "tpu.region"() ({
        %run_scoped3A = tpu.sem_alloc : memref<!tpu.dma_semaphore, #tpu.memory_space<semaphore_mem>>
        %dma_start3A = arith.constant 0 : i32
        %dma_start3A_29 = tpu.memref_slice %arg7[%add3A_28, %dma_start3A] : memref<10240x128xf32, #tpu.memory_space<vmem_shared>> -> memref<128x128xf32, #tpu.memory_space<vmem_shared>>
        %dma_start3A_30 = arith.constant 0 : i32
        %dma_start3A_31 = tpu.memref_slice %arg7[%add3A_28, %dma_start3A_30] : memref<10240x128xf32, #tpu.memory_space<vmem_shared>> -> memref<128x128xf32, #tpu.memory_space<vmem_shared>>
        tpu.enqueue_dma source(%arg6 : memref<128x128xf32, #tpu.memory_space<vmem>>) target(%dma_start3A_31 : memref<128x128xf32, #tpu.memory_space<vmem_shared>>) target_semaphore(%run_scoped3A : memref<!tpu.dma_semaphore, #tpu.memory_space<semaphore_mem>>)
        %dma_wait3A = arith.constant 0 : i32
        %dma_wait3A_32 = tpu.memref_slice %arg7[%add3A_28, %dma_wait3A] : memref<10240x128xf32, #tpu.memory_space<vmem_shared>> -> memref<128x128xf32, #tpu.memory_space<vmem_shared>>
        %dma_wait3A_33 = arith.constant 0 : i32
        %dma_wait3A_34 = tpu.memref_slice %arg7[%add3A_28, %dma_wait3A_33] : memref<10240x128xf32, #tpu.memory_space<vmem_shared>> -> memref<128x128xf32, #tpu.memory_space<vmem_shared>>
        tpu.wait_dma2 semaphore(%run_scoped3A : memref<!tpu.dma_semaphore, #tpu.memory_space<semaphore_mem>>) src(%arg6 : memref<128x128xf32, #tpu.memory_space<vmem>>) dst(%dma_wait3A_34 : memref<128x128xf32, #tpu.memory_space<vmem_shared>>)
        tpu.yield
      }) : () -> ()
    }
    %scan3A_7 = arith.constant 5 : i32
    %barrier3A = arith.constant 0 : index
    tpu.barrier barrier_id(%barrier3A)
    %scan3A_8 = arith.constant 0 : i32
    %scan3A_9 = arith.constant 0 : i32
    %scan3A_10 = arith.constant 39 : i32
    %scan3A_11 = arith.addi %scan3A_9, %scan3A_10 : i32
    %scan3A_12 = arith.constant 1 : i32
    scf.for %scan3A_25 = %scan3A_9 to %scan3A_11 step %scan3A_12  : i32 {
      %mul3A_26 = arith.constant 10112 : i32
      %mul3A_27 = arith.muli %add3A, %mul3A_26 : i32
      %mul3A_28 = arith.constant 2 : i32
      %mul3A_29 = arith.muli %mul3A_28, %scan3A_25 : i32
      %mul3A_30 = arith.constant 128 : i32
      %mul3A_31 = arith.muli %mul3A_29, %mul3A_30 : i32
      %add3A_32 = arith.addi %mul3A_27, %mul3A_31 : i32
      %add3A_33 = arith.constant 128 : i32
      %add3A_34 = arith.addi %add3A_32, %add3A_33 : i32
      "tpu.region"() ({
        %run_scoped3A = tpu.sem_alloc : memref<!tpu.dma_semaphore, #tpu.memory_space<semaphore_mem>>
        %dma_start3A_49 = tpu.memref_slice %arg3[%add3A_32] : memref<323584xi32, #tpu.memory_space<hbm>> -> memref<128xi32, #tpu.memory_space<hbm>>
        %dma_start3A_50 = tpu.memref_slice %arg3[%add3A_32] : memref<323584xi32, #tpu.memory_space<hbm>> -> memref<128xi32, #tpu.memory_space<hbm>>
        tpu.enqueue_dma source(%dma_start3A_50 : memref<128xi32, #tpu.memory_space<hbm>>) target(%arg8 : memref<128xi32, #tpu.memory_space<vmem>>) target_semaphore(%run_scoped3A : memref<!tpu.dma_semaphore, #tpu.memory_space<semaphore_mem>>)
        %dma_wait3A_51 = tpu.memref_slice %arg3[%add3A_32] : memref<323584xi32, #tpu.memory_space<hbm>> -> memref<128xi32, #tpu.memory_space<hbm>>
        %dma_wait3A_52 = tpu.memref_slice %arg3[%add3A_32] : memref<323584xi32, #tpu.memory_space<hbm>> -> memref<128xi32, #tpu.memory_space<hbm>>
        tpu.wait_dma2 semaphore(%run_scoped3A : memref<!tpu.dma_semaphore, #tpu.memory_space<semaphore_mem>>) src(%dma_wait3A_52 : memref<128xi32, #tpu.memory_space<hbm>>) dst(%arg8 : memref<128xi32, #tpu.memory_space<vmem>>)
        tpu.yield
      }) : () -> ()
      "tpu.region"() ({
        %run_scoped3A = tpu.sem_alloc : memref<!tpu.dma_semaphore, #tpu.memory_space<semaphore_mem>>
        %dma_start3A_49 = tpu.memref_slice %arg3[%add3A_34] : memref<323584xi32, #tpu.memory_space<hbm>> -> memref<128xi32, #tpu.memory_space<hbm>>
        %dma_start3A_50 = tpu.memref_slice %arg3[%add3A_34] : memref<323584xi32, #tpu.memory_space<hbm>> -> memref<128xi32, #tpu.memory_space<hbm>>
        tpu.enqueue_dma source(%dma_start3A_50 : memref<128xi32, #tpu.memory_space<hbm>>) target(%arg10 : memref<128xi32, #tpu.memory_space<vmem>>) target_semaphore(%run_scoped3A : memref<!tpu.dma_semaphore, #tpu.memory_space<semaphore_mem>>)
        %dma_wait3A_51 = tpu.memref_slice %arg3[%add3A_34] : memref<323584xi32, #tpu.memory_space<hbm>> -> memref<128xi32, #tpu.memory_space<hbm>>
        %dma_wait3A_52 = tpu.memref_slice %arg3[%add3A_34] : memref<323584xi32, #tpu.memory_space<hbm>> -> memref<128xi32, #tpu.memory_space<hbm>>
        tpu.wait_dma2 semaphore(%run_scoped3A : memref<!tpu.dma_semaphore, #tpu.memory_space<semaphore_mem>>) src(%dma_wait3A_52 : memref<128xi32, #tpu.memory_space<hbm>>) dst(%arg10 : memref<128xi32, #tpu.memory_space<vmem>>)
        tpu.yield
      }) : () -> ()
      %dma_start3A = arith.constant 0 : i32
      %dma_start3A_35 = tpu.memref_slice %arg2[%add3A_32, %dma_start3A] : memref<323584x128xf32, #tpu.memory_space<hbm>> -> memref<128x128xf32, #tpu.memory_space<hbm>>
      %dma_start3A_36 = arith.constant 0 : i32
      %dma_start3A_37 = tpu.memref_slice %arg2[%add3A_32, %dma_start3A_36] : memref<323584x128xf32, #tpu.memory_space<hbm>> -> memref<128x128xf32, #tpu.memory_space<hbm>>
      tpu.enqueue_dma source(%dma_start3A_37 : memref<128x128xf32, #tpu.memory_space<hbm>>) target(%arg6 : memref<128x128xf32, #tpu.memory_space<vmem>>) target_semaphore(%arg11 : memref<!tpu.dma_semaphore, #tpu.memory_space<semaphore_mem>>)
      %dma_start3A_38 = arith.constant 0 : i32
      %dma_start3A_39 = tpu.memref_slice %arg2[%add3A_34, %dma_start3A_38] : memref<323584x128xf32, #tpu.memory_space<hbm>> -> memref<128x128xf32, #tpu.memory_space<hbm>>
      %dma_start3A_40 = arith.constant 0 : i32
      %dma_start3A_41 = tpu.memref_slice %arg2[%add3A_34, %dma_start3A_40] : memref<323584x128xf32, #tpu.memory_space<hbm>> -> memref<128x128xf32, #tpu.memory_space<hbm>>
      tpu.enqueue_dma source(%dma_start3A_41 : memref<128x128xf32, #tpu.memory_space<hbm>>) target(%arg9 : memref<128x128xf32, #tpu.memory_space<vmem>>) target_semaphore(%arg12 : memref<!tpu.dma_semaphore, #tpu.memory_space<semaphore_mem>>)
      %dma_wait3A = arith.constant 0 : i32
      %dma_wait3A_42 = tpu.memref_slice %arg2[%add3A_32, %dma_wait3A] : memref<323584x128xf32, #tpu.memory_space<hbm>> -> memref<128x128xf32, #tpu.memory_space<hbm>>
      %dma_wait3A_43 = arith.constant 0 : i32
      %dma_wait3A_44 = tpu.memref_slice %arg2[%add3A_32, %dma_wait3A_43] : memref<323584x128xf32, #tpu.memory_space<hbm>> -> memref<128x128xf32, #tpu.memory_space<hbm>>
      tpu.wait_dma2 semaphore(%arg11 : memref<!tpu.dma_semaphore, #tpu.memory_space<semaphore_mem>>) src(%dma_wait3A_44 : memref<128x128xf32, #tpu.memory_space<hbm>>) dst(%arg6 : memref<128x128xf32, #tpu.memory_space<vmem>>)
      "tpu.region"() ({
        %run_scoped3A = tpu.sem_alloc : memref<!tpu.dma_semaphore, #tpu.memory_space<semaphore_mem>>
        %dma_start3A_49 = arith.constant 0 : i32
        %dma_start3A_50 = arith.constant 0 : i32
        %dma_start3A_51 = tpu.memref_slice %arg7[%dma_start3A_49, %dma_start3A_50] : memref<10240x128xf32, #tpu.memory_space<vmem_shared>> -> memref<10240x128xf32, #tpu.memory_space<vmem_shared>>
        tpu.enqueue_indirect_dma source(%arg6 : memref<128x128xf32, #tpu.memory_space<vmem>>) target(%dma_start3A_51 : memref<10240x128xf32, #tpu.memory_space<vmem_shared>>) offsets(%arg8 : memref<128xi32, #tpu.memory_space<vmem>>) semaphore(%run_scoped3A : memref<!tpu.dma_semaphore, #tpu.memory_space<semaphore_mem>>) {add = true}
        %dma_wait3A_52 = arith.constant 0 : i32
        %dma_wait3A_53 = arith.constant 0 : i32
        %dma_wait3A_54 = tpu.memref_slice %arg7[%dma_wait3A_52, %dma_wait3A_53] : memref<10240x128xf32, #tpu.memory_space<vmem_shared>> -> memref<10240x128xf32, #tpu.memory_space<vmem_shared>>
        tpu.wait_indirect_dma semaphore(%run_scoped3A : memref<!tpu.dma_semaphore, #tpu.memory_space<semaphore_mem>>) src(%arg6 : memref<128x128xf32, #tpu.memory_space<vmem>>) dst(%dma_wait3A_54 : memref<10240x128xf32, #tpu.memory_space<vmem_shared>>)
        tpu.yield
      }) : () -> ()
      %dma_wait3A_45 = arith.constant 0 : i32
      %dma_wait3A_46 = tpu.memref_slice %arg2[%add3A_34, %dma_wait3A_45] : memref<323584x128xf32, #tpu.memory_space<hbm>> -> memref<128x128xf32, #tpu.memory_space<hbm>>
      %dma_wait3A_47 = arith.constant 0 : i32
      %dma_wait3A_48 = tpu.memref_slice %arg2[%add3A_34, %dma_wait3A_47] : memref<323584x128xf32, #tpu.memory_space<hbm>> -> memref<128x128xf32, #tpu.memory_space<hbm>>
      tpu.wait_dma2 semaphore(%arg12 : memref<!tpu.dma_semaphore, #tpu.memory_space<semaphore_mem>>) src(%dma_wait3A_48 : memref<128x128xf32, #tpu.memory_space<hbm>>) dst(%arg9 : memref<128x128xf32, #tpu.memory_space<vmem>>)
      "tpu.region"() ({
        %run_scoped3A = tpu.sem_alloc : memref<!tpu.dma_semaphore, #tpu.memory_space<semaphore_mem>>
        %dma_start3A_49 = arith.constant 0 : i32
        %dma_start3A_50 = arith.constant 0 : i32
        %dma_start3A_51 = tpu.memref_slice %arg7[%dma_start3A_49, %dma_start3A_50] : memref<10240x128xf32, #tpu.memory_space<vmem_shared>> -> memref<10240x128xf32, #tpu.memory_space<vmem_shared>>
        tpu.enqueue_indirect_dma source(%arg9 : memref<128x128xf32, #tpu.memory_space<vmem>>) target(%dma_start3A_51 : memref<10240x128xf32, #tpu.memory_space<vmem_shared>>) offsets(%arg10 : memref<128xi32, #tpu.memory_space<vmem>>) semaphore(%run_scoped3A : memref<!tpu.dma_semaphore, #tpu.memory_space<semaphore_mem>>) {add = true}
        %dma_wait3A_52 = arith.constant 0 : i32
        %dma_wait3A_53 = arith.constant 0 : i32
        %dma_wait3A_54 = tpu.memref_slice %arg7[%dma_wait3A_52, %dma_wait3A_53] : memref<10240x128xf32, #tpu.memory_space<vmem_shared>> -> memref<10240x128xf32, #tpu.memory_space<vmem_shared>>
        tpu.wait_indirect_dma semaphore(%run_scoped3A : memref<!tpu.dma_semaphore, #tpu.memory_space<semaphore_mem>>) src(%arg9 : memref<128x128xf32, #tpu.memory_space<vmem>>) dst(%dma_wait3A_54 : memref<10240x128xf32, #tpu.memory_space<vmem_shared>>)
        tpu.yield
      }) : () -> ()
    }
    %scan3A_13 = arith.constant 39 : i32
    %mul3A_14 = arith.constant 10112 : i32
    %mul3A_15 = arith.muli %add3A, %mul3A_14 : i32
    %add3A_16 = arith.constant 9984 : i32
    %add3A_17 = arith.addi %mul3A_15, %add3A_16 : i32
    "tpu.region"() ({
      %run_scoped3A = tpu.sem_alloc : memref<!tpu.dma_semaphore, #tpu.memory_space<semaphore_mem>>
      %dma_start3A = tpu.memref_slice %arg3[%add3A_17] : memref<323584xi32, #tpu.memory_space<hbm>> -> memref<128xi32, #tpu.memory_space<hbm>>
      %dma_start3A_25 = tpu.memref_slice %arg3[%add3A_17] : memref<323584xi32, #tpu.memory_space<hbm>> -> memref<128xi32, #tpu.memory_space<hbm>>
      tpu.enqueue_dma source(%dma_start3A_25 : memref<128xi32, #tpu.memory_space<hbm>>) target(%arg8 : memref<128xi32, #tpu.memory_space<vmem>>) target_semaphore(%run_scoped3A : memref<!tpu.dma_semaphore, #tpu.memory_space<semaphore_mem>>)
      %dma_wait3A = tpu.memref_slice %arg3[%add3A_17] : memref<323584xi32, #tpu.memory_space<hbm>> -> memref<128xi32, #tpu.memory_space<hbm>>
      %dma_wait3A_26 = tpu.memref_slice %arg3[%add3A_17] : memref<323584xi32, #tpu.memory_space<hbm>> -> memref<128xi32, #tpu.memory_space<hbm>>
      tpu.wait_dma2 semaphore(%run_scoped3A : memref<!tpu.dma_semaphore, #tpu.memory_space<semaphore_mem>>) src(%dma_wait3A_26 : memref<128xi32, #tpu.memory_space<hbm>>) dst(%arg8 : memref<128xi32, #tpu.memory_space<vmem>>)
      tpu.yield
    }) : () -> ()
    "tpu.region"() ({
      %run_scoped3A = tpu.sem_alloc : memref<!tpu.dma_semaphore, #tpu.memory_space<semaphore_mem>>
      %dma_start3A = arith.constant 0 : i32
      %dma_start3A_25 = tpu.memref_slice %arg2[%add3A_17, %dma_start3A] : memref<323584x128xf32, #tpu.memory_space<hbm>> -> memref<128x128xf32, #tpu.memory_space<hbm>>
      %dma_start3A_26 = arith.constant 0 : i32
      %dma_start3A_27 = tpu.memref_slice %arg2[%add3A_17, %dma_start3A_26] : memref<323584x128xf32, #tpu.memory_space<hbm>> -> memref<128x128xf32, #tpu.memory_space<hbm>>
      tpu.enqueue_dma source(%dma_start3A_27 : memref<128x128xf32, #tpu.memory_space<hbm>>) target(%arg6 : memref<128x128xf32, #tpu.memory_space<vmem>>) target_semaphore(%run_scoped3A : memref<!tpu.dma_semaphore, #tpu.memory_space<semaphore_mem>>)
      %dma_wait3A = arith.constant 0 : i32
      %dma_wait3A_28 = tpu.memref_slice %arg2[%add3A_17, %dma_wait3A] : memref<323584x128xf32, #tpu.memory_space<hbm>> -> memref<128x128xf32, #tpu.memory_space<hbm>>
      %dma_wait3A_29 = arith.constant 0 : i32
      %dma_wait3A_30 = tpu.memref_slice %arg2[%add3A_17, %dma_wait3A_29] : memref<323584x128xf32, #tpu.memory_space<hbm>> -> memref<128x128xf32, #tpu.memory_space<hbm>>
      tpu.wait_dma2 semaphore(%run_scoped3A : memref<!tpu.dma_semaphore, #tpu.memory_space<semaphore_mem>>) src(%dma_wait3A_30 : memref<128x128xf32, #tpu.memory_space<hbm>>) dst(%arg6 : memref<128x128xf32, #tpu.memory_space<vmem>>)
      tpu.yield
    }) : () -> ()
    "tpu.region"() ({
      %run_scoped3A = tpu.sem_alloc : memref<!tpu.dma_semaphore, #tpu.memory_space<semaphore_mem>>
      %dma_start3A = arith.constant 0 : i32
      %dma_start3A_25 = arith.constant 0 : i32
      %dma_start3A_26 = tpu.memref_slice %arg7[%dma_start3A, %dma_start3A_25] : memref<10240x128xf32, #tpu.memory_space<vmem_shared>> -> memref<10240x128xf32, #tpu.memory_space<vmem_shared>>
      tpu.enqueue_indirect_dma source(%arg6 : memref<128x128xf32, #tpu.memory_space<vmem>>) target(%dma_start3A_26 : memref<10240x128xf32, #tpu.memory_space<vmem_shared>>) offsets(%arg8 : memref<128xi32, #tpu.memory_space<vmem>>) semaphore(%run_scoped3A : memref<!tpu.dma_semaphore, #tpu.memory_space<semaphore_mem>>) {add = true}
      %dma_wait3A = arith.constant 0 : i32
      %dma_wait3A_27 = arith.constant 0 : i32
      %dma_wait3A_28 = tpu.memref_slice %arg7[%dma_wait3A, %dma_wait3A_27] : memref<10240x128xf32, #tpu.memory_space<vmem_shared>> -> memref<10240x128xf32, #tpu.memory_space<vmem_shared>>
      tpu.wait_indirect_dma semaphore(%run_scoped3A : memref<!tpu.dma_semaphore, #tpu.memory_space<semaphore_mem>>) src(%arg6 : memref<128x128xf32, #tpu.memory_space<vmem>>) dst(%dma_wait3A_28 : memref<10240x128xf32, #tpu.memory_space<vmem_shared>>)
      tpu.yield
    }) : () -> ()
    %barrier3A_18 = arith.constant 0 : index
    tpu.barrier barrier_id(%barrier3A_18)
    %scan3A_19 = arith.constant 0 : i32
    %scan3A_20 = arith.constant 0 : i32
    %scan3A_21 = arith.constant 5 : i32
    %scan3A_22 = arith.addi %scan3A_20, %scan3A_21 : i32
    %scan3A_23 = arith.constant 1 : i32
    scf.for %scan3A_25 = %scan3A_20 to %scan3A_22 step %scan3A_23  : i32 {
      %mul3A_26 = arith.constant 128 : i32
      %mul3A_27 = arith.muli %scan3A_25, %mul3A_26 : i32
      %add3A_28 = arith.addi %mul3A_2, %mul3A_27 : i32
      "tpu.region"() ({
        %run_scoped3A = tpu.sem_alloc : memref<!tpu.dma_semaphore, #tpu.memory_space<semaphore_mem>>
        %dma_start3A = arith.constant 0 : i32
        %dma_start3A_35 = tpu.memref_slice %arg7[%add3A_28, %dma_start3A] : memref<10240x128xf32, #tpu.memory_space<vmem_shared>> -> memref<128x128xf32, #tpu.memory_space<vmem_shared>>
        %dma_start3A_36 = arith.constant 0 : i32
        %dma_start3A_37 = tpu.memref_slice %arg7[%add3A_28, %dma_start3A_36] : memref<10240x128xf32, #tpu.memory_space<vmem_shared>> -> memref<128x128xf32, #tpu.memory_space<vmem_shared>>
        tpu.enqueue_dma source(%dma_start3A_37 : memref<128x128xf32, #tpu.memory_space<vmem_shared>>) target(%arg6 : memref<128x128xf32, #tpu.memory_space<vmem>>) target_semaphore(%run_scoped3A : memref<!tpu.dma_semaphore, #tpu.memory_space<semaphore_mem>>)
        %dma_wait3A = arith.constant 0 : i32
        %dma_wait3A_38 = tpu.memref_slice %arg7[%add3A_28, %dma_wait3A] : memref<10240x128xf32, #tpu.memory_space<vmem_shared>> -> memref<128x128xf32, #tpu.memory_space<vmem_shared>>
        %dma_wait3A_39 = arith.constant 0 : i32
        %dma_wait3A_40 = tpu.memref_slice %arg7[%add3A_28, %dma_wait3A_39] : memref<10240x128xf32, #tpu.memory_space<vmem_shared>> -> memref<128x128xf32, #tpu.memory_space<vmem_shared>>
        tpu.wait_dma2 semaphore(%run_scoped3A : memref<!tpu.dma_semaphore, #tpu.memory_space<semaphore_mem>>) src(%dma_wait3A_40 : memref<128x128xf32, #tpu.memory_space<vmem_shared>>) dst(%arg6 : memref<128x128xf32, #tpu.memory_space<vmem>>)
        tpu.yield
      }) : () -> ()
      %mul3A_29 = arith.constant 10240 : i32
      %mul3A_30 = arith.muli %arg0, %mul3A_29 : i32
      %add3A_31 = arith.addi %mul3A_30, %mul3A_2 : i32
      %mul3A_32 = arith.constant 128 : i32
      %mul3A_33 = arith.muli %scan3A_25, %mul3A_32 : i32
      %add3A_34 = arith.addi %add3A_31, %mul3A_33 : i32
      "tpu.region"() ({
        %run_scoped3A = tpu.sem_alloc : memref<!tpu.dma_semaphore, #tpu.memory_space<semaphore_mem>>
        %dma_start3A = arith.constant 0 : i32
        %dma_start3A_35 = tpu.memref_slice %arg5[%add3A_34, %dma_start3A] : memref<20480x128xf32, #tpu.memory_space<hbm>> -> memref<128x128xf32, #tpu.memory_space<hbm>>
        %dma_start3A_36 = arith.constant 0 : i32
        %dma_start3A_37 = tpu.memref_slice %arg5[%add3A_34, %dma_start3A_36] : memref<20480x128xf32, #tpu.memory_space<hbm>> -> memref<128x128xf32, #tpu.memory_space<hbm>>
        tpu.enqueue_dma source(%arg6 : memref<128x128xf32, #tpu.memory_space<vmem>>) target(%dma_start3A_37 : memref<128x128xf32, #tpu.memory_space<hbm>>) target_semaphore(%run_scoped3A : memref<!tpu.dma_semaphore, #tpu.memory_space<semaphore_mem>>)
        %dma_wait3A = arith.constant 0 : i32
        %dma_wait3A_38 = tpu.memref_slice %arg5[%add3A_34, %dma_wait3A] : memref<20480x128xf32, #tpu.memory_space<hbm>> -> memref<128x128xf32, #tpu.memory_space<hbm>>
        %dma_wait3A_39 = arith.constant 0 : i32
        %dma_wait3A_40 = tpu.memref_slice %arg5[%add3A_34, %dma_wait3A_39] : memref<20480x128xf32, #tpu.memory_space<hbm>> -> memref<128x128xf32, #tpu.memory_space<hbm>>
        tpu.wait_dma2 semaphore(%run_scoped3A : memref<!tpu.dma_semaphore, #tpu.memory_space<semaphore_mem>>) src(%arg6 : memref<128x128xf32, #tpu.memory_space<vmem>>) dst(%dma_wait3A_40 : memref<128x128xf32, #tpu.memory_space<hbm>>)
        tpu.yield
      }) : () -> ()
    }
    %scan3A_24 = arith.constant 5 : i32
    return
  }
}

#map = affine_map<(d0, d1) -> (0, 0)>
#map1 = affine_map<(d0, d1) -> (0)>
module attributes {stable_mosaic.version = 14 : i64} {
  func.func @sc_scatter(%arg0: i32, %arg1: i32, %arg2: memref<323584x128xf32, #tpu.memory_space<hbm>>, %arg3: memref<323584xi32, #tpu.memory_space<hbm>>, %arg4: memref<128x128xf32, #tpu.memory_space<hbm>>, %arg5: memref<20480x128xf32, #tpu.memory_space<hbm>>, %arg6: memref<128x128xf32, #tpu.memory_space<vmem>>, %arg7: memref<10240x128xf32, #tpu.memory_space<vmem_shared>>, %arg8: memref<128xi32, #tpu.memory_space<vmem>>, %arg9: memref<128x128xf32, #tpu.memory_space<vmem>>, %arg10: memref<128xi32, #tpu.memory_space<vmem>>, %arg11: memref<!tpu.dma_semaphore, #tpu.memory_space<semaphore_mem>>, %arg12: memref<!tpu.dma_semaphore, #tpu.memory_space<semaphore_mem>>) attributes {dimension_semantics = [#tpu.dimension_semantics<core_parallel>, #tpu.dimension_semantics<subcore_parallel>], iteration_bounds = array<i64: 2, 16>, scalar_prefetch = 0 : i64, scratch_operands = 7 : i64, tpu.core_type = #tpu.core_type<sc_vector_subcore>, window_params = [{transform_indices = #map}, {transform_indices = #map1}, {transform_indices = #map}, {transform_indices = #map}]} {
    %mul3A = arith.constant 2 : i32
    %mul3A_0 = arith.muli %arg1, %mul3A : i32
    %add3A = arith.addi %mul3A_0, %arg0 : i32
    %mul3A_1 = arith.constant 640 : i32
    %mul3A_2 = arith.muli %arg1, %mul3A_1 : i32
    "tpu.region"() ({
      %run_scoped3A = tpu.sem_alloc : memref<!tpu.dma_semaphore, #tpu.memory_space<semaphore_mem>>
      %dma_start3A = arith.constant 0 : i32
      %dma_start3A_25 = arith.constant 0 : i32
      %dma_start3A_26 = tpu.memref_slice %arg4[%dma_start3A, %dma_start3A_25] : memref<128x128xf32, #tpu.memory_space<hbm>> -> memref<128x128xf32, #tpu.memory_space<hbm>>
      %dma_start3A_27 = arith.constant 0 : i32
      %dma_start3A_28 = arith.constant 0 : i32
      %dma_start3A_29 = tpu.memref_slice %arg4[%dma_start3A_27, %dma_start3A_28] : memref<128x128xf32, #tpu.memory_space<hbm>> -> memref<128x128xf32, #tpu.memory_space<hbm>>
      tpu.enqueue_dma source(%dma_start3A_29 : memref<128x128xf32, #tpu.memory_space<hbm>>) target(%arg6 : memref<128x128xf32, #tpu.memory_space<vmem>>) target_semaphore(%run_scoped3A : memref<!tpu.dma_semaphore, #tpu.memory_space<semaphore_mem>>)
      %dma_wait3A = arith.constant 0 : i32
      %dma_wait3A_30 = arith.constant 0 : i32
      %dma_wait3A_31 = tpu.memref_slice %arg4[%dma_wait3A, %dma_wait3A_30] : memref<128x128xf32, #tpu.memory_space<hbm>> -> memref<128x128xf32, #tpu.memory_space<hbm>>
      %dma_wait3A_32 = arith.constant 0 : i32
      %dma_wait3A_33 = arith.constant 0 : i32
      %dma_wait3A_34 = tpu.memref_slice %arg4[%dma_wait3A_32, %dma_wait3A_33] : memref<128x128xf32, #tpu.memory_space<hbm>> -> memref<128x128xf32, #tpu.memory_space<hbm>>
      tpu.wait_dma2 semaphore(%run_scoped3A : memref<!tpu.dma_semaphore, #tpu.memory_space<semaphore_mem>>) src(%dma_wait3A_34 : memref<128x128xf32, #tpu.memory_space<hbm>>) dst(%arg6 : memref<128x128xf32, #tpu.memory_space<vmem>>)
      tpu.yield
    }) : () -> ()
    %scan3A = arith.constant 0 : i32
    %scan3A_3 = arith.constant 0 : i32
    %scan3A_4 = arith.constant 5 : i32
    %scan3A_5 = arith.addi %scan3A_3, %scan3A_4 : i32
    %scan3A_6 = arith.constant 1 : i32
    scf.for %scan3A_25 = %scan3A_3 to %scan3A_5 step %scan3A_6  : i32 {
      %mul3A_26 = arith.constant 128 : i32
      %mul3A_27 = arith.muli %scan3A_25, %mul3A_26 : i32
      %add3A_28 = arith.addi %mul3A_2, %mul3A_27 : i32
      "tpu.region"() ({
        %run_scoped3A = tpu.sem_alloc : memref<!tpu.dma_semaphore, #tpu.memory_space<semaphore_mem>>
        %dma_start3A = arith.constant 0 : i32
        %dma_start3A_29 = tpu.memref_slice %arg7[%add3A_28, %dma_start3A] : memref<10240x128xf32, #tpu.memory_space<vmem_shared>> -> memref<128x128xf32, #tpu.memory_space<vmem_shared>>
        %dma_start3A_30 = arith.constant 0 : i32
        %dma_start3A_31 = tpu.memref_slice %arg7[%add3A_28, %dma_start3A_30] : memref<10240x128xf32, #tpu.memory_space<vmem_shared>> -> memref<128x128xf32, #tpu.memory_space<vmem_shared>>
        tpu.enqueue_dma source(%arg6 : memref<128x128xf32, #tpu.memory_space<vmem>>) target(%dma_start3A_31 : memref<128x128xf32, #tpu.memory_space<vmem_shared>>) target_semaphore(%run_scoped3A : memref<!tpu.dma_semaphore, #tpu.memory_space<semaphore_mem>>)
        %dma_wait3A = arith.constant 0 : i32
        %dma_wait3A_32 = tpu.memref_slice %arg7[%add3A_28, %dma_wait3A] : memref<10240x128xf32, #tpu.memory_space<vmem_shared>> -> memref<128x128xf32, #tpu.memory_space<vmem_shared>>
        %dma_wait3A_33 = arith.constant 0 : i32
        %dma_wait3A_34 = tpu.memref_slice %arg7[%add3A_28, %dma_wait3A_33] : memref<10240x128xf32, #tpu.memory_space<vmem_shared>> -> memref<128x128xf32, #tpu.memory_space<vmem_shared>>
        tpu.wait_dma2 semaphore(%run_scoped3A : memref<!tpu.dma_semaphore, #tpu.memory_space<semaphore_mem>>) src(%arg6 : memref<128x128xf32, #tpu.memory_space<vmem>>) dst(%dma_wait3A_34 : memref<128x128xf32, #tpu.memory_space<vmem_shared>>)
        tpu.yield
      }) : () -> ()
    }
    %scan3A_7 = arith.constant 5 : i32
    %barrier3A = arith.constant 0 : index
    tpu.barrier barrier_id(%barrier3A)
    %scan3A_8 = arith.constant 0 : i32
    %scan3A_9 = arith.constant 0 : i32
    %scan3A_10 = arith.constant 39 : i32
    %scan3A_11 = arith.addi %scan3A_9, %scan3A_10 : i32
    %scan3A_12 = arith.constant 1 : i32
    scf.for %scan3A_25 = %scan3A_9 to %scan3A_11 step %scan3A_12  : i32 {
      %mul3A_26 = arith.constant 10112 : i32
      %mul3A_27 = arith.muli %add3A, %mul3A_26 : i32
      %mul3A_28 = arith.constant 2 : i32
      %mul3A_29 = arith.muli %mul3A_28, %scan3A_25 : i32
      %mul3A_30 = arith.constant 128 : i32
      %mul3A_31 = arith.muli %mul3A_29, %mul3A_30 : i32
      %add3A_32 = arith.addi %mul3A_27, %mul3A_31 : i32
      %add3A_33 = arith.constant 128 : i32
      %add3A_34 = arith.addi %add3A_32, %add3A_33 : i32
      "tpu.region"() ({
        %run_scoped3A = tpu.sem_alloc : memref<!tpu.dma_semaphore, #tpu.memory_space<semaphore_mem>>
        %dma_start3A_49 = tpu.memref_slice %arg3[%add3A_32] : memref<323584xi32, #tpu.memory_space<hbm>> -> memref<128xi32, #tpu.memory_space<hbm>>
        %dma_start3A_50 = tpu.memref_slice %arg3[%add3A_32] : memref<323584xi32, #tpu.memory_space<hbm>> -> memref<128xi32, #tpu.memory_space<hbm>>
        tpu.enqueue_dma source(%dma_start3A_50 : memref<128xi32, #tpu.memory_space<hbm>>) target(%arg8 : memref<128xi32, #tpu.memory_space<vmem>>) target_semaphore(%run_scoped3A : memref<!tpu.dma_semaphore, #tpu.memory_space<semaphore_mem>>)
        %dma_wait3A_51 = tpu.memref_slice %arg3[%add3A_32] : memref<323584xi32, #tpu.memory_space<hbm>> -> memref<128xi32, #tpu.memory_space<hbm>>
        %dma_wait3A_52 = tpu.memref_slice %arg3[%add3A_32] : memref<323584xi32, #tpu.memory_space<hbm>> -> memref<128xi32, #tpu.memory_space<hbm>>
        tpu.wait_dma2 semaphore(%run_scoped3A : memref<!tpu.dma_semaphore, #tpu.memory_space<semaphore_mem>>) src(%dma_wait3A_52 : memref<128xi32, #tpu.memory_space<hbm>>) dst(%arg8 : memref<128xi32, #tpu.memory_space<vmem>>)
        tpu.yield
      }) : () -> ()
      "tpu.region"() ({
        %run_scoped3A = tpu.sem_alloc : memref<!tpu.dma_semaphore, #tpu.memory_space<semaphore_mem>>
        %dma_start3A_49 = tpu.memref_slice %arg3[%add3A_34] : memref<323584xi32, #tpu.memory_space<hbm>> -> memref<128xi32, #tpu.memory_space<hbm>>
        %dma_start3A_50 = tpu.memref_slice %arg3[%add3A_34] : memref<323584xi32, #tpu.memory_space<hbm>> -> memref<128xi32, #tpu.memory_space<hbm>>
        tpu.enqueue_dma source(%dma_start3A_50 : memref<128xi32, #tpu.memory_space<hbm>>) target(%arg10 : memref<128xi32, #tpu.memory_space<vmem>>) target_semaphore(%run_scoped3A : memref<!tpu.dma_semaphore, #tpu.memory_space<semaphore_mem>>)
        %dma_wait3A_51 = tpu.memref_slice %arg3[%add3A_34] : memref<323584xi32, #tpu.memory_space<hbm>> -> memref<128xi32, #tpu.memory_space<hbm>>
        %dma_wait3A_52 = tpu.memref_slice %arg3[%add3A_34] : memref<323584xi32, #tpu.memory_space<hbm>> -> memref<128xi32, #tpu.memory_space<hbm>>
        tpu.wait_dma2 semaphore(%run_scoped3A : memref<!tpu.dma_semaphore, #tpu.memory_space<semaphore_mem>>) src(%dma_wait3A_52 : memref<128xi32, #tpu.memory_space<hbm>>) dst(%arg10 : memref<128xi32, #tpu.memory_space<vmem>>)
        tpu.yield
      }) : () -> ()
      %dma_start3A = arith.constant 0 : i32
      %dma_start3A_35 = tpu.memref_slice %arg2[%add3A_32, %dma_start3A] : memref<323584x128xf32, #tpu.memory_space<hbm>> -> memref<128x128xf32, #tpu.memory_space<hbm>>
      %dma_start3A_36 = arith.constant 0 : i32
      %dma_start3A_37 = tpu.memref_slice %arg2[%add3A_32, %dma_start3A_36] : memref<323584x128xf32, #tpu.memory_space<hbm>> -> memref<128x128xf32, #tpu.memory_space<hbm>>
      tpu.enqueue_dma source(%dma_start3A_37 : memref<128x128xf32, #tpu.memory_space<hbm>>) target(%arg6 : memref<128x128xf32, #tpu.memory_space<vmem>>) target_semaphore(%arg11 : memref<!tpu.dma_semaphore, #tpu.memory_space<semaphore_mem>>)
      %dma_start3A_38 = arith.constant 0 : i32
      %dma_start3A_39 = tpu.memref_slice %arg2[%add3A_34, %dma_start3A_38] : memref<323584x128xf32, #tpu.memory_space<hbm>> -> memref<128x128xf32, #tpu.memory_space<hbm>>
      %dma_start3A_40 = arith.constant 0 : i32
      %dma_start3A_41 = tpu.memref_slice %arg2[%add3A_34, %dma_start3A_40] : memref<323584x128xf32, #tpu.memory_space<hbm>> -> memref<128x128xf32, #tpu.memory_space<hbm>>
      tpu.enqueue_dma source(%dma_start3A_41 : memref<128x128xf32, #tpu.memory_space<hbm>>) target(%arg9 : memref<128x128xf32, #tpu.memory_space<vmem>>) target_semaphore(%arg12 : memref<!tpu.dma_semaphore, #tpu.memory_space<semaphore_mem>>)
      %dma_wait3A = arith.constant 0 : i32
      %dma_wait3A_42 = tpu.memref_slice %arg2[%add3A_32, %dma_wait3A] : memref<323584x128xf32, #tpu.memory_space<hbm>> -> memref<128x128xf32, #tpu.memory_space<hbm>>
      %dma_wait3A_43 = arith.constant 0 : i32
      %dma_wait3A_44 = tpu.memref_slice %arg2[%add3A_32, %dma_wait3A_43] : memref<323584x128xf32, #tpu.memory_space<hbm>> -> memref<128x128xf32, #tpu.memory_space<hbm>>
      tpu.wait_dma2 semaphore(%arg11 : memref<!tpu.dma_semaphore, #tpu.memory_space<semaphore_mem>>) src(%dma_wait3A_44 : memref<128x128xf32, #tpu.memory_space<hbm>>) dst(%arg6 : memref<128x128xf32, #tpu.memory_space<vmem>>)
      "tpu.region"() ({
        %run_scoped3A = tpu.sem_alloc : memref<!tpu.dma_semaphore, #tpu.memory_space<semaphore_mem>>
        %dma_start3A_49 = arith.constant 0 : i32
        %dma_start3A_50 = arith.constant 0 : i32
        %dma_start3A_51 = tpu.memref_slice %arg7[%dma_start3A_49, %dma_start3A_50] : memref<10240x128xf32, #tpu.memory_space<vmem_shared>> -> memref<10240x128xf32, #tpu.memory_space<vmem_shared>>
        tpu.enqueue_indirect_dma source(%arg6 : memref<128x128xf32, #tpu.memory_space<vmem>>) target(%dma_start3A_51 : memref<10240x128xf32, #tpu.memory_space<vmem_shared>>) offsets(%arg8 : memref<128xi32, #tpu.memory_space<vmem>>) semaphore(%run_scoped3A : memref<!tpu.dma_semaphore, #tpu.memory_space<semaphore_mem>>) {add = true}
        %dma_wait3A_52 = arith.constant 0 : i32
        %dma_wait3A_53 = arith.constant 0 : i32
        %dma_wait3A_54 = tpu.memref_slice %arg7[%dma_wait3A_52, %dma_wait3A_53] : memref<10240x128xf32, #tpu.memory_space<vmem_shared>> -> memref<10240x128xf32, #tpu.memory_space<vmem_shared>>
        tpu.wait_indirect_dma semaphore(%run_scoped3A : memref<!tpu.dma_semaphore, #tpu.memory_space<semaphore_mem>>) src(%arg6 : memref<128x128xf32, #tpu.memory_space<vmem>>) dst(%dma_wait3A_54 : memref<10240x128xf32, #tpu.memory_space<vmem_shared>>)
        tpu.yield
      }) : () -> ()
      %dma_wait3A_45 = arith.constant 0 : i32
      %dma_wait3A_46 = tpu.memref_slice %arg2[%add3A_34, %dma_wait3A_45] : memref<323584x128xf32, #tpu.memory_space<hbm>> -> memref<128x128xf32, #tpu.memory_space<hbm>>
      %dma_wait3A_47 = arith.constant 0 : i32
      %dma_wait3A_48 = tpu.memref_slice %arg2[%add3A_34, %dma_wait3A_47] : memref<323584x128xf32, #tpu.memory_space<hbm>> -> memref<128x128xf32, #tpu.memory_space<hbm>>
      tpu.wait_dma2 semaphore(%arg12 : memref<!tpu.dma_semaphore, #tpu.memory_space<semaphore_mem>>) src(%dma_wait3A_48 : memref<128x128xf32, #tpu.memory_space<hbm>>) dst(%arg9 : memref<128x128xf32, #tpu.memory_space<vmem>>)
      "tpu.region"() ({
        %run_scoped3A = tpu.sem_alloc : memref<!tpu.dma_semaphore, #tpu.memory_space<semaphore_mem>>
        %dma_start3A_49 = arith.constant 0 : i32
        %dma_start3A_50 = arith.constant 0 : i32
        %dma_start3A_51 = tpu.memref_slice %arg7[%dma_start3A_49, %dma_start3A_50] : memref<10240x128xf32, #tpu.memory_space<vmem_shared>> -> memref<10240x128xf32, #tpu.memory_space<vmem_shared>>
        tpu.enqueue_indirect_dma source(%arg9 : memref<128x128xf32, #tpu.memory_space<vmem>>) target(%dma_start3A_51 : memref<10240x128xf32, #tpu.memory_space<vmem_shared>>) offsets(%arg10 : memref<128xi32, #tpu.memory_space<vmem>>) semaphore(%run_scoped3A : memref<!tpu.dma_semaphore, #tpu.memory_space<semaphore_mem>>) {add = true}
        %dma_wait3A_52 = arith.constant 0 : i32
        %dma_wait3A_53 = arith.constant 0 : i32
        %dma_wait3A_54 = tpu.memref_slice %arg7[%dma_wait3A_52, %dma_wait3A_53] : memref<10240x128xf32, #tpu.memory_space<vmem_shared>> -> memref<10240x128xf32, #tpu.memory_space<vmem_shared>>
        tpu.wait_indirect_dma semaphore(%run_scoped3A : memref<!tpu.dma_semaphore, #tpu.memory_space<semaphore_mem>>) src(%arg9 : memref<128x128xf32, #tpu.memory_space<vmem>>) dst(%dma_wait3A_54 : memref<10240x128xf32, #tpu.memory_space<vmem_shared>>)
        tpu.yield
      }) : () -> ()
    }
    %scan3A_13 = arith.constant 39 : i32
    %mul3A_14 = arith.constant 10112 : i32
    %mul3A_15 = arith.muli %add3A, %mul3A_14 : i32
    %add3A_16 = arith.constant 9984 : i32
    %add3A_17 = arith.addi %mul3A_15, %add3A_16 : i32
    "tpu.region"() ({
      %run_scoped3A = tpu.sem_alloc : memref<!tpu.dma_semaphore, #tpu.memory_space<semaphore_mem>>
      %dma_start3A = tpu.memref_slice %arg3[%add3A_17] : memref<323584xi32, #tpu.memory_space<hbm>> -> memref<128xi32, #tpu.memory_space<hbm>>
      %dma_start3A_25 = tpu.memref_slice %arg3[%add3A_17] : memref<323584xi32, #tpu.memory_space<hbm>> -> memref<128xi32, #tpu.memory_space<hbm>>
      tpu.enqueue_dma source(%dma_start3A_25 : memref<128xi32, #tpu.memory_space<hbm>>) target(%arg8 : memref<128xi32, #tpu.memory_space<vmem>>) target_semaphore(%run_scoped3A : memref<!tpu.dma_semaphore, #tpu.memory_space<semaphore_mem>>)
      %dma_wait3A = tpu.memref_slice %arg3[%add3A_17] : memref<323584xi32, #tpu.memory_space<hbm>> -> memref<128xi32, #tpu.memory_space<hbm>>
      %dma_wait3A_26 = tpu.memref_slice %arg3[%add3A_17] : memref<323584xi32, #tpu.memory_space<hbm>> -> memref<128xi32, #tpu.memory_space<hbm>>
      tpu.wait_dma2 semaphore(%run_scoped3A : memref<!tpu.dma_semaphore, #tpu.memory_space<semaphore_mem>>) src(%dma_wait3A_26 : memref<128xi32, #tpu.memory_space<hbm>>) dst(%arg8 : memref<128xi32, #tpu.memory_space<vmem>>)
      tpu.yield
    }) : () -> ()
    "tpu.region"() ({
      %run_scoped3A = tpu.sem_alloc : memref<!tpu.dma_semaphore, #tpu.memory_space<semaphore_mem>>
      %dma_start3A = arith.constant 0 : i32
      %dma_start3A_25 = tpu.memref_slice %arg2[%add3A_17, %dma_start3A] : memref<323584x128xf32, #tpu.memory_space<hbm>> -> memref<128x128xf32, #tpu.memory_space<hbm>>
      %dma_start3A_26 = arith.constant 0 : i32
      %dma_start3A_27 = tpu.memref_slice %arg2[%add3A_17, %dma_start3A_26] : memref<323584x128xf32, #tpu.memory_space<hbm>> -> memref<128x128xf32, #tpu.memory_space<hbm>>
      tpu.enqueue_dma source(%dma_start3A_27 : memref<128x128xf32, #tpu.memory_space<hbm>>) target(%arg6 : memref<128x128xf32, #tpu.memory_space<vmem>>) target_semaphore(%run_scoped3A : memref<!tpu.dma_semaphore, #tpu.memory_space<semaphore_mem>>)
      %dma_wait3A = arith.constant 0 : i32
      %dma_wait3A_28 = tpu.memref_slice %arg2[%add3A_17, %dma_wait3A] : memref<323584x128xf32, #tpu.memory_space<hbm>> -> memref<128x128xf32, #tpu.memory_space<hbm>>
      %dma_wait3A_29 = arith.constant 0 : i32
      %dma_wait3A_30 = tpu.memref_slice %arg2[%add3A_17, %dma_wait3A_29] : memref<323584x128xf32, #tpu.memory_space<hbm>> -> memref<128x128xf32, #tpu.memory_space<hbm>>
      tpu.wait_dma2 semaphore(%run_scoped3A : memref<!tpu.dma_semaphore, #tpu.memory_space<semaphore_mem>>) src(%dma_wait3A_30 : memref<128x128xf32, #tpu.memory_space<hbm>>) dst(%arg6 : memref<128x128xf32, #tpu.memory_space<vmem>>)
      tpu.yield
    }) : () -> ()
    "tpu.region"() ({
      %run_scoped3A = tpu.sem_alloc : memref<!tpu.dma_semaphore, #tpu.memory_space<semaphore_mem>>
      %dma_start3A = arith.constant 0 : i32
      %dma_start3A_25 = arith.constant 0 : i32
      %dma_start3A_26 = tpu.memref_slice %arg7[%dma_start3A, %dma_start3A_25] : memref<10240x128xf32, #tpu.memory_space<vmem_shared>> -> memref<10240x128xf32, #tpu.memory_space<vmem_shared>>
      tpu.enqueue_indirect_dma source(%arg6 : memref<128x128xf32, #tpu.memory_space<vmem>>) target(%dma_start3A_26 : memref<10240x128xf32, #tpu.memory_space<vmem_shared>>) offsets(%arg8 : memref<128xi32, #tpu.memory_space<vmem>>) semaphore(%run_scoped3A : memref<!tpu.dma_semaphore, #tpu.memory_space<semaphore_mem>>) {add = true}
      %dma_wait3A = arith.constant 0 : i32
      %dma_wait3A_27 = arith.constant 0 : i32
      %dma_wait3A_28 = tpu.memref_slice %arg7[%dma_wait3A, %dma_wait3A_27] : memref<10240x128xf32, #tpu.memory_space<vmem_shared>> -> memref<10240x128xf32, #tpu.memory_space<vmem_shared>>
      tpu.wait_indirect_dma semaphore(%run_scoped3A : memref<!tpu.dma_semaphore, #tpu.memory_space<semaphore_mem>>) src(%arg6 : memref<128x128xf32, #tpu.memory_space<vmem>>) dst(%dma_wait3A_28 : memref<10240x128xf32, #tpu.memory_space<vmem_shared>>)
      tpu.yield
    }) : () -> ()
    %barrier3A_18 = arith.constant 0 : index
    tpu.barrier barrier_id(%barrier3A_18)
    %scan3A_19 = arith.constant 0 : i32
    %scan3A_20 = arith.constant 0 : i32
    %scan3A_21 = arith.constant 5 : i32
    %scan3A_22 = arith.addi %scan3A_20, %scan3A_21 : i32
    %scan3A_23 = arith.constant 1 : i32
    scf.for %scan3A_25 = %scan3A_20 to %scan3A_22 step %scan3A_23  : i32 {
      %mul3A_26 = arith.constant 128 : i32
      %mul3A_27 = arith.muli %scan3A_25, %mul3A_26 : i32
      %add3A_28 = arith.addi %mul3A_2, %mul3A_27 : i32
      "tpu.region"() ({
        %run_scoped3A = tpu.sem_alloc : memref<!tpu.dma_semaphore, #tpu.memory_space<semaphore_mem>>
        %dma_start3A = arith.constant 0 : i32
        %dma_start3A_35 = tpu.memref_slice %arg7[%add3A_28, %dma_start3A] : memref<10240x128xf32, #tpu.memory_space<vmem_shared>> -> memref<128x128xf32, #tpu.memory_space<vmem_shared>>
        %dma_start3A_36 = arith.constant 0 : i32
        %dma_start3A_37 = tpu.memref_slice %arg7[%add3A_28, %dma_start3A_36] : memref<10240x128xf32, #tpu.memory_space<vmem_shared>> -> memref<128x128xf32, #tpu.memory_space<vmem_shared>>
        tpu.enqueue_dma source(%dma_start3A_37 : memref<128x128xf32, #tpu.memory_space<vmem_shared>>) target(%arg6 : memref<128x128xf32, #tpu.memory_space<vmem>>) target_semaphore(%run_scoped3A : memref<!tpu.dma_semaphore, #tpu.memory_space<semaphore_mem>>)
        %dma_wait3A = arith.constant 0 : i32
        %dma_wait3A_38 = tpu.memref_slice %arg7[%add3A_28, %dma_wait3A] : memref<10240x128xf32, #tpu.memory_space<vmem_shared>> -> memref<128x128xf32, #tpu.memory_space<vmem_shared>>
        %dma_wait3A_39 = arith.constant 0 : i32
        %dma_wait3A_40 = tpu.memref_slice %arg7[%add3A_28, %dma_wait3A_39] : memref<10240x128xf32, #tpu.memory_space<vmem_shared>> -> memref<128x128xf32, #tpu.memory_space<vmem_shared>>
        tpu.wait_dma2 semaphore(%run_scoped3A : memref<!tpu.dma_semaphore, #tpu.memory_space<semaphore_mem>>) src(%dma_wait3A_40 : memref<128x128xf32, #tpu.memory_space<vmem_shared>>) dst(%arg6 : memref<128x128xf32, #tpu.memory_space<vmem>>)
        tpu.yield
      }) : () -> ()
      %mul3A_29 = arith.constant 10240 : i32
      %mul3A_30 = arith.muli %arg0, %mul3A_29 : i32
      %add3A_31 = arith.addi %mul3A_30, %mul3A_2 : i32
      %mul3A_32 = arith.constant 128 : i32
      %mul3A_33 = arith.muli %scan3A_25, %mul3A_32 : i32
      %add3A_34 = arith.addi %add3A_31, %mul3A_33 : i32
      "tpu.region"() ({
        %run_scoped3A = tpu.sem_alloc : memref<!tpu.dma_semaphore, #tpu.memory_space<semaphore_mem>>
        %dma_start3A = arith.constant 0 : i32
        %dma_start3A_35 = tpu.memref_slice %arg5[%add3A_34, %dma_start3A] : memref<20480x128xf32, #tpu.memory_space<hbm>> -> memref<128x128xf32, #tpu.memory_space<hbm>>
        %dma_start3A_36 = arith.constant 0 : i32
        %dma_start3A_37 = tpu.memref_slice %arg5[%add3A_34, %dma_start3A_36] : memref<20480x128xf32, #tpu.memory_space<hbm>> -> memref<128x128xf32, #tpu.memory_space<hbm>>
        tpu.enqueue_dma source(%arg6 : memref<128x128xf32, #tpu.memory_space<vmem>>) target(%dma_start3A_37 : memref<128x128xf32, #tpu.memory_space<hbm>>) target_semaphore(%run_scoped3A : memref<!tpu.dma_semaphore, #tpu.memory_space<semaphore_mem>>)
        %dma_wait3A = arith.constant 0 : i32
        %dma_wait3A_38 = tpu.memref_slice %arg5[%add3A_34, %dma_wait3A] : memref<20480x128xf32, #tpu.memory_space<hbm>> -> memref<128x128xf32, #tpu.memory_space<hbm>>
        %dma_wait3A_39 = arith.constant 0 : i32
        %dma_wait3A_40 = tpu.memref_slice %arg5[%add3A_34, %dma_wait3A_39] : memref<20480x128xf32, #tpu.memory_space<hbm>> -> memref<128x128xf32, #tpu.memory_space<hbm>>
        tpu.wait_dma2 semaphore(%run_scoped3A : memref<!tpu.dma_semaphore, #tpu.memory_space<semaphore_mem>>) src(%arg6 : memref<128x128xf32, #tpu.memory_space<vmem>>) dst(%dma_wait3A_40 : memref<128x128xf32, #tpu.memory_space<hbm>>)
        tpu.yield
      }) : () -> ()
    }
    %scan3A_24 = arith.constant 5 : i32
    return
  }
}

#map = affine_map<(d0, d1) -> (0, 0)>
#map1 = affine_map<(d0, d1) -> (0)>
module attributes {stable_mosaic.version = 14 : i64} {
  func.func @sc_gather(%arg0: i32, %arg1: i32, %arg2: memref<10240x128xf32, #tpu.memory_space<hbm>>, %arg3: memref<10240x128xf32, #tpu.memory_space<hbm>>, %arg4: memref<10240x128xf32, #tpu.memory_space<hbm>>, %arg5: memref<323584xi32, #tpu.memory_space<hbm>>, %arg6: memref<323584xi32, #tpu.memory_space<hbm>>, %arg7: memref<323584x128xf32, #tpu.memory_space<hbm>>, %arg8: memref<323584x128xf32, #tpu.memory_space<hbm>>, %arg9: memref<323584x128xf32, #tpu.memory_space<hbm>>, %arg10: memref<128xi32, #tpu.memory_space<vmem>>, %arg11: memref<128xi32, #tpu.memory_space<vmem>>, %arg12: memref<128x128xf32, #tpu.memory_space<vmem>>, %arg13: memref<128x128xf32, #tpu.memory_space<vmem>>, %arg14: memref<128x128xf32, #tpu.memory_space<vmem>>, %arg15: memref<!tpu.dma_semaphore, #tpu.memory_space<semaphore_mem>>, %arg16: memref<!tpu.dma_semaphore, #tpu.memory_space<semaphore_mem>>, %arg17: memref<!tpu.dma_semaphore, #tpu.memory_space<semaphore_mem>>, %arg18: memref<!tpu.dma_semaphore, #tpu.memory_space<semaphore_mem>>) attributes {dimension_semantics = [#tpu.dimension_semantics<core_parallel>, #tpu.dimension_semantics<subcore_parallel>], iteration_bounds = array<i64: 2, 16>, scalar_prefetch = 0 : i64, scratch_operands = 9 : i64, tpu.core_type = #tpu.core_type<sc_vector_subcore>, window_params = [{transform_indices = #map}, {transform_indices = #map}, {transform_indices = #map}, {transform_indices = #map1}, {transform_indices = #map1}, {transform_indices = #map}, {transform_indices = #map}, {transform_indices = #map}]} {
    %mul3A = arith.constant 2 : i32
    %mul3A_0 = arith.muli %arg1, %mul3A : i32
    %add3A = arith.addi %mul3A_0, %arg0 : i32
    %scan3A = arith.constant 0 : i32
    %scan3A_1 = arith.constant 0 : i32
    %scan3A_2 = arith.constant 79 : i32
    %scan3A_3 = arith.addi %scan3A_1, %scan3A_2 : i32
    %scan3A_4 = arith.constant 1 : i32
    scf.for %scan3A_6 = %scan3A_1 to %scan3A_3 step %scan3A_4  : i32 {
      %mul3A_7 = arith.constant 10112 : i32
      %mul3A_8 = arith.muli %add3A, %mul3A_7 : i32
      %mul3A_9 = arith.constant 128 : i32
      %mul3A_10 = arith.muli %scan3A_6, %mul3A_9 : i32
      %add3A_11 = arith.addi %mul3A_8, %mul3A_10 : i32
      "tpu.region"() ({
        %run_scoped3A = tpu.sem_alloc : memref<!tpu.dma_semaphore, #tpu.memory_space<semaphore_mem>>
        %dma_start3A_52 = tpu.memref_slice %arg5[%add3A_11] : memref<323584xi32, #tpu.memory_space<hbm>> -> memref<128xi32, #tpu.memory_space<hbm>>
        %dma_start3A_53 = tpu.memref_slice %arg5[%add3A_11] : memref<323584xi32, #tpu.memory_space<hbm>> -> memref<128xi32, #tpu.memory_space<hbm>>
        tpu.enqueue_dma source(%dma_start3A_53 : memref<128xi32, #tpu.memory_space<hbm>>) target(%arg10 : memref<128xi32, #tpu.memory_space<vmem>>) target_semaphore(%run_scoped3A : memref<!tpu.dma_semaphore, #tpu.memory_space<semaphore_mem>>)
        %dma_wait3A_54 = tpu.memref_slice %arg5[%add3A_11] : memref<323584xi32, #tpu.memory_space<hbm>> -> memref<128xi32, #tpu.memory_space<hbm>>
        %dma_wait3A_55 = tpu.memref_slice %arg5[%add3A_11] : memref<323584xi32, #tpu.memory_space<hbm>> -> memref<128xi32, #tpu.memory_space<hbm>>
        tpu.wait_dma2 semaphore(%run_scoped3A : memref<!tpu.dma_semaphore, #tpu.memory_space<semaphore_mem>>) src(%dma_wait3A_55 : memref<128xi32, #tpu.memory_space<hbm>>) dst(%arg10 : memref<128xi32, #tpu.memory_space<vmem>>)
        tpu.yield
      }) : () -> ()
      "tpu.region"() ({
        %run_scoped3A = tpu.sem_alloc : memref<!tpu.dma_semaphore, #tpu.memory_space<semaphore_mem>>
        %dma_start3A_52 = tpu.memref_slice %arg6[%add3A_11] : memref<323584xi32, #tpu.memory_space<hbm>> -> memref<128xi32, #tpu.memory_space<hbm>>
        %dma_start3A_53 = tpu.memref_slice %arg6[%add3A_11] : memref<323584xi32, #tpu.memory_space<hbm>> -> memref<128xi32, #tpu.memory_space<hbm>>
        tpu.enqueue_dma source(%dma_start3A_53 : memref<128xi32, #tpu.memory_space<hbm>>) target(%arg11 : memref<128xi32, #tpu.memory_space<vmem>>) target_semaphore(%run_scoped3A : memref<!tpu.dma_semaphore, #tpu.memory_space<semaphore_mem>>)
        %dma_wait3A_54 = tpu.memref_slice %arg6[%add3A_11] : memref<323584xi32, #tpu.memory_space<hbm>> -> memref<128xi32, #tpu.memory_space<hbm>>
        %dma_wait3A_55 = tpu.memref_slice %arg6[%add3A_11] : memref<323584xi32, #tpu.memory_space<hbm>> -> memref<128xi32, #tpu.memory_space<hbm>>
        tpu.wait_dma2 semaphore(%run_scoped3A : memref<!tpu.dma_semaphore, #tpu.memory_space<semaphore_mem>>) src(%dma_wait3A_55 : memref<128xi32, #tpu.memory_space<hbm>>) dst(%arg11 : memref<128xi32, #tpu.memory_space<vmem>>)
        tpu.yield
      }) : () -> ()
      %dma_start3A = arith.constant 0 : i32
      %dma_start3A_12 = arith.constant 0 : i32
      %dma_start3A_13 = tpu.memref_slice %arg2[%dma_start3A, %dma_start3A_12] : memref<10240x128xf32, #tpu.memory_space<hbm>> -> memref<10240x128xf32, #tpu.memory_space<hbm>>
      tpu.enqueue_indirect_dma source(%dma_start3A_13 : memref<10240x128xf32, #tpu.memory_space<hbm>>) target(%arg12 : memref<128x128xf32, #tpu.memory_space<vmem>>) offsets(%arg10 : memref<128xi32, #tpu.memory_space<vmem>>) semaphore(%arg15 : memref<!tpu.dma_semaphore, #tpu.memory_space<semaphore_mem>>)
      %dma_start3A_14 = arith.constant 0 : i32
      %dma_start3A_15 = arith.constant 0 : i32
      %dma_start3A_16 = tpu.memref_slice %arg3[%dma_start3A_14, %dma_start3A_15] : memref<10240x128xf32, #tpu.memory_space<hbm>> -> memref<10240x128xf32, #tpu.memory_space<hbm>>
      tpu.enqueue_indirect_dma source(%dma_start3A_16 : memref<10240x128xf32, #tpu.memory_space<hbm>>) target(%arg13 : memref<128x128xf32, #tpu.memory_space<vmem>>) offsets(%arg11 : memref<128xi32, #tpu.memory_space<vmem>>) semaphore(%arg16 : memref<!tpu.dma_semaphore, #tpu.memory_space<semaphore_mem>>)
      %dma_start3A_17 = arith.constant 0 : i32
      %dma_start3A_18 = arith.constant 0 : i32
      %dma_start3A_19 = tpu.memref_slice %arg4[%dma_start3A_17, %dma_start3A_18] : memref<10240x128xf32, #tpu.memory_space<hbm>> -> memref<10240x128xf32, #tpu.memory_space<hbm>>
      tpu.enqueue_indirect_dma source(%dma_start3A_19 : memref<10240x128xf32, #tpu.memory_space<hbm>>) target(%arg14 : memref<128x128xf32, #tpu.memory_space<vmem>>) offsets(%arg11 : memref<128xi32, #tpu.memory_space<vmem>>) semaphore(%arg17 : memref<!tpu.dma_semaphore, #tpu.memory_space<semaphore_mem>>)
      %dma_wait3A = arith.constant 0 : i32
      %dma_wait3A_20 = arith.constant 0 : i32
      %dma_wait3A_21 = tpu.memref_slice %arg2[%dma_wait3A, %dma_wait3A_20] : memref<10240x128xf32, #tpu.memory_space<hbm>> -> memref<10240x128xf32, #tpu.memory_space<hbm>>
      tpu.wait_indirect_dma semaphore(%arg15 : memref<!tpu.dma_semaphore, #tpu.memory_space<semaphore_mem>>) src(%dma_wait3A_21 : memref<10240x128xf32, #tpu.memory_space<hbm>>) dst(%arg12 : memref<128x128xf32, #tpu.memory_space<vmem>>)
      %dma_start3A_22 = arith.constant 0 : i32
      %dma_start3A_23 = tpu.memref_slice %arg7[%add3A_11, %dma_start3A_22] : memref<323584x128xf32, #tpu.memory_space<hbm>> -> memref<128x128xf32, #tpu.memory_space<hbm>>
      %dma_start3A_24 = arith.constant 0 : i32
      %dma_start3A_25 = tpu.memref_slice %arg7[%add3A_11, %dma_start3A_24] : memref<323584x128xf32, #tpu.memory_space<hbm>> -> memref<128x128xf32, #tpu.memory_space<hbm>>
      tpu.enqueue_dma source(%arg12 : memref<128x128xf32, #tpu.memory_space<vmem>>) target(%dma_start3A_25 : memref<128x128xf32, #tpu.memory_space<hbm>>) target_semaphore(%arg18 : memref<!tpu.dma_semaphore, #tpu.memory_space<semaphore_mem>>)
      %dma_wait3A_26 = arith.constant 0 : i32
      %dma_wait3A_27 = arith.constant 0 : i32
      %dma_wait3A_28 = tpu.memref_slice %arg3[%dma_wait3A_26, %dma_wait3A_27] : memref<10240x128xf32, #tpu.memory_space<hbm>> -> memref<10240x128xf32, #tpu.memory_space<hbm>>
      tpu.wait_indirect_dma semaphore(%arg16 : memref<!tpu.dma_semaphore, #tpu.memory_space<semaphore_mem>>) src(%dma_wait3A_28 : memref<10240x128xf32, #tpu.memory_space<hbm>>) dst(%arg13 : memref<128x128xf32, #tpu.memory_space<vmem>>)
      %dma_start3A_29 = arith.constant 0 : i32
      %dma_start3A_30 = tpu.memref_slice %arg8[%add3A_11, %dma_start3A_29] : memref<323584x128xf32, #tpu.memory_space<hbm>> -> memref<128x128xf32, #tpu.memory_space<hbm>>
      %dma_start3A_31 = arith.constant 0 : i32
      %dma_start3A_32 = tpu.memref_slice %arg8[%add3A_11, %dma_start3A_31] : memref<323584x128xf32, #tpu.memory_space<hbm>> -> memref<128x128xf32, #tpu.memory_space<hbm>>
      tpu.enqueue_dma source(%arg13 : memref<128x128xf32, #tpu.memory_space<vmem>>) target(%dma_start3A_32 : memref<128x128xf32, #tpu.memory_space<hbm>>) target_semaphore(%arg18 : memref<!tpu.dma_semaphore, #tpu.memory_space<semaphore_mem>>)
      %dma_wait3A_33 = arith.constant 0 : i32
      %dma_wait3A_34 = arith.constant 0 : i32
      %dma_wait3A_35 = tpu.memref_slice %arg4[%dma_wait3A_33, %dma_wait3A_34] : memref<10240x128xf32, #tpu.memory_space<hbm>> -> memref<10240x128xf32, #tpu.memory_space<hbm>>
      tpu.wait_indirect_dma semaphore(%arg17 : memref<!tpu.dma_semaphore, #tpu.memory_space<semaphore_mem>>) src(%dma_wait3A_35 : memref<10240x128xf32, #tpu.memory_space<hbm>>) dst(%arg14 : memref<128x128xf32, #tpu.memory_space<vmem>>)
      %dma_start3A_36 = arith.constant 0 : i32
      %dma_start3A_37 = tpu.memref_slice %arg9[%add3A_11, %dma_start3A_36] : memref<323584x128xf32, #tpu.memory_space<hbm>> -> memref<128x128xf32, #tpu.memory_space<hbm>>
      %dma_start3A_38 = arith.constant 0 : i32
      %dma_start3A_39 = tpu.memref_slice %arg9[%add3A_11, %dma_start3A_38] : memref<323584x128xf32, #tpu.memory_space<hbm>> -> memref<128x128xf32, #tpu.memory_space<hbm>>
      tpu.enqueue_dma source(%arg14 : memref<128x128xf32, #tpu.memory_space<vmem>>) target(%dma_start3A_39 : memref<128x128xf32, #tpu.memory_space<hbm>>) target_semaphore(%arg18 : memref<!tpu.dma_semaphore, #tpu.memory_space<semaphore_mem>>)
      %dma_wait3A_40 = arith.constant 0 : i32
      %dma_wait3A_41 = tpu.memref_slice %arg7[%add3A_11, %dma_wait3A_40] : memref<323584x128xf32, #tpu.memory_space<hbm>> -> memref<128x128xf32, #tpu.memory_space<hbm>>
      %dma_wait3A_42 = arith.constant 0 : i32
      %dma_wait3A_43 = tpu.memref_slice %arg7[%add3A_11, %dma_wait3A_42] : memref<323584x128xf32, #tpu.memory_space<hbm>> -> memref<128x128xf32, #tpu.memory_space<hbm>>
      tpu.wait_dma2 semaphore(%arg18 : memref<!tpu.dma_semaphore, #tpu.memory_space<semaphore_mem>>) src(%arg12 : memref<128x128xf32, #tpu.memory_space<vmem>>) dst(%dma_wait3A_43 : memref<128x128xf32, #tpu.memory_space<hbm>>)
      %dma_wait3A_44 = arith.constant 0 : i32
      %dma_wait3A_45 = tpu.memref_slice %arg8[%add3A_11, %dma_wait3A_44] : memref<323584x128xf32, #tpu.memory_space<hbm>> -> memref<128x128xf32, #tpu.memory_space<hbm>>
      %dma_wait3A_46 = arith.constant 0 : i32
      %dma_wait3A_47 = tpu.memref_slice %arg8[%add3A_11, %dma_wait3A_46] : memref<323584x128xf32, #tpu.memory_space<hbm>> -> memref<128x128xf32, #tpu.memory_space<hbm>>
      tpu.wait_dma2 semaphore(%arg18 : memref<!tpu.dma_semaphore, #tpu.memory_space<semaphore_mem>>) src(%arg13 : memref<128x128xf32, #tpu.memory_space<vmem>>) dst(%dma_wait3A_47 : memref<128x128xf32, #tpu.memory_space<hbm>>)
      %dma_wait3A_48 = arith.constant 0 : i32
      %dma_wait3A_49 = tpu.memref_slice %arg9[%add3A_11, %dma_wait3A_48] : memref<323584x128xf32, #tpu.memory_space<hbm>> -> memref<128x128xf32, #tpu.memory_space<hbm>>
      %dma_wait3A_50 = arith.constant 0 : i32
      %dma_wait3A_51 = tpu.memref_slice %arg9[%add3A_11, %dma_wait3A_50] : memref<323584x128xf32, #tpu.memory_space<hbm>> -> memref<128x128xf32, #tpu.memory_space<hbm>>
      tpu.wait_dma2 semaphore(%arg18 : memref<!tpu.dma_semaphore, #tpu.memory_space<semaphore_mem>>) src(%arg14 : memref<128x128xf32, #tpu.memory_space<vmem>>) dst(%dma_wait3A_51 : memref<128x128xf32, #tpu.memory_space<hbm>>)
    }
    %scan3A_5 = arith.constant 79 : i32
    return
  }
}

#map = affine_map<(d0, d1) -> (0, 0)>
#map1 = affine_map<(d0, d1) -> (0)>
module attributes {stable_mosaic.version = 14 : i64} {
  func.func @sc_scatter(%arg0: i32, %arg1: i32, %arg2: memref<323584x128xf32, #tpu.memory_space<hbm>>, %arg3: memref<323584xi32, #tpu.memory_space<hbm>>, %arg4: memref<128x128xf32, #tpu.memory_space<hbm>>, %arg5: memref<20480x128xf32, #tpu.memory_space<hbm>>, %arg6: memref<128x128xf32, #tpu.memory_space<vmem>>, %arg7: memref<10240x128xf32, #tpu.memory_space<vmem_shared>>, %arg8: memref<128xi32, #tpu.memory_space<vmem>>, %arg9: memref<128x128xf32, #tpu.memory_space<vmem>>, %arg10: memref<128xi32, #tpu.memory_space<vmem>>, %arg11: memref<!tpu.dma_semaphore, #tpu.memory_space<semaphore_mem>>, %arg12: memref<!tpu.dma_semaphore, #tpu.memory_space<semaphore_mem>>) attributes {dimension_semantics = [#tpu.dimension_semantics<core_parallel>, #tpu.dimension_semantics<subcore_parallel>], iteration_bounds = array<i64: 2, 16>, scalar_prefetch = 0 : i64, scratch_operands = 7 : i64, tpu.core_type = #tpu.core_type<sc_vector_subcore>, window_params = [{transform_indices = #map}, {transform_indices = #map1}, {transform_indices = #map}, {transform_indices = #map}]} {
    %mul3A = arith.constant 2 : i32
    %mul3A_0 = arith.muli %arg1, %mul3A : i32
    %add3A = arith.addi %mul3A_0, %arg0 : i32
    %mul3A_1 = arith.constant 640 : i32
    %mul3A_2 = arith.muli %arg1, %mul3A_1 : i32
    "tpu.region"() ({
      %run_scoped3A = tpu.sem_alloc : memref<!tpu.dma_semaphore, #tpu.memory_space<semaphore_mem>>
      %dma_start3A = arith.constant 0 : i32
      %dma_start3A_25 = arith.constant 0 : i32
      %dma_start3A_26 = tpu.memref_slice %arg4[%dma_start3A, %dma_start3A_25] : memref<128x128xf32, #tpu.memory_space<hbm>> -> memref<128x128xf32, #tpu.memory_space<hbm>>
      %dma_start3A_27 = arith.constant 0 : i32
      %dma_start3A_28 = arith.constant 0 : i32
      %dma_start3A_29 = tpu.memref_slice %arg4[%dma_start3A_27, %dma_start3A_28] : memref<128x128xf32, #tpu.memory_space<hbm>> -> memref<128x128xf32, #tpu.memory_space<hbm>>
      tpu.enqueue_dma source(%dma_start3A_29 : memref<128x128xf32, #tpu.memory_space<hbm>>) target(%arg6 : memref<128x128xf32, #tpu.memory_space<vmem>>) target_semaphore(%run_scoped3A : memref<!tpu.dma_semaphore, #tpu.memory_space<semaphore_mem>>)
      %dma_wait3A = arith.constant 0 : i32
      %dma_wait3A_30 = arith.constant 0 : i32
      %dma_wait3A_31 = tpu.memref_slice %arg4[%dma_wait3A, %dma_wait3A_30] : memref<128x128xf32, #tpu.memory_space<hbm>> -> memref<128x128xf32, #tpu.memory_space<hbm>>
      %dma_wait3A_32 = arith.constant 0 : i32
      %dma_wait3A_33 = arith.constant 0 : i32
      %dma_wait3A_34 = tpu.memref_slice %arg4[%dma_wait3A_32, %dma_wait3A_33] : memref<128x128xf32, #tpu.memory_space<hbm>> -> memref<128x128xf32, #tpu.memory_space<hbm>>
      tpu.wait_dma2 semaphore(%run_scoped3A : memref<!tpu.dma_semaphore, #tpu.memory_space<semaphore_mem>>) src(%dma_wait3A_34 : memref<128x128xf32, #tpu.memory_space<hbm>>) dst(%arg6 : memref<128x128xf32, #tpu.memory_space<vmem>>)
      tpu.yield
    }) : () -> ()
    %scan3A = arith.constant 0 : i32
    %scan3A_3 = arith.constant 0 : i32
    %scan3A_4 = arith.constant 5 : i32
    %scan3A_5 = arith.addi %scan3A_3, %scan3A_4 : i32
    %scan3A_6 = arith.constant 1 : i32
    scf.for %scan3A_25 = %scan3A_3 to %scan3A_5 step %scan3A_6  : i32 {
      %mul3A_26 = arith.constant 128 : i32
      %mul3A_27 = arith.muli %scan3A_25, %mul3A_26 : i32
      %add3A_28 = arith.addi %mul3A_2, %mul3A_27 : i32
      "tpu.region"() ({
        %run_scoped3A = tpu.sem_alloc : memref<!tpu.dma_semaphore, #tpu.memory_space<semaphore_mem>>
        %dma_start3A = arith.constant 0 : i32
        %dma_start3A_29 = tpu.memref_slice %arg7[%add3A_28, %dma_start3A] : memref<10240x128xf32, #tpu.memory_space<vmem_shared>> -> memref<128x128xf32, #tpu.memory_space<vmem_shared>>
        %dma_start3A_30 = arith.constant 0 : i32
        %dma_start3A_31 = tpu.memref_slice %arg7[%add3A_28, %dma_start3A_30] : memref<10240x128xf32, #tpu.memory_space<vmem_shared>> -> memref<128x128xf32, #tpu.memory_space<vmem_shared>>
        tpu.enqueue_dma source(%arg6 : memref<128x128xf32, #tpu.memory_space<vmem>>) target(%dma_start3A_31 : memref<128x128xf32, #tpu.memory_space<vmem_shared>>) target_semaphore(%run_scoped3A : memref<!tpu.dma_semaphore, #tpu.memory_space<semaphore_mem>>)
        %dma_wait3A = arith.constant 0 : i32
        %dma_wait3A_32 = tpu.memref_slice %arg7[%add3A_28, %dma_wait3A] : memref<10240x128xf32, #tpu.memory_space<vmem_shared>> -> memref<128x128xf32, #tpu.memory_space<vmem_shared>>
        %dma_wait3A_33 = arith.constant 0 : i32
        %dma_wait3A_34 = tpu.memref_slice %arg7[%add3A_28, %dma_wait3A_33] : memref<10240x128xf32, #tpu.memory_space<vmem_shared>> -> memref<128x128xf32, #tpu.memory_space<vmem_shared>>
        tpu.wait_dma2 semaphore(%run_scoped3A : memref<!tpu.dma_semaphore, #tpu.memory_space<semaphore_mem>>) src(%arg6 : memref<128x128xf32, #tpu.memory_space<vmem>>) dst(%dma_wait3A_34 : memref<128x128xf32, #tpu.memory_space<vmem_shared>>)
        tpu.yield
      }) : () -> ()
    }
    %scan3A_7 = arith.constant 5 : i32
    %barrier3A = arith.constant 0 : index
    tpu.barrier barrier_id(%barrier3A)
    %scan3A_8 = arith.constant 0 : i32
    %scan3A_9 = arith.constant 0 : i32
    %scan3A_10 = arith.constant 39 : i32
    %scan3A_11 = arith.addi %scan3A_9, %scan3A_10 : i32
    %scan3A_12 = arith.constant 1 : i32
    scf.for %scan3A_25 = %scan3A_9 to %scan3A_11 step %scan3A_12  : i32 {
      %mul3A_26 = arith.constant 10112 : i32
      %mul3A_27 = arith.muli %add3A, %mul3A_26 : i32
      %mul3A_28 = arith.constant 2 : i32
      %mul3A_29 = arith.muli %mul3A_28, %scan3A_25 : i32
      %mul3A_30 = arith.constant 128 : i32
      %mul3A_31 = arith.muli %mul3A_29, %mul3A_30 : i32
      %add3A_32 = arith.addi %mul3A_27, %mul3A_31 : i32
      %add3A_33 = arith.constant 128 : i32
      %add3A_34 = arith.addi %add3A_32, %add3A_33 : i32
      "tpu.region"() ({
        %run_scoped3A = tpu.sem_alloc : memref<!tpu.dma_semaphore, #tpu.memory_space<semaphore_mem>>
        %dma_start3A_49 = tpu.memref_slice %arg3[%add3A_32] : memref<323584xi32, #tpu.memory_space<hbm>> -> memref<128xi32, #tpu.memory_space<hbm>>
        %dma_start3A_50 = tpu.memref_slice %arg3[%add3A_32] : memref<323584xi32, #tpu.memory_space<hbm>> -> memref<128xi32, #tpu.memory_space<hbm>>
        tpu.enqueue_dma source(%dma_start3A_50 : memref<128xi32, #tpu.memory_space<hbm>>) target(%arg8 : memref<128xi32, #tpu.memory_space<vmem>>) target_semaphore(%run_scoped3A : memref<!tpu.dma_semaphore, #tpu.memory_space<semaphore_mem>>)
        %dma_wait3A_51 = tpu.memref_slice %arg3[%add3A_32] : memref<323584xi32, #tpu.memory_space<hbm>> -> memref<128xi32, #tpu.memory_space<hbm>>
        %dma_wait3A_52 = tpu.memref_slice %arg3[%add3A_32] : memref<323584xi32, #tpu.memory_space<hbm>> -> memref<128xi32, #tpu.memory_space<hbm>>
        tpu.wait_dma2 semaphore(%run_scoped3A : memref<!tpu.dma_semaphore, #tpu.memory_space<semaphore_mem>>) src(%dma_wait3A_52 : memref<128xi32, #tpu.memory_space<hbm>>) dst(%arg8 : memref<128xi32, #tpu.memory_space<vmem>>)
        tpu.yield
      }) : () -> ()
      "tpu.region"() ({
        %run_scoped3A = tpu.sem_alloc : memref<!tpu.dma_semaphore, #tpu.memory_space<semaphore_mem>>
        %dma_start3A_49 = tpu.memref_slice %arg3[%add3A_34] : memref<323584xi32, #tpu.memory_space<hbm>> -> memref<128xi32, #tpu.memory_space<hbm>>
        %dma_start3A_50 = tpu.memref_slice %arg3[%add3A_34] : memref<323584xi32, #tpu.memory_space<hbm>> -> memref<128xi32, #tpu.memory_space<hbm>>
        tpu.enqueue_dma source(%dma_start3A_50 : memref<128xi32, #tpu.memory_space<hbm>>) target(%arg10 : memref<128xi32, #tpu.memory_space<vmem>>) target_semaphore(%run_scoped3A : memref<!tpu.dma_semaphore, #tpu.memory_space<semaphore_mem>>)
        %dma_wait3A_51 = tpu.memref_slice %arg3[%add3A_34] : memref<323584xi32, #tpu.memory_space<hbm>> -> memref<128xi32, #tpu.memory_space<hbm>>
        %dma_wait3A_52 = tpu.memref_slice %arg3[%add3A_34] : memref<323584xi32, #tpu.memory_space<hbm>> -> memref<128xi32, #tpu.memory_space<hbm>>
        tpu.wait_dma2 semaphore(%run_scoped3A : memref<!tpu.dma_semaphore, #tpu.memory_space<semaphore_mem>>) src(%dma_wait3A_52 : memref<128xi32, #tpu.memory_space<hbm>>) dst(%arg10 : memref<128xi32, #tpu.memory_space<vmem>>)
        tpu.yield
      }) : () -> ()
      %dma_start3A = arith.constant 0 : i32
      %dma_start3A_35 = tpu.memref_slice %arg2[%add3A_32, %dma_start3A] : memref<323584x128xf32, #tpu.memory_space<hbm>> -> memref<128x128xf32, #tpu.memory_space<hbm>>
      %dma_start3A_36 = arith.constant 0 : i32
      %dma_start3A_37 = tpu.memref_slice %arg2[%add3A_32, %dma_start3A_36] : memref<323584x128xf32, #tpu.memory_space<hbm>> -> memref<128x128xf32, #tpu.memory_space<hbm>>
      tpu.enqueue_dma source(%dma_start3A_37 : memref<128x128xf32, #tpu.memory_space<hbm>>) target(%arg6 : memref<128x128xf32, #tpu.memory_space<vmem>>) target_semaphore(%arg11 : memref<!tpu.dma_semaphore, #tpu.memory_space<semaphore_mem>>)
      %dma_start3A_38 = arith.constant 0 : i32
      %dma_start3A_39 = tpu.memref_slice %arg2[%add3A_34, %dma_start3A_38] : memref<323584x128xf32, #tpu.memory_space<hbm>> -> memref<128x128xf32, #tpu.memory_space<hbm>>
      %dma_start3A_40 = arith.constant 0 : i32
      %dma_start3A_41 = tpu.memref_slice %arg2[%add3A_34, %dma_start3A_40] : memref<323584x128xf32, #tpu.memory_space<hbm>> -> memref<128x128xf32, #tpu.memory_space<hbm>>
      tpu.enqueue_dma source(%dma_start3A_41 : memref<128x128xf32, #tpu.memory_space<hbm>>) target(%arg9 : memref<128x128xf32, #tpu.memory_space<vmem>>) target_semaphore(%arg12 : memref<!tpu.dma_semaphore, #tpu.memory_space<semaphore_mem>>)
      %dma_wait3A = arith.constant 0 : i32
      %dma_wait3A_42 = tpu.memref_slice %arg2[%add3A_32, %dma_wait3A] : memref<323584x128xf32, #tpu.memory_space<hbm>> -> memref<128x128xf32, #tpu.memory_space<hbm>>
      %dma_wait3A_43 = arith.constant 0 : i32
      %dma_wait3A_44 = tpu.memref_slice %arg2[%add3A_32, %dma_wait3A_43] : memref<323584x128xf32, #tpu.memory_space<hbm>> -> memref<128x128xf32, #tpu.memory_space<hbm>>
      tpu.wait_dma2 semaphore(%arg11 : memref<!tpu.dma_semaphore, #tpu.memory_space<semaphore_mem>>) src(%dma_wait3A_44 : memref<128x128xf32, #tpu.memory_space<hbm>>) dst(%arg6 : memref<128x128xf32, #tpu.memory_space<vmem>>)
      "tpu.region"() ({
        %run_scoped3A = tpu.sem_alloc : memref<!tpu.dma_semaphore, #tpu.memory_space<semaphore_mem>>
        %dma_start3A_49 = arith.constant 0 : i32
        %dma_start3A_50 = arith.constant 0 : i32
        %dma_start3A_51 = tpu.memref_slice %arg7[%dma_start3A_49, %dma_start3A_50] : memref<10240x128xf32, #tpu.memory_space<vmem_shared>> -> memref<10240x128xf32, #tpu.memory_space<vmem_shared>>
        tpu.enqueue_indirect_dma source(%arg6 : memref<128x128xf32, #tpu.memory_space<vmem>>) target(%dma_start3A_51 : memref<10240x128xf32, #tpu.memory_space<vmem_shared>>) offsets(%arg8 : memref<128xi32, #tpu.memory_space<vmem>>) semaphore(%run_scoped3A : memref<!tpu.dma_semaphore, #tpu.memory_space<semaphore_mem>>) {add = true}
        %dma_wait3A_52 = arith.constant 0 : i32
        %dma_wait3A_53 = arith.constant 0 : i32
        %dma_wait3A_54 = tpu.memref_slice %arg7[%dma_wait3A_52, %dma_wait3A_53] : memref<10240x128xf32, #tpu.memory_space<vmem_shared>> -> memref<10240x128xf32, #tpu.memory_space<vmem_shared>>
        tpu.wait_indirect_dma semaphore(%run_scoped3A : memref<!tpu.dma_semaphore, #tpu.memory_space<semaphore_mem>>) src(%arg6 : memref<128x128xf32, #tpu.memory_space<vmem>>) dst(%dma_wait3A_54 : memref<10240x128xf32, #tpu.memory_space<vmem_shared>>)
        tpu.yield
      }) : () -> ()
      %dma_wait3A_45 = arith.constant 0 : i32
      %dma_wait3A_46 = tpu.memref_slice %arg2[%add3A_34, %dma_wait3A_45] : memref<323584x128xf32, #tpu.memory_space<hbm>> -> memref<128x128xf32, #tpu.memory_space<hbm>>
      %dma_wait3A_47 = arith.constant 0 : i32
      %dma_wait3A_48 = tpu.memref_slice %arg2[%add3A_34, %dma_wait3A_47] : memref<323584x128xf32, #tpu.memory_space<hbm>> -> memref<128x128xf32, #tpu.memory_space<hbm>>
      tpu.wait_dma2 semaphore(%arg12 : memref<!tpu.dma_semaphore, #tpu.memory_space<semaphore_mem>>) src(%dma_wait3A_48 : memref<128x128xf32, #tpu.memory_space<hbm>>) dst(%arg9 : memref<128x128xf32, #tpu.memory_space<vmem>>)
      "tpu.region"() ({
        %run_scoped3A = tpu.sem_alloc : memref<!tpu.dma_semaphore, #tpu.memory_space<semaphore_mem>>
        %dma_start3A_49 = arith.constant 0 : i32
        %dma_start3A_50 = arith.constant 0 : i32
        %dma_start3A_51 = tpu.memref_slice %arg7[%dma_start3A_49, %dma_start3A_50] : memref<10240x128xf32, #tpu.memory_space<vmem_shared>> -> memref<10240x128xf32, #tpu.memory_space<vmem_shared>>
        tpu.enqueue_indirect_dma source(%arg9 : memref<128x128xf32, #tpu.memory_space<vmem>>) target(%dma_start3A_51 : memref<10240x128xf32, #tpu.memory_space<vmem_shared>>) offsets(%arg10 : memref<128xi32, #tpu.memory_space<vmem>>) semaphore(%run_scoped3A : memref<!tpu.dma_semaphore, #tpu.memory_space<semaphore_mem>>) {add = true}
        %dma_wait3A_52 = arith.constant 0 : i32
        %dma_wait3A_53 = arith.constant 0 : i32
        %dma_wait3A_54 = tpu.memref_slice %arg7[%dma_wait3A_52, %dma_wait3A_53] : memref<10240x128xf32, #tpu.memory_space<vmem_shared>> -> memref<10240x128xf32, #tpu.memory_space<vmem_shared>>
        tpu.wait_indirect_dma semaphore(%run_scoped3A : memref<!tpu.dma_semaphore, #tpu.memory_space<semaphore_mem>>) src(%arg9 : memref<128x128xf32, #tpu.memory_space<vmem>>) dst(%dma_wait3A_54 : memref<10240x128xf32, #tpu.memory_space<vmem_shared>>)
        tpu.yield
      }) : () -> ()
    }
    %scan3A_13 = arith.constant 39 : i32
    %mul3A_14 = arith.constant 10112 : i32
    %mul3A_15 = arith.muli %add3A, %mul3A_14 : i32
    %add3A_16 = arith.constant 9984 : i32
    %add3A_17 = arith.addi %mul3A_15, %add3A_16 : i32
    "tpu.region"() ({
      %run_scoped3A = tpu.sem_alloc : memref<!tpu.dma_semaphore, #tpu.memory_space<semaphore_mem>>
      %dma_start3A = tpu.memref_slice %arg3[%add3A_17] : memref<323584xi32, #tpu.memory_space<hbm>> -> memref<128xi32, #tpu.memory_space<hbm>>
      %dma_start3A_25 = tpu.memref_slice %arg3[%add3A_17] : memref<323584xi32, #tpu.memory_space<hbm>> -> memref<128xi32, #tpu.memory_space<hbm>>
      tpu.enqueue_dma source(%dma_start3A_25 : memref<128xi32, #tpu.memory_space<hbm>>) target(%arg8 : memref<128xi32, #tpu.memory_space<vmem>>) target_semaphore(%run_scoped3A : memref<!tpu.dma_semaphore, #tpu.memory_space<semaphore_mem>>)
      %dma_wait3A = tpu.memref_slice %arg3[%add3A_17] : memref<323584xi32, #tpu.memory_space<hbm>> -> memref<128xi32, #tpu.memory_space<hbm>>
      %dma_wait3A_26 = tpu.memref_slice %arg3[%add3A_17] : memref<323584xi32, #tpu.memory_space<hbm>> -> memref<128xi32, #tpu.memory_space<hbm>>
      tpu.wait_dma2 semaphore(%run_scoped3A : memref<!tpu.dma_semaphore, #tpu.memory_space<semaphore_mem>>) src(%dma_wait3A_26 : memref<128xi32, #tpu.memory_space<hbm>>) dst(%arg8 : memref<128xi32, #tpu.memory_space<vmem>>)
      tpu.yield
    }) : () -> ()
    "tpu.region"() ({
      %run_scoped3A = tpu.sem_alloc : memref<!tpu.dma_semaphore, #tpu.memory_space<semaphore_mem>>
      %dma_start3A = arith.constant 0 : i32
      %dma_start3A_25 = tpu.memref_slice %arg2[%add3A_17, %dma_start3A] : memref<323584x128xf32, #tpu.memory_space<hbm>> -> memref<128x128xf32, #tpu.memory_space<hbm>>
      %dma_start3A_26 = arith.constant 0 : i32
      %dma_start3A_27 = tpu.memref_slice %arg2[%add3A_17, %dma_start3A_26] : memref<323584x128xf32, #tpu.memory_space<hbm>> -> memref<128x128xf32, #tpu.memory_space<hbm>>
      tpu.enqueue_dma source(%dma_start3A_27 : memref<128x128xf32, #tpu.memory_space<hbm>>) target(%arg6 : memref<128x128xf32, #tpu.memory_space<vmem>>) target_semaphore(%run_scoped3A : memref<!tpu.dma_semaphore, #tpu.memory_space<semaphore_mem>>)
      %dma_wait3A = arith.constant 0 : i32
      %dma_wait3A_28 = tpu.memref_slice %arg2[%add3A_17, %dma_wait3A] : memref<323584x128xf32, #tpu.memory_space<hbm>> -> memref<128x128xf32, #tpu.memory_space<hbm>>
      %dma_wait3A_29 = arith.constant 0 : i32
      %dma_wait3A_30 = tpu.memref_slice %arg2[%add3A_17, %dma_wait3A_29] : memref<323584x128xf32, #tpu.memory_space<hbm>> -> memref<128x128xf32, #tpu.memory_space<hbm>>
      tpu.wait_dma2 semaphore(%run_scoped3A : memref<!tpu.dma_semaphore, #tpu.memory_space<semaphore_mem>>) src(%dma_wait3A_30 : memref<128x128xf32, #tpu.memory_space<hbm>>) dst(%arg6 : memref<128x128xf32, #tpu.memory_space<vmem>>)
      tpu.yield
    }) : () -> ()
    "tpu.region"() ({
      %run_scoped3A = tpu.sem_alloc : memref<!tpu.dma_semaphore, #tpu.memory_space<semaphore_mem>>
      %dma_start3A = arith.constant 0 : i32
      %dma_start3A_25 = arith.constant 0 : i32
      %dma_start3A_26 = tpu.memref_slice %arg7[%dma_start3A, %dma_start3A_25] : memref<10240x128xf32, #tpu.memory_space<vmem_shared>> -> memref<10240x128xf32, #tpu.memory_space<vmem_shared>>
      tpu.enqueue_indirect_dma source(%arg6 : memref<128x128xf32, #tpu.memory_space<vmem>>) target(%dma_start3A_26 : memref<10240x128xf32, #tpu.memory_space<vmem_shared>>) offsets(%arg8 : memref<128xi32, #tpu.memory_space<vmem>>) semaphore(%run_scoped3A : memref<!tpu.dma_semaphore, #tpu.memory_space<semaphore_mem>>) {add = true}
      %dma_wait3A = arith.constant 0 : i32
      %dma_wait3A_27 = arith.constant 0 : i32
      %dma_wait3A_28 = tpu.memref_slice %arg7[%dma_wait3A, %dma_wait3A_27] : memref<10240x128xf32, #tpu.memory_space<vmem_shared>> -> memref<10240x128xf32, #tpu.memory_space<vmem_shared>>
      tpu.wait_indirect_dma semaphore(%run_scoped3A : memref<!tpu.dma_semaphore, #tpu.memory_space<semaphore_mem>>) src(%arg6 : memref<128x128xf32, #tpu.memory_space<vmem>>) dst(%dma_wait3A_28 : memref<10240x128xf32, #tpu.memory_space<vmem_shared>>)
      tpu.yield
    }) : () -> ()
    %barrier3A_18 = arith.constant 0 : index
    tpu.barrier barrier_id(%barrier3A_18)
    %scan3A_19 = arith.constant 0 : i32
    %scan3A_20 = arith.constant 0 : i32
    %scan3A_21 = arith.constant 5 : i32
    %scan3A_22 = arith.addi %scan3A_20, %scan3A_21 : i32
    %scan3A_23 = arith.constant 1 : i32
    scf.for %scan3A_25 = %scan3A_20 to %scan3A_22 step %scan3A_23  : i32 {
      %mul3A_26 = arith.constant 128 : i32
      %mul3A_27 = arith.muli %scan3A_25, %mul3A_26 : i32
      %add3A_28 = arith.addi %mul3A_2, %mul3A_27 : i32
      "tpu.region"() ({
        %run_scoped3A = tpu.sem_alloc : memref<!tpu.dma_semaphore, #tpu.memory_space<semaphore_mem>>
        %dma_start3A = arith.constant 0 : i32
        %dma_start3A_35 = tpu.memref_slice %arg7[%add3A_28, %dma_start3A] : memref<10240x128xf32, #tpu.memory_space<vmem_shared>> -> memref<128x128xf32, #tpu.memory_space<vmem_shared>>
        %dma_start3A_36 = arith.constant 0 : i32
        %dma_start3A_37 = tpu.memref_slice %arg7[%add3A_28, %dma_start3A_36] : memref<10240x128xf32, #tpu.memory_space<vmem_shared>> -> memref<128x128xf32, #tpu.memory_space<vmem_shared>>
        tpu.enqueue_dma source(%dma_start3A_37 : memref<128x128xf32, #tpu.memory_space<vmem_shared>>) target(%arg6 : memref<128x128xf32, #tpu.memory_space<vmem>>) target_semaphore(%run_scoped3A : memref<!tpu.dma_semaphore, #tpu.memory_space<semaphore_mem>>)
        %dma_wait3A = arith.constant 0 : i32
        %dma_wait3A_38 = tpu.memref_slice %arg7[%add3A_28, %dma_wait3A] : memref<10240x128xf32, #tpu.memory_space<vmem_shared>> -> memref<128x128xf32, #tpu.memory_space<vmem_shared>>
        %dma_wait3A_39 = arith.constant 0 : i32
        %dma_wait3A_40 = tpu.memref_slice %arg7[%add3A_28, %dma_wait3A_39] : memref<10240x128xf32, #tpu.memory_space<vmem_shared>> -> memref<128x128xf32, #tpu.memory_space<vmem_shared>>
        tpu.wait_dma2 semaphore(%run_scoped3A : memref<!tpu.dma_semaphore, #tpu.memory_space<semaphore_mem>>) src(%dma_wait3A_40 : memref<128x128xf32, #tpu.memory_space<vmem_shared>>) dst(%arg6 : memref<128x128xf32, #tpu.memory_space<vmem>>)
        tpu.yield
      }) : () -> ()
      %mul3A_29 = arith.constant 10240 : i32
      %mul3A_30 = arith.muli %arg0, %mul3A_29 : i32
      %add3A_31 = arith.addi %mul3A_30, %mul3A_2 : i32
      %mul3A_32 = arith.constant 128 : i32
      %mul3A_33 = arith.muli %scan3A_25, %mul3A_32 : i32
      %add3A_34 = arith.addi %add3A_31, %mul3A_33 : i32
      "tpu.region"() ({
        %run_scoped3A = tpu.sem_alloc : memref<!tpu.dma_semaphore, #tpu.memory_space<semaphore_mem>>
        %dma_start3A = arith.constant 0 : i32
        %dma_start3A_35 = tpu.memref_slice %arg5[%add3A_34, %dma_start3A] : memref<20480x128xf32, #tpu.memory_space<hbm>> -> memref<128x128xf32, #tpu.memory_space<hbm>>
        %dma_start3A_36 = arith.constant 0 : i32
        %dma_start3A_37 = tpu.memref_slice %arg5[%add3A_34, %dma_start3A_36] : memref<20480x128xf32, #tpu.memory_space<hbm>> -> memref<128x128xf32, #tpu.memory_space<hbm>>
        tpu.enqueue_dma source(%arg6 : memref<128x128xf32, #tpu.memory_space<vmem>>) target(%dma_start3A_37 : memref<128x128xf32, #tpu.memory_space<hbm>>) target_semaphore(%run_scoped3A : memref<!tpu.dma_semaphore, #tpu.memory_space<semaphore_mem>>)
        %dma_wait3A = arith.constant 0 : i32
        %dma_wait3A_38 = tpu.memref_slice %arg5[%add3A_34, %dma_wait3A] : memref<20480x128xf32, #tpu.memory_space<hbm>> -> memref<128x128xf32, #tpu.memory_space<hbm>>
        %dma_wait3A_39 = arith.constant 0 : i32
        %dma_wait3A_40 = tpu.memref_slice %arg5[%add3A_34, %dma_wait3A_39] : memref<20480x128xf32, #tpu.memory_space<hbm>> -> memref<128x128xf32, #tpu.memory_space<hbm>>
        tpu.wait_dma2 semaphore(%run_scoped3A : memref<!tpu.dma_semaphore, #tpu.memory_space<semaphore_mem>>) src(%arg6 : memref<128x128xf32, #tpu.memory_space<vmem>>) dst(%dma_wait3A_40 : memref<128x128xf32, #tpu.memory_space<hbm>>)
        tpu.yield
      }) : () -> ()
    }
    %scan3A_24 = arith.constant 5 : i32
    return
  }
}

#map = affine_map<(d0, d1) -> (0, 0)>
#map1 = affine_map<(d0, d1) -> (0)>
module attributes {stable_mosaic.version = 14 : i64} {
  func.func @sc_scatter(%arg0: i32, %arg1: i32, %arg2: memref<323584x128xf32, #tpu.memory_space<hbm>>, %arg3: memref<323584xi32, #tpu.memory_space<hbm>>, %arg4: memref<128x128xf32, #tpu.memory_space<hbm>>, %arg5: memref<20480x128xf32, #tpu.memory_space<hbm>>, %arg6: memref<128x128xf32, #tpu.memory_space<vmem>>, %arg7: memref<10240x128xf32, #tpu.memory_space<vmem_shared>>, %arg8: memref<128xi32, #tpu.memory_space<vmem>>, %arg9: memref<128x128xf32, #tpu.memory_space<vmem>>, %arg10: memref<128xi32, #tpu.memory_space<vmem>>, %arg11: memref<!tpu.dma_semaphore, #tpu.memory_space<semaphore_mem>>, %arg12: memref<!tpu.dma_semaphore, #tpu.memory_space<semaphore_mem>>) attributes {dimension_semantics = [#tpu.dimension_semantics<core_parallel>, #tpu.dimension_semantics<subcore_parallel>], iteration_bounds = array<i64: 2, 16>, scalar_prefetch = 0 : i64, scratch_operands = 7 : i64, tpu.core_type = #tpu.core_type<sc_vector_subcore>, window_params = [{transform_indices = #map}, {transform_indices = #map1}, {transform_indices = #map}, {transform_indices = #map}]} {
    %mul3A = arith.constant 2 : i32
    %mul3A_0 = arith.muli %arg1, %mul3A : i32
    %add3A = arith.addi %mul3A_0, %arg0 : i32
    %mul3A_1 = arith.constant 640 : i32
    %mul3A_2 = arith.muli %arg1, %mul3A_1 : i32
    "tpu.region"() ({
      %run_scoped3A = tpu.sem_alloc : memref<!tpu.dma_semaphore, #tpu.memory_space<semaphore_mem>>
      %dma_start3A = arith.constant 0 : i32
      %dma_start3A_25 = arith.constant 0 : i32
      %dma_start3A_26 = tpu.memref_slice %arg4[%dma_start3A, %dma_start3A_25] : memref<128x128xf32, #tpu.memory_space<hbm>> -> memref<128x128xf32, #tpu.memory_space<hbm>>
      %dma_start3A_27 = arith.constant 0 : i32
      %dma_start3A_28 = arith.constant 0 : i32
      %dma_start3A_29 = tpu.memref_slice %arg4[%dma_start3A_27, %dma_start3A_28] : memref<128x128xf32, #tpu.memory_space<hbm>> -> memref<128x128xf32, #tpu.memory_space<hbm>>
      tpu.enqueue_dma source(%dma_start3A_29 : memref<128x128xf32, #tpu.memory_space<hbm>>) target(%arg6 : memref<128x128xf32, #tpu.memory_space<vmem>>) target_semaphore(%run_scoped3A : memref<!tpu.dma_semaphore, #tpu.memory_space<semaphore_mem>>)
      %dma_wait3A = arith.constant 0 : i32
      %dma_wait3A_30 = arith.constant 0 : i32
      %dma_wait3A_31 = tpu.memref_slice %arg4[%dma_wait3A, %dma_wait3A_30] : memref<128x128xf32, #tpu.memory_space<hbm>> -> memref<128x128xf32, #tpu.memory_space<hbm>>
      %dma_wait3A_32 = arith.constant 0 : i32
      %dma_wait3A_33 = arith.constant 0 : i32
      %dma_wait3A_34 = tpu.memref_slice %arg4[%dma_wait3A_32, %dma_wait3A_33] : memref<128x128xf32, #tpu.memory_space<hbm>> -> memref<128x128xf32, #tpu.memory_space<hbm>>
      tpu.wait_dma2 semaphore(%run_scoped3A : memref<!tpu.dma_semaphore, #tpu.memory_space<semaphore_mem>>) src(%dma_wait3A_34 : memref<128x128xf32, #tpu.memory_space<hbm>>) dst(%arg6 : memref<128x128xf32, #tpu.memory_space<vmem>>)
      tpu.yield
    }) : () -> ()
    %scan3A = arith.constant 0 : i32
    %scan3A_3 = arith.constant 0 : i32
    %scan3A_4 = arith.constant 5 : i32
    %scan3A_5 = arith.addi %scan3A_3, %scan3A_4 : i32
    %scan3A_6 = arith.constant 1 : i32
    scf.for %scan3A_25 = %scan3A_3 to %scan3A_5 step %scan3A_6  : i32 {
      %mul3A_26 = arith.constant 128 : i32
      %mul3A_27 = arith.muli %scan3A_25, %mul3A_26 : i32
      %add3A_28 = arith.addi %mul3A_2, %mul3A_27 : i32
      "tpu.region"() ({
        %run_scoped3A = tpu.sem_alloc : memref<!tpu.dma_semaphore, #tpu.memory_space<semaphore_mem>>
        %dma_start3A = arith.constant 0 : i32
        %dma_start3A_29 = tpu.memref_slice %arg7[%add3A_28, %dma_start3A] : memref<10240x128xf32, #tpu.memory_space<vmem_shared>> -> memref<128x128xf32, #tpu.memory_space<vmem_shared>>
        %dma_start3A_30 = arith.constant 0 : i32
        %dma_start3A_31 = tpu.memref_slice %arg7[%add3A_28, %dma_start3A_30] : memref<10240x128xf32, #tpu.memory_space<vmem_shared>> -> memref<128x128xf32, #tpu.memory_space<vmem_shared>>
        tpu.enqueue_dma source(%arg6 : memref<128x128xf32, #tpu.memory_space<vmem>>) target(%dma_start3A_31 : memref<128x128xf32, #tpu.memory_space<vmem_shared>>) target_semaphore(%run_scoped3A : memref<!tpu.dma_semaphore, #tpu.memory_space<semaphore_mem>>)
        %dma_wait3A = arith.constant 0 : i32
        %dma_wait3A_32 = tpu.memref_slice %arg7[%add3A_28, %dma_wait3A] : memref<10240x128xf32, #tpu.memory_space<vmem_shared>> -> memref<128x128xf32, #tpu.memory_space<vmem_shared>>
        %dma_wait3A_33 = arith.constant 0 : i32
        %dma_wait3A_34 = tpu.memref_slice %arg7[%add3A_28, %dma_wait3A_33] : memref<10240x128xf32, #tpu.memory_space<vmem_shared>> -> memref<128x128xf32, #tpu.memory_space<vmem_shared>>
        tpu.wait_dma2 semaphore(%run_scoped3A : memref<!tpu.dma_semaphore, #tpu.memory_space<semaphore_mem>>) src(%arg6 : memref<128x128xf32, #tpu.memory_space<vmem>>) dst(%dma_wait3A_34 : memref<128x128xf32, #tpu.memory_space<vmem_shared>>)
        tpu.yield
      }) : () -> ()
    }
    %scan3A_7 = arith.constant 5 : i32
    %barrier3A = arith.constant 0 : index
    tpu.barrier barrier_id(%barrier3A)
    %scan3A_8 = arith.constant 0 : i32
    %scan3A_9 = arith.constant 0 : i32
    %scan3A_10 = arith.constant 39 : i32
    %scan3A_11 = arith.addi %scan3A_9, %scan3A_10 : i32
    %scan3A_12 = arith.constant 1 : i32
    scf.for %scan3A_25 = %scan3A_9 to %scan3A_11 step %scan3A_12  : i32 {
      %mul3A_26 = arith.constant 10112 : i32
      %mul3A_27 = arith.muli %add3A, %mul3A_26 : i32
      %mul3A_28 = arith.constant 2 : i32
      %mul3A_29 = arith.muli %mul3A_28, %scan3A_25 : i32
      %mul3A_30 = arith.constant 128 : i32
      %mul3A_31 = arith.muli %mul3A_29, %mul3A_30 : i32
      %add3A_32 = arith.addi %mul3A_27, %mul3A_31 : i32
      %add3A_33 = arith.constant 128 : i32
      %add3A_34 = arith.addi %add3A_32, %add3A_33 : i32
      "tpu.region"() ({
        %run_scoped3A = tpu.sem_alloc : memref<!tpu.dma_semaphore, #tpu.memory_space<semaphore_mem>>
        %dma_start3A_49 = tpu.memref_slice %arg3[%add3A_32] : memref<323584xi32, #tpu.memory_space<hbm>> -> memref<128xi32, #tpu.memory_space<hbm>>
        %dma_start3A_50 = tpu.memref_slice %arg3[%add3A_32] : memref<323584xi32, #tpu.memory_space<hbm>> -> memref<128xi32, #tpu.memory_space<hbm>>
        tpu.enqueue_dma source(%dma_start3A_50 : memref<128xi32, #tpu.memory_space<hbm>>) target(%arg8 : memref<128xi32, #tpu.memory_space<vmem>>) target_semaphore(%run_scoped3A : memref<!tpu.dma_semaphore, #tpu.memory_space<semaphore_mem>>)
        %dma_wait3A_51 = tpu.memref_slice %arg3[%add3A_32] : memref<323584xi32, #tpu.memory_space<hbm>> -> memref<128xi32, #tpu.memory_space<hbm>>
        %dma_wait3A_52 = tpu.memref_slice %arg3[%add3A_32] : memref<323584xi32, #tpu.memory_space<hbm>> -> memref<128xi32, #tpu.memory_space<hbm>>
        tpu.wait_dma2 semaphore(%run_scoped3A : memref<!tpu.dma_semaphore, #tpu.memory_space<semaphore_mem>>) src(%dma_wait3A_52 : memref<128xi32, #tpu.memory_space<hbm>>) dst(%arg8 : memref<128xi32, #tpu.memory_space<vmem>>)
        tpu.yield
      }) : () -> ()
      "tpu.region"() ({
        %run_scoped3A = tpu.sem_alloc : memref<!tpu.dma_semaphore, #tpu.memory_space<semaphore_mem>>
        %dma_start3A_49 = tpu.memref_slice %arg3[%add3A_34] : memref<323584xi32, #tpu.memory_space<hbm>> -> memref<128xi32, #tpu.memory_space<hbm>>
        %dma_start3A_50 = tpu.memref_slice %arg3[%add3A_34] : memref<323584xi32, #tpu.memory_space<hbm>> -> memref<128xi32, #tpu.memory_space<hbm>>
        tpu.enqueue_dma source(%dma_start3A_50 : memref<128xi32, #tpu.memory_space<hbm>>) target(%arg10 : memref<128xi32, #tpu.memory_space<vmem>>) target_semaphore(%run_scoped3A : memref<!tpu.dma_semaphore, #tpu.memory_space<semaphore_mem>>)
        %dma_wait3A_51 = tpu.memref_slice %arg3[%add3A_34] : memref<323584xi32, #tpu.memory_space<hbm>> -> memref<128xi32, #tpu.memory_space<hbm>>
        %dma_wait3A_52 = tpu.memref_slice %arg3[%add3A_34] : memref<323584xi32, #tpu.memory_space<hbm>> -> memref<128xi32, #tpu.memory_space<hbm>>
        tpu.wait_dma2 semaphore(%run_scoped3A : memref<!tpu.dma_semaphore, #tpu.memory_space<semaphore_mem>>) src(%dma_wait3A_52 : memref<128xi32, #tpu.memory_space<hbm>>) dst(%arg10 : memref<128xi32, #tpu.memory_space<vmem>>)
        tpu.yield
      }) : () -> ()
      %dma_start3A = arith.constant 0 : i32
      %dma_start3A_35 = tpu.memref_slice %arg2[%add3A_32, %dma_start3A] : memref<323584x128xf32, #tpu.memory_space<hbm>> -> memref<128x128xf32, #tpu.memory_space<hbm>>
      %dma_start3A_36 = arith.constant 0 : i32
      %dma_start3A_37 = tpu.memref_slice %arg2[%add3A_32, %dma_start3A_36] : memref<323584x128xf32, #tpu.memory_space<hbm>> -> memref<128x128xf32, #tpu.memory_space<hbm>>
      tpu.enqueue_dma source(%dma_start3A_37 : memref<128x128xf32, #tpu.memory_space<hbm>>) target(%arg6 : memref<128x128xf32, #tpu.memory_space<vmem>>) target_semaphore(%arg11 : memref<!tpu.dma_semaphore, #tpu.memory_space<semaphore_mem>>)
      %dma_start3A_38 = arith.constant 0 : i32
      %dma_start3A_39 = tpu.memref_slice %arg2[%add3A_34, %dma_start3A_38] : memref<323584x128xf32, #tpu.memory_space<hbm>> -> memref<128x128xf32, #tpu.memory_space<hbm>>
      %dma_start3A_40 = arith.constant 0 : i32
      %dma_start3A_41 = tpu.memref_slice %arg2[%add3A_34, %dma_start3A_40] : memref<323584x128xf32, #tpu.memory_space<hbm>> -> memref<128x128xf32, #tpu.memory_space<hbm>>
      tpu.enqueue_dma source(%dma_start3A_41 : memref<128x128xf32, #tpu.memory_space<hbm>>) target(%arg9 : memref<128x128xf32, #tpu.memory_space<vmem>>) target_semaphore(%arg12 : memref<!tpu.dma_semaphore, #tpu.memory_space<semaphore_mem>>)
      %dma_wait3A = arith.constant 0 : i32
      %dma_wait3A_42 = tpu.memref_slice %arg2[%add3A_32, %dma_wait3A] : memref<323584x128xf32, #tpu.memory_space<hbm>> -> memref<128x128xf32, #tpu.memory_space<hbm>>
      %dma_wait3A_43 = arith.constant 0 : i32
      %dma_wait3A_44 = tpu.memref_slice %arg2[%add3A_32, %dma_wait3A_43] : memref<323584x128xf32, #tpu.memory_space<hbm>> -> memref<128x128xf32, #tpu.memory_space<hbm>>
      tpu.wait_dma2 semaphore(%arg11 : memref<!tpu.dma_semaphore, #tpu.memory_space<semaphore_mem>>) src(%dma_wait3A_44 : memref<128x128xf32, #tpu.memory_space<hbm>>) dst(%arg6 : memref<128x128xf32, #tpu.memory_space<vmem>>)
      "tpu.region"() ({
        %run_scoped3A = tpu.sem_alloc : memref<!tpu.dma_semaphore, #tpu.memory_space<semaphore_mem>>
        %dma_start3A_49 = arith.constant 0 : i32
        %dma_start3A_50 = arith.constant 0 : i32
        %dma_start3A_51 = tpu.memref_slice %arg7[%dma_start3A_49, %dma_start3A_50] : memref<10240x128xf32, #tpu.memory_space<vmem_shared>> -> memref<10240x128xf32, #tpu.memory_space<vmem_shared>>
        tpu.enqueue_indirect_dma source(%arg6 : memref<128x128xf32, #tpu.memory_space<vmem>>) target(%dma_start3A_51 : memref<10240x128xf32, #tpu.memory_space<vmem_shared>>) offsets(%arg8 : memref<128xi32, #tpu.memory_space<vmem>>) semaphore(%run_scoped3A : memref<!tpu.dma_semaphore, #tpu.memory_space<semaphore_mem>>) {add = true}
        %dma_wait3A_52 = arith.constant 0 : i32
        %dma_wait3A_53 = arith.constant 0 : i32
        %dma_wait3A_54 = tpu.memref_slice %arg7[%dma_wait3A_52, %dma_wait3A_53] : memref<10240x128xf32, #tpu.memory_space<vmem_shared>> -> memref<10240x128xf32, #tpu.memory_space<vmem_shared>>
        tpu.wait_indirect_dma semaphore(%run_scoped3A : memref<!tpu.dma_semaphore, #tpu.memory_space<semaphore_mem>>) src(%arg6 : memref<128x128xf32, #tpu.memory_space<vmem>>) dst(%dma_wait3A_54 : memref<10240x128xf32, #tpu.memory_space<vmem_shared>>)
        tpu.yield
      }) : () -> ()
      %dma_wait3A_45 = arith.constant 0 : i32
      %dma_wait3A_46 = tpu.memref_slice %arg2[%add3A_34, %dma_wait3A_45] : memref<323584x128xf32, #tpu.memory_space<hbm>> -> memref<128x128xf32, #tpu.memory_space<hbm>>
      %dma_wait3A_47 = arith.constant 0 : i32
      %dma_wait3A_48 = tpu.memref_slice %arg2[%add3A_34, %dma_wait3A_47] : memref<323584x128xf32, #tpu.memory_space<hbm>> -> memref<128x128xf32, #tpu.memory_space<hbm>>
      tpu.wait_dma2 semaphore(%arg12 : memref<!tpu.dma_semaphore, #tpu.memory_space<semaphore_mem>>) src(%dma_wait3A_48 : memref<128x128xf32, #tpu.memory_space<hbm>>) dst(%arg9 : memref<128x128xf32, #tpu.memory_space<vmem>>)
      "tpu.region"() ({
        %run_scoped3A = tpu.sem_alloc : memref<!tpu.dma_semaphore, #tpu.memory_space<semaphore_mem>>
        %dma_start3A_49 = arith.constant 0 : i32
        %dma_start3A_50 = arith.constant 0 : i32
        %dma_start3A_51 = tpu.memref_slice %arg7[%dma_start3A_49, %dma_start3A_50] : memref<10240x128xf32, #tpu.memory_space<vmem_shared>> -> memref<10240x128xf32, #tpu.memory_space<vmem_shared>>
        tpu.enqueue_indirect_dma source(%arg9 : memref<128x128xf32, #tpu.memory_space<vmem>>) target(%dma_start3A_51 : memref<10240x128xf32, #tpu.memory_space<vmem_shared>>) offsets(%arg10 : memref<128xi32, #tpu.memory_space<vmem>>) semaphore(%run_scoped3A : memref<!tpu.dma_semaphore, #tpu.memory_space<semaphore_mem>>) {add = true}
        %dma_wait3A_52 = arith.constant 0 : i32
        %dma_wait3A_53 = arith.constant 0 : i32
        %dma_wait3A_54 = tpu.memref_slice %arg7[%dma_wait3A_52, %dma_wait3A_53] : memref<10240x128xf32, #tpu.memory_space<vmem_shared>> -> memref<10240x128xf32, #tpu.memory_space<vmem_shared>>
        tpu.wait_indirect_dma semaphore(%run_scoped3A : memref<!tpu.dma_semaphore, #tpu.memory_space<semaphore_mem>>) src(%arg9 : memref<128x128xf32, #tpu.memory_space<vmem>>) dst(%dma_wait3A_54 : memref<10240x128xf32, #tpu.memory_space<vmem_shared>>)
        tpu.yield
      }) : () -> ()
    }
    %scan3A_13 = arith.constant 39 : i32
    %mul3A_14 = arith.constant 10112 : i32
    %mul3A_15 = arith.muli %add3A, %mul3A_14 : i32
    %add3A_16 = arith.constant 9984 : i32
    %add3A_17 = arith.addi %mul3A_15, %add3A_16 : i32
    "tpu.region"() ({
      %run_scoped3A = tpu.sem_alloc : memref<!tpu.dma_semaphore, #tpu.memory_space<semaphore_mem>>
      %dma_start3A = tpu.memref_slice %arg3[%add3A_17] : memref<323584xi32, #tpu.memory_space<hbm>> -> memref<128xi32, #tpu.memory_space<hbm>>
      %dma_start3A_25 = tpu.memref_slice %arg3[%add3A_17] : memref<323584xi32, #tpu.memory_space<hbm>> -> memref<128xi32, #tpu.memory_space<hbm>>
      tpu.enqueue_dma source(%dma_start3A_25 : memref<128xi32, #tpu.memory_space<hbm>>) target(%arg8 : memref<128xi32, #tpu.memory_space<vmem>>) target_semaphore(%run_scoped3A : memref<!tpu.dma_semaphore, #tpu.memory_space<semaphore_mem>>)
      %dma_wait3A = tpu.memref_slice %arg3[%add3A_17] : memref<323584xi32, #tpu.memory_space<hbm>> -> memref<128xi32, #tpu.memory_space<hbm>>
      %dma_wait3A_26 = tpu.memref_slice %arg3[%add3A_17] : memref<323584xi32, #tpu.memory_space<hbm>> -> memref<128xi32, #tpu.memory_space<hbm>>
      tpu.wait_dma2 semaphore(%run_scoped3A : memref<!tpu.dma_semaphore, #tpu.memory_space<semaphore_mem>>) src(%dma_wait3A_26 : memref<128xi32, #tpu.memory_space<hbm>>) dst(%arg8 : memref<128xi32, #tpu.memory_space<vmem>>)
      tpu.yield
    }) : () -> ()
    "tpu.region"() ({
      %run_scoped3A = tpu.sem_alloc : memref<!tpu.dma_semaphore, #tpu.memory_space<semaphore_mem>>
      %dma_start3A = arith.constant 0 : i32
      %dma_start3A_25 = tpu.memref_slice %arg2[%add3A_17, %dma_start3A] : memref<323584x128xf32, #tpu.memory_space<hbm>> -> memref<128x128xf32, #tpu.memory_space<hbm>>
      %dma_start3A_26 = arith.constant 0 : i32
      %dma_start3A_27 = tpu.memref_slice %arg2[%add3A_17, %dma_start3A_26] : memref<323584x128xf32, #tpu.memory_space<hbm>> -> memref<128x128xf32, #tpu.memory_space<hbm>>
      tpu.enqueue_dma source(%dma_start3A_27 : memref<128x128xf32, #tpu.memory_space<hbm>>) target(%arg6 : memref<128x128xf32, #tpu.memory_space<vmem>>) target_semaphore(%run_scoped3A : memref<!tpu.dma_semaphore, #tpu.memory_space<semaphore_mem>>)
      %dma_wait3A = arith.constant 0 : i32
      %dma_wait3A_28 = tpu.memref_slice %arg2[%add3A_17, %dma_wait3A] : memref<323584x128xf32, #tpu.memory_space<hbm>> -> memref<128x128xf32, #tpu.memory_space<hbm>>
      %dma_wait3A_29 = arith.constant 0 : i32
      %dma_wait3A_30 = tpu.memref_slice %arg2[%add3A_17, %dma_wait3A_29] : memref<323584x128xf32, #tpu.memory_space<hbm>> -> memref<128x128xf32, #tpu.memory_space<hbm>>
      tpu.wait_dma2 semaphore(%run_scoped3A : memref<!tpu.dma_semaphore, #tpu.memory_space<semaphore_mem>>) src(%dma_wait3A_30 : memref<128x128xf32, #tpu.memory_space<hbm>>) dst(%arg6 : memref<128x128xf32, #tpu.memory_space<vmem>>)
      tpu.yield
    }) : () -> ()
    "tpu.region"() ({
      %run_scoped3A = tpu.sem_alloc : memref<!tpu.dma_semaphore, #tpu.memory_space<semaphore_mem>>
      %dma_start3A = arith.constant 0 : i32
      %dma_start3A_25 = arith.constant 0 : i32
      %dma_start3A_26 = tpu.memref_slice %arg7[%dma_start3A, %dma_start3A_25] : memref<10240x128xf32, #tpu.memory_space<vmem_shared>> -> memref<10240x128xf32, #tpu.memory_space<vmem_shared>>
      tpu.enqueue_indirect_dma source(%arg6 : memref<128x128xf32, #tpu.memory_space<vmem>>) target(%dma_start3A_26 : memref<10240x128xf32, #tpu.memory_space<vmem_shared>>) offsets(%arg8 : memref<128xi32, #tpu.memory_space<vmem>>) semaphore(%run_scoped3A : memref<!tpu.dma_semaphore, #tpu.memory_space<semaphore_mem>>) {add = true}
      %dma_wait3A = arith.constant 0 : i32
      %dma_wait3A_27 = arith.constant 0 : i32
      %dma_wait3A_28 = tpu.memref_slice %arg7[%dma_wait3A, %dma_wait3A_27] : memref<10240x128xf32, #tpu.memory_space<vmem_shared>> -> memref<10240x128xf32, #tpu.memory_space<vmem_shared>>
      tpu.wait_indirect_dma semaphore(%run_scoped3A : memref<!tpu.dma_semaphore, #tpu.memory_space<semaphore_mem>>) src(%arg6 : memref<128x128xf32, #tpu.memory_space<vmem>>) dst(%dma_wait3A_28 : memref<10240x128xf32, #tpu.memory_space<vmem_shared>>)
      tpu.yield
    }) : () -> ()
    %barrier3A_18 = arith.constant 0 : index
    tpu.barrier barrier_id(%barrier3A_18)
    %scan3A_19 = arith.constant 0 : i32
    %scan3A_20 = arith.constant 0 : i32
    %scan3A_21 = arith.constant 5 : i32
    %scan3A_22 = arith.addi %scan3A_20, %scan3A_21 : i32
    %scan3A_23 = arith.constant 1 : i32
    scf.for %scan3A_25 = %scan3A_20 to %scan3A_22 step %scan3A_23  : i32 {
      %mul3A_26 = arith.constant 128 : i32
      %mul3A_27 = arith.muli %scan3A_25, %mul3A_26 : i32
      %add3A_28 = arith.addi %mul3A_2, %mul3A_27 : i32
      "tpu.region"() ({
        %run_scoped3A = tpu.sem_alloc : memref<!tpu.dma_semaphore, #tpu.memory_space<semaphore_mem>>
        %dma_start3A = arith.constant 0 : i32
        %dma_start3A_35 = tpu.memref_slice %arg7[%add3A_28, %dma_start3A] : memref<10240x128xf32, #tpu.memory_space<vmem_shared>> -> memref<128x128xf32, #tpu.memory_space<vmem_shared>>
        %dma_start3A_36 = arith.constant 0 : i32
        %dma_start3A_37 = tpu.memref_slice %arg7[%add3A_28, %dma_start3A_36] : memref<10240x128xf32, #tpu.memory_space<vmem_shared>> -> memref<128x128xf32, #tpu.memory_space<vmem_shared>>
        tpu.enqueue_dma source(%dma_start3A_37 : memref<128x128xf32, #tpu.memory_space<vmem_shared>>) target(%arg6 : memref<128x128xf32, #tpu.memory_space<vmem>>) target_semaphore(%run_scoped3A : memref<!tpu.dma_semaphore, #tpu.memory_space<semaphore_mem>>)
        %dma_wait3A = arith.constant 0 : i32
        %dma_wait3A_38 = tpu.memref_slice %arg7[%add3A_28, %dma_wait3A] : memref<10240x128xf32, #tpu.memory_space<vmem_shared>> -> memref<128x128xf32, #tpu.memory_space<vmem_shared>>
        %dma_wait3A_39 = arith.constant 0 : i32
        %dma_wait3A_40 = tpu.memref_slice %arg7[%add3A_28, %dma_wait3A_39] : memref<10240x128xf32, #tpu.memory_space<vmem_shared>> -> memref<128x128xf32, #tpu.memory_space<vmem_shared>>
        tpu.wait_dma2 semaphore(%run_scoped3A : memref<!tpu.dma_semaphore, #tpu.memory_space<semaphore_mem>>) src(%dma_wait3A_40 : memref<128x128xf32, #tpu.memory_space<vmem_shared>>) dst(%arg6 : memref<128x128xf32, #tpu.memory_space<vmem>>)
        tpu.yield
      }) : () -> ()
      %mul3A_29 = arith.constant 10240 : i32
      %mul3A_30 = arith.muli %arg0, %mul3A_29 : i32
      %add3A_31 = arith.addi %mul3A_30, %mul3A_2 : i32
      %mul3A_32 = arith.constant 128 : i32
      %mul3A_33 = arith.muli %scan3A_25, %mul3A_32 : i32
      %add3A_34 = arith.addi %add3A_31, %mul3A_33 : i32
      "tpu.region"() ({
        %run_scoped3A = tpu.sem_alloc : memref<!tpu.dma_semaphore, #tpu.memory_space<semaphore_mem>>
        %dma_start3A = arith.constant 0 : i32
        %dma_start3A_35 = tpu.memref_slice %arg5[%add3A_34, %dma_start3A] : memref<20480x128xf32, #tpu.memory_space<hbm>> -> memref<128x128xf32, #tpu.memory_space<hbm>>
        %dma_start3A_36 = arith.constant 0 : i32
        %dma_start3A_37 = tpu.memref_slice %arg5[%add3A_34, %dma_start3A_36] : memref<20480x128xf32, #tpu.memory_space<hbm>> -> memref<128x128xf32, #tpu.memory_space<hbm>>
        tpu.enqueue_dma source(%arg6 : memref<128x128xf32, #tpu.memory_space<vmem>>) target(%dma_start3A_37 : memref<128x128xf32, #tpu.memory_space<hbm>>) target_semaphore(%run_scoped3A : memref<!tpu.dma_semaphore, #tpu.memory_space<semaphore_mem>>)
        %dma_wait3A = arith.constant 0 : i32
        %dma_wait3A_38 = tpu.memref_slice %arg5[%add3A_34, %dma_wait3A] : memref<20480x128xf32, #tpu.memory_space<hbm>> -> memref<128x128xf32, #tpu.memory_space<hbm>>
        %dma_wait3A_39 = arith.constant 0 : i32
        %dma_wait3A_40 = tpu.memref_slice %arg5[%add3A_34, %dma_wait3A_39] : memref<20480x128xf32, #tpu.memory_space<hbm>> -> memref<128x128xf32, #tpu.memory_space<hbm>>
        tpu.wait_dma2 semaphore(%run_scoped3A : memref<!tpu.dma_semaphore, #tpu.memory_space<semaphore_mem>>) src(%arg6 : memref<128x128xf32, #tpu.memory_space<vmem>>) dst(%dma_wait3A_40 : memref<128x128xf32, #tpu.memory_space<hbm>>)
        tpu.yield
      }) : () -> ()
    }
    %scan3A_24 = arith.constant 5 : i32
    return
  }
}

module attributes {stable_mosaic.version = 14 : i64} {
  func.func @_proj_body(%arg0: i32, %arg1: memref<512x128xf32, #tpu.memory_space<vmem>>, %arg2: memref<128x128xf32, #tpu.memory_space<vmem>>, %arg3: memref<1x128xf32, #tpu.memory_space<vmem>>, %arg4: memref<512x128xf32, #tpu.memory_space<vmem>>) attributes {dimension_semantics = [#tpu.dimension_semantics<arbitrary>], iteration_bounds = array<i64: 20>, scalar_prefetch = 0 : i64, scratch_operands = 0 : i64, tpu.core_type = #tpu.core_type<tc>, window_params = [{transform_indices = @transform_0, window_bounds = array<i64: 512, 128>}, {pipeline_mode = #tpu.pipeline_mode<synchronous>, transform_indices = @transform_1, window_bounds = array<i64: 128, 128>}, {pipeline_mode = #tpu.pipeline_mode<synchronous>, transform_indices = @transform_2, window_bounds = array<i64: 1, 128>}, {transform_indices = @transform_3, window_bounds = array<i64: 512, 128>}]} {
    %get3A = arith.constant 0 : index
    %get3A_0 = arith.constant 0 : index
    %get3A_1 = vector.load %arg1[%get3A, %get3A_0] : memref<512x128xf32, #tpu.memory_space<vmem>>, vector<512x128xf32>
    %get3A_2 = arith.constant 0 : index
    %get3A_3 = arith.constant 0 : index
    %get3A_4 = vector.load %arg2[%get3A_2, %get3A_3] : memref<128x128xf32, #tpu.memory_space<vmem>>, vector<128x128xf32>
    %dot_general3A = arith.constant dense<0.000000e+00> : vector<512x128xf32>
    %dot_general3A_5 = tpu.matmul %get3A_1, %get3A_4, %dot_general3A {dimension_numbers = #tpu.dot_dimension_numbers<[1], [0], [0], [1], [0, 0, 1, 1], [], []>, transpose_lhs_hint = false} : vector<512x128xf32>, vector<128x128xf32>, vector<512x128xf32> -> vector<512x128xf32>
    %get3A_6 = arith.constant 0 : index
    %get3A_7 = arith.constant 0 : index
    %get3A_8 = vector.load %arg3[%get3A_6, %get3A_7] : memref<1x128xf32, #tpu.memory_space<vmem>>, vector<1x128xf32>
    %add3A = vector.broadcast %get3A_8 : vector<1x128xf32> to vector<512x128xf32>
    %add3A_9 = arith.addf %dot_general3A_5, %add3A : vector<512x128xf32>
    %swap3A = arith.constant 0 : index
    %swap3A_10 = arith.constant 0 : index
    %swap3A_11 = vector.load %arg4[%swap3A, %swap3A_10] : memref<512x128xf32, #tpu.memory_space<vmem>>, vector<512x128xf32>
    tpu.vector_store %arg4[%swap3A, %swap3A_10], %add3A_9 {strides = array<i32>} : memref<512x128xf32, #tpu.memory_space<vmem>>, vector<512x128xf32>,
    return
  }
  func.func @transform_0(%arg0: i32) -> (i32, i32) {
    %c0_i32 = arith.constant 0 : i32
    %c0_i32_0 = arith.constant 0 : i32
    return %arg0, %c0_i32 : i32, i32
  }
  func.func @transform_1(%arg0: i32) -> (i32, i32) {
    %c0_i32 = arith.constant 0 : i32
    %c0_i32_0 = arith.constant 0 : i32
    %c0_i32_1 = arith.constant 0 : i32
    return %c0_i32, %c0_i32_0 : i32, i32
  }
  func.func @transform_2(%arg0: i32) -> (i32, i32) {
    %c0_i32 = arith.constant 0 : i32
    %c0_i32_0 = arith.constant 0 : i32
    %c0_i32_1 = arith.constant 0 : i32
    return %c0_i32, %c0_i32_0 : i32, i32
  }
  func.func @transform_3(%arg0: i32) -> (i32, i32) {
    %c0_i32 = arith.constant 0 : i32
    %c0_i32_0 = arith.constant 0 : i32
    return %arg0, %c0_i32 : i32, i32
  }
}

module attributes {stable_mosaic.version = 14 : i64} {
  func.func @_proj_body(%arg0: i32, %arg1: memref<512x160xf32, #tpu.memory_space<vmem>>, %arg2: memref<160x128xf32, #tpu.memory_space<vmem>>, %arg3: memref<1x128xf32, #tpu.memory_space<vmem>>, %arg4: memref<512x128xf32, #tpu.memory_space<vmem>>) attributes {dimension_semantics = [#tpu.dimension_semantics<arbitrary>], iteration_bounds = array<i64: 20>, scalar_prefetch = 0 : i64, scratch_operands = 0 : i64, tpu.core_type = #tpu.core_type<tc>, window_params = [{transform_indices = @transform_0, window_bounds = array<i64: 512, 160>}, {pipeline_mode = #tpu.pipeline_mode<synchronous>, transform_indices = @transform_1, window_bounds = array<i64: 160, 128>}, {pipeline_mode = #tpu.pipeline_mode<synchronous>, transform_indices = @transform_2, window_bounds = array<i64: 1, 128>}, {transform_indices = @transform_3, window_bounds = array<i64: 512, 128>}]} {
    %get3A = arith.constant 0 : index
    %get3A_0 = arith.constant 0 : index
    %get3A_1 = vector.load %arg1[%get3A, %get3A_0] : memref<512x160xf32, #tpu.memory_space<vmem>>, vector<512x160xf32>
    %get3A_2 = arith.constant 0 : index
    %get3A_3 = arith.constant 0 : index
    %get3A_4 = vector.load %arg2[%get3A_2, %get3A_3] : memref<160x128xf32, #tpu.memory_space<vmem>>, vector<160x128xf32>
    %dot_general3A = arith.constant dense<0.000000e+00> : vector<512x128xf32>
    %dot_general3A_5 = tpu.matmul %get3A_1, %get3A_4, %dot_general3A {dimension_numbers = #tpu.dot_dimension_numbers<[1], [0], [0], [1], [0, 0, 1, 1], [], []>, transpose_lhs_hint = false} : vector<512x160xf32>, vector<160x128xf32>, vector<512x128xf32> -> vector<512x128xf32>
    %get3A_6 = arith.constant 0 : index
    %get3A_7 = arith.constant 0 : index
    %get3A_8 = vector.load %arg3[%get3A_6, %get3A_7] : memref<1x128xf32, #tpu.memory_space<vmem>>, vector<1x128xf32>
    %add3A = vector.broadcast %get3A_8 : vector<1x128xf32> to vector<512x128xf32>
    %add3A_9 = arith.addf %dot_general3A_5, %add3A : vector<512x128xf32>
    %swap3A = arith.constant 0 : index
    %swap3A_10 = arith.constant 0 : index
    %swap3A_11 = vector.load %arg4[%swap3A, %swap3A_10] : memref<512x128xf32, #tpu.memory_space<vmem>>, vector<512x128xf32>
    tpu.vector_store %arg4[%swap3A, %swap3A_10], %add3A_9 {strides = array<i32>} : memref<512x128xf32, #tpu.memory_space<vmem>>, vector<512x128xf32>,
    return
  }
  func.func @transform_0(%arg0: i32) -> (i32, i32) {
    %c0_i32 = arith.constant 0 : i32
    %c0_i32_0 = arith.constant 0 : i32
    return %arg0, %c0_i32 : i32, i32
  }
  func.func @transform_1(%arg0: i32) -> (i32, i32) {
    %c0_i32 = arith.constant 0 : i32
    %c0_i32_0 = arith.constant 0 : i32
    %c0_i32_1 = arith.constant 0 : i32
    return %c0_i32, %c0_i32_0 : i32, i32
  }
  func.func @transform_2(%arg0: i32) -> (i32, i32) {
    %c0_i32 = arith.constant 0 : i32
    %c0_i32_0 = arith.constant 0 : i32
    %c0_i32_1 = arith.constant 0 : i32
    return %c0_i32, %c0_i32_0 : i32, i32
  }
  func.func @transform_3(%arg0: i32) -> (i32, i32) {
    %c0_i32 = arith.constant 0 : i32
    %c0_i32_0 = arith.constant 0 : i32
    return %arg0, %c0_i32 : i32, i32
  }
}

module attributes {stable_mosaic.version = 14 : i64} {
  func.func @_edge_fused_body(%arg0: i32, %arg1: memref<1024x128xf32, #tpu.memory_space<vmem>>, %arg2: memref<1024x128xf32, #tpu.memory_space<vmem>>, %arg3: memref<1024x128xf32, #tpu.memory_space<vmem>>, %arg4: memref<1024x128xf32, #tpu.memory_space<vmem>>, %arg5: memref<1024x128xf32, #tpu.memory_space<vmem>>) attributes {dimension_semantics = [#tpu.dimension_semantics<arbitrary>], iteration_bounds = array<i64: 316>, scalar_prefetch = 0 : i64, scratch_operands = 0 : i64, tpu.core_type = #tpu.core_type<tc>, window_params = [{transform_indices = @transform_0, window_bounds = array<i64: 1024, 128>}, {transform_indices = @transform_1, window_bounds = array<i64: 1024, 128>}, {transform_indices = @transform_2, window_bounds = array<i64: 1024, 128>}, {transform_indices = @transform_3, window_bounds = array<i64: 1024, 128>}, {transform_indices = @transform_4, window_bounds = array<i64: 1024, 128>}]} {
    %get3A = arith.constant 0 : index
    %get3A_0 = arith.constant 0 : index
    %get3A_1 = vector.load %arg1[%get3A, %get3A_0] : memref<1024x128xf32, #tpu.memory_space<vmem>>, vector<1024x128xf32>
    %get3A_2 = arith.constant 0 : index
    %get3A_3 = arith.constant 0 : index
    %get3A_4 = vector.load %arg2[%get3A_2, %get3A_3] : memref<1024x128xf32, #tpu.memory_space<vmem>>, vector<1024x128xf32>
    %mul3A = arith.mulf %get3A_1, %get3A_4 : vector<1024x128xf32>
    %iota3A = tpu.iota {dimensions = array<i32: 0>} : vector<128x8xi32>
    %jit3A = arith.constant 16 : i32
    %div3A = vector.broadcast %jit3A : i32 to vector<128x8xi32>
    %div3A_5 = arith.divsi %iota3A, %div3A : vector<128x8xi32>
    %sign3A = arith.constant 0 : i32
    %sign3A_6 = vector.broadcast %sign3A : i32 to vector<128x8xi32>
    %sign3A_7 = arith.cmpi sgt, %iota3A, %sign3A_6 : vector<128x8xi32>
    %sign3A_8 = arith.extui %sign3A_7 : vector<128x8xi1> to vector<128x8xi32>
    %sign3A_9 = arith.constant 0 : i32
    %sign3A_10 = vector.broadcast %sign3A_9 : i32 to vector<128x8xi32>
    %sign3A_11 = arith.cmpi slt, %iota3A, %sign3A_10 : vector<128x8xi32>
    %sign3A_12 = arith.extui %sign3A_11 : vector<128x8xi1> to vector<128x8xi32>
    %sign3A_13 = arith.subi %sign3A_8, %sign3A_12 : vector<128x8xi32>
    %sign3A_14 = arith.constant 0 : i32
    %sign3A_15 = arith.cmpi sgt, %jit3A, %sign3A_14 : i32
    %sign3A_16 = arith.extui %sign3A_15 : i1 to i32
    %sign3A_17 = arith.constant 0 : i32
    %sign3A_18 = arith.cmpi slt, %jit3A, %sign3A_17 : i32
    %sign3A_19 = arith.extui %sign3A_18 : i1 to i32
    %sign3A_20 = arith.subi %sign3A_16, %sign3A_19 : i32
    %ne3A = vector.broadcast %sign3A_20 : i32 to vector<128x8xi32>
    %ne3A_21 = arith.cmpi ne, %sign3A_13, %ne3A : vector<128x8xi32>
    %rem3A = vector.broadcast %jit3A : i32 to vector<128x8xi32>
    %rem3A_22 = arith.remsi %iota3A, %rem3A : vector<128x8xi32>
    %ne3A_23 = arith.constant 0 : i32
    %ne3A_24 = vector.broadcast %ne3A_23 : i32 to vector<128x8xi32>
    %ne3A_25 = arith.cmpi ne, %rem3A_22, %ne3A_24 : vector<128x8xi32>
    %and3A = arith.andi %ne3A_21, %ne3A_25 : vector<128x8xi1>
    %sub3A = arith.constant 1 : i32
    %sub3A_26 = vector.broadcast %sub3A : i32 to vector<128x8xi32>
    %sub3A_27 = arith.subi %div3A_5, %sub3A_26 : vector<128x8xi32>
    %select_n3A = arith.select %and3A, %sub3A_27, %div3A_5 : vector<128x8xi1>, vector<128x8xi32>
    %iota3A_28 = tpu.iota {dimensions = array<i32: 1>} : vector<128x8xi32>
    %eq3A = arith.cmpi eq, %select_n3A, %iota3A_28 : vector<128x8xi32>
    %convert_element_type3A = arith.extui %eq3A : vector<128x8xi1> to vector<128x8xi32>
    %convert_element_type3A_29 = arith.sitofp %convert_element_type3A : vector<128x8xi32> to vector<128x8xf32>
    %dot_general3A = arith.constant dense<0.000000e+00> : vector<1024x8xf32>
    %dot_general3A_30 = tpu.matmul %mul3A, %convert_element_type3A_29, %dot_general3A {dimension_numbers = #tpu.dot_dimension_numbers<[1], [0], [0], [1], [0, 0, 1, 1], [], []>, transpose_lhs_hint = false} : vector<1024x128xf32>, vector<128x8xf32>, vector<1024x8xf32> -> vector<1024x8xf32>
    %mul3A_31 = arith.constant 2.500000e-01 : f32
    %mul3A_32 = vector.broadcast %mul3A_31 : f32 to vector<1024x8xf32>
    %mul3A_33 = arith.mulf %dot_general3A_30, %mul3A_32 : vector<1024x8xf32>
    %exp3A = math.exp %mul3A_33 : vector<1024x8xf32>
    %iota3A_34 = tpu.iota {dimensions = array<i32: 1>} : vector<8x128xi32>
    %jit3A_35 = arith.constant 16 : i32
    %div3A_36 = vector.broadcast %jit3A_35 : i32 to vector<8x128xi32>
    %div3A_37 = arith.divsi %iota3A_34, %div3A_36 : vector<8x128xi32>
    %sign3A_38 = arith.constant 0 : i32
    %sign3A_39 = vector.broadcast %sign3A_38 : i32 to vector<8x128xi32>
    %sign3A_40 = arith.cmpi sgt, %iota3A_34, %sign3A_39 : vector<8x128xi32>
    %sign3A_41 = arith.extui %sign3A_40 : vector<8x128xi1> to vector<8x128xi32>
    %sign3A_42 = arith.constant 0 : i32
    %sign3A_43 = vector.broadcast %sign3A_42 : i32 to vector<8x128xi32>
    %sign3A_44 = arith.cmpi slt, %iota3A_34, %sign3A_43 : vector<8x128xi32>
    %sign3A_45 = arith.extui %sign3A_44 : vector<8x128xi1> to vector<8x128xi32>
    %sign3A_46 = arith.subi %sign3A_41, %sign3A_45 : vector<8x128xi32>
    %sign3A_47 = arith.constant 0 : i32
    %sign3A_48 = arith.cmpi sgt, %jit3A_35, %sign3A_47 : i32
    %sign3A_49 = arith.extui %sign3A_48 : i1 to i32
    %sign3A_50 = arith.constant 0 : i32
    %sign3A_51 = arith.cmpi slt, %jit3A_35, %sign3A_50 : i32
    %sign3A_52 = arith.extui %sign3A_51 : i1 to i32
    %sign3A_53 = arith.subi %sign3A_49, %sign3A_52 : i32
    %ne3A_54 = vector.broadcast %sign3A_53 : i32 to vector<8x128xi32>
    %ne3A_55 = arith.cmpi ne, %sign3A_46, %ne3A_54 : vector<8x128xi32>
    %rem3A_56 = vector.broadcast %jit3A_35 : i32 to vector<8x128xi32>
    %rem3A_57 = arith.remsi %iota3A_34, %rem3A_56 : vector<8x128xi32>
    %ne3A_58 = arith.constant 0 : i32
    %ne3A_59 = vector.broadcast %ne3A_58 : i32 to vector<8x128xi32>
    %ne3A_60 = arith.cmpi ne, %rem3A_57, %ne3A_59 : vector<8x128xi32>
    %and3A_61 = arith.andi %ne3A_55, %ne3A_60 : vector<8x128xi1>
    %sub3A_62 = arith.constant 1 : i32
    %sub3A_63 = vector.broadcast %sub3A_62 : i32 to vector<8x128xi32>
    %sub3A_64 = arith.subi %div3A_37, %sub3A_63 : vector<8x128xi32>
    %select_n3A_65 = arith.select %and3A_61, %sub3A_64, %div3A_37 : vector<8x128xi1>, vector<8x128xi32>
    %iota3A_66 = tpu.iota {dimensions = array<i32: 0>} : vector<8x128xi32>
    %eq3A_67 = arith.cmpi eq, %select_n3A_65, %iota3A_66 : vector<8x128xi32>
    %convert_element_type3A_68 = arith.extui %eq3A_67 : vector<8x128xi1> to vector<8x128xi32>
    %convert_element_type3A_69 = arith.sitofp %convert_element_type3A_68 : vector<8x128xi32> to vector<8x128xf32>
    %dot_general3A_70 = arith.constant dense<0.000000e+00> : vector<1024x128xf32>
    %dot_general3A_71 = tpu.matmul %exp3A, %convert_element_type3A_69, %dot_general3A_70 {dimension_numbers = #tpu.dot_dimension_numbers<[1], [0], [0], [1], [0, 0, 1, 1], [], []>, transpose_lhs_hint = false} : vector<1024x8xf32>, vector<8x128xf32>, vector<1024x128xf32> -> vector<1024x128xf32>
    %get3A_72 = arith.constant 0 : index
    %get3A_73 = arith.constant 0 : index
    %get3A_74 = vector.load %arg3[%get3A_72, %get3A_73] : memref<1024x128xf32, #tpu.memory_space<vmem>>, vector<1024x128xf32>
    %mul3A_75 = arith.mulf %dot_general3A_71, %get3A_74 : vector<1024x128xf32>
    %swap3A = arith.constant 0 : index
    %swap3A_76 = arith.constant 0 : index
    %swap3A_77 = vector.load %arg4[%swap3A, %swap3A_76] : memref<1024x128xf32, #tpu.memory_space<vmem>>, vector<1024x128xf32>
    tpu.vector_store %arg4[%swap3A, %swap3A_76], %mul3A_75 {strides = array<i32>} : memref<1024x128xf32, #tpu.memory_space<vmem>>, vector<1024x128xf32>,
    %swap3A_78 = arith.constant 0 : index
    %swap3A_79 = arith.constant 0 : index
    %swap3A_80 = vector.load %arg5[%swap3A_78, %swap3A_79] : memref<1024x128xf32, #tpu.memory_space<vmem>>, vector<1024x128xf32>
    tpu.vector_store %arg5[%swap3A_78, %swap3A_79], %dot_general3A_71 {strides = array<i32>} : memref<1024x128xf32, #tpu.memory_space<vmem>>, vector<1024x128xf32>,
    return
  }
  func.func @transform_0(%arg0: i32) -> (i32, i32) {
    %c0_i32 = arith.constant 0 : i32
    %c0_i32_0 = arith.constant 0 : i32
    return %arg0, %c0_i32 : i32, i32
  }
  func.func @transform_1(%arg0: i32) -> (i32, i32) {
    %c0_i32 = arith.constant 0 : i32
    %c0_i32_0 = arith.constant 0 : i32
    return %arg0, %c0_i32 : i32, i32
  }
  func.func @transform_2(%arg0: i32) -> (i32, i32) {
    %c0_i32 = arith.constant 0 : i32
    %c0_i32_0 = arith.constant 0 : i32
    return %arg0, %c0_i32 : i32, i32
  }
  func.func @transform_3(%arg0: i32) -> (i32, i32) {
    %c0_i32 = arith.constant 0 : i32
    %c0_i32_0 = arith.constant 0 : i32
    return %arg0, %c0_i32 : i32, i32
  }
  func.func @transform_4(%arg0: i32) -> (i32, i32) {
    %c0_i32 = arith.constant 0 : i32
    %c0_i32_0 = arith.constant 0 : i32
    return %arg0, %c0_i32 : i32, i32
  }
}

module attributes {stable_mosaic.version = 14 : i64} {
  func.func @_norm_proj_body(%arg0: i32, %arg1: memref<512x128xf32, #tpu.memory_space<vmem>>, %arg2: memref<512x128xf32, #tpu.memory_space<vmem>>, %arg3: memref<512x128xf32, #tpu.memory_space<vmem>>, %arg4: memref<512x128xf32, #tpu.memory_space<vmem>>, %arg5: memref<128x128xf32, #tpu.memory_space<vmem>>, %arg6: memref<1x128xf32, #tpu.memory_space<vmem>>, %arg7: memref<512x128xf32, #tpu.memory_space<vmem>>) attributes {dimension_semantics = [#tpu.dimension_semantics<arbitrary>], iteration_bounds = array<i64: 20>, scalar_prefetch = 0 : i64, scratch_operands = 0 : i64, tpu.core_type = #tpu.core_type<tc>, window_params = [{transform_indices = @transform_0, window_bounds = array<i64: 512, 128>}, {transform_indices = @transform_1, window_bounds = array<i64: 512, 128>}, {transform_indices = @transform_2, window_bounds = array<i64: 512, 128>}, {transform_indices = @transform_3, window_bounds = array<i64: 512, 128>}, {pipeline_mode = #tpu.pipeline_mode<synchronous>, transform_indices = @transform_4, window_bounds = array<i64: 128, 128>}, {pipeline_mode = #tpu.pipeline_mode<synchronous>, transform_indices = @transform_5, window_bounds = array<i64: 1, 128>}, {transform_indices = @transform_6, window_bounds = array<i64: 512, 128>}]} {
    %get3A = arith.constant 0 : index
    %get3A_0 = arith.constant 0 : index
    %get3A_1 = vector.load %arg1[%get3A, %get3A_0] : memref<512x128xf32, #tpu.memory_space<vmem>>, vector<512x128xf32>
    %get3A_2 = arith.constant 0 : index
    %get3A_3 = arith.constant 0 : index
    %get3A_4 = vector.load %arg2[%get3A_2, %get3A_3] : memref<512x128xf32, #tpu.memory_space<vmem>>, vector<512x128xf32>
    %add3A = arith.addf %get3A_1, %get3A_4 : vector<512x128xf32>
    %get3A_5 = arith.constant 0 : index
    %get3A_6 = arith.constant 0 : index
    %get3A_7 = vector.load %arg3[%get3A_5, %get3A_6] : memref<512x128xf32, #tpu.memory_space<vmem>>, vector<512x128xf32>
    %get3A_8 = arith.constant 0 : index
    %get3A_9 = arith.constant 0 : index
    %get3A_10 = vector.load %arg4[%get3A_8, %get3A_9] : memref<512x128xf32, #tpu.memory_space<vmem>>, vector<512x128xf32>
    %add3A_11 = arith.addf %get3A_7, %get3A_10 : vector<512x128xf32>
    %eq3A = arith.constant 0.000000e+00 : f32
    %eq3A_12 = vector.broadcast %eq3A : f32 to vector<512x128xf32>
    %eq3A_13 = arith.cmpf oeq, %add3A_11, %eq3A_12 : vector<512x128xf32>
    %jit3A = arith.constant 1.000000e+00 : f32
    %broadcast_in_dim3A = vector.broadcast %jit3A : f32 to vector<512x128xf32>
    %select_n3A = arith.select %eq3A_13, %broadcast_in_dim3A, %add3A_11 : vector<512x128xi1>, vector<512x128xf32>
    %div3A = arith.divf %add3A, %select_n3A : vector<512x128xf32>
    %get3A_14 = arith.constant 0 : index
    %get3A_15 = arith.constant 0 : index
    %get3A_16 = vector.load %arg5[%get3A_14, %get3A_15] : memref<128x128xf32, #tpu.memory_space<vmem>>, vector<128x128xf32>
    %dot_general3A = arith.constant dense<0.000000e+00> : vector<512x128xf32>
    %dot_general3A_17 = tpu.matmul %div3A, %get3A_16, %dot_general3A {dimension_numbers = #tpu.dot_dimension_numbers<[1], [0], [0], [1], [0, 0, 1, 1], [], []>, transpose_lhs_hint = false} : vector<512x128xf32>, vector<128x128xf32>, vector<512x128xf32> -> vector<512x128xf32>
    %get3A_18 = arith.constant 0 : index
    %get3A_19 = arith.constant 0 : index
    %get3A_20 = vector.load %arg6[%get3A_18, %get3A_19] : memref<1x128xf32, #tpu.memory_space<vmem>>, vector<1x128xf32>
    %add3A_21 = vector.broadcast %get3A_20 : vector<1x128xf32> to vector<512x128xf32>
    %add3A_22 = arith.addf %dot_general3A_17, %add3A_21 : vector<512x128xf32>
    %swap3A = arith.constant 0 : index
    %swap3A_23 = arith.constant 0 : index
    %swap3A_24 = vector.load %arg7[%swap3A, %swap3A_23] : memref<512x128xf32, #tpu.memory_space<vmem>>, vector<512x128xf32>
    tpu.vector_store %arg7[%swap3A, %swap3A_23], %add3A_22 {strides = array<i32>} : memref<512x128xf32, #tpu.memory_space<vmem>>, vector<512x128xf32>,
    return
  }
  func.func @transform_0(%arg0: i32) -> (i32, i32) {
    %c0_i32 = arith.constant 0 : i32
    %c0_i32_0 = arith.constant 0 : i32
    return %arg0, %c0_i32 : i32, i32
  }
  func.func @transform_1(%arg0: i32) -> (i32, i32) {
    %c0_i32 = arith.constant 0 : i32
    %c0_i32_0 = arith.constant 0 : i32
    return %arg0, %c0_i32 : i32, i32
  }
  func.func @transform_2(%arg0: i32) -> (i32, i32) {
    %c0_i32 = arith.constant 0 : i32
    %c0_i32_0 = arith.constant 0 : i32
    return %arg0, %c0_i32 : i32, i32
  }
  func.func @transform_3(%arg0: i32) -> (i32, i32) {
    %c0_i32 = arith.constant 0 : i32
    %c0_i32_0 = arith.constant 0 : i32
    return %arg0, %c0_i32 : i32, i32
  }
  func.func @transform_4(%arg0: i32) -> (i32, i32) {
    %c0_i32 = arith.constant 0 : i32
    %c0_i32_0 = arith.constant 0 : i32
    %c0_i32_1 = arith.constant 0 : i32
    return %c0_i32, %c0_i32_0 : i32, i32
  }
  func.func @transform_5(%arg0: i32) -> (i32, i32) {
    %c0_i32 = arith.constant 0 : i32
    %c0_i32_0 = arith.constant 0 : i32
    %c0_i32_1 = arith.constant 0 : i32
    return %c0_i32, %c0_i32_0 : i32, i32
  }
  func.func @transform_6(%arg0: i32) -> (i32, i32) {
    %c0_i32 = arith.constant 0 : i32
    %c0_i32_0 = arith.constant 0 : i32
    return %arg0, %c0_i32 : i32, i32
  }
}

</mosaic_0001>

<sc_bundles>
// kernel: kernel.28.cloned.1.call-start
scs
__scs_entry_jumppad:
0x0: {  	(pc) =	sbr.rel $0x88, $3  }
0x1: {  	(tag) =	ssettag $0x0;
	lr =	simm.s32 $0x1  }
0x2: {  	[smem:$0x3F8F] =	sst lr;
	_ =	strace $0xD0000000  }
0x3: {  	_ = 	snop  }
0x4: {  	_ = 	snop  }
0x5: {  	_ = 	snop  }
0x6: {  	_ = 	snop  }
0x7: {  	_ = 	snop  }
__scs_overlays_trampoline_lowered:
0x8: {  	[smem:$0x3F9E] =	sst s0  }
0x9: {  	[smem:$0x3F9F] =	sst s1  }
0xa: {  	[smem:$0x3FA0] =	sst s2  }
0xb: {  	[smem:$0x3FA1] =	sst s3  }
0xc: {  	[smem:$0x3FA2] =	sst s4  }
0xd: {  	[smem:$0x3FA3] =	sst s5  }
0xe: {  	[smem:$0x3FA4] =	sst s6  }
0xf: {  	[smem:$0x3FA5] =	sst s7  }
0x10: {  	[smem:$0x3FA6] =	sst s8  }
0x11: {  	[smem:$0x3FA7] =	sst s9;
	s0 =	simm.s32 @!p0 $0x0  }
0x12: {  	s1 =	sld [smem:$0x3F8D];
	s0 =	simm.s32 @p0 $0x1  }
0x13: {  	[smem:$0x3FA8] =	sst s0;
	s0 =	simm.s32 @!p1 $0x0  }
0x14: {  	s2 =	sld [smem:$0x3F8C];
	s0 =	simm.s32 @p1 $0x1  }
0x15: {  	[smem:$0x3FA9] =	sst s0;
	s0 =	simm.s32 @!p2 $0x0  }
0x16: {  	s3 =	sld [smem:$0x3FDB];
	s0 =	simm.s32 @p2 $0x1  }
0x17: {  	s4 =	simm.s32 $0x1BF5;
	[smem:$0x3FAB] =	sst s0  }
0x18: {  	s0 =	sld [smem:$0x3F8E];
	_ =	swait.ge [sflag:s4], $0x0  }
0x19: {  	s7 =	sld [smem:$0x3F8F]  }
0x1a: {  	s8 =	sadd.s32 $0xFFFFE003, lr  }
0x1b: {  	s9 =	sadd.s32 $0xFFFFFEF7, lr;
	s5 =	simm.s32 $0xFFFFFFFF;
	p2 =	slt.u32 s8, $0xFFFFF086  }
0x1c: {  	p1 =	slt.u32 s9, $0xF7A;
	s5 =	simm.s32 @!p2 $0x0  }
0x1d: {  	s5 =	simm.s32 @p1 $0x1;
	p0 =	seq.s32 s7, s2  }
0x1e: {  	s7 =	smul.u32 @!p0 $0xF7A, s2;
	p2 =	seq.s32 @!p0 s5, $0x0  }
0x1f: {  	s9 =	smul.u32 $0xF7A, s1;
	s8 =	simm.s32 @!p0 $0x1BF5;
	p2 =	por !p2, p0  }
0x20: {  	[sflag:s8] =	ssyncset.s32 @!p0 $0xFFFFF086;
	s6 =	sadd.s32 @!p0 s3, s7;
	s7 =	simm.s32 @!p0 $0x108  }
0x21: {  	s3 =	sadd.s32 s3, s9;
	s6 =	sadd.s32 @!p0 $0x88, s6;
	s7 =	simm.s32 @p2 $0x1082  }
0x22: {  	[simem:s7], [sflag:s8] =	dma.local @!p0 [hbm:s6], $0xF7A  }
0x23: {  	s9 =	sor.u32 $0xD0000000, s2;
	s6 =	simm.s32 $0x108;
	_ =	swait.ge @!p0 [sflag:s8], $0x0  }
0x24: {  	s3 =	sadd.s32 $0x88, s3;
	s6 =	simm.s32 @!p1 $0x1082;
	[sflag:s4] =	ssyncset.s32 $0xFFFFF086  }
0x25: {  	[simem:s6], [sflag:s4] =	dma.local [hbm:s3], $0xF7A  }
0x26: {  	[smem:$0x3F8F] =	sst s1;
	(tag) =	ssettag s2;
	_ =	strace s9  }
0x27: {  	s1 =	sld [smem:$0x3F9F]  }
0x28: {  	s2 =	sld [smem:$0x3FA0]  }
0x29: {  	s4 =	sld [smem:$0x3FA2]  }
0x2a: {  	p0 =	seq.s32 s5, $0x0;
	s5 =	sld [smem:$0x3FA3]  }
0x2b: {  	s6 =	sld [smem:$0x3FA4]  }
0x2c: {  	s7 =	sld [smem:$0x3FA5]  }
0x2d: {  	s3 =	simm.s32 $0x108;
	s8 =	sld [smem:$0x3FA6]  }
0x2e: {  	s3 =	simm.s32 @!p0 $0x1082;
	s9 =	sld [smem:$0x3FA7]  }
0x2f: {  	lr =	sadd.s32 s0, s3;
	s0 =	sld [smem:$0x3F9E]  }
0x30: {  	s3 =	sld [smem:$0x3FA1]  }
0x31: {  	[smem:$0x3FAA] =	sst s10  }
0x32: {  	s10 =	sld [smem:$0x3FA8];
	_ =	sdelay $0x3  }
0x33: {  	p0 =	seq.s32 s10, $0x1;
	s10 =	sld [smem:$0x3FAA];
	_ =	sdelay $0x3  }
0x34: {  	[smem:$0x3FAA] =	sst s10  }
0x35: {  	s10 =	sld [smem:$0x3FA9];
	_ =	sdelay $0x3  }
0x36: {  	p1 =	seq.s32 s10, $0x1;
	s10 =	sld [smem:$0x3FAA];
	_ =	sdelay $0x3  }
0x37: {  	[smem:$0x3FAA] =	sst s10  }
0x38: {  	s10 =	sld [smem:$0x3FAB]  }
0x39: {  	_ = 	snop;
	(pc) =	sbr.ind lr, $3  }
0x3a: {  	_ = 	snop  }
0x3b: {  	_ = 	snop  }
0x3c: {  	p2 =	seq.s32 s10, $0x1;
	s10 =	sld [smem:$0x3FAA]  }
0x3d: {  	_ =	shalt  }
0x3e: {  	_ =	shalt  }
0x3f: {  	_ =	shalt  }
0x40: {  	_ =	shalt  }
0x41: {  	_ =	shalt  }
0x42: {  	_ =	shalt  }
0x43: {  	_ =	shalt  }
0x44: {  	_ =	shalt  }
0x45: {  	_ =	shalt  }
0x46: {  	_ =	shalt  }
0x47: {  	_ =	shalt  }
0x48: {  	_ =	shalt  }
0x49: {  	_ =	shalt  }
0x4a: {  	_ =	shalt  }
0x4b: {  	_ =	shalt  }
0x4c: {  	_ =	shalt  }
0x4d: {  	_ =	shalt  }
0x4e: {  	_ =	shalt  }
0x4f: {  	_ =	shalt  }
0x50: {  	_ =	shalt  }
0x51: {  	_ =	shalt  }
0x52: {  	_ =	shalt  }
0x53: {  	_ =	shalt  }
0x54: {  	_ =	shalt  }
0x55: {  	_ =	shalt  }
0x56: {  	_ =	shalt  }
0x57: {  	_ =	shalt  }
0x58: {  	_ =	shalt  }
0x59: {  	_ =	shalt  }
0x5a: {  	_ =	shalt  }
0x5b: {  	_ =	shalt  }
0x5c: {  	_ =	shalt  }
0x5d: {  	_ =	shalt  }
0x5e: {  	_ =	shalt  }
0x5f: {  	_ =	shalt  }
0x60: {  	_ =	shalt  }
0x61: {  	_ =	shalt  }
0x62: {  	_ =	shalt  }
0x63: {  	_ =	shalt  }
0x64: {  	_ =	shalt  }
0x65: {  	_ =	shalt  }
0x66: {  	_ =	shalt  }
0x67: {  	_ =	shalt  }
0x68: {  	_ =	shalt  }
0x69: {  	_ =	shalt  }
0x6a: {  	_ =	shalt  }
0x6b: {  	_ =	shalt  }
0x6c: {  	_ =	shalt  }
0x6d: {  	_ =	shalt  }
0x6e: {  	_ =	shalt  }
0x6f: {  	_ =	shalt  }
0x70: {  	_ =	shalt  }
0x71: {  	_ =	shalt  }
0x72: {  	_ =	shalt  }
0x73: {  	_ =	shalt  }
0x74: {  	_ =	shalt  }
0x75: {  	_ =	shalt  }
0x76: {  	_ =	shalt  }
0x77: {  	_ =	shalt  }
0x78: {  	_ =	shalt  }
0x79: {  	_ =	shalt  }
0x7a: {  	_ =	shalt  }
0x7b: {  	_ =	shalt  }
0x7c: {  	_ =	shalt  }
0x7d: {  	_ =	shalt  }
0x7e: {  	_ =	shalt  }
0x7f: {  	_ =	shalt  }
0x80: {  	_ =	shalt  }
0x81: {  	_ =	shalt  }
0x82: {  	_ =	shalt  }
0x83: {  	_ =	shalt  }
0x84: {  	_ =	shalt  }
0x85: {  	_ =	shalt  }
0x86: {  	_ =	shalt  }
0x87: {  	_ =	shalt  }
.Lfunc_end0:
.L_simem_size_0:
called_computation_lowered:
.L_overlay_start_0:
0x88: {  	s2 =	sld [smem:$0x3FD9]  }
0x89: {  	s3 =	sld [smem:$0x3FFE];
	_ =	sdelay $0x1  }
0x8a: {  	s1 =	srdreg.scid  }
0x8b: {  	s0 =	sand.u32 $0x1, s1  }
0x8c: {  	s16 =	sshll.u32 s0, $0xA;
	s2 =	sadd.s32 s3, s2  }
0x8d: {  	s2 =	sadd.s32 s2, s16  }
0x8e: {  	[smem:$0x3FB6] =	sst s2  }
0x8f: {  	_ = 	snop  }
0x90: {  	(tm) =	ssettm $0x1  }
0x91: {  	s17 =	sld [smem:$0x3FFB];
	_ =	sdelay $0x3  }
0x92: {  	_ =	strace s17  }
0x93: {  	s2 =	sld [smem:$0x3FFC];
	_ =	sdelay $0x3  }
0x94: {  	_ =	strace s2  }
0x95: {  	s2 =	sld [smem:$0x3FFD];
	_ =	sdelay $0x3  }
0x96: {  	_ =	strace s2  }
0x97: {  	_ =	strace $0x8FFFFFFF  }
0x98: {  	s18 =	sld [smem:$0x3FDB];
	_ =	sdelay $0x1  }
0x99: {  	s19 =	simm.s32 $_scs_section_size  }
0x9a: {  	s4 =	simm.s32 $_size__tile_overlayer_lowered;
	s5 =	simm.s32 $_tile_overlayer_lowered  }
0x9b: {  	s22 =	simm.s32 $0x1BFF;
	s21 =	sshll.u32 s5, $0x1;
	s2 =	sadd.s32 s19, s18  }
0x9c: {  	s6 =	simm.s32 $0x0;
	s20 =	sshll.u32 s4, $0x1;
	s4 =	sadd.s32 s21, s2  }
0x9d: {  	[timem:s6], [sflag:s22] =	dma.local [hbm:s4], s20  }
0x9e: {  	_ =	swait.ge [sflag:s22], s20  }
0x9f: {  	s3 =	ssub.s32 $0x0, s20;
	[sflag:s22] =	ssyncset.done $0x0  }
0xa0: {  	[sflag:s22] =	ssyncadd.s32 s3;
	_ =	sdelay $0x1  }
0xa1: {  	s23 =	simm.s32 $0x1B8B  }
0xa2: {  	_ =	swait.ge [sflag:s23], $0x1  }
0xa3: {  	[sflag:s23] =	ssyncset.done $0x0  }
0xa4: {  	s25 =	simm.s32 $0x1B8E;
	s24 =	sld [smem:$0x3FFE];
	[sflag:s23] =	ssyncadd.s32 $0xFFFFFFFF  }
0xa5: {  	s26 =	simm.s32 $execute0_lowered;
	[smem:$0x3FD2] =	sst s25  }
0xa6: {  	s4 =	sshll.u32 s26, $0x1;
	_ =	strace $0x80000046;
	[dreg:$0x1] =	wrdreg $0xFFFFFFFF  }
0xa7: {  	s28 =	simm.s32 $_size_execute0_lowered;
	s2 =	sadd.s32 s2, s4;
	[dreg:$0x0] =	wrdreg $0x0  }
0xa8: {  	s4 =	sshll.u32 s28, $0x1;
	[dreg:$0x2] =	wrdreg s2  }
0xa9: {  	[dreg:$0x3] =	wrdreg s4  }
0xaa: {  	[dreg:$0x4] =	wrdreg $0xC0  }
0xab: {  	_ =	task [dreg:s6], $0x5FFFF  }
0xac: {  	[dreg:$0x1] =	wrdreg $0xFFFFFFFF  }
0xad: {  	[dreg:$0x0] =	wrdreg $0x60  }
0xae: {  	[dreg:$0x2] =	wrdreg s24  }
0xaf: {  	[dreg:$0x3] =	wrdreg $0x40000  }
0xb0: {  	[dreg:$0x4] =	wrdreg $0x9  }
0xb1: {  	_ =	task.clear_ibuf [dreg:s6], $0x5FFFF;
	_ =	strace $0x90000046  }
0xb2: {  	s29 =	simm.s32 $0x9;
	_ =	strace $0x80000048  }
0xb3: {  	_ =	swait.ge [sflag:s29], $0x1  }
0xb4: {  	[sflag:s29] =	ssyncadd.s32 $0xFFFFFFFF  }
0xb5: {  	_ =	strace $0x90000048  }
0xb6: {  	_ =	sfence  }
0xb7: {  	s30 =	sld [smem:$0x0];
	_ =	sdelay $0x2  }
0xb8: {  	s31 =	sshll.u32 s1, $0xD;
	s1 =	sshrl.u32 s1, $0x2  }
0xb9: {  	s3 =	sand.u32 $0x4000, s31;
	s1 =	sadd.s32 s1, s30  }
0xba: {  	s0 =	sor.u32 s3, s0;
	s1 =	sshll.u32 s1, $0x11  }
0xbb: {  	s0 =	sor.u32 s1, s0  }
0xbc: {  	s0 =	sadd.s32 $0x8F2B, s0  }
0xbd: {  	[sflag:s0] =	ssyncadd.remote.s32 $0x1  }
0xbe: {  	_ =	sfence.sel $0xFFFF  }
0xbf: {  	[dreg:$0x0] =	wrdreg $0xFFFFFFFF;
	(pc) =	sbr.abs _section_cstart, $3  }
0xc0: {  	[dreg:$0x1] =	wrdreg $0xFFFFFFFF  }
0xc1: {  	_ =	task.clear_ibuf [dreg:s6], $0x2FFFF;
	_ =	strace $0x9FFFFFFF  }
0xc2: {  	(tm) =	ssettm $0x7FFFFFFF  }
0xc3: {  	_ =	shalt  }
tec
execute0_lowered:
.L_overlay_start_1:
0x0: {  	(tag) =	ssettag $0x1  }
0x1: {  	s0 =	rddreg [dreg:$0x0]  }
0x2: {  	s1 =	rddreg [dreg:$0x1]  }
0x3: {  	s3 =	simm.s32 $0x0;
	s4 =	srdreg.scid;
	s2 =	stileid.u32  }
0x4: {  	s28 =	simm.s32 $0x2;
	s29 =	simm.s32 $0x0;
	[smem:$0x7FF] =	sst s3  }
0x5: {  	s18 =	sand.u32 $0x1, s4;
	s5 =	smul.u32 $0x280, s2;
	s20 =	sadd.s32 $0x507C00, s0  }
0x6: {  	s19 =	sadd.s32 $0xDE00, s0;
	s17 =	sadd.s32 $0x511A00, s0;
	s9 =	smul.u32 $0x50000, s2  }
0x7: {  	s7 =	sshll.u32 s2, $0x1;
	_ =	strace $0x80000047;
	s6 =	smul.u32 $0x2800, s18  }
0x8: {  	s7 =	sor.u32 s18, s7;
	s21 =	ssub.s32 $0x2, s18;
	s26 =	smul.u32 $0x27800, s18  }
0x9: {  	[dreg:$0x3] =	wrdreg s17;
	s7 =	smul.u32 $0x2780, s7;
	s8 =	sshrl.u32 s21, $0x1  }
0xa: {  	s23 =	sshrl.u32 s9, $0x2;
	s5 =	sadd.s32 s6, s5;
	s8 =	ssub.s32 s21, s8  }
0xb: {  	s21 =	smul.u32 $0x4F00, s2;
	s5 =	sshll.u32 s5, $0x4;
	s22 =	sadd.s32 $0x2700, s7  }
0xc: {  	s8 =	smax.u32 s8, $0x1;
	s0 =	sadd.s32 s5, s0;
	s7 =	sshrl.u32 s22, $0x3  }
0xd: {  	s24 =	sshll.u32 s22, $0x4;
	s5 =	sadd.s32 s23, s1;
	s22 =	smul.u32 $0x2780, s18  }
0xe: {  	s23 =	smul.u32 $0x4F000, s2;
	s25 =	sadd.s32 s20, s7;
	s10 =	sadd.s32 $0x512200, s0  }
0xf: {  	s9 =	sadd.s32 $0x4000, s5;
	s11 =	sadd.s32 $0x8000, s5;
	s12 =	sadd.s32 $0x512A00, s0  }
0x10: {  	s13 =	sadd.s32 $0xC000, s5;
	s14 =	sadd.s32 $0x513200, s0;
	s15 =	sadd.s32 $0x10000, s5  }
0x11: {  	s7 =	sadd.s32 s19, s24;
	s16 =	sadd.s32 $0x513A00, s0;
	s17 =	sadd.s32 $0x514200, s0  }
0x12: {  	s24 =	simm.s32 $0x18080;
	[dreg:$0x4] =	wrdreg s25;
	s30 =	sadd.s32 s22, s21  }
0x13: {  	s19 =	sadd.s32 s23, s19;
	s23 =	simm.s32 $0x1C080;
	s25 =	simm.s32 $0x1  }
0x14: {  	s21 =	sshrl.u32 s30, $0x3;
	s22 =	sadd.s32 $0x80, s30;
	s18 =	sadd.s32 s26, s19  }
0x15: {  	s26 =	simm.s32 $0x80;
	s19 =	sadd.s32 s21, s20;
	s31 =	sshrl.u32 s22, $0x3  }
0x16: {  	s21 =	simm.s32 $0x3;
	s22 =	simm.s32 $0x18000;
	s20 =	sadd.s32 s31, s20  }
.LBB2_1:
0x17: {  	s0 =	rddreg [dreg:$0x3]  }
0x18: {  	[tilespmem:s3], [sflag:$0x3] =	stream.linear.gather [hbm4b:s0+s3], $0x4000, $0x38;
	[tilespmem:$0x1C100] =	vst v63  }
0x19: {  	_ =	swait.ge [sflag:s21], $0x4000  }
0x1a: {  	[sflag:s21] =	ssyncset.done $0x0  }
0x1b: {  	[sflag:s21] =	ssyncadd.s32 $0xFFFFC000  }
0x1c: {  	[spmem:s5] =	stream.linear.scatter [tilespmem:s3], [sflag:$0x3], $0x4000, $0x38;
	[tilespmem:$0x1C100] =	vst v63  }
0x1d: {  	_ =	swait.ge [sflag:s21], $0x4000  }
0x1e: {  	[sflag:s21] =	ssyncset.done $0x0  }
0x1f: {  	[sflag:s21] =	ssyncadd.s32 $0xFFFFC000  }
0x20: {  	[spmem:s9] =	stream.linear.scatter [tilespmem:s3], [sflag:$0x3], $0x4000, $0x38;
	[tilespmem:$0x1C100] =	vst v63  }
0x21: {  	_ =	swait.ge [sflag:s21], $0x4000  }
0x22: {  	[sflag:s21] =	ssyncset.done $0x0  }
0x23: {  	[sflag:s21] =	ssyncadd.s32 $0xFFFFC000  }
0x24: {  	[spmem:s11] =	stream.linear.scatter [tilespmem:s3], [sflag:$0x3], $0x4000, $0x38;
	[tilespmem:$0x1C100] =	vst v63  }
0x25: {  	_ =	swait.ge [sflag:s21], $0x4000  }
0x26: {  	[sflag:s21] =	ssyncset.done $0x0  }
0x27: {  	[sflag:s21] =	ssyncadd.s32 $0xFFFFC000  }
0x28: {  	[spmem:s13] =	stream.linear.scatter [tilespmem:s3], [sflag:$0x3], $0x4000, $0x38;
	[tilespmem:$0x1C100] =	vst v63  }
0x29: {  	_ =	swait.ge [sflag:s21], $0x4000  }
0x2a: {  	[sflag:s21] =	ssyncset.done $0x0  }
0x2b: {  	[sflag:s21] =	ssyncadd.s32 $0xFFFFC000  }
0x2c: {  	[spmem:s15] =	stream.linear.scatter [tilespmem:s3], [sflag:$0x3], $0x4000, $0x38;
	[tilespmem:$0x1C100] =	vst v63  }
0x2d: {  	_ =	swait.ge [sflag:s21], $0x4000  }
0x2e: {  	[sflag:s21] =	ssyncset.done $0x0  }
0x2f: {  	[sflag:s21] =	ssyncadd.s32 $0xFFFFC000  }
0x30: {  	s2 =	sadd.s32 $0x0, s19;
	[bflag:$0x0] =	sbarrier.arrive $0xFFFF  }
0x31: {  	[tilespmem:s22], [sflag:$0x3] =	stream.linear.gather [hbm4b:s2+s3], $0x80, $0x38;
	[tilespmem:$0x1C100] =	vst v63  }
0x32: {  	_ =	swait.ge [sflag:s21], $0x80  }
0x33: {  	[sflag:s21] =	ssyncset.done $0x0  }
0x34: {  	s4 =	sadd.s32 $0x0, s20;
	[sflag:s21] =	ssyncadd.s32 $0xFFFFFF80  }
0x35: {  	[tilespmem:s23], [sflag:$0x3] =	stream.linear.gather [hbm4b:s4+s3], $0x80, $0x38;
	[tilespmem:$0x1C100] =	vst v63  }
0x36: {  	_ =	swait.ge [sflag:s21], $0x80  }
0x37: {  	[sflag:s21] =	ssyncset.done $0x0  }
0x38: {  	[sflag:s21] =	ssyncadd.s32 $0xFFFFFF80  }
0x39: {  	[tilespmem:s3], [sflag:$0x1] =	stream.linear.gather [hbm4b:s18+s3], $0x4000, $0x38;
	[tilespmem:$0x1C100] =	vst v63  }
0x3a: {  	s6 =	sadd.s32 $0x800, s18  }
0x3b: {  	[tilespmem:s24], [sflag:$0x2] =	stream.linear.gather [hbm4b:s6+s3], $0x4000, $0x38;
	[tilespmem:$0x1C100] =	vst v63  }
0x3c: {  	_ =	swait.ge [sflag:s25], $0x4000  }
0x3d: {  	[sflag:s25] =	ssyncset.done $0x0  }
0x3e: {  	[sflag:s25] =	ssyncadd.s32 $0xFFFFC000  }
0x3f: {  	[spmem:s1] =	stream.indirect.scatter.add.f32 [tilespmem:s3], [sflag:$0x3], $0x80, s22, s26, $0xb8;
	[tilespmem:$0x1C100] =	vst v63  }
0x40: {  	_ =	swait.ge [sflag:s21], $0x4000  }
0x41: {  	[sflag:s21] =	ssyncset.done $0x0  }
0x42: {  	[sflag:s21] =	ssyncadd.s32 $0xFFFFC000  }
0x43: {  	_ =	swait.ge [sflag:s28], $0x4000  }
0x44: {  	[sflag:s28] =	ssyncset.done $0x0  }
0x45: {  	[sflag:s28] =	ssyncadd.s32 $0xFFFFC000  }
0x46: {  	[spmem:s1] =	stream.indirect.scatter.add.f32 [tilespmem:s24], [sflag:$0x3], $0x80, s23, s26, $0xb8;
	[tilespmem:$0x1C100] =	vst v63  }
0x47: {  	s31 =	simm.s32 $0x20;
	_ =	swait.ge [sflag:s21], $0x4000  }
0x48: {  	s30 =	sadd.s32 $0x1000, s18;
	s0 =	simm.s32 $0x40;
	[sflag:s21] =	ssyncset.done $0x0  }
.LBB2_2:
0x49: {  	s2 =	sadd.s32 s31, s19  }
0x4a: {  	[sflag:s21] =	ssyncadd.s32 $0xFFFFC000;
	s4 =	smov.u32 s0;
	s6 =	sadd.s32 $0x20, s0  }
0x4b: {  	[tilespmem:s22], [sflag:$0x3] =	stream.linear.gather [hbm4b:s2+s3], $0x80, $0x38;
	[tilespmem:$0x1C100] =	vst v63  }
0x4c: {  	p0 =	sne.s32 s0, $0x4C0;
	_ =	swait.ge [sflag:s21], $0x80  }
0x4d: {  	[sflag:s21] =	ssyncset.done $0x0  }
0x4e: {  	s0 =	sadd.s32 s31, s20;
	s31 =	smov.u32 s4;
	[sflag:s21] =	ssyncadd.s32 $0xFFFFFF80  }
0x4f: {  	[tilespmem:s23], [sflag:$0x3] =	stream.linear.gather [hbm4b:s0+s3], $0x80, $0x38;
	[tilespmem:$0x1C100] =	vst v63  }
0x50: {  	_ =	swait.ge [sflag:s21], $0x80  }
0x51: {  	[sflag:s21] =	ssyncset.done $0x0  }
0x52: {  	[sflag:s21] =	ssyncadd.s32 $0xFFFFFF80  }
0x53: {  	[tilespmem:s3], [sflag:$0x1] =	stream.linear.gather [hbm4b:s30+s3], $0x4000, $0x38;
	[tilespmem:$0x1C100] =	vst v63  }
0x54: {  	s0 =	sadd.s32 $0x800, s30  }
0x55: {  	[tilespmem:s24], [sflag:$0x2] =	stream.linear.gather [hbm4b:s0+s3], $0x4000, $0x38;
	[tilespmem:$0x1C100] =	vst v63  }
0x56: {  	_ =	swait.ge [sflag:s25], $0x4000  }
0x57: {  	[sflag:s25] =	ssyncset.done $0x0  }
0x58: {  	[sflag:s25] =	ssyncadd.s32 $0xFFFFC000  }
0x59: {  	[spmem:s1] =	stream.indirect.scatter.add.f32 [tilespmem:s3], [sflag:$0x3], $0x80, s22, s26, $0xb8;
	[tilespmem:$0x1C100] =	vst v63  }
0x5a: {  	_ =	swait.ge [sflag:s21], $0x4000  }
0x5b: {  	[sflag:s21] =	ssyncset.done $0x0  }
0x5c: {  	[sflag:s21] =	ssyncadd.s32 $0xFFFFC000  }
0x5d: {  	_ =	swait.ge [sflag:s28], $0x4000  }
.Ltmp0:
0x5e: {  	[sflag:s28] =	ssyncset.done $0x0;
	(pc) =	sbr.rel @p0 .LBB2_2-.Ltmp0, $4  }
0x5f: {  	[sflag:s28] =	ssyncadd.s32 $0xFFFFC000  }
0x60: {  	[spmem:s1] =	stream.indirect.scatter.add.f32 [tilespmem:s24], [sflag:$0x3], $0x80, s23, s26, $0xb8;
	[tilespmem:$0x1C100] =	vst v63  }
0x61: {  	_ =	swait.ge [sflag:s21], $0x4000  }
0x62: {  	s30 =	sadd.s32 $0x1000, s30;
	s0 =	smov.u32 s6;
	[sflag:s21] =	ssyncset.done $0x0  }
0x63: {  	s0 =	sadd.s32 s31, s19;
	[sflag:s21] =	ssyncadd.s32 $0xFFFFC000  }
0x64: {  	[tilespmem:s22], [sflag:$0x3] =	stream.linear.gather [hbm4b:s0+s3], $0x80, $0x38;
	[tilespmem:$0x1C100] =	vst v63  }
0x65: {  	_ =	swait.ge [sflag:s21], $0x80  }
0x66: {  	[sflag:s21] =	ssyncset.done $0x0  }
0x67: {  	s6 =	sadd.s32 s31, s20;
	[sflag:s21] =	ssyncadd.s32 $0xFFFFFF80  }
0x68: {  	[tilespmem:s23], [sflag:$0x3] =	stream.linear.gather [hbm4b:s6+s3], $0x80, $0x38;
	[tilespmem:$0x1C100] =	vst v63  }
0x69: {  	_ =	swait.ge [sflag:s21], $0x80  }
0x6a: {  	[sflag:s21] =	ssyncset.done $0x0  }
0x6b: {  	[sflag:s21] =	ssyncadd.s32 $0xFFFFFF80  }
0x6c: {  	[tilespmem:s3], [sflag:$0x1] =	stream.linear.gather [hbm4b:s30+s3], $0x4000, $0x38;
	[tilespmem:$0x1C100] =	vst v63  }
0x6d: {  	s30 =	sadd.s32 $0x800, s30  }
0x6e: {  	[tilespmem:s24], [sflag:$0x2] =	stream.linear.gather [hbm4b:s30+s3], $0x4000, $0x38;
	[tilespmem:$0x1C100] =	vst v63  }
0x6f: {  	_ =	swait.ge [sflag:s25], $0x4000  }
0x70: {  	[sflag:s25] =	ssyncset.done $0x0  }
0x71: {  	[sflag:s25] =	ssyncadd.s32 $0xFFFFC000  }
0x72: {  	[spmem:s1] =	stream.indirect.scatter.add.f32 [tilespmem:s3], [sflag:$0x3], $0x80, s22, s26, $0xb8;
	[tilespmem:$0x1C100] =	vst v63  }
0x73: {  	_ =	swait.ge [sflag:s21], $0x4000  }
0x74: {  	[sflag:s21] =	ssyncset.done $0x0  }
0x75: {  	[sflag:s21] =	ssyncadd.s32 $0xFFFFC000  }
0x76: {  	_ =	swait.ge [sflag:s28], $0x4000  }
0x77: {  	[sflag:s28] =	ssyncset.done $0x0  }
0x78: {  	[sflag:s28] =	ssyncadd.s32 $0xFFFFC000  }
0x79: {  	[spmem:s1] =	stream.indirect.scatter.add.f32 [tilespmem:s24], [sflag:$0x3], $0x80, s23, s26, $0xb8;
	[tilespmem:$0x1C100] =	vst v63  }
0x7a: {  	_ =	swait.ge [sflag:s21], $0x4000  }
0x7b: {  	[sflag:s21] =	ssyncset.done $0x0  }
0x7c: {  	s31 =	rddreg [dreg:$0x4];
	[sflag:s21] =	ssyncadd.s32 $0xFFFFC000  }
0x7d: {  	[tilespmem:s22], [sflag:$0x3] =	stream.linear.gather [hbm4b:s31+s3], $0x80, $0x38;
	[tilespmem:$0x1C100] =	vst v63  }
0x7e: {  	_ =	swait.ge [sflag:s21], $0x80  }
0x7f: {  	[sflag:s21] =	ssyncset.done $0x0  }
0x80: {  	[sflag:s21] =	ssyncadd.s32 $0xFFFFFF80  }
0x81: {  	[tilespmem:s3], [sflag:$0x3] =	stream.linear.gather [hbm4b:s7+s3], $0x4000, $0x38;
	[tilespmem:$0x1C100] =	vst v63  }
0x82: {  	_ =	swait.ge [sflag:s21], $0x4000  }
0x83: {  	[sflag:s21] =	ssyncset.done $0x0  }
0x84: {  	[sflag:s21] =	ssyncadd.s32 $0xFFFFC000  }
0x85: {  	[spmem:s1] =	stream.indirect.scatter.add.f32 [tilespmem:s3], [sflag:$0x3], $0x80, s22, s26, $0xb8;
	[tilespmem:$0x1C100] =	vst v63  }
0x86: {  	_ =	swait.ge [sflag:s21], $0x4000  }
0x87: {  	[sflag:s21] =	ssyncset.done $0x0  }
0x88: {  	[sflag:s21] =	ssyncadd.s32 $0xFFFFC000  }
0x89: {  	[bflag:$0x0] =	sbarrier.arrive $0xFFFF  }
0x8a: {  	[tilespmem:s3], [sflag:$0x3] =	stream.linear.gather [spmem:s5], $0x4000, $0x38;
	[tilespmem:$0x1C100] =	vst v63  }
0x8b: {  	_ =	swait.ge [sflag:s21], $0x4000  }
0x8c: {  	[sflag:s21] =	ssyncset.done $0x0  }
0x8d: {  	[sflag:s21] =	ssyncadd.s32 $0xFFFFC000  }
0x8e: {  	[hbm4b:s10+s3] =	stream.linear.scatter [tilespmem:s3], [sflag:$0x3], $0x4000, $0x38;
	[tilespmem:$0x1C100] =	vst v63  }
0x8f: {  	_ =	swait.ge [sflag:s21], $0x4000  }
0x90: {  	[sflag:s21] =	ssyncset.done $0x0  }
0x91: {  	[sflag:s21] =	ssyncadd.s32 $0xFFFFC000  }
0x92: {  	[tilespmem:s3], [sflag:$0x3] =	stream.linear.gather [spmem:s9], $0x4000, $0x38;
	[tilespmem:$0x1C100] =	vst v63  }
0x93: {  	_ =	swait.ge [sflag:s21], $0x4000  }
0x94: {  	[sflag:s21] =	ssyncset.done $0x0  }
0x95: {  	[sflag:s21] =	ssyncadd.s32 $0xFFFFC000  }
0x96: {  	[hbm4b:s12+s3] =	stream.linear.scatter [tilespmem:s3], [sflag:$0x3], $0x4000, $0x38;
	[tilespmem:$0x1C100] =	vst v63  }
0x97: {  	_ =	swait.ge [sflag:s21], $0x4000  }
0x98: {  	[sflag:s21] =	ssyncset.done $0x0  }
0x99: {  	[sflag:s21] =	ssyncadd.s32 $0xFFFFC000  }
0x9a: {  	[tilespmem:s3], [sflag:$0x3] =	stream.linear.gather [spmem:s11], $0x4000, $0x38;
	[tilespmem:$0x1C100] =	vst v63  }
0x9b: {  	_ =	swait.ge [sflag:s21], $0x4000  }
0x9c: {  	[sflag:s21] =	ssyncset.done $0x0  }
0x9d: {  	[sflag:s21] =	ssyncadd.s32 $0xFFFFC000  }
0x9e: {  	[hbm4b:s14+s3] =	stream.linear.scatter [tilespmem:s3], [sflag:$0x3], $0x4000, $0x38;
	[tilespmem:$0x1C100] =	vst v63  }
0x9f: {  	_ =	swait.ge [sflag:s21], $0x4000  }
0xa0: {  	[sflag:s21] =	ssyncset.done $0x0  }
0xa1: {  	[sflag:s21] =	ssyncadd.s32 $0xFFFFC000  }
0xa2: {  	[tilespmem:s3], [sflag:$0x3] =	stream.linear.gather [spmem:s13], $0x4000, $0x38;
	[tilespmem:$0x1C100] =	vst v63  }
0xa3: {  	_ =	swait.ge [sflag:s21], $0x4000  }
0xa4: {  	[sflag:s21] =	ssyncset.done $0x0  }
0xa5: {  	[sflag:s21] =	ssyncadd.s32 $0xFFFFC000  }
0xa6: {  	[hbm4b:s16+s3] =	stream.linear.scatter [tilespmem:s3], [sflag:$0x3], $0x4000, $0x38;
	[tilespmem:$0x1C100] =	vst v63  }
0xa7: {  	_ =	swait.ge [sflag:s21], $0x4000  }
0xa8: {  	[sflag:s21] =	ssyncset.done $0x0  }
0xa9: {  	[sflag:s21] =	ssyncadd.s32 $0xFFFFC000  }
0xaa: {  	[tilespmem:s3], [sflag:$0x3] =	stream.linear.gather [spmem:s15], $0x4000, $0x38;
	[tilespmem:$0x1C100] =	vst v63  }
0xab: {  	s29 =	sadd.s32 $0x1, s29;
	_ =	swait.ge [sflag:s21], $0x4000  }
0xac: {  	p0 =	sne.s32 s29, s8;
	[sflag:s21] =	ssyncset.done $0x0  }
.Ltmp1:
0xad: {  	[sflag:s21] =	ssyncadd.s32 $0xFFFFC000;
	(pc) =	sbr.rel @p0 .LBB2_1-.Ltmp1, $4  }
0xae: {  	[hbm4b:s17+s3] =	stream.linear.scatter [tilespmem:s3], [sflag:$0x3], $0x4000, $0x38;
	[tilespmem:$0x1C100] =	vst v63  }
0xaf: {  	_ =	swait.ge [sflag:s21], $0x4000  }
0xb0: {  	[sflag:s21] =	ssyncset.done $0x0  }
0xb1: {  	[sflag:s21] =	ssyncadd.s32 $0xFFFFC000  }
0xb2: {  	_ =	sfence.sel $0x180000  }
0xb3: {  	[bflag:$0x0] =	sbarrier.arrive $0xFFFF  }
0xb4: {  	_ =	strace $0x90000047  }
0xb5: {  	s0 =	stileid.u32;
	[bflag:$0x2] =	sbarrier.arrive $0xFFFF  }
0xb6: {  	p0 =	sne.s32 s0, $0x0;
	s0 =	rddreg [dreg:$0x2]  }
0xb7: {  	s0 =	sadd.s32 @!p0 $0x100000, s0  }
0xb8: {  	[sflag:s0] =	ssyncadd.tile.s32 @!p0 $0x1;
	_ =	shalt  }
.Lfunc_end2:
_tile_overlayer_lowered:
.L_overlay_start_2:
0xb9: {  	(tag) =	ssettag $0x2  }
0xba: {  	s0 =	rddreg [dreg:$0x0];
	s2 =	stileid.u32  }
0xbb: {  	s1 =	rddreg [dreg:$0x1];
	p0 =	sne.s32 s2, $0x0  }
0xbc: {  	s3 =	rddreg [dreg:$0x2];
	[bflag:$0x3] =	sbarrier.arrive $0xFFFF;
	s2 =	simm.s32 @!p0 $0x1C03  }
0xbd: {  	[timem:s3], [sflag:s2] =	dma.local @!p0 [hbm:s0], s1  }
0xbe: {  	s0 =	simm.s32 @!p0 $0x3  }
0xbf: {  	_ =	swait.ge @!p0 [sflag:s0], s1  }
0xc0: {  	s1 =	ssub.s32 @!p0 $0x0, s1;
	[sflag:s0] =	ssyncset.done @!p0 $0x0  }
0xc1: {  	[sflag:s0] =	ssyncadd.s32 @!p0 s1  }
0xc2: {  	[bflag:$0x3] =	sbarrier.arrive $0xFFFF  }
0xc3: {  	_ =	shalt  }

// kernel: kernel.31.cloned.1.call-start
scs
__scs_entry_jumppad:
0x0: {  	(pc) =	sbr.rel $0x88, $3  }
0x1: {  	(tag) =	ssettag $0x0;
	lr =	simm.s32 $0x1  }
0x2: {  	[smem:$0x3F8F] =	sst lr;
	_ =	strace $0xD0000000  }
0x3: {  	_ = 	snop  }
0x4: {  	_ = 	snop  }
0x5: {  	_ = 	snop  }
0x6: {  	_ = 	snop  }
0x7: {  	_ = 	snop  }
__scs_overlays_trampoline_lowered:
0x8: {  	[smem:$0x3F9E] =	sst s0  }
0x9: {  	[smem:$0x3F9F] =	sst s1  }
0xa: {  	[smem:$0x3FA0] =	sst s2  }
0xb: {  	[smem:$0x3FA1] =	sst s3  }
0xc: {  	[smem:$0x3FA2] =	sst s4  }
0xd: {  	[smem:$0x3FA3] =	sst s5  }
0xe: {  	[smem:$0x3FA4] =	sst s6  }
0xf: {  	[smem:$0x3FA5] =	sst s7  }
0x10: {  	[smem:$0x3FA6] =	sst s8  }
0x11: {  	[smem:$0x3FA7] =	sst s9;
	s0 =	simm.s32 @!p0 $0x0  }
0x12: {  	s1 =	sld [smem:$0x3F8D];
	s0 =	simm.s32 @p0 $0x1  }
0x13: {  	[smem:$0x3FA8] =	sst s0;
	s0 =	simm.s32 @!p1 $0x0  }
0x14: {  	s2 =	sld [smem:$0x3F8C];
	s0 =	simm.s32 @p1 $0x1  }
0x15: {  	[smem:$0x3FA9] =	sst s0;
	s0 =	simm.s32 @!p2 $0x0  }
0x16: {  	s3 =	sld [smem:$0x3FDB];
	s0 =	simm.s32 @p2 $0x1  }
0x17: {  	s4 =	simm.s32 $0x1BF5;
	[smem:$0x3FAB] =	sst s0  }
0x18: {  	s0 =	sld [smem:$0x3F8E];
	_ =	swait.ge [sflag:s4], $0x0  }
0x19: {  	s7 =	sld [smem:$0x3F8F]  }
0x1a: {  	s8 =	sadd.s32 $0xFFFFE003, lr  }
0x1b: {  	s9 =	sadd.s32 $0xFFFFFEF7, lr;
	s5 =	simm.s32 $0xFFFFFFFF;
	p2 =	slt.u32 s8, $0xFFFFF086  }
0x1c: {  	p1 =	slt.u32 s9, $0xF7A;
	s5 =	simm.s32 @!p2 $0x0  }
0x1d: {  	s5 =	simm.s32 @p1 $0x1;
	p0 =	seq.s32 s7, s2  }
0x1e: {  	s7 =	smul.u32 @!p0 $0xF7A, s2;
	p2 =	seq.s32 @!p0 s5, $0x0  }
0x1f: {  	s9 =	smul.u32 $0xF7A, s1;
	s8 =	simm.s32 @!p0 $0x1BF5;
	p2 =	por !p2, p0  }
0x20: {  	[sflag:s8] =	ssyncset.s32 @!p0 $0xFFFFF086;
	s6 =	sadd.s32 @!p0 s3, s7;
	s7 =	simm.s32 @!p0 $0x108  }
0x21: {  	s3 =	sadd.s32 s3, s9;
	s6 =	sadd.s32 @!p0 $0x88, s6;
	s7 =	simm.s32 @p2 $0x1082  }
0x22: {  	[simem:s7], [sflag:s8] =	dma.local @!p0 [hbm:s6], $0xF7A  }
0x23: {  	s9 =	sor.u32 $0xD0000000, s2;
	s6 =	simm.s32 $0x108;
	_ =	swait.ge @!p0 [sflag:s8], $0x0  }
0x24: {  	s3 =	sadd.s32 $0x88, s3;
	s6 =	simm.s32 @!p1 $0x1082;
	[sflag:s4] =	ssyncset.s32 $0xFFFFF086  }
0x25: {  	[simem:s6], [sflag:s4] =	dma.local [hbm:s3], $0xF7A  }
0x26: {  	[smem:$0x3F8F] =	sst s1;
	(tag) =	ssettag s2;
	_ =	strace s9  }
0x27: {  	s1 =	sld [smem:$0x3F9F]  }
0x28: {  	s2 =	sld [smem:$0x3FA0]  }
0x29: {  	s4 =	sld [smem:$0x3FA2]  }
0x2a: {  	p0 =	seq.s32 s5, $0x0;
	s5 =	sld [smem:$0x3FA3]  }
0x2b: {  	s6 =	sld [smem:$0x3FA4]  }
0x2c: {  	s7 =	sld [smem:$0x3FA5]  }
0x2d: {  	s3 =	simm.s32 $0x108;
	s8 =	sld [smem:$0x3FA6]  }
0x2e: {  	s3 =	simm.s32 @!p0 $0x1082;
	s9 =	sld [smem:$0x3FA7]  }
0x2f: {  	lr =	sadd.s32 s0, s3;
	s0 =	sld [smem:$0x3F9E]  }
0x30: {  	s3 =	sld [smem:$0x3FA1]  }
0x31: {  	[smem:$0x3FAA] =	sst s10  }
0x32: {  	s10 =	sld [smem:$0x3FA8];
	_ =	sdelay $0x3  }
0x33: {  	p0 =	seq.s32 s10, $0x1;
	s10 =	sld [smem:$0x3FAA];
	_ =	sdelay $0x3  }
0x34: {  	[smem:$0x3FAA] =	sst s10  }
0x35: {  	s10 =	sld [smem:$0x3FA9];
	_ =	sdelay $0x3  }
0x36: {  	p1 =	seq.s32 s10, $0x1;
	s10 =	sld [smem:$0x3FAA];
	_ =	sdelay $0x3  }
0x37: {  	[smem:$0x3FAA] =	sst s10  }
0x38: {  	s10 =	sld [smem:$0x3FAB]  }
0x39: {  	_ = 	snop;
	(pc) =	sbr.ind lr, $3  }
0x3a: {  	_ = 	snop  }
0x3b: {  	_ = 	snop  }
0x3c: {  	p2 =	seq.s32 s10, $0x1;
	s10 =	sld [smem:$0x3FAA]  }
0x3d: {  	_ =	shalt  }
0x3e: {  	_ =	shalt  }
0x3f: {  	_ =	shalt  }
0x40: {  	_ =	shalt  }
0x41: {  	_ =	shalt  }
0x42: {  	_ =	shalt  }
0x43: {  	_ =	shalt  }
0x44: {  	_ =	shalt  }
0x45: {  	_ =	shalt  }
0x46: {  	_ =	shalt  }
0x47: {  	_ =	shalt  }
0x48: {  	_ =	shalt  }
0x49: {  	_ =	shalt  }
0x4a: {  	_ =	shalt  }
0x4b: {  	_ =	shalt  }
0x4c: {  	_ =	shalt  }
0x4d: {  	_ =	shalt  }
0x4e: {  	_ =	shalt  }
0x4f: {  	_ =	shalt  }
0x50: {  	_ =	shalt  }
0x51: {  	_ =	shalt  }
0x52: {  	_ =	shalt  }
0x53: {  	_ =	shalt  }
0x54: {  	_ =	shalt  }
0x55: {  	_ =	shalt  }
0x56: {  	_ =	shalt  }
0x57: {  	_ =	shalt  }
0x58: {  	_ =	shalt  }
0x59: {  	_ =	shalt  }
0x5a: {  	_ =	shalt  }
0x5b: {  	_ =	shalt  }
0x5c: {  	_ =	shalt  }
0x5d: {  	_ =	shalt  }
0x5e: {  	_ =	shalt  }
0x5f: {  	_ =	shalt  }
0x60: {  	_ =	shalt  }
0x61: {  	_ =	shalt  }
0x62: {  	_ =	shalt  }
0x63: {  	_ =	shalt  }
0x64: {  	_ =	shalt  }
0x65: {  	_ =	shalt  }
0x66: {  	_ =	shalt  }
0x67: {  	_ =	shalt  }
0x68: {  	_ =	shalt  }
0x69: {  	_ =	shalt  }
0x6a: {  	_ =	shalt  }
0x6b: {  	_ =	shalt  }
0x6c: {  	_ =	shalt  }
0x6d: {  	_ =	shalt  }
0x6e: {  	_ =	shalt  }
0x6f: {  	_ =	shalt  }
0x70: {  	_ =	shalt  }
0x71: {  	_ =	shalt  }
0x72: {  	_ =	shalt  }
0x73: {  	_ =	shalt  }
0x74: {  	_ =	shalt  }
0x75: {  	_ =	shalt  }
0x76: {  	_ =	shalt  }
0x77: {  	_ =	shalt  }
0x78: {  	_ =	shalt  }
0x79: {  	_ =	shalt  }
0x7a: {  	_ =	shalt  }
0x7b: {  	_ =	shalt  }
0x7c: {  	_ =	shalt  }
0x7d: {  	_ =	shalt  }
0x7e: {  	_ =	shalt  }
0x7f: {  	_ =	shalt  }
0x80: {  	_ =	shalt  }
0x81: {  	_ =	shalt  }
0x82: {  	_ =	shalt  }
0x83: {  	_ =	shalt  }
0x84: {  	_ =	shalt  }
0x85: {  	_ =	shalt  }
0x86: {  	_ =	shalt  }
0x87: {  	_ =	shalt  }
.Lfunc_end0:
.L_simem_size_0:
called_computation.1_lowered:
.L_overlay_start_0:
0x88: {  	s2 =	sld [smem:$0x3FD9]  }
0x89: {  	s3 =	sld [smem:$0x3FFE];
	_ =	sdelay $0x1  }
0x8a: {  	s1 =	srdreg.scid  }
0x8b: {  	s0 =	sand.u32 $0x1, s1  }
0x8c: {  	s16 =	sshll.u32 s0, $0xA;
	s2 =	sadd.s32 s3, s2  }
0x8d: {  	s2 =	sadd.s32 s2, s16  }
0x8e: {  	[smem:$0x3FB6] =	sst s2  }
0x8f: {  	_ = 	snop  }
0x90: {  	(tm) =	ssettm $0x1  }
0x91: {  	s17 =	sld [smem:$0x3FFB];
	_ =	sdelay $0x3  }
0x92: {  	_ =	strace s17  }
0x93: {  	s2 =	sld [smem:$0x3FFC];
	_ =	sdelay $0x3  }
0x94: {  	_ =	strace s2  }
0x95: {  	s2 =	sld [smem:$0x3FFD];
	_ =	sdelay $0x3  }
0x96: {  	_ =	strace s2  }
0x97: {  	_ =	strace $0x8FFFFFFF  }
0x98: {  	s18 =	sld [smem:$0x3FDB];
	_ =	sdelay $0x1  }
0x99: {  	s19 =	simm.s32 $_scs_section_size  }
0x9a: {  	s4 =	simm.s32 $_size__tile_overlayer_lowered;
	s5 =	simm.s32 $_tile_overlayer_lowered  }
0x9b: {  	s22 =	simm.s32 $0x1BFF;
	s21 =	sshll.u32 s5, $0x1;
	s2 =	sadd.s32 s19, s18  }
0x9c: {  	s6 =	simm.s32 $0x0;
	s20 =	sshll.u32 s4, $0x1;
	s4 =	sadd.s32 s21, s2  }
0x9d: {  	[timem:s6], [sflag:s22] =	dma.local [hbm:s4], s20  }
0x9e: {  	_ =	swait.ge [sflag:s22], s20  }
0x9f: {  	s3 =	ssub.s32 $0x0, s20;
	[sflag:s22] =	ssyncset.done $0x0  }
0xa0: {  	[sflag:s22] =	ssyncadd.s32 s3;
	_ =	sdelay $0x1  }
0xa1: {  	s23 =	simm.s32 $0x1B8B  }
0xa2: {  	_ =	swait.ge [sflag:s23], $0x1  }
0xa3: {  	[sflag:s23] =	ssyncset.done $0x0  }
0xa4: {  	s25 =	simm.s32 $0x1B8E;
	s24 =	sld [smem:$0x3FFE];
	[sflag:s23] =	ssyncadd.s32 $0xFFFFFFFF  }
0xa5: {  	s26 =	simm.s32 $execute0_lowered;
	[smem:$0x3FD2] =	sst s25  }
0xa6: {  	s4 =	sshll.u32 s26, $0x1;
	_ =	strace $0x80000049;
	[dreg:$0x1] =	wrdreg $0xFFFFFFFF  }
0xa7: {  	s28 =	simm.s32 $_size_execute0_lowered;
	s2 =	sadd.s32 s2, s4;
	[dreg:$0x0] =	wrdreg $0x0  }
0xa8: {  	s4 =	sshll.u32 s28, $0x1;
	[dreg:$0x2] =	wrdreg s2  }
0xa9: {  	[dreg:$0x3] =	wrdreg s4  }
0xaa: {  	[dreg:$0x4] =	wrdreg $0xC0  }
0xab: {  	_ =	task [dreg:s6], $0x5FFFF  }
0xac: {  	[dreg:$0x1] =	wrdreg $0xFFFFFFFF  }
0xad: {  	[dreg:$0x0] =	wrdreg $0x60  }
0xae: {  	[dreg:$0x2] =	wrdreg s24  }
0xaf: {  	[dreg:$0x3] =	wrdreg $0x9  }
0xb0: {  	_ =	task.clear_ibuf [dreg:s6], $0x4FFFF;
	_ =	strace $0x90000049  }
0xb1: {  	s29 =	simm.s32 $0x9;
	_ =	strace $0x8000004B  }
0xb2: {  	_ =	swait.ge [sflag:s29], $0x1  }
0xb3: {  	[sflag:s29] =	ssyncadd.s32 $0xFFFFFFFF  }
0xb4: {  	_ =	strace $0x9000004B  }
0xb5: {  	_ =	sfence  }
0xb6: {  	s30 =	sld [smem:$0x0];
	_ =	sdelay $0x2  }
0xb7: {  	s31 =	sshll.u32 s1, $0xD;
	s1 =	sshrl.u32 s1, $0x2  }
0xb8: {  	s3 =	sand.u32 $0x4000, s31;
	s1 =	sadd.s32 s1, s30  }
0xb9: {  	s0 =	sor.u32 s3, s0;
	s1 =	sshll.u32 s1, $0x11  }
0xba: {  	s0 =	sor.u32 s1, s0  }
0xbb: {  	s0 =	sadd.s32 $0x8F2B, s0  }
0xbc: {  	[sflag:s0] =	ssyncadd.remote.s32 $0x1  }
0xbd: {  	_ =	sfence.sel $0xFFFF  }
0xbe: {  	[dreg:$0x0] =	wrdreg $0xFFFFFFFF;
	(pc) =	sbr.abs _section_cstart, $3  }
0xbf: {  	[dreg:$0x1] =	wrdreg $0xFFFFFFFF  }
0xc0: {  	_ =	task.clear_ibuf [dreg:s6], $0x2FFFF;
	_ =	strace $0x9FFFFFFF  }
0xc1: {  	(tm) =	ssettm $0x7FFFFFFF  }
tec
execute0_lowered:
.L_overlay_start_1:
0x0: {  	(tag) =	ssettag $0x1  }
0x1: {  	s6 =	rddreg [dreg:$0x0]  }
0x2: {  	s0 =	rddreg [dreg:$0x1];
	s2 =	simm.s32 $0x0  }
0x3: {  	s3 =	srdreg.scid;
	s1 =	stileid.u32;
	s12 =	simm.s32 $0x5  }
0x4: {  	s13 =	simm.s32 $0x80;
	s14 =	simm.s32 $0x100;
	s15 =	simm.s32 $0x4100  }
0x5: {  	s16 =	simm.s32 $0x8100;
	s17 =	simm.s32 $0x1;
	s18 =	simm.s32 $0x2  }
0x6: {  	s19 =	simm.s32 $0x3;
	s20 =	simm.s32 $0x4;
	s8 =	smul.u32 $0x4F00, s1  }
0x7: {  	[smem:$0x7FF] =	sst s2;
	s7 =	sand.u32 $0x1, s3;
	s10 =	smul.u32 $0x4F000, s1  }
0x8: {  	s3 =	sadd.s32 $0x53A200, s6;
	s4 =	sadd.s32 $0xDE00, s6;
	s9 =	smul.u32 $0x2780, s7  }
0x9: {  	s5 =	sadd.s32 $0x56C000, s6;
	s11 =	ssub.s32 $0x2, s7;
	s7 =	smul.u32 $0x27800, s7  }
0xa: {  	_ =	strace $0x8000004A;
	s10 =	sadd.s32 s10, s6;
	s8 =	sadd.s32 s9, s8  }
0xb: {  	s29 =	sshrl.u32 s11, $0x1;
	s31 =	sadd.s32 s7, s10;
	s8 =	sshrl.u32 s8, $0x3  }
0xc: {  	s9 =	ssub.s32 s11, s29;
	s7 =	sadd.s32 $0x594000, s31;
	s30 =	sadd.s32 s8, s6  }
0xd: {  	s6 =	smax.u32 s9, $0x1;
	s8 =	sadd.s32 $0xA84000, s31;
	s9 =	sadd.s32 $0xF74000, s31  }
0xe: {  	s21 =	simm.s32 $0x0;
	s10 =	sadd.s32 $0x562200, s30;
	s11 =	sadd.s32 $0x507C00, s30  }
.LBB2_1:
0xf: {  	[tilespmem:s2], [sflag:$0x5] =	stream.linear.gather [hbm4b:s11+s2], $0x80, $0x38;
	[tilespmem:$0xC100] =	vst v63  }
0x10: {  	_ =	swait.ge [sflag:s12], $0x80  }
0x11: {  	[sflag:s12] =	ssyncset.done $0x0  }
0x12: {  	[sflag:s12] =	ssyncadd.s32 $0xFFFFFF80  }
0x13: {  	[tilespmem:s13], [sflag:$0x5] =	stream.linear.gather [hbm4b:s10+s2], $0x80, $0x38;
	[tilespmem:$0xC100] =	vst v63  }
0x14: {  	_ =	swait.ge [sflag:s12], $0x80  }
0x15: {  	[sflag:s12] =	ssyncset.done $0x0  }
0x16: {  	[sflag:s12] =	ssyncadd.s32 $0xFFFFFF80  }
0x17: {  	[tilespmem:s14], [sflag:$0x1] =	stream.indirect.gather [hbm4b:s3+s13], $0x80, s2, s13, $0xb8;
	[tilespmem:$0xC100] =	vst v63  }
0x18: {  	_ = 	snop  }
0x19: {  	[tilespmem:s15], [sflag:$0x2] =	stream.indirect.gather [hbm4b:s4+s13], $0x80, s13, s13, $0xb8;
	[tilespmem:$0xC100] =	vst v63  }
0x1a: {  	_ = 	snop  }
0x1b: {  	[tilespmem:s16], [sflag:$0x3] =	stream.indirect.gather [hbm4b:s5+s13], $0x80, s13, s13, $0xb8;
	[tilespmem:$0xC100] =	vst v63  }
0x1c: {  	_ =	swait.ge [sflag:s17], $0x4000  }
0x1d: {  	[sflag:s17] =	ssyncset.done $0x0  }
0x1e: {  	s22 =	sadd.s32 $0x0, s7;
	[sflag:s17] =	ssyncadd.s32 $0xFFFFC000  }
0x1f: {  	[hbm4b:s22+s2] =	stream.linear.scatter [tilespmem:s14], [sflag:$0x4], $0x4000, $0x38;
	[tilespmem:$0xC100] =	vst v63  }
0x20: {  	_ =	swait.ge [sflag:s18], $0x4000  }
0x21: {  	[sflag:s18] =	ssyncset.done $0x0  }
0x22: {  	s30 =	sadd.s32 $0x0, s8;
	[sflag:s18] =	ssyncadd.s32 $0xFFFFC000  }
0x23: {  	[hbm4b:s30+s2] =	stream.linear.scatter [tilespmem:s15], [sflag:$0x4], $0x4000, $0x38;
	[tilespmem:$0xC100] =	vst v63  }
0x24: {  	_ =	swait.ge [sflag:s19], $0x4000  }
0x25: {  	[sflag:s19] =	ssyncset.done $0x0  }
0x26: {  	s31 =	sadd.s32 $0x0, s9;
	[sflag:s19] =	ssyncadd.s32 $0xFFFFC000  }
0x27: {  	[hbm4b:s31+s2] =	stream.linear.scatter [tilespmem:s16], [sflag:$0x4], $0x4000, $0x38;
	[tilespmem:$0xC100] =	vst v63  }
0x28: {  	_ =	swait.ge [sflag:s20], $0x4000  }
0x29: {  	[sflag:s20] =	ssyncset.done $0x0  }
0x2a: {  	[sflag:s20] =	ssyncadd.s32 $0xFFFFC000  }
0x2b: {  	_ =	swait.ge [sflag:s20], $0x4000  }
0x2c: {  	[sflag:s20] =	ssyncset.done $0x0  }
0x2d: {  	[sflag:s20] =	ssyncadd.s32 $0xFFFFC000  }
0x2e: {  	s23 =	smov.u32 s10;
	_ =	swait.ge [sflag:s20], $0x4000  }
0x2f: {  	s24 =	smov.u32 s11;
	s22 =	simm.s32 $0x800;
	[sflag:s20] =	ssyncset.done $0x0  }
.LBB2_2:
0x30: {  	[sflag:s20] =	ssyncadd.s32 $0xFFFFC000  }
0x31: {  	s23 =	sadd.s32 $0x10, s23;
	s24 =	sadd.s32 $0x10, s24;
	s25 =	smov.u32 s22  }
0x32: {  	[tilespmem:s2], [sflag:$0x5] =	stream.linear.gather [hbm4b:s24+s2], $0x80, $0x38;
	[tilespmem:$0xC100] =	vst v63  }
0x33: {  	p0 =	sne.s32 s22, $0x27000;
	s22 =	sadd.s32 $0x800, s22;
	_ =	swait.ge [sflag:s12], $0x80  }
0x34: {  	[sflag:s12] =	ssyncset.done $0x0  }
0x35: {  	[sflag:s12] =	ssyncadd.s32 $0xFFFFFF80  }
0x36: {  	[tilespmem:s13], [sflag:$0x5] =	stream.linear.gather [hbm4b:s23+s2], $0x80, $0x38;
	[tilespmem:$0xC100] =	vst v63  }
0x37: {  	_ =	swait.ge [sflag:s12], $0x80  }
0x38: {  	[sflag:s12] =	ssyncset.done $0x0  }
0x39: {  	[sflag:s12] =	ssyncadd.s32 $0xFFFFFF80  }
0x3a: {  	[tilespmem:s14], [sflag:$0x1] =	stream.indirect.gather [hbm4b:s3+s13], $0x80, s2, s13, $0xb8;
	[tilespmem:$0xC100] =	vst v63  }
0x3b: {  	_ = 	snop  }
0x3c: {  	[tilespmem:s15], [sflag:$0x2] =	stream.indirect.gather [hbm4b:s4+s13], $0x80, s13, s13, $0xb8;
	[tilespmem:$0xC100] =	vst v63  }
0x3d: {  	_ = 	snop  }
0x3e: {  	[tilespmem:s16], [sflag:$0x3] =	stream.indirect.gather [hbm4b:s5+s13], $0x80, s13, s13, $0xb8;
	[tilespmem:$0xC100] =	vst v63  }
0x3f: {  	_ =	swait.ge [sflag:s17], $0x4000  }
0x40: {  	[sflag:s17] =	ssyncset.done $0x0  }
0x41: {  	s26 =	sadd.s32 s25, s7;
	[sflag:s17] =	ssyncadd.s32 $0xFFFFC000  }
0x42: {  	[hbm4b:s26+s2] =	stream.linear.scatter [tilespmem:s14], [sflag:$0x4], $0x4000, $0x38;
	[tilespmem:$0xC100] =	vst v63  }
0x43: {  	_ =	swait.ge [sflag:s18], $0x4000  }
0x44: {  	[sflag:s18] =	ssyncset.done $0x0  }
0x45: {  	s26 =	sadd.s32 s25, s8;
	[sflag:s18] =	ssyncadd.s32 $0xFFFFC000  }
0x46: {  	[hbm4b:s26+s2] =	stream.linear.scatter [tilespmem:s15], [sflag:$0x4], $0x4000, $0x38;
	[tilespmem:$0xC100] =	vst v63  }
0x47: {  	_ =	swait.ge [sflag:s19], $0x4000  }
0x48: {  	[sflag:s19] =	ssyncset.done $0x0  }
0x49: {  	s25 =	sadd.s32 s25, s9;
	[sflag:s19] =	ssyncadd.s32 $0xFFFFC000  }
0x4a: {  	[hbm4b:s25+s2] =	stream.linear.scatter [tilespmem:s16], [sflag:$0x4], $0x4000, $0x38;
	[tilespmem:$0xC100] =	vst v63  }
0x4b: {  	_ =	swait.ge [sflag:s20], $0x4000  }
0x4c: {  	[sflag:s20] =	ssyncset.done $0x0  }
0x4d: {  	[sflag:s20] =	ssyncadd.s32 $0xFFFFC000  }
.Ltmp0:
0x4e: {  	_ =	swait.ge [sflag:s20], $0x4000;
	(pc) =	sbr.rel @p0 .LBB2_2-.Ltmp0, $4  }
0x4f: {  	[sflag:s20] =	ssyncset.done $0x0  }
0x50: {  	[sflag:s20] =	ssyncadd.s32 $0xFFFFC000  }
0x51: {  	_ =	swait.ge [sflag:s20], $0x4000  }
0x52: {  	[sflag:s20] =	ssyncset.done $0x0  }
0x53: {  	s21 =	sadd.s32 $0x1, s21  }
0x54: {  	p0 =	sne.s32 s21, s6  }
.Ltmp1:
0x55: {  	_ = 	snop;
	(pc) =	sbr.rel @p0 .LBB2_1-.Ltmp1, $2  }
0x56: {  	_ =	sdelay $0x2  }
0x57: {  	[sflag:s20] =	ssyncadd.s32 $0xFFFFC000  }
0x58: {  	_ =	sfence.sel $0x180000  }
0x59: {  	[bflag:$0x0] =	sbarrier.arrive $0xFFFF  }
0x5a: {  	p0 =	sne.s32 s1, $0x0;
	_ =	strace $0x9000004A  }
0x5b: {  	s0 =	sadd.s32 @!p0 $0x100000, s0;
	[bflag:$0x2] =	sbarrier.arrive $0xFFFF  }
0x5c: {  	[sflag:s0] =	ssyncadd.tile.s32 @!p0 $0x1;
	_ =	shalt  }
.Lfunc_end2:
_tile_overlayer_lowered:
.L_overlay_start_2:
0x5d: {  	(tag) =	ssettag $0x2  }
0x5e: {  	s0 =	rddreg [dreg:$0x0];
	s2 =	stileid.u32  }
0x5f: {  	s1 =	rddreg [dreg:$0x1];
	p0 =	sne.s32 s2, $0x0  }
0x60: {  	s3 =	rddreg [dreg:$0x2];
	[bflag:$0x3] =	sbarrier.arrive $0xFFFF;
	s2 =	simm.s32 @!p0 $0x1C05  }
0x61: {  	[timem:s3], [sflag:s2] =	dma.local @!p0 [hbm:s0], s1  }
0x62: {  	s0 =	simm.s32 @!p0 $0x5  }
0x63: {  	_ =	swait.ge @!p0 [sflag:s0], s1  }
0x64: {  	s1 =	ssub.s32 @!p0 $0x0, s1;
	[sflag:s0] =	ssyncset.done @!p0 $0x0  }
0x65: {  	[sflag:s0] =	ssyncadd.s32 @!p0 s1  }
0x66: {  	[bflag:$0x3] =	sbarrier.arrive $0xFFFF  }
0x67: {  	_ =	shalt  }

// kernel: kernel.34.cloned.1.call-start
scs
__scs_entry_jumppad:
0x0: {  	(pc) =	sbr.rel $0x88, $3  }
0x1: {  	(tag) =	ssettag $0x0;
	lr =	simm.s32 $0x1  }
0x2: {  	[smem:$0x3F8F] =	sst lr;
	_ =	strace $0xD0000000  }
0x3: {  	_ = 	snop  }
0x4: {  	_ = 	snop  }
0x5: {  	_ = 	snop  }
0x6: {  	_ = 	snop  }
0x7: {  	_ = 	snop  }
__scs_overlays_trampoline_lowered:
0x8: {  	[smem:$0x3F9E] =	sst s0  }
0x9: {  	[smem:$0x3F9F] =	sst s1  }
0xa: {  	[smem:$0x3FA0] =	sst s2  }
0xb: {  	[smem:$0x3FA1] =	sst s3  }
0xc: {  	[smem:$0x3FA2] =	sst s4  }
0xd: {  	[smem:$0x3FA3] =	sst s5  }
0xe: {  	[smem:$0x3FA4] =	sst s6  }
0xf: {  	[smem:$0x3FA5] =	sst s7  }
0x10: {  	[smem:$0x3FA6] =	sst s8  }
0x11: {  	[smem:$0x3FA7] =	sst s9;
	s0 =	simm.s32 @!p0 $0x0  }
0x12: {  	s1 =	sld [smem:$0x3F8D];
	s0 =	simm.s32 @p0 $0x1  }
0x13: {  	[smem:$0x3FA8] =	sst s0;
	s0 =	simm.s32 @!p1 $0x0  }
0x14: {  	s2 =	sld [smem:$0x3F8C];
	s0 =	simm.s32 @p1 $0x1  }
0x15: {  	[smem:$0x3FA9] =	sst s0;
	s0 =	simm.s32 @!p2 $0x0  }
0x16: {  	s3 =	sld [smem:$0x3FDB];
	s0 =	simm.s32 @p2 $0x1  }
0x17: {  	s4 =	simm.s32 $0x1BF5;
	[smem:$0x3FAB] =	sst s0  }
0x18: {  	s0 =	sld [smem:$0x3F8E];
	_ =	swait.ge [sflag:s4], $0x0  }
0x19: {  	s7 =	sld [smem:$0x3F8F]  }
0x1a: {  	s8 =	sadd.s32 $0xFFFFE003, lr  }
0x1b: {  	s9 =	sadd.s32 $0xFFFFFEF7, lr;
	s5 =	simm.s32 $0xFFFFFFFF;
	p2 =	slt.u32 s8, $0xFFFFF086  }
0x1c: {  	p1 =	slt.u32 s9, $0xF7A;
	s5 =	simm.s32 @!p2 $0x0  }
0x1d: {  	s5 =	simm.s32 @p1 $0x1;
	p0 =	seq.s32 s7, s2  }
0x1e: {  	s7 =	smul.u32 @!p0 $0xF7A, s2;
	p2 =	seq.s32 @!p0 s5, $0x0  }
0x1f: {  	s9 =	smul.u32 $0xF7A, s1;
	s8 =	simm.s32 @!p0 $0x1BF5;
	p2 =	por !p2, p0  }
0x20: {  	[sflag:s8] =	ssyncset.s32 @!p0 $0xFFFFF086;
	s6 =	sadd.s32 @!p0 s3, s7;
	s7 =	simm.s32 @!p0 $0x108  }
0x21: {  	s3 =	sadd.s32 s3, s9;
	s6 =	sadd.s32 @!p0 $0x88, s6;
	s7 =	simm.s32 @p2 $0x1082  }
0x22: {  	[simem:s7], [sflag:s8] =	dma.local @!p0 [hbm:s6], $0xF7A  }
0x23: {  	s9 =	sor.u32 $0xD0000000, s2;
	s6 =	simm.s32 $0x108;
	_ =	swait.ge @!p0 [sflag:s8], $0x0  }
0x24: {  	s3 =	sadd.s32 $0x88, s3;
	s6 =	simm.s32 @!p1 $0x1082;
	[sflag:s4] =	ssyncset.s32 $0xFFFFF086  }
0x25: {  	[simem:s6], [sflag:s4] =	dma.local [hbm:s3], $0xF7A  }
0x26: {  	[smem:$0x3F8F] =	sst s1;
	(tag) =	ssettag s2;
	_ =	strace s9  }
0x27: {  	s1 =	sld [smem:$0x3F9F]  }
0x28: {  	s2 =	sld [smem:$0x3FA0]  }
0x29: {  	s4 =	sld [smem:$0x3FA2]  }
0x2a: {  	p0 =	seq.s32 s5, $0x0;
	s5 =	sld [smem:$0x3FA3]  }
0x2b: {  	s6 =	sld [smem:$0x3FA4]  }
0x2c: {  	s7 =	sld [smem:$0x3FA5]  }
0x2d: {  	s3 =	simm.s32 $0x108;
	s8 =	sld [smem:$0x3FA6]  }
0x2e: {  	s3 =	simm.s32 @!p0 $0x1082;
	s9 =	sld [smem:$0x3FA7]  }
0x2f: {  	lr =	sadd.s32 s0, s3;
	s0 =	sld [smem:$0x3F9E]  }
0x30: {  	s3 =	sld [smem:$0x3FA1]  }
0x31: {  	[smem:$0x3FAA] =	sst s10  }
0x32: {  	s10 =	sld [smem:$0x3FA8];
	_ =	sdelay $0x3  }
0x33: {  	p0 =	seq.s32 s10, $0x1;
	s10 =	sld [smem:$0x3FAA];
	_ =	sdelay $0x3  }
0x34: {  	[smem:$0x3FAA] =	sst s10  }
0x35: {  	s10 =	sld [smem:$0x3FA9];
	_ =	sdelay $0x3  }
0x36: {  	p1 =	seq.s32 s10, $0x1;
	s10 =	sld [smem:$0x3FAA];
	_ =	sdelay $0x3  }
0x37: {  	[smem:$0x3FAA] =	sst s10  }
0x38: {  	s10 =	sld [smem:$0x3FAB]  }
0x39: {  	_ = 	snop;
	(pc) =	sbr.ind lr, $3  }
0x3a: {  	_ = 	snop  }
0x3b: {  	_ = 	snop  }
0x3c: {  	p2 =	seq.s32 s10, $0x1;
	s10 =	sld [smem:$0x3FAA]  }
0x3d: {  	_ =	shalt  }
0x3e: {  	_ =	shalt  }
0x3f: {  	_ =	shalt  }
0x40: {  	_ =	shalt  }
0x41: {  	_ =	shalt  }
0x42: {  	_ =	shalt  }
0x43: {  	_ =	shalt  }
0x44: {  	_ =	shalt  }
0x45: {  	_ =	shalt  }
0x46: {  	_ =	shalt  }
0x47: {  	_ =	shalt  }
0x48: {  	_ =	shalt  }
0x49: {  	_ =	shalt  }
0x4a: {  	_ =	shalt  }
0x4b: {  	_ =	shalt  }
0x4c: {  	_ =	shalt  }
0x4d: {  	_ =	shalt  }
0x4e: {  	_ =	shalt  }
0x4f: {  	_ =	shalt  }
0x50: {  	_ =	shalt  }
0x51: {  	_ =	shalt  }
0x52: {  	_ =	shalt  }
0x53: {  	_ =	shalt  }
0x54: {  	_ =	shalt  }
0x55: {  	_ =	shalt  }
0x56: {  	_ =	shalt  }
0x57: {  	_ =	shalt  }
0x58: {  	_ =	shalt  }
0x59: {  	_ =	shalt  }
0x5a: {  	_ =	shalt  }
0x5b: {  	_ =	shalt  }
0x5c: {  	_ =	shalt  }
0x5d: {  	_ =	shalt  }
0x5e: {  	_ =	shalt  }
0x5f: {  	_ =	shalt  }
0x60: {  	_ =	shalt  }
0x61: {  	_ =	shalt  }
0x62: {  	_ =	shalt  }
0x63: {  	_ =	shalt  }
0x64: {  	_ =	shalt  }
0x65: {  	_ =	shalt  }
0x66: {  	_ =	shalt  }
0x67: {  	_ =	shalt  }
0x68: {  	_ =	shalt  }
0x69: {  	_ =	shalt  }
0x6a: {  	_ =	shalt  }
0x6b: {  	_ =	shalt  }
0x6c: {  	_ =	shalt  }
0x6d: {  	_ =	shalt  }
0x6e: {  	_ =	shalt  }
0x6f: {  	_ =	shalt  }
0x70: {  	_ =	shalt  }
0x71: {  	_ =	shalt  }
0x72: {  	_ =	shalt  }
0x73: {  	_ =	shalt  }
0x74: {  	_ =	shalt  }
0x75: {  	_ =	shalt  }
0x76: {  	_ =	shalt  }
0x77: {  	_ =	shalt  }
0x78: {  	_ =	shalt  }
0x79: {  	_ =	shalt  }
0x7a: {  	_ =	shalt  }
0x7b: {  	_ =	shalt  }
0x7c: {  	_ =	shalt  }
0x7d: {  	_ =	shalt  }
0x7e: {  	_ =	shalt  }
0x7f: {  	_ =	shalt  }
0x80: {  	_ =	shalt  }
0x81: {  	_ =	shalt  }
0x82: {  	_ =	shalt  }
0x83: {  	_ =	shalt  }
0x84: {  	_ =	shalt  }
0x85: {  	_ =	shalt  }
0x86: {  	_ =	shalt  }
0x87: {  	_ =	shalt  }
.Lfunc_end0:
.L_simem_size_0:
called_computation.2_lowered:
.L_overlay_start_0:
0x88: {  	s2 =	sld [smem:$0x3FD9]  }
0x89: {  	s3 =	sld [smem:$0x3FFE];
	_ =	sdelay $0x1  }
0x8a: {  	s1 =	srdreg.scid  }
0x8b: {  	s0 =	sand.u32 $0x1, s1  }
0x8c: {  	s17 =	sshll.u32 s0, $0xA;
	s2 =	sadd.s32 s3, s2  }
0x8d: {  	s2 =	sadd.s32 s2, s17  }
0x8e: {  	[smem:$0x3FB6] =	sst s2  }
0x8f: {  	_ = 	snop  }
0x90: {  	(tm) =	ssettm $0x1  }
0x91: {  	s18 =	sld [smem:$0x3FFB];
	_ =	sdelay $0x3  }
0x92: {  	_ =	strace s18  }
0x93: {  	s2 =	sld [smem:$0x3FFC];
	_ =	sdelay $0x3  }
0x94: {  	_ =	strace s2  }
0x95: {  	s2 =	sld [smem:$0x3FFD];
	_ =	sdelay $0x3  }
0x96: {  	_ =	strace s2  }
0x97: {  	_ =	strace $0x8FFFFFFF  }
0x98: {  	s19 =	sld [smem:$0x3FDB];
	_ =	sdelay $0x1  }
0x99: {  	s20 =	simm.s32 $_scs_section_size  }
0x9a: {  	s4 =	simm.s32 $_size__tile_overlayer_lowered;
	s5 =	simm.s32 $_tile_overlayer_lowered  }
0x9b: {  	s6 =	simm.s32 $0x1BFF;
	s21 =	sshll.u32 s5, $0x1;
	s3 =	sadd.s32 s20, s19  }
0x9c: {  	s22 =	simm.s32 $0x0;
	s4 =	sshll.u32 s4, $0x1;
	s5 =	sadd.s32 s21, s3  }
0x9d: {  	[timem:s22], [sflag:s6] =	dma.local [hbm:s5], s4  }
0x9e: {  	_ =	swait.ge [sflag:s6], s4  }
0x9f: {  	s4 =	ssub.s32 $0x0, s4;
	[sflag:s6] =	ssyncset.done $0x0  }
0xa0: {  	[sflag:s6] =	ssyncadd.s32 s4;
	_ =	sdelay $0x1  }
0xa1: {  	s23 =	simm.s32 $0x1B8B  }
0xa2: {  	_ =	swait.ge [sflag:s23], $0x1  }
0xa3: {  	[sflag:s23] =	ssyncset.done $0x0  }
0xa4: {  	[sflag:s23] =	ssyncadd.s32 $0xFFFFFFFF  }
0xa5: {  	s4 =	sld [smem:$0x0]  }
0xa6: {  	s5 =	sand.u32 $0xFFFFFFFE, s1  }
0xa7: {  	p0 =	sne.s32 s1, s5  }
0xa8: {  	s5 =	sshll.u32 @p0 s5, $0xE  }
0xa9: {  	s5 =	sadd.s32 @p0 $0x11B8D, s5;
	s6 =	sshll.u32 @p0 s4, $0x11  }
0xaa: {  	s5 =	sor.u32 @p0 s6, s5  }
0xab: {  	[sflag:s5] =	ssyncadd.remote.s32 @p0 $0x1;
	_ =	sdelay $0x1  }
0xac: {  	s5 =	simm.s32 @p0 $0x1B8D  }
0xad: {  	_ =	swait.eq @p0 [sflag:s5], $0x1  }
0xae: {  	[sflag:s5] =	ssyncadd.s32 @p0 $0xFFFFFFFF  }
0xaf: {  	s6 =	sshll.u32 @!p0 s1, $0xE  }
0xb0: {  	s6 =	sor.u32 @!p0 $0x4000, s6;
	s5 =	simm.s32 @!p0 $0x1B8D  }
0xb1: {  	s4 =	sshll.u32 @!p0 s4, $0x11;
	s6 =	sadd.s32 @!p0 $0x11B8D, s6;
	_ =	swait.eq @!p0 [sflag:s5], $0x1  }
0xb2: {  	s4 =	sor.u32 @!p0 s4, s6;
	[sflag:s5] =	ssyncadd.s32 @!p0 $0xFFFFFFFF  }
0xb3: {  	s25 =	simm.s32 $0x1B8E;
	s24 =	sld [smem:$0x3FFE];
	[sflag:s4] =	ssyncadd.remote.s32 @!p0 $0x1  }
0xb4: {  	s26 =	simm.s32 $execute0_lowered;
	[smem:$0x3FD2] =	sst s25  }
0xb5: {  	s5 =	sshll.u32 s26, $0x1;
	_ =	strace $0x8000004F;
	[dreg:$0x1] =	wrdreg $0xFFFFFFFF  }
0xb6: {  	s28 =	simm.s32 $_size_execute0_lowered;
	s3 =	sadd.s32 s3, s5;
	[dreg:$0x0] =	wrdreg $0x0  }
0xb7: {  	s5 =	sshll.u32 s28, $0x1;
	[dreg:$0x2] =	wrdreg s3  }
0xb8: {  	[dreg:$0x3] =	wrdreg s5  }
0xb9: {  	[dreg:$0x4] =	wrdreg $0xC0  }
0xba: {  	_ =	task [dreg:s22], $0x5FFFF  }
0xbb: {  	[dreg:$0x1] =	wrdreg $0xFFFFFFFF  }
0xbc: {  	[dreg:$0x0] =	wrdreg $0x60  }
0xbd: {  	[dreg:$0x2] =	wrdreg s24  }
0xbe: {  	[dreg:$0x3] =	wrdreg $0x40000  }
0xbf: {  	[dreg:$0x4] =	wrdreg $0x9  }
0xc0: {  	_ =	task.clear_ibuf [dreg:s22], $0x5FFFF;
	_ =	strace $0x9000004F  }
0xc1: {  	s29 =	simm.s32 $0x9;
	_ =	strace $0x80000051  }
0xc2: {  	_ =	swait.ge [sflag:s29], $0x1  }
0xc3: {  	[sflag:s29] =	ssyncadd.s32 $0xFFFFFFFF  }
0xc4: {  	_ =	strace $0x90000051  }
0xc5: {  	_ =	sfence  }
0xc6: {  	s30 =	sld [smem:$0x0];
	_ =	sdelay $0x2  }
0xc7: {  	s31 =	sshll.u32 s1, $0xD;
	s1 =	sshrl.u32 s1, $0x2  }
0xc8: {  	s4 =	sand.u32 $0x4000, s31;
	s1 =	sadd.s32 s1, s30  }
0xc9: {  	s0 =	sor.u32 s4, s0;
	s1 =	sshll.u32 s1, $0x11  }
0xca: {  	s0 =	sor.u32 s1, s0  }
0xcb: {  	s0 =	sadd.s32 $0x8F2B, s0  }
0xcc: {  	[sflag:s0] =	ssyncadd.remote.s32 $0x1  }
0xcd: {  	_ =	sfence.sel $0xFFFF  }
0xce: {  	[dreg:$0x0] =	wrdreg $0xFFFFFFFF;
	(pc) =	sbr.abs _section_cstart, $3  }
0xcf: {  	[dreg:$0x1] =	wrdreg $0xFFFFFFFF  }
0xd0: {  	_ =	task.clear_ibuf [dreg:s22], $0x2FFFF;
	_ =	strace $0x9FFFFFFF  }
0xd1: {  	(tm) =	ssettm $0x7FFFFFFF  }
tec
execute0_lowered:
.L_overlay_start_1:
0x0: {  	(tag) =	ssettag $0x1  }
0x1: {  	s0 =	rddreg [dreg:$0x0]  }
0x2: {  	s1 =	rddreg [dreg:$0x1]  }
0x3: {  	s3 =	simm.s32 $0x0;
	s4 =	srdreg.scid;
	s2 =	stileid.u32  }
0x4: {  	s28 =	simm.s32 $0x2;
	s29 =	simm.s32 $0x0;
	[smem:$0x7FF] =	sst s3  }
0x5: {  	s18 =	sand.u32 $0x1, s4;
	s5 =	smul.u32 $0x280, s2;
	s20 =	sadd.s32 $0x507C00, s0  }
0x6: {  	s19 =	sadd.s32 $0x1464000, s0;
	s17 =	sadd.s32 $0x511A00, s0;
	s9 =	smul.u32 $0x50000, s2  }
0x7: {  	s7 =	sshll.u32 s2, $0x1;
	_ =	strace $0x80000050;
	s6 =	smul.u32 $0x2800, s18  }
0x8: {  	s7 =	sor.u32 s18, s7;
	s21 =	ssub.s32 $0x2, s18;
	s26 =	smul.u32 $0x27800, s18  }
0x9: {  	[dreg:$0x3] =	wrdreg s17;
	s7 =	smul.u32 $0x2780, s7;
	s8 =	sshrl.u32 s21, $0x1  }
0xa: {  	s23 =	sshrl.u32 s9, $0x2;
	s5 =	sadd.s32 s6, s5;
	s8 =	ssub.s32 s21, s8  }
0xb: {  	s21 =	smul.u32 $0x4F00, s2;
	s5 =	sshll.u32 s5, $0x4;
	s22 =	sadd.s32 $0x2700, s7  }
0xc: {  	s8 =	smax.u32 s8, $0x1;
	s0 =	sadd.s32 s5, s0;
	s7 =	sshrl.u32 s22, $0x3  }
0xd: {  	s24 =	sshll.u32 s22, $0x4;
	s5 =	sadd.s32 s23, s1;
	s22 =	smul.u32 $0x2780, s18  }
0xe: {  	s23 =	smul.u32 $0x4F000, s2;
	s25 =	sadd.s32 s20, s7;
	s7 =	sadd.s32 s19, s24  }
0xf: {  	s9 =	sadd.s32 $0x4000, s5;
	s10 =	sadd.s32 $0x8000, s5;
	s11 =	sadd.s32 $0xC000, s5  }
0x10: {  	s12 =	sadd.s32 $0x10000, s5;
	s13 =	sadd.s32 $0x5BC000, s0;
	s14 =	sadd.s32 $0x5BC800, s0  }
0x11: {  	s15 =	sadd.s32 $0x5BD000, s0;
	s16 =	sadd.s32 $0x5BD800, s0;
	s17 =	sadd.s32 $0x5BE000, s0  }
0x12: {  	s24 =	simm.s32 $0x18080;
	[dreg:$0x4] =	wrdreg s25;
	s30 =	sadd.s32 s22, s21  }
0x13: {  	s19 =	sadd.s32 s23, s19;
	s23 =	simm.s32 $0x1C080;
	s25 =	simm.s32 $0x1  }
0x14: {  	s21 =	sshrl.u32 s30, $0x3;
	s22 =	sadd.s32 $0x80, s30;
	s18 =	sadd.s32 s26, s19  }
0x15: {  	s26 =	simm.s32 $0x80;
	s19 =	sadd.s32 s21, s20;
	s31 =	sshrl.u32 s22, $0x3  }
0x16: {  	s21 =	simm.s32 $0x3;
	s22 =	simm.s32 $0x18000;
	s20 =	sadd.s32 s31, s20  }
.LBB2_1:
0x17: {  	s0 =	rddreg [dreg:$0x3]  }
0x18: {  	[tilespmem:s3], [sflag:$0x3] =	stream.linear.gather [hbm4b:s0+s3], $0x4000, $0x38;
	[tilespmem:$0x1C100] =	vst v63  }
0x19: {  	_ =	swait.ge [sflag:s21], $0x4000  }
0x1a: {  	[sflag:s21] =	ssyncset.done $0x0  }
0x1b: {  	[sflag:s21] =	ssyncadd.s32 $0xFFFFC000  }
0x1c: {  	[spmem:s5] =	stream.linear.scatter [tilespmem:s3], [sflag:$0x3], $0x4000, $0x38;
	[tilespmem:$0x1C100] =	vst v63  }
0x1d: {  	_ =	swait.ge [sflag:s21], $0x4000  }
0x1e: {  	[sflag:s21] =	ssyncset.done $0x0  }
0x1f: {  	[sflag:s21] =	ssyncadd.s32 $0xFFFFC000  }
0x20: {  	[spmem:s9] =	stream.linear.scatter [tilespmem:s3], [sflag:$0x3], $0x4000, $0x38;
	[tilespmem:$0x1C100] =	vst v63  }
0x21: {  	_ =	swait.ge [sflag:s21], $0x4000  }
0x22: {  	[sflag:s21] =	ssyncset.done $0x0  }
0x23: {  	[sflag:s21] =	ssyncadd.s32 $0xFFFFC000  }
0x24: {  	[spmem:s10] =	stream.linear.scatter [tilespmem:s3], [sflag:$0x3], $0x4000, $0x38;
	[tilespmem:$0x1C100] =	vst v63  }
0x25: {  	_ =	swait.ge [sflag:s21], $0x4000  }
0x26: {  	[sflag:s21] =	ssyncset.done $0x0  }
0x27: {  	[sflag:s21] =	ssyncadd.s32 $0xFFFFC000  }
0x28: {  	[spmem:s11] =	stream.linear.scatter [tilespmem:s3], [sflag:$0x3], $0x4000, $0x38;
	[tilespmem:$0x1C100] =	vst v63  }
0x29: {  	_ =	swait.ge [sflag:s21], $0x4000  }
0x2a: {  	[sflag:s21] =	ssyncset.done $0x0  }
0x2b: {  	[sflag:s21] =	ssyncadd.s32 $0xFFFFC000  }
0x2c: {  	[spmem:s12] =	stream.linear.scatter [tilespmem:s3], [sflag:$0x3], $0x4000, $0x38;
	[tilespmem:$0x1C100] =	vst v63  }
0x2d: {  	_ =	swait.ge [sflag:s21], $0x4000  }
0x2e: {  	[sflag:s21] =	ssyncset.done $0x0  }
0x2f: {  	[sflag:s21] =	ssyncadd.s32 $0xFFFFC000  }
0x30: {  	s2 =	sadd.s32 $0x0, s19;
	[bflag:$0x0] =	sbarrier.arrive $0xFFFF  }
0x31: {  	[tilespmem:s22], [sflag:$0x3] =	stream.linear.gather [hbm4b:s2+s3], $0x80, $0x38;
	[tilespmem:$0x1C100] =	vst v63  }
0x32: {  	_ =	swait.ge [sflag:s21], $0x80  }
0x33: {  	[sflag:s21] =	ssyncset.done $0x0  }
0x34: {  	s4 =	sadd.s32 $0x0, s20;
	[sflag:s21] =	ssyncadd.s32 $0xFFFFFF80  }
0x35: {  	[tilespmem:s23], [sflag:$0x3] =	stream.linear.gather [hbm4b:s4+s3], $0x80, $0x38;
	[tilespmem:$0x1C100] =	vst v63  }
0x36: {  	_ =	swait.ge [sflag:s21], $0x80  }
0x37: {  	[sflag:s21] =	ssyncset.done $0x0  }
0x38: {  	[sflag:s21] =	ssyncadd.s32 $0xFFFFFF80  }
0x39: {  	[tilespmem:s3], [sflag:$0x1] =	stream.linear.gather [hbm4b:s18+s3], $0x4000, $0x38;
	[tilespmem:$0x1C100] =	vst v63  }
0x3a: {  	s6 =	sadd.s32 $0x800, s18  }
0x3b: {  	[tilespmem:s24], [sflag:$0x2] =	stream.linear.gather [hbm4b:s6+s3], $0x4000, $0x38;
	[tilespmem:$0x1C100] =	vst v63  }
0x3c: {  	_ =	swait.ge [sflag:s25], $0x4000  }
0x3d: {  	[sflag:s25] =	ssyncset.done $0x0  }
0x3e: {  	[sflag:s25] =	ssyncadd.s32 $0xFFFFC000  }
0x3f: {  	[spmem:s1] =	stream.indirect.scatter.add.f32 [tilespmem:s3], [sflag:$0x3], $0x80, s22, s26, $0xb8;
	[tilespmem:$0x1C100] =	vst v63  }
0x40: {  	_ =	swait.ge [sflag:s21], $0x4000  }
0x41: {  	[sflag:s21] =	ssyncset.done $0x0  }
0x42: {  	[sflag:s21] =	ssyncadd.s32 $0xFFFFC000  }
0x43: {  	_ =	swait.ge [sflag:s28], $0x4000  }
0x44: {  	[sflag:s28] =	ssyncset.done $0x0  }
0x45: {  	[sflag:s28] =	ssyncadd.s32 $0xFFFFC000  }
0x46: {  	[spmem:s1] =	stream.indirect.scatter.add.f32 [tilespmem:s24], [sflag:$0x3], $0x80, s23, s26, $0xb8;
	[tilespmem:$0x1C100] =	vst v63  }
0x47: {  	s31 =	simm.s32 $0x20;
	_ =	swait.ge [sflag:s21], $0x4000  }
0x48: {  	s30 =	sadd.s32 $0x1000, s18;
	s0 =	simm.s32 $0x40;
	[sflag:s21] =	ssyncset.done $0x0  }
.LBB2_2:
0x49: {  	s2 =	sadd.s32 s31, s19  }
0x4a: {  	[sflag:s21] =	ssyncadd.s32 $0xFFFFC000;
	s4 =	smov.u32 s0;
	s6 =	sadd.s32 $0x20, s0  }
0x4b: {  	[tilespmem:s22], [sflag:$0x3] =	stream.linear.gather [hbm4b:s2+s3], $0x80, $0x38;
	[tilespmem:$0x1C100] =	vst v63  }
0x4c: {  	p0 =	sne.s32 s0, $0x4C0;
	_ =	swait.ge [sflag:s21], $0x80  }
0x4d: {  	[sflag:s21] =	ssyncset.done $0x0  }
0x4e: {  	s0 =	sadd.s32 s31, s20;
	s31 =	smov.u32 s4;
	[sflag:s21] =	ssyncadd.s32 $0xFFFFFF80  }
0x4f: {  	[tilespmem:s23], [sflag:$0x3] =	stream.linear.gather [hbm4b:s0+s3], $0x80, $0x38;
	[tilespmem:$0x1C100] =	vst v63  }
0x50: {  	_ =	swait.ge [sflag:s21], $0x80  }
0x51: {  	[sflag:s21] =	ssyncset.done $0x0  }
0x52: {  	[sflag:s21] =	ssyncadd.s32 $0xFFFFFF80  }
0x53: {  	[tilespmem:s3], [sflag:$0x1] =	stream.linear.gather [hbm4b:s30+s3], $0x4000, $0x38;
	[tilespmem:$0x1C100] =	vst v63  }
0x54: {  	s0 =	sadd.s32 $0x800, s30  }
0x55: {  	[tilespmem:s24], [sflag:$0x2] =	stream.linear.gather [hbm4b:s0+s3], $0x4000, $0x38;
	[tilespmem:$0x1C100] =	vst v63  }
0x56: {  	_ =	swait.ge [sflag:s25], $0x4000  }
0x57: {  	[sflag:s25] =	ssyncset.done $0x0  }
0x58: {  	[sflag:s25] =	ssyncadd.s32 $0xFFFFC000  }
0x59: {  	[spmem:s1] =	stream.indirect.scatter.add.f32 [tilespmem:s3], [sflag:$0x3], $0x80, s22, s26, $0xb8;
	[tilespmem:$0x1C100] =	vst v63  }
0x5a: {  	_ =	swait.ge [sflag:s21], $0x4000  }
0x5b: {  	[sflag:s21] =	ssyncset.done $0x0  }
0x5c: {  	[sflag:s21] =	ssyncadd.s32 $0xFFFFC000  }
0x5d: {  	_ =	swait.ge [sflag:s28], $0x4000  }
.Ltmp0:
0x5e: {  	[sflag:s28] =	ssyncset.done $0x0;
	(pc) =	sbr.rel @p0 .LBB2_2-.Ltmp0, $4  }
0x5f: {  	[sflag:s28] =	ssyncadd.s32 $0xFFFFC000  }
0x60: {  	[spmem:s1] =	stream.indirect.scatter.add.f32 [tilespmem:s24], [sflag:$0x3], $0x80, s23, s26, $0xb8;
	[tilespmem:$0x1C100] =	vst v63  }
0x61: {  	_ =	swait.ge [sflag:s21], $0x4000  }
0x62: {  	s30 =	sadd.s32 $0x1000, s30;
	s0 =	smov.u32 s6;
	[sflag:s21] =	ssyncset.done $0x0  }
0x63: {  	s0 =	sadd.s32 s31, s19;
	[sflag:s21] =	ssyncadd.s32 $0xFFFFC000  }
0x64: {  	[tilespmem:s22], [sflag:$0x3] =	stream.linear.gather [hbm4b:s0+s3], $0x80, $0x38;
	[tilespmem:$0x1C100] =	vst v63  }
0x65: {  	_ =	swait.ge [sflag:s21], $0x80  }
0x66: {  	[sflag:s21] =	ssyncset.done $0x0  }
0x67: {  	s6 =	sadd.s32 s31, s20;
	[sflag:s21] =	ssyncadd.s32 $0xFFFFFF80  }
0x68: {  	[tilespmem:s23], [sflag:$0x3] =	stream.linear.gather [hbm4b:s6+s3], $0x80, $0x38;
	[tilespmem:$0x1C100] =	vst v63  }
0x69: {  	_ =	swait.ge [sflag:s21], $0x80  }
0x6a: {  	[sflag:s21] =	ssyncset.done $0x0  }
0x6b: {  	[sflag:s21] =	ssyncadd.s32 $0xFFFFFF80  }
0x6c: {  	[tilespmem:s3], [sflag:$0x1] =	stream.linear.gather [hbm4b:s30+s3], $0x4000, $0x38;
	[tilespmem:$0x1C100] =	vst v63  }
0x6d: {  	s30 =	sadd.s32 $0x800, s30  }
0x6e: {  	[tilespmem:s24], [sflag:$0x2] =	stream.linear.gather [hbm4b:s30+s3], $0x4000, $0x38;
	[tilespmem:$0x1C100] =	vst v63  }
0x6f: {  	_ =	swait.ge [sflag:s25], $0x4000  }
0x70: {  	[sflag:s25] =	ssyncset.done $0x0  }
0x71: {  	[sflag:s25] =	ssyncadd.s32 $0xFFFFC000  }
0x72: {  	[spmem:s1] =	stream.indirect.scatter.add.f32 [tilespmem:s3], [sflag:$0x3], $0x80, s22, s26, $0xb8;
	[tilespmem:$0x1C100] =	vst v63  }
0x73: {  	_ =	swait.ge [sflag:s21], $0x4000  }
0x74: {  	[sflag:s21] =	ssyncset.done $0x0  }
0x75: {  	[sflag:s21] =	ssyncadd.s32 $0xFFFFC000  }
0x76: {  	_ =	swait.ge [sflag:s28], $0x4000  }
0x77: {  	[sflag:s28] =	ssyncset.done $0x0  }
0x78: {  	[sflag:s28] =	ssyncadd.s32 $0xFFFFC000  }
0x79: {  	[spmem:s1] =	stream.indirect.scatter.add.f32 [tilespmem:s24], [sflag:$0x3], $0x80, s23, s26, $0xb8;
	[tilespmem:$0x1C100] =	vst v63  }
0x7a: {  	_ =	swait.ge [sflag:s21], $0x4000  }
0x7b: {  	[sflag:s21] =	ssyncset.done $0x0  }
0x7c: {  	s31 =	rddreg [dreg:$0x4];
	[sflag:s21] =	ssyncadd.s32 $0xFFFFC000  }
0x7d: {  	[tilespmem:s22], [sflag:$0x3] =	stream.linear.gather [hbm4b:s31+s3], $0x80, $0x38;
	[tilespmem:$0x1C100] =	vst v63  }
0x7e: {  	_ =	swait.ge [sflag:s21], $0x80  }
0x7f: {  	[sflag:s21] =	ssyncset.done $0x0  }
0x80: {  	[sflag:s21] =	ssyncadd.s32 $0xFFFFFF80  }
0x81: {  	[tilespmem:s3], [sflag:$0x3] =	stream.linear.gather [hbm4b:s7+s3], $0x4000, $0x38;
	[tilespmem:$0x1C100] =	vst v63  }
0x82: {  	_ =	swait.ge [sflag:s21], $0x4000  }
0x83: {  	[sflag:s21] =	ssyncset.done $0x0  }
0x84: {  	[sflag:s21] =	ssyncadd.s32 $0xFFFFC000  }
0x85: {  	[spmem:s1] =	stream.indirect.scatter.add.f32 [tilespmem:s3], [sflag:$0x3], $0x80, s22, s26, $0xb8;
	[tilespmem:$0x1C100] =	vst v63  }
0x86: {  	_ =	swait.ge [sflag:s21], $0x4000  }
0x87: {  	[sflag:s21] =	ssyncset.done $0x0  }
0x88: {  	[sflag:s21] =	ssyncadd.s32 $0xFFFFC000  }
0x89: {  	[bflag:$0x0] =	sbarrier.arrive $0xFFFF  }
0x8a: {  	[tilespmem:s3], [sflag:$0x3] =	stream.linear.gather [spmem:s5], $0x4000, $0x38;
	[tilespmem:$0x1C100] =	vst v63  }
0x8b: {  	_ =	swait.ge [sflag:s21], $0x4000  }
0x8c: {  	[sflag:s21] =	ssyncset.done $0x0  }
0x8d: {  	[sflag:s21] =	ssyncadd.s32 $0xFFFFC000  }
0x8e: {  	[hbm4b:s13+s3] =	stream.linear.scatter [tilespmem:s3], [sflag:$0x3], $0x4000, $0x38;
	[tilespmem:$0x1C100] =	vst v63  }
0x8f: {  	_ =	swait.ge [sflag:s21], $0x4000  }
0x90: {  	[sflag:s21] =	ssyncset.done $0x0  }
0x91: {  	[sflag:s21] =	ssyncadd.s32 $0xFFFFC000  }
0x92: {  	[tilespmem:s3], [sflag:$0x3] =	stream.linear.gather [spmem:s9], $0x4000, $0x38;
	[tilespmem:$0x1C100] =	vst v63  }
0x93: {  	_ =	swait.ge [sflag:s21], $0x4000  }
0x94: {  	[sflag:s21] =	ssyncset.done $0x0  }
0x95: {  	[sflag:s21] =	ssyncadd.s32 $0xFFFFC000  }
0x96: {  	[hbm4b:s14+s3] =	stream.linear.scatter [tilespmem:s3], [sflag:$0x3], $0x4000, $0x38;
	[tilespmem:$0x1C100] =	vst v63  }
0x97: {  	_ =	swait.ge [sflag:s21], $0x4000  }
0x98: {  	[sflag:s21] =	ssyncset.done $0x0  }
0x99: {  	[sflag:s21] =	ssyncadd.s32 $0xFFFFC000  }
0x9a: {  	[tilespmem:s3], [sflag:$0x3] =	stream.linear.gather [spmem:s10], $0x4000, $0x38;
	[tilespmem:$0x1C100] =	vst v63  }
0x9b: {  	_ =	swait.ge [sflag:s21], $0x4000  }
0x9c: {  	[sflag:s21] =	ssyncset.done $0x0  }
0x9d: {  	[sflag:s21] =	ssyncadd.s32 $0xFFFFC000  }
0x9e: {  	[hbm4b:s15+s3] =	stream.linear.scatter [tilespmem:s3], [sflag:$0x3], $0x4000, $0x38;
	[tilespmem:$0x1C100] =	vst v63  }
0x9f: {  	_ =	swait.ge [sflag:s21], $0x4000  }
0xa0: {  	[sflag:s21] =	ssyncset.done $0x0  }
0xa1: {  	[sflag:s21] =	ssyncadd.s32 $0xFFFFC000  }
0xa2: {  	[tilespmem:s3], [sflag:$0x3] =	stream.linear.gather [spmem:s11], $0x4000, $0x38;
	[tilespmem:$0x1C100] =	vst v63  }
0xa3: {  	_ =	swait.ge [sflag:s21], $0x4000  }
0xa4: {  	[sflag:s21] =	ssyncset.done $0x0  }
0xa5: {  	[sflag:s21] =	ssyncadd.s32 $0xFFFFC000  }
0xa6: {  	[hbm4b:s16+s3] =	stream.linear.scatter [tilespmem:s3], [sflag:$0x3], $0x4000, $0x38;
	[tilespmem:$0x1C100] =	vst v63  }
0xa7: {  	_ =	swait.ge [sflag:s21], $0x4000  }
0xa8: {  	[sflag:s21] =	ssyncset.done $0x0  }
0xa9: {  	[sflag:s21] =	ssyncadd.s32 $0xFFFFC000  }
0xaa: {  	[tilespmem:s3], [sflag:$0x3] =	stream.linear.gather [spmem:s12], $0x4000, $0x38;
	[tilespmem:$0x1C100] =	vst v63  }
0xab: {  	s29 =	sadd.s32 $0x1, s29;
	_ =	swait.ge [sflag:s21], $0x4000  }
0xac: {  	p0 =	sne.s32 s29, s8;
	[sflag:s21] =	ssyncset.done $0x0  }
.Ltmp1:
0xad: {  	[sflag:s21] =	ssyncadd.s32 $0xFFFFC000;
	(pc) =	sbr.rel @p0 .LBB2_1-.Ltmp1, $4  }
0xae: {  	[hbm4b:s17+s3] =	stream.linear.scatter [tilespmem:s3], [sflag:$0x3], $0x4000, $0x38;
	[tilespmem:$0x1C100] =	vst v63  }
0xaf: {  	_ =	swait.ge [sflag:s21], $0x4000  }
0xb0: {  	[sflag:s21] =	ssyncset.done $0x0  }
0xb1: {  	[sflag:s21] =	ssyncadd.s32 $0xFFFFC000  }
0xb2: {  	_ =	sfence.sel $0x180000  }
0xb3: {  	[bflag:$0x0] =	sbarrier.arrive $0xFFFF  }
0xb4: {  	_ =	strace $0x90000050  }
0xb5: {  	s0 =	stileid.u32;
	[bflag:$0x2] =	sbarrier.arrive $0xFFFF  }
0xb6: {  	p0 =	sne.s32 s0, $0x0;
	s0 =	rddreg [dreg:$0x2]  }
0xb7: {  	s0 =	sadd.s32 @!p0 $0x100000, s0  }
0xb8: {  	[sflag:s0] =	ssyncadd.tile.s32 @!p0 $0x1;
	_ =	shalt  }
.Lfunc_end2:
_tile_overlayer_lowered:
.L_overlay_start_2:
0xb9: {  	(tag) =	ssettag $0x2  }
0xba: {  	s0 =	rddreg [dreg:$0x0];
	s2 =	stileid.u32  }
0xbb: {  	s1 =	rddreg [dreg:$0x1];
	p0 =	sne.s32 s2, $0x0  }
0xbc: {  	s3 =	rddreg [dreg:$0x2];
	[bflag:$0x3] =	sbarrier.arrive $0xFFFF;
	s2 =	simm.s32 @!p0 $0x1C03  }
0xbd: {  	[timem:s3], [sflag:s2] =	dma.local @!p0 [hbm:s0], s1  }
0xbe: {  	s0 =	simm.s32 @!p0 $0x3  }
0xbf: {  	_ =	swait.ge @!p0 [sflag:s0], s1  }
0xc0: {  	s1 =	ssub.s32 @!p0 $0x0, s1;
	[sflag:s0] =	ssyncset.done @!p0 $0x0  }
0xc1: {  	[sflag:s0] =	ssyncadd.s32 @!p0 s1  }
0xc2: {  	[bflag:$0x3] =	sbarrier.arrive $0xFFFF  }
0xc3: {  	_ =	shalt  }

// kernel: kernel.37.cloned.1.call-start
scs
__scs_entry_jumppad:
0x0: {  	(pc) =	sbr.rel $0x88, $3  }
0x1: {  	(tag) =	ssettag $0x0;
	lr =	simm.s32 $0x1  }
0x2: {  	[smem:$0x3F8F] =	sst lr;
	_ =	strace $0xD0000000  }
0x3: {  	_ = 	snop  }
0x4: {  	_ = 	snop  }
0x5: {  	_ = 	snop  }
0x6: {  	_ = 	snop  }
0x7: {  	_ = 	snop  }
__scs_overlays_trampoline_lowered:
0x8: {  	[smem:$0x3F9E] =	sst s0  }
0x9: {  	[smem:$0x3F9F] =	sst s1  }
0xa: {  	[smem:$0x3FA0] =	sst s2  }
0xb: {  	[smem:$0x3FA1] =	sst s3  }
0xc: {  	[smem:$0x3FA2] =	sst s4  }
0xd: {  	[smem:$0x3FA3] =	sst s5  }
0xe: {  	[smem:$0x3FA4] =	sst s6  }
0xf: {  	[smem:$0x3FA5] =	sst s7  }
0x10: {  	[smem:$0x3FA6] =	sst s8  }
0x11: {  	[smem:$0x3FA7] =	sst s9;
	s0 =	simm.s32 @!p0 $0x0  }
0x12: {  	s1 =	sld [smem:$0x3F8D];
	s0 =	simm.s32 @p0 $0x1  }
0x13: {  	[smem:$0x3FA8] =	sst s0;
	s0 =	simm.s32 @!p1 $0x0  }
0x14: {  	s2 =	sld [smem:$0x3F8C];
	s0 =	simm.s32 @p1 $0x1  }
0x15: {  	[smem:$0x3FA9] =	sst s0;
	s0 =	simm.s32 @!p2 $0x0  }
0x16: {  	s3 =	sld [smem:$0x3FDB];
	s0 =	simm.s32 @p2 $0x1  }
0x17: {  	s4 =	simm.s32 $0x1BF5;
	[smem:$0x3FAB] =	sst s0  }
0x18: {  	s0 =	sld [smem:$0x3F8E];
	_ =	swait.ge [sflag:s4], $0x0  }
0x19: {  	s7 =	sld [smem:$0x3F8F]  }
0x1a: {  	s8 =	sadd.s32 $0xFFFFE003, lr  }
0x1b: {  	s9 =	sadd.s32 $0xFFFFFEF7, lr;
	s5 =	simm.s32 $0xFFFFFFFF;
	p2 =	slt.u32 s8, $0xFFFFF086  }
0x1c: {  	p1 =	slt.u32 s9, $0xF7A;
	s5 =	simm.s32 @!p2 $0x0  }
0x1d: {  	s5 =	simm.s32 @p1 $0x1;
	p0 =	seq.s32 s7, s2  }
0x1e: {  	s7 =	smul.u32 @!p0 $0xF7A, s2;
	p2 =	seq.s32 @!p0 s5, $0x0  }
0x1f: {  	s9 =	smul.u32 $0xF7A, s1;
	s8 =	simm.s32 @!p0 $0x1BF5;
	p2 =	por !p2, p0  }
0x20: {  	[sflag:s8] =	ssyncset.s32 @!p0 $0xFFFFF086;
	s6 =	sadd.s32 @!p0 s3, s7;
	s7 =	simm.s32 @!p0 $0x108  }
0x21: {  	s3 =	sadd.s32 s3, s9;
	s6 =	sadd.s32 @!p0 $0x88, s6;
	s7 =	simm.s32 @p2 $0x1082  }
0x22: {  	[simem:s7], [sflag:s8] =	dma.local @!p0 [hbm:s6], $0xF7A  }
0x23: {  	s9 =	sor.u32 $0xD0000000, s2;
	s6 =	simm.s32 $0x108;
	_ =	swait.ge @!p0 [sflag:s8], $0x0  }
0x24: {  	s3 =	sadd.s32 $0x88, s3;
	s6 =	simm.s32 @!p1 $0x1082;
	[sflag:s4] =	ssyncset.s32 $0xFFFFF086  }
0x25: {  	[simem:s6], [sflag:s4] =	dma.local [hbm:s3], $0xF7A  }
0x26: {  	[smem:$0x3F8F] =	sst s1;
	(tag) =	ssettag s2;
	_ =	strace s9  }
0x27: {  	s1 =	sld [smem:$0x3F9F]  }
0x28: {  	s2 =	sld [smem:$0x3FA0]  }
0x29: {  	s4 =	sld [smem:$0x3FA2]  }
0x2a: {  	p0 =	seq.s32 s5, $0x0;
	s5 =	sld [smem:$0x3FA3]  }
0x2b: {  	s6 =	sld [smem:$0x3FA4]  }
0x2c: {  	s7 =	sld [smem:$0x3FA5]  }
0x2d: {  	s3 =	simm.s32 $0x108;
	s8 =	sld [smem:$0x3FA6]  }
0x2e: {  	s3 =	simm.s32 @!p0 $0x1082;
	s9 =	sld [smem:$0x3FA7]  }
0x2f: {  	lr =	sadd.s32 s0, s3;
	s0 =	sld [smem:$0x3F9E]  }
0x30: {  	s3 =	sld [smem:$0x3FA1]  }
0x31: {  	[smem:$0x3FAA] =	sst s10  }
0x32: {  	s10 =	sld [smem:$0x3FA8];
	_ =	sdelay $0x3  }
0x33: {  	p0 =	seq.s32 s10, $0x1;
	s10 =	sld [smem:$0x3FAA];
	_ =	sdelay $0x3  }
0x34: {  	[smem:$0x3FAA] =	sst s10  }
0x35: {  	s10 =	sld [smem:$0x3FA9];
	_ =	sdelay $0x3  }
0x36: {  	p1 =	seq.s32 s10, $0x1;
	s10 =	sld [smem:$0x3FAA];
	_ =	sdelay $0x3  }
0x37: {  	[smem:$0x3FAA] =	sst s10  }
0x38: {  	s10 =	sld [smem:$0x3FAB]  }
0x39: {  	_ = 	snop;
	(pc) =	sbr.ind lr, $3  }
0x3a: {  	_ = 	snop  }
0x3b: {  	_ = 	snop  }
0x3c: {  	p2 =	seq.s32 s10, $0x1;
	s10 =	sld [smem:$0x3FAA]  }
0x3d: {  	_ =	shalt  }
0x3e: {  	_ =	shalt  }
0x3f: {  	_ =	shalt  }
0x40: {  	_ =	shalt  }
0x41: {  	_ =	shalt  }
0x42: {  	_ =	shalt  }
0x43: {  	_ =	shalt  }
0x44: {  	_ =	shalt  }
0x45: {  	_ =	shalt  }
0x46: {  	_ =	shalt  }
0x47: {  	_ =	shalt  }
0x48: {  	_ =	shalt  }
0x49: {  	_ =	shalt  }
0x4a: {  	_ =	shalt  }
0x4b: {  	_ =	shalt  }
0x4c: {  	_ =	shalt  }
0x4d: {  	_ =	shalt  }
0x4e: {  	_ =	shalt  }
0x4f: {  	_ =	shalt  }
0x50: {  	_ =	shalt  }
0x51: {  	_ =	shalt  }
0x52: {  	_ =	shalt  }
0x53: {  	_ =	shalt  }
0x54: {  	_ =	shalt  }
0x55: {  	_ =	shalt  }
0x56: {  	_ =	shalt  }
0x57: {  	_ =	shalt  }
0x58: {  	_ =	shalt  }
0x59: {  	_ =	shalt  }
0x5a: {  	_ =	shalt  }
0x5b: {  	_ =	shalt  }
0x5c: {  	_ =	shalt  }
0x5d: {  	_ =	shalt  }
0x5e: {  	_ =	shalt  }
0x5f: {  	_ =	shalt  }
0x60: {  	_ =	shalt  }
0x61: {  	_ =	shalt  }
0x62: {  	_ =	shalt  }
0x63: {  	_ =	shalt  }
0x64: {  	_ =	shalt  }
0x65: {  	_ =	shalt  }
0x66: {  	_ =	shalt  }
0x67: {  	_ =	shalt  }
0x68: {  	_ =	shalt  }
0x69: {  	_ =	shalt  }
0x6a: {  	_ =	shalt  }
0x6b: {  	_ =	shalt  }
0x6c: {  	_ =	shalt  }
0x6d: {  	_ =	shalt  }
0x6e: {  	_ =	shalt  }
0x6f: {  	_ =	shalt  }
0x70: {  	_ =	shalt  }
0x71: {  	_ =	shalt  }
0x72: {  	_ =	shalt  }
0x73: {  	_ =	shalt  }
0x74: {  	_ =	shalt  }
0x75: {  	_ =	shalt  }
0x76: {  	_ =	shalt  }
0x77: {  	_ =	shalt  }
0x78: {  	_ =	shalt  }
0x79: {  	_ =	shalt  }
0x7a: {  	_ =	shalt  }
0x7b: {  	_ =	shalt  }
0x7c: {  	_ =	shalt  }
0x7d: {  	_ =	shalt  }
0x7e: {  	_ =	shalt  }
0x7f: {  	_ =	shalt  }
0x80: {  	_ =	shalt  }
0x81: {  	_ =	shalt  }
0x82: {  	_ =	shalt  }
0x83: {  	_ =	shalt  }
0x84: {  	_ =	shalt  }
0x85: {  	_ =	shalt  }
0x86: {  	_ =	shalt  }
0x87: {  	_ =	shalt  }
.Lfunc_end0:
.L_simem_size_0:
called_computation.3_lowered:
.L_overlay_start_0:
0x88: {  	s2 =	sld [smem:$0x3FD9]  }
0x89: {  	s3 =	sld [smem:$0x3FFE];
	_ =	sdelay $0x1  }
0x8a: {  	s1 =	srdreg.scid  }
0x8b: {  	s0 =	sand.u32 $0x1, s1  }
0x8c: {  	s16 =	sshll.u32 s0, $0xA;
	s2 =	sadd.s32 s3, s2  }
0x8d: {  	s2 =	sadd.s32 s2, s16  }
0x8e: {  	[smem:$0x3FB6] =	sst s2  }
0x8f: {  	_ = 	snop  }
0x90: {  	(tm) =	ssettm $0x1  }
0x91: {  	s17 =	sld [smem:$0x3FFB];
	_ =	sdelay $0x3  }
0x92: {  	_ =	strace s17  }
0x93: {  	s2 =	sld [smem:$0x3FFC];
	_ =	sdelay $0x3  }
0x94: {  	_ =	strace s2  }
0x95: {  	s2 =	sld [smem:$0x3FFD];
	_ =	sdelay $0x3  }
0x96: {  	_ =	strace s2  }
0x97: {  	_ =	strace $0x8FFFFFFF  }
0x98: {  	s18 =	sld [smem:$0x3FDB];
	_ =	sdelay $0x1  }
0x99: {  	s19 =	simm.s32 $_scs_section_size  }
0x9a: {  	s4 =	simm.s32 $_size__tile_overlayer_lowered;
	s5 =	simm.s32 $_tile_overlayer_lowered  }
0x9b: {  	s22 =	simm.s32 $0x1BFF;
	s21 =	sshll.u32 s5, $0x1;
	s2 =	sadd.s32 s19, s18  }
0x9c: {  	s6 =	simm.s32 $0x0;
	s20 =	sshll.u32 s4, $0x1;
	s4 =	sadd.s32 s21, s2  }
0x9d: {  	[timem:s6], [sflag:s22] =	dma.local [hbm:s4], s20  }
0x9e: {  	_ =	swait.ge [sflag:s22], s20  }
0x9f: {  	s3 =	ssub.s32 $0x0, s20;
	[sflag:s22] =	ssyncset.done $0x0  }
0xa0: {  	[sflag:s22] =	ssyncadd.s32 s3;
	_ =	sdelay $0x1  }
0xa1: {  	s23 =	simm.s32 $0x1B8B  }
0xa2: {  	_ =	swait.ge [sflag:s23], $0x1  }
0xa3: {  	[sflag:s23] =	ssyncset.done $0x0  }
0xa4: {  	s25 =	simm.s32 $0x1B8E;
	s24 =	sld [smem:$0x3FFE];
	[sflag:s23] =	ssyncadd.s32 $0xFFFFFFFF  }
0xa5: {  	s26 =	simm.s32 $execute0_lowered;
	[smem:$0x3FD2] =	sst s25  }
0xa6: {  	s4 =	sshll.u32 s26, $0x1;
	_ =	strace $0x8000004C;
	[dreg:$0x1] =	wrdreg $0xFFFFFFFF  }
0xa7: {  	s28 =	simm.s32 $_size_execute0_lowered;
	s2 =	sadd.s32 s2, s4;
	[dreg:$0x0] =	wrdreg $0x0  }
0xa8: {  	s4 =	sshll.u32 s28, $0x1;
	[dreg:$0x2] =	wrdreg s2  }
0xa9: {  	[dreg:$0x3] =	wrdreg s4  }
0xaa: {  	[dreg:$0x4] =	wrdreg $0xC0  }
0xab: {  	_ =	task [dreg:s6], $0x5FFFF  }
0xac: {  	[dreg:$0x1] =	wrdreg $0xFFFFFFFF  }
0xad: {  	[dreg:$0x0] =	wrdreg $0x60  }
0xae: {  	[dreg:$0x2] =	wrdreg s24  }
0xaf: {  	[dreg:$0x3] =	wrdreg $0x40000  }
0xb0: {  	[dreg:$0x4] =	wrdreg $0xA  }
0xb1: {  	_ =	task.clear_ibuf [dreg:s6], $0x5FFFF;
	_ =	strace $0x9000004C  }
0xb2: {  	s29 =	simm.s32 $0xA;
	_ =	strace $0x8000004E  }
0xb3: {  	_ =	swait.ge [sflag:s29], $0x1  }
0xb4: {  	[sflag:s29] =	ssyncadd.s32 $0xFFFFFFFF  }
0xb5: {  	_ =	strace $0x9000004E  }
0xb6: {  	_ =	sfence  }
0xb7: {  	s30 =	sld [smem:$0x0];
	_ =	sdelay $0x2  }
0xb8: {  	s31 =	sshll.u32 s1, $0xD;
	s1 =	sshrl.u32 s1, $0x2  }
0xb9: {  	s3 =	sand.u32 $0x4000, s31;
	s1 =	sadd.s32 s1, s30  }
0xba: {  	s0 =	sor.u32 s3, s0;
	s1 =	sshll.u32 s1, $0x11  }
0xbb: {  	s0 =	sor.u32 s1, s0  }
0xbc: {  	s0 =	sadd.s32 $0x8F2B, s0  }
0xbd: {  	[sflag:s0] =	ssyncadd.remote.s32 $0x1  }
0xbe: {  	_ =	sfence.sel $0xFFFF  }
0xbf: {  	[dreg:$0x0] =	wrdreg $0xFFFFFFFF;
	(pc) =	sbr.abs _section_cstart, $3  }
0xc0: {  	[dreg:$0x1] =	wrdreg $0xFFFFFFFF  }
0xc1: {  	_ =	task.clear_ibuf [dreg:s6], $0x2FFFF;
	_ =	strace $0x9FFFFFFF  }
0xc2: {  	(tm) =	ssettm $0x7FFFFFFF  }
0xc3: {  	_ =	shalt  }
tec
execute0_lowered:
.L_overlay_start_1:
0x0: {  	(tag) =	ssettag $0x1  }
0x1: {  	s0 =	rddreg [dreg:$0x0]  }
0x2: {  	s1 =	rddreg [dreg:$0x1]  }
0x3: {  	s3 =	simm.s32 $0x0;
	s4 =	srdreg.scid;
	s2 =	stileid.u32  }
0x4: {  	s28 =	simm.s32 $0x2;
	s29 =	simm.s32 $0x0;
	[smem:$0x7FF] =	sst s3  }
0x5: {  	s18 =	sand.u32 $0x1, s4;
	s5 =	smul.u32 $0x280, s2;
	s20 =	sadd.s32 $0x507C00, s0  }
0x6: {  	s19 =	sadd.s32 $0xDE00, s0;
	s17 =	sadd.s32 $0x511A00, s0;
	s9 =	smul.u32 $0x50000, s2  }
0x7: {  	s7 =	sshll.u32 s2, $0x1;
	_ =	strace $0x8000004D;
	s6 =	smul.u32 $0x2800, s18  }
0x8: {  	s7 =	sor.u32 s18, s7;
	s21 =	ssub.s32 $0x2, s18;
	s26 =	smul.u32 $0x27800, s18  }
0x9: {  	[dreg:$0x3] =	wrdreg s17;
	s7 =	smul.u32 $0x2780, s7;
	s8 =	sshrl.u32 s21, $0x1  }
0xa: {  	s23 =	sshrl.u32 s9, $0x2;
	s5 =	sadd.s32 s6, s5;
	s8 =	ssub.s32 s21, s8  }
0xb: {  	s21 =	smul.u32 $0x4F00, s2;
	s5 =	sshll.u32 s5, $0x4;
	s22 =	sadd.s32 $0x2700, s7  }
0xc: {  	s8 =	smax.u32 s8, $0x1;
	s0 =	sadd.s32 s5, s0;
	s7 =	sshrl.u32 s22, $0x3  }
0xd: {  	s24 =	sshll.u32 s22, $0x4;
	s5 =	sadd.s32 s23, s1;
	s22 =	smul.u32 $0x2780, s18  }
0xe: {  	s23 =	smul.u32 $0x4F000, s2;
	s25 =	sadd.s32 s20, s7;
	s7 =	sadd.s32 s19, s24  }
0xf: {  	s9 =	sadd.s32 $0x4000, s5;
	s10 =	sadd.s32 $0x8000, s5;
	s11 =	sadd.s32 $0xC000, s5  }
0x10: {  	s12 =	sadd.s32 $0x10000, s5;
	s13 =	sadd.s32 $0x56C000, s0;
	s14 =	sadd.s32 $0x56C800, s0  }
0x11: {  	s15 =	sadd.s32 $0x56D000, s0;
	s16 =	sadd.s32 $0x56D800, s0;
	s17 =	sadd.s32 $0x56E000, s0  }
0x12: {  	s24 =	simm.s32 $0x18080;
	[dreg:$0x4] =	wrdreg s25;
	s30 =	sadd.s32 s22, s21  }
0x13: {  	s19 =	sadd.s32 s23, s19;
	s23 =	simm.s32 $0x1C080;
	s25 =	simm.s32 $0x1  }
0x14: {  	s21 =	sshrl.u32 s30, $0x3;
	s22 =	sadd.s32 $0x80, s30;
	s18 =	sadd.s32 s26, s19  }
0x15: {  	s26 =	simm.s32 $0x80;
	s19 =	sadd.s32 s21, s20;
	s31 =	sshrl.u32 s22, $0x3  }
0x16: {  	s21 =	simm.s32 $0x3;
	s22 =	simm.s32 $0x18000;
	s20 =	sadd.s32 s31, s20  }
.LBB2_1:
0x17: {  	s0 =	rddreg [dreg:$0x3]  }
0x18: {  	[tilespmem:s3], [sflag:$0x3] =	stream.linear.gather [hbm4b:s0+s3], $0x4000, $0x38;
	[tilespmem:$0x1C100] =	vst v63  }
0x19: {  	_ =	swait.ge [sflag:s21], $0x4000  }
0x1a: {  	[sflag:s21] =	ssyncset.done $0x0  }
0x1b: {  	[sflag:s21] =	ssyncadd.s32 $0xFFFFC000  }
0x1c: {  	[spmem:s5] =	stream.linear.scatter [tilespmem:s3], [sflag:$0x3], $0x4000, $0x38;
	[tilespmem:$0x1C100] =	vst v63  }
0x1d: {  	_ =	swait.ge [sflag:s21], $0x4000  }
0x1e: {  	[sflag:s21] =	ssyncset.done $0x0  }
0x1f: {  	[sflag:s21] =	ssyncadd.s32 $0xFFFFC000  }
0x20: {  	[spmem:s9] =	stream.linear.scatter [tilespmem:s3], [sflag:$0x3], $0x4000, $0x38;
	[tilespmem:$0x1C100] =	vst v63  }
0x21: {  	_ =	swait.ge [sflag:s21], $0x4000  }
0x22: {  	[sflag:s21] =	ssyncset.done $0x0  }
0x23: {  	[sflag:s21] =	ssyncadd.s32 $0xFFFFC000  }
0x24: {  	[spmem:s10] =	stream.linear.scatter [tilespmem:s3], [sflag:$0x3], $0x4000, $0x38;
	[tilespmem:$0x1C100] =	vst v63  }
0x25: {  	_ =	swait.ge [sflag:s21], $0x4000  }
0x26: {  	[sflag:s21] =	ssyncset.done $0x0  }
0x27: {  	[sflag:s21] =	ssyncadd.s32 $0xFFFFC000  }
0x28: {  	[spmem:s11] =	stream.linear.scatter [tilespmem:s3], [sflag:$0x3], $0x4000, $0x38;
	[tilespmem:$0x1C100] =	vst v63  }
0x29: {  	_ =	swait.ge [sflag:s21], $0x4000  }
0x2a: {  	[sflag:s21] =	ssyncset.done $0x0  }
0x2b: {  	[sflag:s21] =	ssyncadd.s32 $0xFFFFC000  }
0x2c: {  	[spmem:s12] =	stream.linear.scatter [tilespmem:s3], [sflag:$0x3], $0x4000, $0x38;
	[tilespmem:$0x1C100] =	vst v63  }
0x2d: {  	_ =	swait.ge [sflag:s21], $0x4000  }
0x2e: {  	[sflag:s21] =	ssyncset.done $0x0  }
0x2f: {  	[sflag:s21] =	ssyncadd.s32 $0xFFFFC000  }
0x30: {  	s2 =	sadd.s32 $0x0, s19;
	[bflag:$0x0] =	sbarrier.arrive $0xFFFF  }
0x31: {  	[tilespmem:s22], [sflag:$0x3] =	stream.linear.gather [hbm4b:s2+s3], $0x80, $0x38;
	[tilespmem:$0x1C100] =	vst v63  }
0x32: {  	_ =	swait.ge [sflag:s21], $0x80  }
0x33: {  	[sflag:s21] =	ssyncset.done $0x0  }
0x34: {  	s4 =	sadd.s32 $0x0, s20;
	[sflag:s21] =	ssyncadd.s32 $0xFFFFFF80  }
0x35: {  	[tilespmem:s23], [sflag:$0x3] =	stream.linear.gather [hbm4b:s4+s3], $0x80, $0x38;
	[tilespmem:$0x1C100] =	vst v63  }
0x36: {  	_ =	swait.ge [sflag:s21], $0x80  }
0x37: {  	[sflag:s21] =	ssyncset.done $0x0  }
0x38: {  	[sflag:s21] =	ssyncadd.s32 $0xFFFFFF80  }
0x39: {  	[tilespmem:s3], [sflag:$0x1] =	stream.linear.gather [hbm4b:s18+s3], $0x4000, $0x38;
	[tilespmem:$0x1C100] =	vst v63  }
0x3a: {  	s6 =	sadd.s32 $0x800, s18  }
0x3b: {  	[tilespmem:s24], [sflag:$0x2] =	stream.linear.gather [hbm4b:s6+s3], $0x4000, $0x38;
	[tilespmem:$0x1C100] =	vst v63  }
0x3c: {  	_ =	swait.ge [sflag:s25], $0x4000  }
0x3d: {  	[sflag:s25] =	ssyncset.done $0x0  }
0x3e: {  	[sflag:s25] =	ssyncadd.s32 $0xFFFFC000  }
0x3f: {  	[spmem:s1] =	stream.indirect.scatter.add.f32 [tilespmem:s3], [sflag:$0x3], $0x80, s22, s26, $0xb8;
	[tilespmem:$0x1C100] =	vst v63  }
0x40: {  	_ =	swait.ge [sflag:s21], $0x4000  }
0x41: {  	[sflag:s21] =	ssyncset.done $0x0  }
0x42: {  	[sflag:s21] =	ssyncadd.s32 $0xFFFFC000  }
0x43: {  	_ =	swait.ge [sflag:s28], $0x4000  }
0x44: {  	[sflag:s28] =	ssyncset.done $0x0  }
0x45: {  	[sflag:s28] =	ssyncadd.s32 $0xFFFFC000  }
0x46: {  	[spmem:s1] =	stream.indirect.scatter.add.f32 [tilespmem:s24], [sflag:$0x3], $0x80, s23, s26, $0xb8;
	[tilespmem:$0x1C100] =	vst v63  }
0x47: {  	s31 =	simm.s32 $0x20;
	_ =	swait.ge [sflag:s21], $0x4000  }
0x48: {  	s30 =	sadd.s32 $0x1000, s18;
	s0 =	simm.s32 $0x40;
	[sflag:s21] =	ssyncset.done $0x0  }
.LBB2_2:
0x49: {  	s2 =	sadd.s32 s31, s19  }
0x4a: {  	[sflag:s21] =	ssyncadd.s32 $0xFFFFC000;
	s4 =	smov.u32 s0;
	s6 =	sadd.s32 $0x20, s0  }
0x4b: {  	[tilespmem:s22], [sflag:$0x3] =	stream.linear.gather [hbm4b:s2+s3], $0x80, $0x38;
	[tilespmem:$0x1C100] =	vst v63  }
0x4c: {  	p0 =	sne.s32 s0, $0x4C0;
	_ =	swait.ge [sflag:s21], $0x80  }
0x4d: {  	[sflag:s21] =	ssyncset.done $0x0  }
0x4e: {  	s0 =	sadd.s32 s31, s20;
	s31 =	smov.u32 s4;
	[sflag:s21] =	ssyncadd.s32 $0xFFFFFF80  }
0x4f: {  	[tilespmem:s23], [sflag:$0x3] =	stream.linear.gather [hbm4b:s0+s3], $0x80, $0x38;
	[tilespmem:$0x1C100] =	vst v63  }
0x50: {  	_ =	swait.ge [sflag:s21], $0x80  }
0x51: {  	[sflag:s21] =	ssyncset.done $0x0  }
0x52: {  	[sflag:s21] =	ssyncadd.s32 $0xFFFFFF80  }
0x53: {  	[tilespmem:s3], [sflag:$0x1] =	stream.linear.gather [hbm4b:s30+s3], $0x4000, $0x38;
	[tilespmem:$0x1C100] =	vst v63  }
0x54: {  	s0 =	sadd.s32 $0x800, s30  }
0x55: {  	[tilespmem:s24], [sflag:$0x2] =	stream.linear.gather [hbm4b:s0+s3], $0x4000, $0x38;
	[tilespmem:$0x1C100] =	vst v63  }
0x56: {  	_ =	swait.ge [sflag:s25], $0x4000  }
0x57: {  	[sflag:s25] =	ssyncset.done $0x0  }
0x58: {  	[sflag:s25] =	ssyncadd.s32 $0xFFFFC000  }
0x59: {  	[spmem:s1] =	stream.indirect.scatter.add.f32 [tilespmem:s3], [sflag:$0x3], $0x80, s22, s26, $0xb8;
	[tilespmem:$0x1C100] =	vst v63  }
0x5a: {  	_ =	swait.ge [sflag:s21], $0x4000  }
0x5b: {  	[sflag:s21] =	ssyncset.done $0x0  }
0x5c: {  	[sflag:s21] =	ssyncadd.s32 $0xFFFFC000  }
0x5d: {  	_ =	swait.ge [sflag:s28], $0x4000  }
.Ltmp0:
0x5e: {  	[sflag:s28] =	ssyncset.done $0x0;
	(pc) =	sbr.rel @p0 .LBB2_2-.Ltmp0, $4  }
0x5f: {  	[sflag:s28] =	ssyncadd.s32 $0xFFFFC000  }
0x60: {  	[spmem:s1] =	stream.indirect.scatter.add.f32 [tilespmem:s24], [sflag:$0x3], $0x80, s23, s26, $0xb8;
	[tilespmem:$0x1C100] =	vst v63  }
0x61: {  	_ =	swait.ge [sflag:s21], $0x4000  }
0x62: {  	s30 =	sadd.s32 $0x1000, s30;
	s0 =	smov.u32 s6;
	[sflag:s21] =	ssyncset.done $0x0  }
0x63: {  	s0 =	sadd.s32 s31, s19;
	[sflag:s21] =	ssyncadd.s32 $0xFFFFC000  }
0x64: {  	[tilespmem:s22], [sflag:$0x3] =	stream.linear.gather [hbm4b:s0+s3], $0x80, $0x38;
	[tilespmem:$0x1C100] =	vst v63  }
0x65: {  	_ =	swait.ge [sflag:s21], $0x80  }
0x66: {  	[sflag:s21] =	ssyncset.done $0x0  }
0x67: {  	s6 =	sadd.s32 s31, s20;
	[sflag:s21] =	ssyncadd.s32 $0xFFFFFF80  }
0x68: {  	[tilespmem:s23], [sflag:$0x3] =	stream.linear.gather [hbm4b:s6+s3], $0x80, $0x38;
	[tilespmem:$0x1C100] =	vst v63  }
0x69: {  	_ =	swait.ge [sflag:s21], $0x80  }
0x6a: {  	[sflag:s21] =	ssyncset.done $0x0  }
0x6b: {  	[sflag:s21] =	ssyncadd.s32 $0xFFFFFF80  }
0x6c: {  	[tilespmem:s3], [sflag:$0x1] =	stream.linear.gather [hbm4b:s30+s3], $0x4000, $0x38;
	[tilespmem:$0x1C100] =	vst v63  }
0x6d: {  	s30 =	sadd.s32 $0x800, s30  }
0x6e: {  	[tilespmem:s24], [sflag:$0x2] =	stream.linear.gather [hbm4b:s30+s3], $0x4000, $0x38;
	[tilespmem:$0x1C100] =	vst v63  }
0x6f: {  	_ =	swait.ge [sflag:s25], $0x4000  }
0x70: {  	[sflag:s25] =	ssyncset.done $0x0  }
0x71: {  	[sflag:s25] =	ssyncadd.s32 $0xFFFFC000  }
0x72: {  	[spmem:s1] =	stream.indirect.scatter.add.f32 [tilespmem:s3], [sflag:$0x3], $0x80, s22, s26, $0xb8;
	[tilespmem:$0x1C100] =	vst v63  }
0x73: {  	_ =	swait.ge [sflag:s21], $0x4000  }
0x74: {  	[sflag:s21] =	ssyncset.done $0x0  }
0x75: {  	[sflag:s21] =	ssyncadd.s32 $0xFFFFC000  }
0x76: {  	_ =	swait.ge [sflag:s28], $0x4000  }
0x77: {  	[sflag:s28] =	ssyncset.done $0x0  }
0x78: {  	[sflag:s28] =	ssyncadd.s32 $0xFFFFC000  }
0x79: {  	[spmem:s1] =	stream.indirect.scatter.add.f32 [tilespmem:s24], [sflag:$0x3], $0x80, s23, s26, $0xb8;
	[tilespmem:$0x1C100] =	vst v63  }
0x7a: {  	_ =	swait.ge [sflag:s21], $0x4000  }
0x7b: {  	[sflag:s21] =	ssyncset.done $0x0  }
0x7c: {  	s31 =	rddreg [dreg:$0x4];
	[sflag:s21] =	ssyncadd.s32 $0xFFFFC000  }
0x7d: {  	[tilespmem:s22], [sflag:$0x3] =	stream.linear.gather [hbm4b:s31+s3], $0x80, $0x38;
	[tilespmem:$0x1C100] =	vst v63  }
0x7e: {  	_ =	swait.ge [sflag:s21], $0x80  }
0x7f: {  	[sflag:s21] =	ssyncset.done $0x0  }
0x80: {  	[sflag:s21] =	ssyncadd.s32 $0xFFFFFF80  }
0x81: {  	[tilespmem:s3], [sflag:$0x3] =	stream.linear.gather [hbm4b:s7+s3], $0x4000, $0x38;
	[tilespmem:$0x1C100] =	vst v63  }
0x82: {  	_ =	swait.ge [sflag:s21], $0x4000  }
0x83: {  	[sflag:s21] =	ssyncset.done $0x0  }
0x84: {  	[sflag:s21] =	ssyncadd.s32 $0xFFFFC000  }
0x85: {  	[spmem:s1] =	stream.indirect.scatter.add.f32 [tilespmem:s3], [sflag:$0x3], $0x80, s22, s26, $0xb8;
	[tilespmem:$0x1C100] =	vst v63  }
0x86: {  	_ =	swait.ge [sflag:s21], $0x4000  }
0x87: {  	[sflag:s21] =	ssyncset.done $0x0  }
0x88: {  	[sflag:s21] =	ssyncadd.s32 $0xFFFFC000  }
0x89: {  	[bflag:$0x0] =	sbarrier.arrive $0xFFFF  }
0x8a: {  	[tilespmem:s3], [sflag:$0x3] =	stream.linear.gather [spmem:s5], $0x4000, $0x38;
	[tilespmem:$0x1C100] =	vst v63  }
0x8b: {  	_ =	swait.ge [sflag:s21], $0x4000  }
0x8c: {  	[sflag:s21] =	ssyncset.done $0x0  }
0x8d: {  	[sflag:s21] =	ssyncadd.s32 $0xFFFFC000  }
0x8e: {  	[hbm4b:s13+s3] =	stream.linear.scatter [tilespmem:s3], [sflag:$0x3], $0x4000, $0x38;
	[tilespmem:$0x1C100] =	vst v63  }
0x8f: {  	_ =	swait.ge [sflag:s21], $0x4000  }
0x90: {  	[sflag:s21] =	ssyncset.done $0x0  }
0x91: {  	[sflag:s21] =	ssyncadd.s32 $0xFFFFC000  }
0x92: {  	[tilespmem:s3], [sflag:$0x3] =	stream.linear.gather [spmem:s9], $0x4000, $0x38;
	[tilespmem:$0x1C100] =	vst v63  }
0x93: {  	_ =	swait.ge [sflag:s21], $0x4000  }
0x94: {  	[sflag:s21] =	ssyncset.done $0x0  }
0x95: {  	[sflag:s21] =	ssyncadd.s32 $0xFFFFC000  }
0x96: {  	[hbm4b:s14+s3] =	stream.linear.scatter [tilespmem:s3], [sflag:$0x3], $0x4000, $0x38;
	[tilespmem:$0x1C100] =	vst v63  }
0x97: {  	_ =	swait.ge [sflag:s21], $0x4000  }
0x98: {  	[sflag:s21] =	ssyncset.done $0x0  }
0x99: {  	[sflag:s21] =	ssyncadd.s32 $0xFFFFC000  }
0x9a: {  	[tilespmem:s3], [sflag:$0x3] =	stream.linear.gather [spmem:s10], $0x4000, $0x38;
	[tilespmem:$0x1C100] =	vst v63  }
0x9b: {  	_ =	swait.ge [sflag:s21], $0x4000  }
0x9c: {  	[sflag:s21] =	ssyncset.done $0x0  }
0x9d: {  	[sflag:s21] =	ssyncadd.s32 $0xFFFFC000  }
0x9e: {  	[hbm4b:s15+s3] =	stream.linear.scatter [tilespmem:s3], [sflag:$0x3], $0x4000, $0x38;
	[tilespmem:$0x1C100] =	vst v63  }
0x9f: {  	_ =	swait.ge [sflag:s21], $0x4000  }
0xa0: {  	[sflag:s21] =	ssyncset.done $0x0  }
0xa1: {  	[sflag:s21] =	ssyncadd.s32 $0xFFFFC000  }
0xa2: {  	[tilespmem:s3], [sflag:$0x3] =	stream.linear.gather [spmem:s11], $0x4000, $0x38;
	[tilespmem:$0x1C100] =	vst v63  }
0xa3: {  	_ =	swait.ge [sflag:s21], $0x4000  }
0xa4: {  	[sflag:s21] =	ssyncset.done $0x0  }
0xa5: {  	[sflag:s21] =	ssyncadd.s32 $0xFFFFC000  }
0xa6: {  	[hbm4b:s16+s3] =	stream.linear.scatter [tilespmem:s3], [sflag:$0x3], $0x4000, $0x38;
	[tilespmem:$0x1C100] =	vst v63  }
0xa7: {  	_ =	swait.ge [sflag:s21], $0x4000  }
0xa8: {  	[sflag:s21] =	ssyncset.done $0x0  }
0xa9: {  	[sflag:s21] =	ssyncadd.s32 $0xFFFFC000  }
0xaa: {  	[tilespmem:s3], [sflag:$0x3] =	stream.linear.gather [spmem:s12], $0x4000, $0x38;
	[tilespmem:$0x1C100] =	vst v63  }
0xab: {  	s29 =	sadd.s32 $0x1, s29;
	_ =	swait.ge [sflag:s21], $0x4000  }
0xac: {  	p0 =	sne.s32 s29, s8;
	[sflag:s21] =	ssyncset.done $0x0  }
.Ltmp1:
0xad: {  	[sflag:s21] =	ssyncadd.s32 $0xFFFFC000;
	(pc) =	sbr.rel @p0 .LBB2_1-.Ltmp1, $4  }
0xae: {  	[hbm4b:s17+s3] =	stream.linear.scatter [tilespmem:s3], [sflag:$0x3], $0x4000, $0x38;
	[tilespmem:$0x1C100] =	vst v63  }
0xaf: {  	_ =	swait.ge [sflag:s21], $0x4000  }
0xb0: {  	[sflag:s21] =	ssyncset.done $0x0  }
0xb1: {  	[sflag:s21] =	ssyncadd.s32 $0xFFFFC000  }
0xb2: {  	_ =	sfence.sel $0x180000  }
0xb3: {  	[bflag:$0x0] =	sbarrier.arrive $0xFFFF  }
0xb4: {  	_ =	strace $0x9000004D  }
0xb5: {  	s0 =	stileid.u32;
	[bflag:$0x2] =	sbarrier.arrive $0xFFFF  }
0xb6: {  	p0 =	sne.s32 s0, $0x0;
	s0 =	rddreg [dreg:$0x2]  }
0xb7: {  	s0 =	sadd.s32 @!p0 $0x100000, s0  }
0xb8: {  	[sflag:s0] =	ssyncadd.tile.s32 @!p0 $0x1;
	_ =	shalt  }
.Lfunc_end2:
_tile_overlayer_lowered:
.L_overlay_start_2:
0xb9: {  	(tag) =	ssettag $0x2  }
0xba: {  	s0 =	rddreg [dreg:$0x0];
	s2 =	stileid.u32  }
0xbb: {  	s1 =	rddreg [dreg:$0x1];
	p0 =	sne.s32 s2, $0x0  }
0xbc: {  	s3 =	rddreg [dreg:$0x2];
	[bflag:$0x3] =	sbarrier.arrive $0xFFFF;
	s2 =	simm.s32 @!p0 $0x1C03  }
0xbd: {  	[timem:s3], [sflag:s2] =	dma.local @!p0 [hbm:s0], s1  }
0xbe: {  	s0 =	simm.s32 @!p0 $0x3  }
0xbf: {  	_ =	swait.ge @!p0 [sflag:s0], s1  }
0xc0: {  	s1 =	ssub.s32 @!p0 $0x0, s1;
	[sflag:s0] =	ssyncset.done @!p0 $0x0  }
0xc1: {  	[sflag:s0] =	ssyncadd.s32 @!p0 s1  }
0xc2: {  	[bflag:$0x3] =	sbarrier.arrive $0xFFFF  }
0xc3: {  	_ =	shalt  }

// kernel: kernel.40.cloned.1.call-start
scs
__scs_entry_jumppad:
0x0: {  	(pc) =	sbr.rel $0x88, $3  }
0x1: {  	(tag) =	ssettag $0x0;
	lr =	simm.s32 $0x1  }
0x2: {  	[smem:$0x3F8F] =	sst lr;
	_ =	strace $0xD0000000  }
0x3: {  	_ = 	snop  }
0x4: {  	_ = 	snop  }
0x5: {  	_ = 	snop  }
0x6: {  	_ = 	snop  }
0x7: {  	_ = 	snop  }
__scs_overlays_trampoline_lowered:
0x8: {  	[smem:$0x3F9E] =	sst s0  }
0x9: {  	[smem:$0x3F9F] =	sst s1  }
0xa: {  	[smem:$0x3FA0] =	sst s2  }
0xb: {  	[smem:$0x3FA1] =	sst s3  }
0xc: {  	[smem:$0x3FA2] =	sst s4  }
0xd: {  	[smem:$0x3FA3] =	sst s5  }
0xe: {  	[smem:$0x3FA4] =	sst s6  }
0xf: {  	[smem:$0x3FA5] =	sst s7  }
0x10: {  	[smem:$0x3FA6] =	sst s8  }
0x11: {  	[smem:$0x3FA7] =	sst s9;
	s0 =	simm.s32 @!p0 $0x0  }
0x12: {  	s1 =	sld [smem:$0x3F8D];
	s0 =	simm.s32 @p0 $0x1  }
0x13: {  	[smem:$0x3FA8] =	sst s0;
	s0 =	simm.s32 @!p1 $0x0  }
0x14: {  	s2 =	sld [smem:$0x3F8C];
	s0 =	simm.s32 @p1 $0x1  }
0x15: {  	[smem:$0x3FA9] =	sst s0;
	s0 =	simm.s32 @!p2 $0x0  }
0x16: {  	s3 =	sld [smem:$0x3FDB];
	s0 =	simm.s32 @p2 $0x1  }
0x17: {  	s4 =	simm.s32 $0x1BF5;
	[smem:$0x3FAB] =	sst s0  }
0x18: {  	s0 =	sld [smem:$0x3F8E];
	_ =	swait.ge [sflag:s4], $0x0  }
0x19: {  	s7 =	sld [smem:$0x3F8F]  }
0x1a: {  	s8 =	sadd.s32 $0xFFFFE003, lr  }
0x1b: {  	s9 =	sadd.s32 $0xFFFFFEF7, lr;
	s5 =	simm.s32 $0xFFFFFFFF;
	p2 =	slt.u32 s8, $0xFFFFF086  }
0x1c: {  	p1 =	slt.u32 s9, $0xF7A;
	s5 =	simm.s32 @!p2 $0x0  }
0x1d: {  	s5 =	simm.s32 @p1 $0x1;
	p0 =	seq.s32 s7, s2  }
0x1e: {  	s7 =	smul.u32 @!p0 $0xF7A, s2;
	p2 =	seq.s32 @!p0 s5, $0x0  }
0x1f: {  	s9 =	smul.u32 $0xF7A, s1;
	s8 =	simm.s32 @!p0 $0x1BF5;
	p2 =	por !p2, p0  }
0x20: {  	[sflag:s8] =	ssyncset.s32 @!p0 $0xFFFFF086;
	s6 =	sadd.s32 @!p0 s3, s7;
	s7 =	simm.s32 @!p0 $0x108  }
0x21: {  	s3 =	sadd.s32 s3, s9;
	s6 =	sadd.s32 @!p0 $0x88, s6;
	s7 =	simm.s32 @p2 $0x1082  }
0x22: {  	[simem:s7], [sflag:s8] =	dma.local @!p0 [hbm:s6], $0xF7A  }
0x23: {  	s9 =	sor.u32 $0xD0000000, s2;
	s6 =	simm.s32 $0x108;
	_ =	swait.ge @!p0 [sflag:s8], $0x0  }
0x24: {  	s3 =	sadd.s32 $0x88, s3;
	s6 =	simm.s32 @!p1 $0x1082;
	[sflag:s4] =	ssyncset.s32 $0xFFFFF086  }
0x25: {  	[simem:s6], [sflag:s4] =	dma.local [hbm:s3], $0xF7A  }
0x26: {  	[smem:$0x3F8F] =	sst s1;
	(tag) =	ssettag s2;
	_ =	strace s9  }
0x27: {  	s1 =	sld [smem:$0x3F9F]  }
0x28: {  	s2 =	sld [smem:$0x3FA0]  }
0x29: {  	s4 =	sld [smem:$0x3FA2]  }
0x2a: {  	p0 =	seq.s32 s5, $0x0;
	s5 =	sld [smem:$0x3FA3]  }
0x2b: {  	s6 =	sld [smem:$0x3FA4]  }
0x2c: {  	s7 =	sld [smem:$0x3FA5]  }
0x2d: {  	s3 =	simm.s32 $0x108;
	s8 =	sld [smem:$0x3FA6]  }
0x2e: {  	s3 =	simm.s32 @!p0 $0x1082;
	s9 =	sld [smem:$0x3FA7]  }
0x2f: {  	lr =	sadd.s32 s0, s3;
	s0 =	sld [smem:$0x3F9E]  }
0x30: {  	s3 =	sld [smem:$0x3FA1]  }
0x31: {  	[smem:$0x3FAA] =	sst s10  }
0x32: {  	s10 =	sld [smem:$0x3FA8];
	_ =	sdelay $0x3  }
0x33: {  	p0 =	seq.s32 s10, $0x1;
	s10 =	sld [smem:$0x3FAA];
	_ =	sdelay $0x3  }
0x34: {  	[smem:$0x3FAA] =	sst s10  }
0x35: {  	s10 =	sld [smem:$0x3FA9];
	_ =	sdelay $0x3  }
0x36: {  	p1 =	seq.s32 s10, $0x1;
	s10 =	sld [smem:$0x3FAA];
	_ =	sdelay $0x3  }
0x37: {  	[smem:$0x3FAA] =	sst s10  }
0x38: {  	s10 =	sld [smem:$0x3FAB]  }
0x39: {  	_ = 	snop;
	(pc) =	sbr.ind lr, $3  }
0x3a: {  	_ = 	snop  }
0x3b: {  	_ = 	snop  }
0x3c: {  	p2 =	seq.s32 s10, $0x1;
	s10 =	sld [smem:$0x3FAA]  }
0x3d: {  	_ =	shalt  }
0x3e: {  	_ =	shalt  }
0x3f: {  	_ =	shalt  }
0x40: {  	_ =	shalt  }
0x41: {  	_ =	shalt  }
0x42: {  	_ =	shalt  }
0x43: {  	_ =	shalt  }
0x44: {  	_ =	shalt  }
0x45: {  	_ =	shalt  }
0x46: {  	_ =	shalt  }
0x47: {  	_ =	shalt  }
0x48: {  	_ =	shalt  }
0x49: {  	_ =	shalt  }
0x4a: {  	_ =	shalt  }
0x4b: {  	_ =	shalt  }
0x4c: {  	_ =	shalt  }
0x4d: {  	_ =	shalt  }
0x4e: {  	_ =	shalt  }
0x4f: {  	_ =	shalt  }
0x50: {  	_ =	shalt  }
0x51: {  	_ =	shalt  }
0x52: {  	_ =	shalt  }
0x53: {  	_ =	shalt  }
0x54: {  	_ =	shalt  }
0x55: {  	_ =	shalt  }
0x56: {  	_ =	shalt  }
0x57: {  	_ =	shalt  }
0x58: {  	_ =	shalt  }
0x59: {  	_ =	shalt  }
0x5a: {  	_ =	shalt  }
0x5b: {  	_ =	shalt  }
0x5c: {  	_ =	shalt  }
0x5d: {  	_ =	shalt  }
0x5e: {  	_ =	shalt  }
0x5f: {  	_ =	shalt  }
0x60: {  	_ =	shalt  }
0x61: {  	_ =	shalt  }
0x62: {  	_ =	shalt  }
0x63: {  	_ =	shalt  }
0x64: {  	_ =	shalt  }
0x65: {  	_ =	shalt  }
0x66: {  	_ =	shalt  }
0x67: {  	_ =	shalt  }
0x68: {  	_ =	shalt  }
0x69: {  	_ =	shalt  }
0x6a: {  	_ =	shalt  }
0x6b: {  	_ =	shalt  }
0x6c: {  	_ =	shalt  }
0x6d: {  	_ =	shalt  }
0x6e: {  	_ =	shalt  }
0x6f: {  	_ =	shalt  }
0x70: {  	_ =	shalt  }
0x71: {  	_ =	shalt  }
0x72: {  	_ =	shalt  }
0x73: {  	_ =	shalt  }
0x74: {  	_ =	shalt  }
0x75: {  	_ =	shalt  }
0x76: {  	_ =	shalt  }
0x77: {  	_ =	shalt  }
0x78: {  	_ =	shalt  }
0x79: {  	_ =	shalt  }
0x7a: {  	_ =	shalt  }
0x7b: {  	_ =	shalt  }
0x7c: {  	_ =	shalt  }
0x7d: {  	_ =	shalt  }
0x7e: {  	_ =	shalt  }
0x7f: {  	_ =	shalt  }
0x80: {  	_ =	shalt  }
0x81: {  	_ =	shalt  }
0x82: {  	_ =	shalt  }
0x83: {  	_ =	shalt  }
0x84: {  	_ =	shalt  }
0x85: {  	_ =	shalt  }
0x86: {  	_ =	shalt  }
0x87: {  	_ =	shalt  }
.Lfunc_end0:
.L_simem_size_0:
called_computation.4_lowered:
.L_overlay_start_0:
0x88: {  	s2 =	sld [smem:$0x3FD9]  }
0x89: {  	s3 =	sld [smem:$0x3FFE];
	_ =	sdelay $0x1  }
0x8a: {  	s1 =	srdreg.scid  }
0x8b: {  	s0 =	sand.u32 $0x1, s1  }
0x8c: {  	s16 =	sshll.u32 s0, $0xA;
	s2 =	sadd.s32 s3, s2  }
0x8d: {  	s2 =	sadd.s32 s2, s16  }
0x8e: {  	[smem:$0x3FB6] =	sst s2  }
0x8f: {  	_ = 	snop  }
0x90: {  	(tm) =	ssettm $0x1  }
0x91: {  	s17 =	sld [smem:$0x3FFB];
	_ =	sdelay $0x3  }
0x92: {  	_ =	strace s17  }
0x93: {  	s2 =	sld [smem:$0x3FFC];
	_ =	sdelay $0x3  }
0x94: {  	_ =	strace s2  }
0x95: {  	s2 =	sld [smem:$0x3FFD];
	_ =	sdelay $0x3  }
0x96: {  	_ =	strace s2  }
0x97: {  	_ =	strace $0x8FFFFFFF  }
0x98: {  	s18 =	sld [smem:$0x3FDB];
	_ =	sdelay $0x1  }
0x99: {  	s19 =	simm.s32 $_scs_section_size  }
0x9a: {  	s4 =	simm.s32 $_size__tile_overlayer_lowered;
	s5 =	simm.s32 $_tile_overlayer_lowered  }
0x9b: {  	s22 =	simm.s32 $0x1BFF;
	s21 =	sshll.u32 s5, $0x1;
	s2 =	sadd.s32 s19, s18  }
0x9c: {  	s6 =	simm.s32 $0x0;
	s20 =	sshll.u32 s4, $0x1;
	s4 =	sadd.s32 s21, s2  }
0x9d: {  	[timem:s6], [sflag:s22] =	dma.local [hbm:s4], s20  }
0x9e: {  	_ =	swait.ge [sflag:s22], s20  }
0x9f: {  	s3 =	ssub.s32 $0x0, s20;
	[sflag:s22] =	ssyncset.done $0x0  }
0xa0: {  	[sflag:s22] =	ssyncadd.s32 s3;
	_ =	sdelay $0x1  }
0xa1: {  	s23 =	simm.s32 $0x1B8B  }
0xa2: {  	_ =	swait.ge [sflag:s23], $0x1  }
0xa3: {  	[sflag:s23] =	ssyncset.done $0x0  }
0xa4: {  	s25 =	simm.s32 $0x1B8E;
	s24 =	sld [smem:$0x3FFE];
	[sflag:s23] =	ssyncadd.s32 $0xFFFFFFFF  }
0xa5: {  	s26 =	simm.s32 $execute0_lowered;
	[smem:$0x3FD2] =	sst s25  }
0xa6: {  	s4 =	sshll.u32 s26, $0x1;
	_ =	strace $0x80000052;
	[dreg:$0x1] =	wrdreg $0xFFFFFFFF  }
0xa7: {  	s28 =	simm.s32 $_size_execute0_lowered;
	s2 =	sadd.s32 s2, s4;
	[dreg:$0x0] =	wrdreg $0x0  }
0xa8: {  	s4 =	sshll.u32 s28, $0x1;
	[dreg:$0x2] =	wrdreg s2  }
0xa9: {  	[dreg:$0x3] =	wrdreg s4  }
0xaa: {  	[dreg:$0x4] =	wrdreg $0xC0  }
0xab: {  	_ =	task [dreg:s6], $0x5FFFF  }
0xac: {  	[dreg:$0x1] =	wrdreg $0xFFFFFFFF  }
0xad: {  	[dreg:$0x0] =	wrdreg $0x60  }
0xae: {  	[dreg:$0x2] =	wrdreg s24  }
0xaf: {  	[dreg:$0x3] =	wrdreg $0x9  }
0xb0: {  	_ =	task.clear_ibuf [dreg:s6], $0x4FFFF;
	_ =	strace $0x90000052  }
0xb1: {  	s29 =	simm.s32 $0x9;
	_ =	strace $0x80000054  }
0xb2: {  	_ =	swait.ge [sflag:s29], $0x1  }
0xb3: {  	[sflag:s29] =	ssyncadd.s32 $0xFFFFFFFF  }
0xb4: {  	_ =	strace $0x90000054  }
0xb5: {  	_ =	sfence  }
0xb6: {  	s30 =	sld [smem:$0x0];
	_ =	sdelay $0x2  }
0xb7: {  	s31 =	sshll.u32 s1, $0xD;
	s1 =	sshrl.u32 s1, $0x2  }
0xb8: {  	s3 =	sand.u32 $0x4000, s31;
	s1 =	sadd.s32 s1, s30  }
0xb9: {  	s0 =	sor.u32 s3, s0;
	s1 =	sshll.u32 s1, $0x11  }
0xba: {  	s0 =	sor.u32 s1, s0  }
0xbb: {  	s0 =	sadd.s32 $0x8F2B, s0  }
0xbc: {  	[sflag:s0] =	ssyncadd.remote.s32 $0x1  }
0xbd: {  	_ =	sfence.sel $0xFFFF  }
0xbe: {  	[dreg:$0x0] =	wrdreg $0xFFFFFFFF;
	(pc) =	sbr.abs _section_cstart, $3  }
0xbf: {  	[dreg:$0x1] =	wrdreg $0xFFFFFFFF  }
0xc0: {  	_ =	task.clear_ibuf [dreg:s6], $0x2FFFF;
	_ =	strace $0x9FFFFFFF  }
0xc1: {  	(tm) =	ssettm $0x7FFFFFFF  }
tec
execute0_lowered:
.L_overlay_start_1:
0x0: {  	(tag) =	ssettag $0x1  }
0x1: {  	s6 =	rddreg [dreg:$0x0]  }
0x2: {  	s0 =	rddreg [dreg:$0x1];
	s2 =	simm.s32 $0x0  }
0x3: {  	s3 =	srdreg.scid;
	s1 =	stileid.u32;
	s12 =	simm.s32 $0x5  }
0x4: {  	s13 =	simm.s32 $0x80;
	s14 =	simm.s32 $0x100;
	s15 =	simm.s32 $0x4100  }
0x5: {  	s16 =	simm.s32 $0x8100;
	s17 =	simm.s32 $0x1;
	s18 =	simm.s32 $0x2  }
0x6: {  	s19 =	simm.s32 $0x3;
	s20 =	simm.s32 $0x4;
	s8 =	smul.u32 $0x4F00, s1  }
0x7: {  	[smem:$0x7FF] =	sst s2;
	s7 =	sand.u32 $0x1, s3;
	s10 =	smul.u32 $0x4F000, s1  }
0x8: {  	s3 =	sadd.s32 $0x35E00, s6;
	s4 =	sadd.s32 $0xDE00, s6;
	s9 =	smul.u32 $0x2780, s7  }
0x9: {  	s5 =	sadd.s32 $0x53A200, s6;
	s11 =	ssub.s32 $0x2, s7;
	s7 =	smul.u32 $0x27800, s7  }
0xa: {  	_ =	strace $0x80000053;
	s10 =	sadd.s32 s10, s6;
	s8 =	sadd.s32 s9, s8  }
0xb: {  	s29 =	sshrl.u32 s11, $0x1;
	s31 =	sadd.s32 s7, s10;
	s8 =	sshrl.u32 s8, $0x3  }
0xc: {  	s9 =	ssub.s32 s11, s29;
	s7 =	sadd.s32 $0x56C000, s31;
	s30 =	sadd.s32 s8, s6  }
0xd: {  	s6 =	smax.u32 s9, $0x1;
	s8 =	sadd.s32 $0xA5C000, s31;
	s9 =	sadd.s32 $0xF4C000, s31  }
0xe: {  	s21 =	simm.s32 $0x0;
	s10 =	sadd.s32 $0x562200, s30;
	s11 =	sadd.s32 $0x507C00, s30  }
.LBB2_1:
0xf: {  	[tilespmem:s2], [sflag:$0x5] =	stream.linear.gather [hbm4b:s11+s2], $0x80, $0x38;
	[tilespmem:$0xC100] =	vst v63  }
0x10: {  	_ =	swait.ge [sflag:s12], $0x80  }
0x11: {  	[sflag:s12] =	ssyncset.done $0x0  }
0x12: {  	[sflag:s12] =	ssyncadd.s32 $0xFFFFFF80  }
0x13: {  	[tilespmem:s13], [sflag:$0x5] =	stream.linear.gather [hbm4b:s10+s2], $0x80, $0x38;
	[tilespmem:$0xC100] =	vst v63  }
0x14: {  	_ =	swait.ge [sflag:s12], $0x80  }
0x15: {  	[sflag:s12] =	ssyncset.done $0x0  }
0x16: {  	[sflag:s12] =	ssyncadd.s32 $0xFFFFFF80  }
0x17: {  	[tilespmem:s14], [sflag:$0x1] =	stream.indirect.gather [hbm4b:s3+s13], $0x80, s2, s13, $0xb8;
	[tilespmem:$0xC100] =	vst v63  }
0x18: {  	_ = 	snop  }
0x19: {  	[tilespmem:s15], [sflag:$0x2] =	stream.indirect.gather [hbm4b:s4+s13], $0x80, s13, s13, $0xb8;
	[tilespmem:$0xC100] =	vst v63  }
0x1a: {  	_ = 	snop  }
0x1b: {  	[tilespmem:s16], [sflag:$0x3] =	stream.indirect.gather [hbm4b:s5+s13], $0x80, s13, s13, $0xb8;
	[tilespmem:$0xC100] =	vst v63  }
0x1c: {  	_ =	swait.ge [sflag:s17], $0x4000  }
0x1d: {  	[sflag:s17] =	ssyncset.done $0x0  }
0x1e: {  	s22 =	sadd.s32 $0x0, s7;
	[sflag:s17] =	ssyncadd.s32 $0xFFFFC000  }
0x1f: {  	[hbm4b:s22+s2] =	stream.linear.scatter [tilespmem:s14], [sflag:$0x4], $0x4000, $0x38;
	[tilespmem:$0xC100] =	vst v63  }
0x20: {  	_ =	swait.ge [sflag:s18], $0x4000  }
0x21: {  	[sflag:s18] =	ssyncset.done $0x0  }
0x22: {  	s30 =	sadd.s32 $0x0, s8;
	[sflag:s18] =	ssyncadd.s32 $0xFFFFC000  }
0x23: {  	[hbm4b:s30+s2] =	stream.linear.scatter [tilespmem:s15], [sflag:$0x4], $0x4000, $0x38;
	[tilespmem:$0xC100] =	vst v63  }
0x24: {  	_ =	swait.ge [sflag:s19], $0x4000  }
0x25: {  	[sflag:s19] =	ssyncset.done $0x0  }
0x26: {  	s31 =	sadd.s32 $0x0, s9;
	[sflag:s19] =	ssyncadd.s32 $0xFFFFC000  }
0x27: {  	[hbm4b:s31+s2] =	stream.linear.scatter [tilespmem:s16], [sflag:$0x4], $0x4000, $0x38;
	[tilespmem:$0xC100] =	vst v63  }
0x28: {  	_ =	swait.ge [sflag:s20], $0x4000  }
0x29: {  	[sflag:s20] =	ssyncset.done $0x0  }
0x2a: {  	[sflag:s20] =	ssyncadd.s32 $0xFFFFC000  }
0x2b: {  	_ =	swait.ge [sflag:s20], $0x4000  }
0x2c: {  	[sflag:s20] =	ssyncset.done $0x0  }
0x2d: {  	[sflag:s20] =	ssyncadd.s32 $0xFFFFC000  }
0x2e: {  	s23 =	smov.u32 s10;
	_ =	swait.ge [sflag:s20], $0x4000  }
0x2f: {  	s24 =	smov.u32 s11;
	s22 =	simm.s32 $0x800;
	[sflag:s20] =	ssyncset.done $0x0  }
.LBB2_2:
0x30: {  	[sflag:s20] =	ssyncadd.s32 $0xFFFFC000  }
0x31: {  	s23 =	sadd.s32 $0x10, s23;
	s24 =	sadd.s32 $0x10, s24;
	s25 =	smov.u32 s22  }
0x32: {  	[tilespmem:s2], [sflag:$0x5] =	stream.linear.gather [hbm4b:s24+s2], $0x80, $0x38;
	[tilespmem:$0xC100] =	vst v63  }
0x33: {  	p0 =	sne.s32 s22, $0x27000;
	s22 =	sadd.s32 $0x800, s22;
	_ =	swait.ge [sflag:s12], $0x80  }
0x34: {  	[sflag:s12] =	ssyncset.done $0x0  }
0x35: {  	[sflag:s12] =	ssyncadd.s32 $0xFFFFFF80  }
0x36: {  	[tilespmem:s13], [sflag:$0x5] =	stream.linear.gather [hbm4b:s23+s2], $0x80, $0x38;
	[tilespmem:$0xC100] =	vst v63  }
0x37: {  	_ =	swait.ge [sflag:s12], $0x80  }
0x38: {  	[sflag:s12] =	ssyncset.done $0x0  }
0x39: {  	[sflag:s12] =	ssyncadd.s32 $0xFFFFFF80  }
0x3a: {  	[tilespmem:s14], [sflag:$0x1] =	stream.indirect.gather [hbm4b:s3+s13], $0x80, s2, s13, $0xb8;
	[tilespmem:$0xC100] =	vst v63  }
0x3b: {  	_ = 	snop  }
0x3c: {  	[tilespmem:s15], [sflag:$0x2] =	stream.indirect.gather [hbm4b:s4+s13], $0x80, s13, s13, $0xb8;
	[tilespmem:$0xC100] =	vst v63  }
0x3d: {  	_ = 	snop  }
0x3e: {  	[tilespmem:s16], [sflag:$0x3] =	stream.indirect.gather [hbm4b:s5+s13], $0x80, s13, s13, $0xb8;
	[tilespmem:$0xC100] =	vst v63  }
0x3f: {  	_ =	swait.ge [sflag:s17], $0x4000  }
0x40: {  	[sflag:s17] =	ssyncset.done $0x0  }
0x41: {  	s26 =	sadd.s32 s25, s7;
	[sflag:s17] =	ssyncadd.s32 $0xFFFFC000  }
0x42: {  	[hbm4b:s26+s2] =	stream.linear.scatter [tilespmem:s14], [sflag:$0x4], $0x4000, $0x38;
	[tilespmem:$0xC100] =	vst v63  }
0x43: {  	_ =	swait.ge [sflag:s18], $0x4000  }
0x44: {  	[sflag:s18] =	ssyncset.done $0x0  }
0x45: {  	s26 =	sadd.s32 s25, s8;
	[sflag:s18] =	ssyncadd.s32 $0xFFFFC000  }
0x46: {  	[hbm4b:s26+s2] =	stream.linear.scatter [tilespmem:s15], [sflag:$0x4], $0x4000, $0x38;
	[tilespmem:$0xC100] =	vst v63  }
0x47: {  	_ =	swait.ge [sflag:s19], $0x4000  }
0x48: {  	[sflag:s19] =	ssyncset.done $0x0  }
0x49: {  	s25 =	sadd.s32 s25, s9;
	[sflag:s19] =	ssyncadd.s32 $0xFFFFC000  }
0x4a: {  	[hbm4b:s25+s2] =	stream.linear.scatter [tilespmem:s16], [sflag:$0x4], $0x4000, $0x38;
	[tilespmem:$0xC100] =	vst v63  }
0x4b: {  	_ =	swait.ge [sflag:s20], $0x4000  }
0x4c: {  	[sflag:s20] =	ssyncset.done $0x0  }
0x4d: {  	[sflag:s20] =	ssyncadd.s32 $0xFFFFC000  }
.Ltmp0:
0x4e: {  	_ =	swait.ge [sflag:s20], $0x4000;
	(pc) =	sbr.rel @p0 .LBB2_2-.Ltmp0, $4  }
0x4f: {  	[sflag:s20] =	ssyncset.done $0x0  }
0x50: {  	[sflag:s20] =	ssyncadd.s32 $0xFFFFC000  }
0x51: {  	_ =	swait.ge [sflag:s20], $0x4000  }
0x52: {  	[sflag:s20] =	ssyncset.done $0x0  }
0x53: {  	s21 =	sadd.s32 $0x1, s21  }
0x54: {  	p0 =	sne.s32 s21, s6  }
.Ltmp1:
0x55: {  	_ = 	snop;
	(pc) =	sbr.rel @p0 .LBB2_1-.Ltmp1, $2  }
0x56: {  	_ =	sdelay $0x2  }
0x57: {  	[sflag:s20] =	ssyncadd.s32 $0xFFFFC000  }
0x58: {  	_ =	sfence.sel $0x180000  }
0x59: {  	[bflag:$0x0] =	sbarrier.arrive $0xFFFF  }
0x5a: {  	p0 =	sne.s32 s1, $0x0;
	_ =	strace $0x90000053  }
0x5b: {  	s0 =	sadd.s32 @!p0 $0x100000, s0;
	[bflag:$0x2] =	sbarrier.arrive $0xFFFF  }
0x5c: {  	[sflag:s0] =	ssyncadd.tile.s32 @!p0 $0x1;
	_ =	shalt  }
.Lfunc_end2:
_tile_overlayer_lowered:
.L_overlay_start_2:
0x5d: {  	(tag) =	ssettag $0x2  }
0x5e: {  	s0 =	rddreg [dreg:$0x0];
	s2 =	stileid.u32  }
0x5f: {  	s1 =	rddreg [dreg:$0x1];
	p0 =	sne.s32 s2, $0x0  }
0x60: {  	s3 =	rddreg [dreg:$0x2];
	[bflag:$0x3] =	sbarrier.arrive $0xFFFF;
	s2 =	simm.s32 @!p0 $0x1C05  }
0x61: {  	[timem:s3], [sflag:s2] =	dma.local @!p0 [hbm:s0], s1  }
0x62: {  	s0 =	simm.s32 @!p0 $0x5  }
0x63: {  	_ =	swait.ge @!p0 [sflag:s0], s1  }
0x64: {  	s1 =	ssub.s32 @!p0 $0x0, s1;
	[sflag:s0] =	ssyncset.done @!p0 $0x0  }
0x65: {  	[sflag:s0] =	ssyncadd.s32 @!p0 s1  }
0x66: {  	[bflag:$0x3] =	sbarrier.arrive $0xFFFF  }
0x67: {  	_ =	shalt  }

// kernel: kernel.43.cloned.1.call-start
scs
__scs_entry_jumppad:
0x0: {  	(pc) =	sbr.rel $0x88, $3  }
0x1: {  	(tag) =	ssettag $0x0;
	lr =	simm.s32 $0x1  }
0x2: {  	[smem:$0x3F8F] =	sst lr;
	_ =	strace $0xD0000000  }
0x3: {  	_ = 	snop  }
0x4: {  	_ = 	snop  }
0x5: {  	_ = 	snop  }
0x6: {  	_ = 	snop  }
0x7: {  	_ = 	snop  }
__scs_overlays_trampoline_lowered:
0x8: {  	[smem:$0x3F9E] =	sst s0  }
0x9: {  	[smem:$0x3F9F] =	sst s1  }
0xa: {  	[smem:$0x3FA0] =	sst s2  }
0xb: {  	[smem:$0x3FA1] =	sst s3  }
0xc: {  	[smem:$0x3FA2] =	sst s4  }
0xd: {  	[smem:$0x3FA3] =	sst s5  }
0xe: {  	[smem:$0x3FA4] =	sst s6  }
0xf: {  	[smem:$0x3FA5] =	sst s7  }
0x10: {  	[smem:$0x3FA6] =	sst s8  }
0x11: {  	[smem:$0x3FA7] =	sst s9;
	s0 =	simm.s32 @!p0 $0x0  }
0x12: {  	s1 =	sld [smem:$0x3F8D];
	s0 =	simm.s32 @p0 $0x1  }
0x13: {  	[smem:$0x3FA8] =	sst s0;
	s0 =	simm.s32 @!p1 $0x0  }
0x14: {  	s2 =	sld [smem:$0x3F8C];
	s0 =	simm.s32 @p1 $0x1  }
0x15: {  	[smem:$0x3FA9] =	sst s0;
	s0 =	simm.s32 @!p2 $0x0  }
0x16: {  	s3 =	sld [smem:$0x3FDB];
	s0 =	simm.s32 @p2 $0x1  }
0x17: {  	s4 =	simm.s32 $0x1BF5;
	[smem:$0x3FAB] =	sst s0  }
0x18: {  	s0 =	sld [smem:$0x3F8E];
	_ =	swait.ge [sflag:s4], $0x0  }
0x19: {  	s7 =	sld [smem:$0x3F8F]  }
0x1a: {  	s8 =	sadd.s32 $0xFFFFE003, lr  }
0x1b: {  	s9 =	sadd.s32 $0xFFFFFEF7, lr;
	s5 =	simm.s32 $0xFFFFFFFF;
	p2 =	slt.u32 s8, $0xFFFFF086  }
0x1c: {  	p1 =	slt.u32 s9, $0xF7A;
	s5 =	simm.s32 @!p2 $0x0  }
0x1d: {  	s5 =	simm.s32 @p1 $0x1;
	p0 =	seq.s32 s7, s2  }
0x1e: {  	s7 =	smul.u32 @!p0 $0xF7A, s2;
	p2 =	seq.s32 @!p0 s5, $0x0  }
0x1f: {  	s9 =	smul.u32 $0xF7A, s1;
	s8 =	simm.s32 @!p0 $0x1BF5;
	p2 =	por !p2, p0  }
0x20: {  	[sflag:s8] =	ssyncset.s32 @!p0 $0xFFFFF086;
	s6 =	sadd.s32 @!p0 s3, s7;
	s7 =	simm.s32 @!p0 $0x108  }
0x21: {  	s3 =	sadd.s32 s3, s9;
	s6 =	sadd.s32 @!p0 $0x88, s6;
	s7 =	simm.s32 @p2 $0x1082  }
0x22: {  	[simem:s7], [sflag:s8] =	dma.local @!p0 [hbm:s6], $0xF7A  }
0x23: {  	s9 =	sor.u32 $0xD0000000, s2;
	s6 =	simm.s32 $0x108;
	_ =	swait.ge @!p0 [sflag:s8], $0x0  }
0x24: {  	s3 =	sadd.s32 $0x88, s3;
	s6 =	simm.s32 @!p1 $0x1082;
	[sflag:s4] =	ssyncset.s32 $0xFFFFF086  }
0x25: {  	[simem:s6], [sflag:s4] =	dma.local [hbm:s3], $0xF7A  }
0x26: {  	[smem:$0x3F8F] =	sst s1;
	(tag) =	ssettag s2;
	_ =	strace s9  }
0x27: {  	s1 =	sld [smem:$0x3F9F]  }
0x28: {  	s2 =	sld [smem:$0x3FA0]  }
0x29: {  	s4 =	sld [smem:$0x3FA2]  }
0x2a: {  	p0 =	seq.s32 s5, $0x0;
	s5 =	sld [smem:$0x3FA3]  }
0x2b: {  	s6 =	sld [smem:$0x3FA4]  }
0x2c: {  	s7 =	sld [smem:$0x3FA5]  }
0x2d: {  	s3 =	simm.s32 $0x108;
	s8 =	sld [smem:$0x3FA6]  }
0x2e: {  	s3 =	simm.s32 @!p0 $0x1082;
	s9 =	sld [smem:$0x3FA7]  }
0x2f: {  	lr =	sadd.s32 s0, s3;
	s0 =	sld [smem:$0x3F9E]  }
0x30: {  	s3 =	sld [smem:$0x3FA1]  }
0x31: {  	[smem:$0x3FAA] =	sst s10  }
0x32: {  	s10 =	sld [smem:$0x3FA8];
	_ =	sdelay $0x3  }
0x33: {  	p0 =	seq.s32 s10, $0x1;
	s10 =	sld [smem:$0x3FAA];
	_ =	sdelay $0x3  }
0x34: {  	[smem:$0x3FAA] =	sst s10  }
0x35: {  	s10 =	sld [smem:$0x3FA9];
	_ =	sdelay $0x3  }
0x36: {  	p1 =	seq.s32 s10, $0x1;
	s10 =	sld [smem:$0x3FAA];
	_ =	sdelay $0x3  }
0x37: {  	[smem:$0x3FAA] =	sst s10  }
0x38: {  	s10 =	sld [smem:$0x3FAB]  }
0x39: {  	_ = 	snop;
	(pc) =	sbr.ind lr, $3  }
0x3a: {  	_ = 	snop  }
0x3b: {  	_ = 	snop  }
0x3c: {  	p2 =	seq.s32 s10, $0x1;
	s10 =	sld [smem:$0x3FAA]  }
0x3d: {  	_ =	shalt  }
0x3e: {  	_ =	shalt  }
0x3f: {  	_ =	shalt  }
0x40: {  	_ =	shalt  }
0x41: {  	_ =	shalt  }
0x42: {  	_ =	shalt  }
0x43: {  	_ =	shalt  }
0x44: {  	_ =	shalt  }
0x45: {  	_ =	shalt  }
0x46: {  	_ =	shalt  }
0x47: {  	_ =	shalt  }
0x48: {  	_ =	shalt  }
0x49: {  	_ =	shalt  }
0x4a: {  	_ =	shalt  }
0x4b: {  	_ =	shalt  }
0x4c: {  	_ =	shalt  }
0x4d: {  	_ =	shalt  }
0x4e: {  	_ =	shalt  }
0x4f: {  	_ =	shalt  }
0x50: {  	_ =	shalt  }
0x51: {  	_ =	shalt  }
0x52: {  	_ =	shalt  }
0x53: {  	_ =	shalt  }
0x54: {  	_ =	shalt  }
0x55: {  	_ =	shalt  }
0x56: {  	_ =	shalt  }
0x57: {  	_ =	shalt  }
0x58: {  	_ =	shalt  }
0x59: {  	_ =	shalt  }
0x5a: {  	_ =	shalt  }
0x5b: {  	_ =	shalt  }
0x5c: {  	_ =	shalt  }
0x5d: {  	_ =	shalt  }
0x5e: {  	_ =	shalt  }
0x5f: {  	_ =	shalt  }
0x60: {  	_ =	shalt  }
0x61: {  	_ =	shalt  }
0x62: {  	_ =	shalt  }
0x63: {  	_ =	shalt  }
0x64: {  	_ =	shalt  }
0x65: {  	_ =	shalt  }
0x66: {  	_ =	shalt  }
0x67: {  	_ =	shalt  }
0x68: {  	_ =	shalt  }
0x69: {  	_ =	shalt  }
0x6a: {  	_ =	shalt  }
0x6b: {  	_ =	shalt  }
0x6c: {  	_ =	shalt  }
0x6d: {  	_ =	shalt  }
0x6e: {  	_ =	shalt  }
0x6f: {  	_ =	shalt  }
0x70: {  	_ =	shalt  }
0x71: {  	_ =	shalt  }
0x72: {  	_ =	shalt  }
0x73: {  	_ =	shalt  }
0x74: {  	_ =	shalt  }
0x75: {  	_ =	shalt  }
0x76: {  	_ =	shalt  }
0x77: {  	_ =	shalt  }
0x78: {  	_ =	shalt  }
0x79: {  	_ =	shalt  }
0x7a: {  	_ =	shalt  }
0x7b: {  	_ =	shalt  }
0x7c: {  	_ =	shalt  }
0x7d: {  	_ =	shalt  }
0x7e: {  	_ =	shalt  }
0x7f: {  	_ =	shalt  }
0x80: {  	_ =	shalt  }
0x81: {  	_ =	shalt  }
0x82: {  	_ =	shalt  }
0x83: {  	_ =	shalt  }
0x84: {  	_ =	shalt  }
0x85: {  	_ =	shalt  }
0x86: {  	_ =	shalt  }
0x87: {  	_ =	shalt  }
.Lfunc_end0:
.L_simem_size_0:
called_computation.5_lowered:
.L_overlay_start_0:
0x88: {  	s2 =	sld [smem:$0x3FD9]  }
0x89: {  	s3 =	sld [smem:$0x3FFE];
	_ =	sdelay $0x1  }
0x8a: {  	s1 =	srdreg.scid  }
0x8b: {  	s0 =	sand.u32 $0x1, s1  }
0x8c: {  	s17 =	sshll.u32 s0, $0xA;
	s2 =	sadd.s32 s3, s2  }
0x8d: {  	s2 =	sadd.s32 s2, s17  }
0x8e: {  	[smem:$0x3FB6] =	sst s2  }
0x8f: {  	_ = 	snop  }
0x90: {  	(tm) =	ssettm $0x1  }
0x91: {  	s18 =	sld [smem:$0x3FFB];
	_ =	sdelay $0x3  }
0x92: {  	_ =	strace s18  }
0x93: {  	s2 =	sld [smem:$0x3FFC];
	_ =	sdelay $0x3  }
0x94: {  	_ =	strace s2  }
0x95: {  	s2 =	sld [smem:$0x3FFD];
	_ =	sdelay $0x3  }
0x96: {  	_ =	strace s2  }
0x97: {  	_ =	strace $0x8FFFFFFF  }
0x98: {  	s19 =	sld [smem:$0x3FDB];
	_ =	sdelay $0x1  }
0x99: {  	s20 =	simm.s32 $_scs_section_size  }
0x9a: {  	s4 =	simm.s32 $_size__tile_overlayer_lowered;
	s5 =	simm.s32 $_tile_overlayer_lowered  }
0x9b: {  	s6 =	simm.s32 $0x1BFF;
	s21 =	sshll.u32 s5, $0x1;
	s3 =	sadd.s32 s20, s19  }
0x9c: {  	s22 =	simm.s32 $0x0;
	s4 =	sshll.u32 s4, $0x1;
	s5 =	sadd.s32 s21, s3  }
0x9d: {  	[timem:s22], [sflag:s6] =	dma.local [hbm:s5], s4  }
0x9e: {  	_ =	swait.ge [sflag:s6], s4  }
0x9f: {  	s4 =	ssub.s32 $0x0, s4;
	[sflag:s6] =	ssyncset.done $0x0  }
0xa0: {  	[sflag:s6] =	ssyncadd.s32 s4;
	_ =	sdelay $0x1  }
0xa1: {  	s23 =	simm.s32 $0x1B8B  }
0xa2: {  	_ =	swait.ge [sflag:s23], $0x1  }
0xa3: {  	[sflag:s23] =	ssyncset.done $0x0  }
0xa4: {  	[sflag:s23] =	ssyncadd.s32 $0xFFFFFFFF  }
0xa5: {  	s4 =	sld [smem:$0x0]  }
0xa6: {  	s5 =	sand.u32 $0xFFFFFFFE, s1  }
0xa7: {  	p0 =	sne.s32 s1, s5  }
0xa8: {  	s5 =	sshll.u32 @p0 s5, $0xE  }
0xa9: {  	s5 =	sadd.s32 @p0 $0x11B8D, s5;
	s6 =	sshll.u32 @p0 s4, $0x11  }
0xaa: {  	s5 =	sor.u32 @p0 s6, s5  }
0xab: {  	[sflag:s5] =	ssyncadd.remote.s32 @p0 $0x1;
	_ =	sdelay $0x1  }
0xac: {  	s5 =	simm.s32 @p0 $0x1B8D  }
0xad: {  	_ =	swait.eq @p0 [sflag:s5], $0x1  }
0xae: {  	[sflag:s5] =	ssyncadd.s32 @p0 $0xFFFFFFFF  }
0xaf: {  	s6 =	sshll.u32 @!p0 s1, $0xE  }
0xb0: {  	s6 =	sor.u32 @!p0 $0x4000, s6;
	s5 =	simm.s32 @!p0 $0x1B8D  }
0xb1: {  	s4 =	sshll.u32 @!p0 s4, $0x11;
	s6 =	sadd.s32 @!p0 $0x11B8D, s6;
	_ =	swait.eq @!p0 [sflag:s5], $0x1  }
0xb2: {  	s4 =	sor.u32 @!p0 s4, s6;
	[sflag:s5] =	ssyncadd.s32 @!p0 $0xFFFFFFFF  }
0xb3: {  	s25 =	simm.s32 $0x1B8E;
	s24 =	sld [smem:$0x3FFE];
	[sflag:s4] =	ssyncadd.remote.s32 @!p0 $0x1  }
0xb4: {  	s26 =	simm.s32 $execute0_lowered;
	[smem:$0x3FD2] =	sst s25  }
0xb5: {  	s5 =	sshll.u32 s26, $0x1;
	_ =	strace $0x80000058;
	[dreg:$0x1] =	wrdreg $0xFFFFFFFF  }
0xb6: {  	s28 =	simm.s32 $_size_execute0_lowered;
	s3 =	sadd.s32 s3, s5;
	[dreg:$0x0] =	wrdreg $0x0  }
0xb7: {  	s5 =	sshll.u32 s28, $0x1;
	[dreg:$0x2] =	wrdreg s3  }
0xb8: {  	[dreg:$0x3] =	wrdreg s5  }
0xb9: {  	[dreg:$0x4] =	wrdreg $0xC0  }
0xba: {  	_ =	task [dreg:s22], $0x5FFFF  }
0xbb: {  	[dreg:$0x1] =	wrdreg $0xFFFFFFFF  }
0xbc: {  	[dreg:$0x0] =	wrdreg $0x60  }
0xbd: {  	[dreg:$0x2] =	wrdreg s24  }
0xbe: {  	[dreg:$0x3] =	wrdreg $0x40000  }
0xbf: {  	[dreg:$0x4] =	wrdreg $0x9  }
0xc0: {  	_ =	task.clear_ibuf [dreg:s22], $0x5FFFF;
	_ =	strace $0x90000058  }
0xc1: {  	s29 =	simm.s32 $0x9;
	_ =	strace $0x8000005A  }
0xc2: {  	_ =	swait.ge [sflag:s29], $0x1  }
0xc3: {  	[sflag:s29] =	ssyncadd.s32 $0xFFFFFFFF  }
0xc4: {  	_ =	strace $0x9000005A  }
0xc5: {  	_ =	sfence  }
0xc6: {  	s30 =	sld [smem:$0x0];
	_ =	sdelay $0x2  }
0xc7: {  	s31 =	sshll.u32 s1, $0xD;
	s1 =	sshrl.u32 s1, $0x2  }
0xc8: {  	s4 =	sand.u32 $0x4000, s31;
	s1 =	sadd.s32 s1, s30  }
0xc9: {  	s0 =	sor.u32 s4, s0;
	s1 =	sshll.u32 s1, $0x11  }
0xca: {  	s0 =	sor.u32 s1, s0  }
0xcb: {  	s0 =	sadd.s32 $0x8F2B, s0  }
0xcc: {  	[sflag:s0] =	ssyncadd.remote.s32 $0x1  }
0xcd: {  	_ =	sfence.sel $0xFFFF  }
0xce: {  	[dreg:$0x0] =	wrdreg $0xFFFFFFFF;
	(pc) =	sbr.abs _section_cstart, $3  }
0xcf: {  	[dreg:$0x1] =	wrdreg $0xFFFFFFFF  }
0xd0: {  	_ =	task.clear_ibuf [dreg:s22], $0x2FFFF;
	_ =	strace $0x9FFFFFFF  }
0xd1: {  	(tm) =	ssettm $0x7FFFFFFF  }
tec
execute0_lowered:
.L_overlay_start_1:
0x0: {  	(tag) =	ssettag $0x1  }
0x1: {  	s0 =	rddreg [dreg:$0x0]  }
0x2: {  	s1 =	rddreg [dreg:$0x1]  }
0x3: {  	s3 =	simm.s32 $0x0;
	s4 =	srdreg.scid;
	s2 =	stileid.u32  }
0x4: {  	s28 =	simm.s32 $0x2;
	s29 =	simm.s32 $0x0;
	[smem:$0x7FF] =	sst s3  }
0x5: {  	s18 =	sand.u32 $0x1, s4;
	s5 =	smul.u32 $0x280, s2;
	s20 =	sadd.s32 $0x507C00, s0  }
0x6: {  	s19 =	sadd.s32 $0x143C000, s0;
	s17 =	sadd.s32 $0x511A00, s0;
	s9 =	smul.u32 $0x50000, s2  }
0x7: {  	s7 =	sshll.u32 s2, $0x1;
	_ =	strace $0x80000059;
	s6 =	smul.u32 $0x2800, s18  }
0x8: {  	s7 =	sor.u32 s18, s7;
	s21 =	ssub.s32 $0x2, s18;
	s26 =	smul.u32 $0x27800, s18  }
0x9: {  	[dreg:$0x3] =	wrdreg s17;
	s7 =	smul.u32 $0x2780, s7;
	s8 =	sshrl.u32 s21, $0x1  }
0xa: {  	s23 =	sshrl.u32 s9, $0x2;
	s5 =	sadd.s32 s6, s5;
	s8 =	ssub.s32 s21, s8  }
0xb: {  	s21 =	smul.u32 $0x4F00, s2;
	s5 =	sshll.u32 s5, $0x4;
	s22 =	sadd.s32 $0x2700, s7  }
0xc: {  	s8 =	smax.u32 s8, $0x1;
	s0 =	sadd.s32 s5, s0;
	s7 =	sshrl.u32 s22, $0x3  }
0xd: {  	s24 =	sshll.u32 s22, $0x4;
	s5 =	sadd.s32 s23, s1;
	s22 =	smul.u32 $0x2780, s18  }
0xe: {  	s23 =	smul.u32 $0x4F000, s2;
	s25 =	sadd.s32 s20, s7;
	s7 =	sadd.s32 s19, s24  }
0xf: {  	s9 =	sadd.s32 $0x4000, s5;
	s10 =	sadd.s32 $0x8000, s5;
	s11 =	sadd.s32 $0xC000, s5  }
0x10: {  	s12 =	sadd.s32 $0x10000, s5;
	s13 =	sadd.s32 $0x5BC000, s0;
	s14 =	sadd.s32 $0x5BC800, s0  }
0x11: {  	s15 =	sadd.s32 $0x5BD000, s0;
	s16 =	sadd.s32 $0x5BD800, s0;
	s17 =	sadd.s32 $0x5BE000, s0  }
0x12: {  	s24 =	simm.s32 $0x18080;
	[dreg:$0x4] =	wrdreg s25;
	s30 =	sadd.s32 s22, s21  }
0x13: {  	s19 =	sadd.s32 s23, s19;
	s23 =	simm.s32 $0x1C080;
	s25 =	simm.s32 $0x1  }
0x14: {  	s21 =	sshrl.u32 s30, $0x3;
	s22 =	sadd.s32 $0x80, s30;
	s18 =	sadd.s32 s26, s19  }
0x15: {  	s26 =	simm.s32 $0x80;
	s19 =	sadd.s32 s21, s20;
	s31 =	sshrl.u32 s22, $0x3  }
0x16: {  	s21 =	simm.s32 $0x3;
	s22 =	simm.s32 $0x18000;
	s20 =	sadd.s32 s31, s20  }
.LBB2_1:
0x17: {  	s0 =	rddreg [dreg:$0x3]  }
0x18: {  	[tilespmem:s3], [sflag:$0x3] =	stream.linear.gather [hbm4b:s0+s3], $0x4000, $0x38;
	[tilespmem:$0x1C100] =	vst v63  }
0x19: {  	_ =	swait.ge [sflag:s21], $0x4000  }
0x1a: {  	[sflag:s21] =	ssyncset.done $0x0  }
0x1b: {  	[sflag:s21] =	ssyncadd.s32 $0xFFFFC000  }
0x1c: {  	[spmem:s5] =	stream.linear.scatter [tilespmem:s3], [sflag:$0x3], $0x4000, $0x38;
	[tilespmem:$0x1C100] =	vst v63  }
0x1d: {  	_ =	swait.ge [sflag:s21], $0x4000  }
0x1e: {  	[sflag:s21] =	ssyncset.done $0x0  }
0x1f: {  	[sflag:s21] =	ssyncadd.s32 $0xFFFFC000  }
0x20: {  	[spmem:s9] =	stream.linear.scatter [tilespmem:s3], [sflag:$0x3], $0x4000, $0x38;
	[tilespmem:$0x1C100] =	vst v63  }
0x21: {  	_ =	swait.ge [sflag:s21], $0x4000  }
0x22: {  	[sflag:s21] =	ssyncset.done $0x0  }
0x23: {  	[sflag:s21] =	ssyncadd.s32 $0xFFFFC000  }
0x24: {  	[spmem:s10] =	stream.linear.scatter [tilespmem:s3], [sflag:$0x3], $0x4000, $0x38;
	[tilespmem:$0x1C100] =	vst v63  }
0x25: {  	_ =	swait.ge [sflag:s21], $0x4000  }
0x26: {  	[sflag:s21] =	ssyncset.done $0x0  }
0x27: {  	[sflag:s21] =	ssyncadd.s32 $0xFFFFC000  }
0x28: {  	[spmem:s11] =	stream.linear.scatter [tilespmem:s3], [sflag:$0x3], $0x4000, $0x38;
	[tilespmem:$0x1C100] =	vst v63  }
0x29: {  	_ =	swait.ge [sflag:s21], $0x4000  }
0x2a: {  	[sflag:s21] =	ssyncset.done $0x0  }
0x2b: {  	[sflag:s21] =	ssyncadd.s32 $0xFFFFC000  }
0x2c: {  	[spmem:s12] =	stream.linear.scatter [tilespmem:s3], [sflag:$0x3], $0x4000, $0x38;
	[tilespmem:$0x1C100] =	vst v63  }
0x2d: {  	_ =	swait.ge [sflag:s21], $0x4000  }
0x2e: {  	[sflag:s21] =	ssyncset.done $0x0  }
0x2f: {  	[sflag:s21] =	ssyncadd.s32 $0xFFFFC000  }
0x30: {  	s2 =	sadd.s32 $0x0, s19;
	[bflag:$0x0] =	sbarrier.arrive $0xFFFF  }
0x31: {  	[tilespmem:s22], [sflag:$0x3] =	stream.linear.gather [hbm4b:s2+s3], $0x80, $0x38;
	[tilespmem:$0x1C100] =	vst v63  }
0x32: {  	_ =	swait.ge [sflag:s21], $0x80  }
0x33: {  	[sflag:s21] =	ssyncset.done $0x0  }
0x34: {  	s4 =	sadd.s32 $0x0, s20;
	[sflag:s21] =	ssyncadd.s32 $0xFFFFFF80  }
0x35: {  	[tilespmem:s23], [sflag:$0x3] =	stream.linear.gather [hbm4b:s4+s3], $0x80, $0x38;
	[tilespmem:$0x1C100] =	vst v63  }
0x36: {  	_ =	swait.ge [sflag:s21], $0x80  }
0x37: {  	[sflag:s21] =	ssyncset.done $0x0  }
0x38: {  	[sflag:s21] =	ssyncadd.s32 $0xFFFFFF80  }
0x39: {  	[tilespmem:s3], [sflag:$0x1] =	stream.linear.gather [hbm4b:s18+s3], $0x4000, $0x38;
	[tilespmem:$0x1C100] =	vst v63  }
0x3a: {  	s6 =	sadd.s32 $0x800, s18  }
0x3b: {  	[tilespmem:s24], [sflag:$0x2] =	stream.linear.gather [hbm4b:s6+s3], $0x4000, $0x38;
	[tilespmem:$0x1C100] =	vst v63  }
0x3c: {  	_ =	swait.ge [sflag:s25], $0x4000  }
0x3d: {  	[sflag:s25] =	ssyncset.done $0x0  }
0x3e: {  	[sflag:s25] =	ssyncadd.s32 $0xFFFFC000  }
0x3f: {  	[spmem:s1] =	stream.indirect.scatter.add.f32 [tilespmem:s3], [sflag:$0x3], $0x80, s22, s26, $0xb8;
	[tilespmem:$0x1C100] =	vst v63  }
0x40: {  	_ =	swait.ge [sflag:s21], $0x4000  }
0x41: {  	[sflag:s21] =	ssyncset.done $0x0  }
0x42: {  	[sflag:s21] =	ssyncadd.s32 $0xFFFFC000  }
0x43: {  	_ =	swait.ge [sflag:s28], $0x4000  }
0x44: {  	[sflag:s28] =	ssyncset.done $0x0  }
0x45: {  	[sflag:s28] =	ssyncadd.s32 $0xFFFFC000  }
0x46: {  	[spmem:s1] =	stream.indirect.scatter.add.f32 [tilespmem:s24], [sflag:$0x3], $0x80, s23, s26, $0xb8;
	[tilespmem:$0x1C100] =	vst v63  }
0x47: {  	s31 =	simm.s32 $0x20;
	_ =	swait.ge [sflag:s21], $0x4000  }
0x48: {  	s30 =	sadd.s32 $0x1000, s18;
	s0 =	simm.s32 $0x40;
	[sflag:s21] =	ssyncset.done $0x0  }
.LBB2_2:
0x49: {  	s2 =	sadd.s32 s31, s19  }
0x4a: {  	[sflag:s21] =	ssyncadd.s32 $0xFFFFC000;
	s4 =	smov.u32 s0;
	s6 =	sadd.s32 $0x20, s0  }
0x4b: {  	[tilespmem:s22], [sflag:$0x3] =	stream.linear.gather [hbm4b:s2+s3], $0x80, $0x38;
	[tilespmem:$0x1C100] =	vst v63  }
0x4c: {  	p0 =	sne.s32 s0, $0x4C0;
	_ =	swait.ge [sflag:s21], $0x80  }
0x4d: {  	[sflag:s21] =	ssyncset.done $0x0  }
0x4e: {  	s0 =	sadd.s32 s31, s20;
	s31 =	smov.u32 s4;
	[sflag:s21] =	ssyncadd.s32 $0xFFFFFF80  }
0x4f: {  	[tilespmem:s23], [sflag:$0x3] =	stream.linear.gather [hbm4b:s0+s3], $0x80, $0x38;
	[tilespmem:$0x1C100] =	vst v63  }
0x50: {  	_ =	swait.ge [sflag:s21], $0x80  }
0x51: {  	[sflag:s21] =	ssyncset.done $0x0  }
0x52: {  	[sflag:s21] =	ssyncadd.s32 $0xFFFFFF80  }
0x53: {  	[tilespmem:s3], [sflag:$0x1] =	stream.linear.gather [hbm4b:s30+s3], $0x4000, $0x38;
	[tilespmem:$0x1C100] =	vst v63  }
0x54: {  	s0 =	sadd.s32 $0x800, s30  }
0x55: {  	[tilespmem:s24], [sflag:$0x2] =	stream.linear.gather [hbm4b:s0+s3], $0x4000, $0x38;
	[tilespmem:$0x1C100] =	vst v63  }
0x56: {  	_ =	swait.ge [sflag:s25], $0x4000  }
0x57: {  	[sflag:s25] =	ssyncset.done $0x0  }
0x58: {  	[sflag:s25] =	ssyncadd.s32 $0xFFFFC000  }
0x59: {  	[spmem:s1] =	stream.indirect.scatter.add.f32 [tilespmem:s3], [sflag:$0x3], $0x80, s22, s26, $0xb8;
	[tilespmem:$0x1C100] =	vst v63  }
0x5a: {  	_ =	swait.ge [sflag:s21], $0x4000  }
0x5b: {  	[sflag:s21] =	ssyncset.done $0x0  }
0x5c: {  	[sflag:s21] =	ssyncadd.s32 $0xFFFFC000  }
0x5d: {  	_ =	swait.ge [sflag:s28], $0x4000  }
.Ltmp0:
0x5e: {  	[sflag:s28] =	ssyncset.done $0x0;
	(pc) =	sbr.rel @p0 .LBB2_2-.Ltmp0, $4  }
0x5f: {  	[sflag:s28] =	ssyncadd.s32 $0xFFFFC000  }
0x60: {  	[spmem:s1] =	stream.indirect.scatter.add.f32 [tilespmem:s24], [sflag:$0x3], $0x80, s23, s26, $0xb8;
	[tilespmem:$0x1C100] =	vst v63  }
0x61: {  	_ =	swait.ge [sflag:s21], $0x4000  }
0x62: {  	s30 =	sadd.s32 $0x1000, s30;
	s0 =	smov.u32 s6;
	[sflag:s21] =	ssyncset.done $0x0  }
0x63: {  	s0 =	sadd.s32 s31, s19;
	[sflag:s21] =	ssyncadd.s32 $0xFFFFC000  }
0x64: {  	[tilespmem:s22], [sflag:$0x3] =	stream.linear.gather [hbm4b:s0+s3], $0x80, $0x38;
	[tilespmem:$0x1C100] =	vst v63  }
0x65: {  	_ =	swait.ge [sflag:s21], $0x80  }
0x66: {  	[sflag:s21] =	ssyncset.done $0x0  }
0x67: {  	s6 =	sadd.s32 s31, s20;
	[sflag:s21] =	ssyncadd.s32 $0xFFFFFF80  }
0x68: {  	[tilespmem:s23], [sflag:$0x3] =	stream.linear.gather [hbm4b:s6+s3], $0x80, $0x38;
	[tilespmem:$0x1C100] =	vst v63  }
0x69: {  	_ =	swait.ge [sflag:s21], $0x80  }
0x6a: {  	[sflag:s21] =	ssyncset.done $0x0  }
0x6b: {  	[sflag:s21] =	ssyncadd.s32 $0xFFFFFF80  }
0x6c: {  	[tilespmem:s3], [sflag:$0x1] =	stream.linear.gather [hbm4b:s30+s3], $0x4000, $0x38;
	[tilespmem:$0x1C100] =	vst v63  }
0x6d: {  	s30 =	sadd.s32 $0x800, s30  }
0x6e: {  	[tilespmem:s24], [sflag:$0x2] =	stream.linear.gather [hbm4b:s30+s3], $0x4000, $0x38;
	[tilespmem:$0x1C100] =	vst v63  }
0x6f: {  	_ =	swait.ge [sflag:s25], $0x4000  }
0x70: {  	[sflag:s25] =	ssyncset.done $0x0  }
0x71: {  	[sflag:s25] =	ssyncadd.s32 $0xFFFFC000  }
0x72: {  	[spmem:s1] =	stream.indirect.scatter.add.f32 [tilespmem:s3], [sflag:$0x3], $0x80, s22, s26, $0xb8;
	[tilespmem:$0x1C100] =	vst v63  }
0x73: {  	_ =	swait.ge [sflag:s21], $0x4000  }
0x74: {  	[sflag:s21] =	ssyncset.done $0x0  }
0x75: {  	[sflag:s21] =	ssyncadd.s32 $0xFFFFC000  }
0x76: {  	_ =	swait.ge [sflag:s28], $0x4000  }
0x77: {  	[sflag:s28] =	ssyncset.done $0x0  }
0x78: {  	[sflag:s28] =	ssyncadd.s32 $0xFFFFC000  }
0x79: {  	[spmem:s1] =	stream.indirect.scatter.add.f32 [tilespmem:s24], [sflag:$0x3], $0x80, s23, s26, $0xb8;
	[tilespmem:$0x1C100] =	vst v63  }
0x7a: {  	_ =	swait.ge [sflag:s21], $0x4000  }
0x7b: {  	[sflag:s21] =	ssyncset.done $0x0  }
0x7c: {  	s31 =	rddreg [dreg:$0x4];
	[sflag:s21] =	ssyncadd.s32 $0xFFFFC000  }
0x7d: {  	[tilespmem:s22], [sflag:$0x3] =	stream.linear.gather [hbm4b:s31+s3], $0x80, $0x38;
	[tilespmem:$0x1C100] =	vst v63  }
0x7e: {  	_ =	swait.ge [sflag:s21], $0x80  }
0x7f: {  	[sflag:s21] =	ssyncset.done $0x0  }
0x80: {  	[sflag:s21] =	ssyncadd.s32 $0xFFFFFF80  }
0x81: {  	[tilespmem:s3], [sflag:$0x3] =	stream.linear.gather [hbm4b:s7+s3], $0x4000, $0x38;
	[tilespmem:$0x1C100] =	vst v63  }
0x82: {  	_ =	swait.ge [sflag:s21], $0x4000  }
0x83: {  	[sflag:s21] =	ssyncset.done $0x0  }
0x84: {  	[sflag:s21] =	ssyncadd.s32 $0xFFFFC000  }
0x85: {  	[spmem:s1] =	stream.indirect.scatter.add.f32 [tilespmem:s3], [sflag:$0x3], $0x80, s22, s26, $0xb8;
	[tilespmem:$0x1C100] =	vst v63  }
0x86: {  	_ =	swait.ge [sflag:s21], $0x4000  }
0x87: {  	[sflag:s21] =	ssyncset.done $0x0  }
0x88: {  	[sflag:s21] =	ssyncadd.s32 $0xFFFFC000  }
0x89: {  	[bflag:$0x0] =	sbarrier.arrive $0xFFFF  }
0x8a: {  	[tilespmem:s3], [sflag:$0x3] =	stream.linear.gather [spmem:s5], $0x4000, $0x38;
	[tilespmem:$0x1C100] =	vst v63  }
0x8b: {  	_ =	swait.ge [sflag:s21], $0x4000  }
0x8c: {  	[sflag:s21] =	ssyncset.done $0x0  }
0x8d: {  	[sflag:s21] =	ssyncadd.s32 $0xFFFFC000  }
0x8e: {  	[hbm4b:s13+s3] =	stream.linear.scatter [tilespmem:s3], [sflag:$0x3], $0x4000, $0x38;
	[tilespmem:$0x1C100] =	vst v63  }
0x8f: {  	_ =	swait.ge [sflag:s21], $0x4000  }
0x90: {  	[sflag:s21] =	ssyncset.done $0x0  }
0x91: {  	[sflag:s21] =	ssyncadd.s32 $0xFFFFC000  }
0x92: {  	[tilespmem:s3], [sflag:$0x3] =	stream.linear.gather [spmem:s9], $0x4000, $0x38;
	[tilespmem:$0x1C100] =	vst v63  }
0x93: {  	_ =	swait.ge [sflag:s21], $0x4000  }
0x94: {  	[sflag:s21] =	ssyncset.done $0x0  }
0x95: {  	[sflag:s21] =	ssyncadd.s32 $0xFFFFC000  }
0x96: {  	[hbm4b:s14+s3] =	stream.linear.scatter [tilespmem:s3], [sflag:$0x3], $0x4000, $0x38;
	[tilespmem:$0x1C100] =	vst v63  }
0x97: {  	_ =	swait.ge [sflag:s21], $0x4000  }
0x98: {  	[sflag:s21] =	ssyncset.done $0x0  }
0x99: {  	[sflag:s21] =	ssyncadd.s32 $0xFFFFC000  }
0x9a: {  	[tilespmem:s3], [sflag:$0x3] =	stream.linear.gather [spmem:s10], $0x4000, $0x38;
	[tilespmem:$0x1C100] =	vst v63  }
0x9b: {  	_ =	swait.ge [sflag:s21], $0x4000  }
0x9c: {  	[sflag:s21] =	ssyncset.done $0x0  }
0x9d: {  	[sflag:s21] =	ssyncadd.s32 $0xFFFFC000  }
0x9e: {  	[hbm4b:s15+s3] =	stream.linear.scatter [tilespmem:s3], [sflag:$0x3], $0x4000, $0x38;
	[tilespmem:$0x1C100] =	vst v63  }
0x9f: {  	_ =	swait.ge [sflag:s21], $0x4000  }
0xa0: {  	[sflag:s21] =	ssyncset.done $0x0  }
0xa1: {  	[sflag:s21] =	ssyncadd.s32 $0xFFFFC000  }
0xa2: {  	[tilespmem:s3], [sflag:$0x3] =	stream.linear.gather [spmem:s11], $0x4000, $0x38;
	[tilespmem:$0x1C100] =	vst v63  }
0xa3: {  	_ =	swait.ge [sflag:s21], $0x4000  }
0xa4: {  	[sflag:s21] =	ssyncset.done $0x0  }
0xa5: {  	[sflag:s21] =	ssyncadd.s32 $0xFFFFC000  }
0xa6: {  	[hbm4b:s16+s3] =	stream.linear.scatter [tilespmem:s3], [sflag:$0x3], $0x4000, $0x38;
	[tilespmem:$0x1C100] =	vst v63  }
0xa7: {  	_ =	swait.ge [sflag:s21], $0x4000  }
0xa8: {  	[sflag:s21] =	ssyncset.done $0x0  }
0xa9: {  	[sflag:s21] =	ssyncadd.s32 $0xFFFFC000  }
0xaa: {  	[tilespmem:s3], [sflag:$0x3] =	stream.linear.gather [spmem:s12], $0x4000, $0x38;
	[tilespmem:$0x1C100] =	vst v63  }
0xab: {  	s29 =	sadd.s32 $0x1, s29;
	_ =	swait.ge [sflag:s21], $0x4000  }
0xac: {  	p0 =	sne.s32 s29, s8;
	[sflag:s21] =	ssyncset.done $0x0  }
.Ltmp1:
0xad: {  	[sflag:s21] =	ssyncadd.s32 $0xFFFFC000;
	(pc) =	sbr.rel @p0 .LBB2_1-.Ltmp1, $4  }
0xae: {  	[hbm4b:s17+s3] =	stream.linear.scatter [tilespmem:s3], [sflag:$0x3], $0x4000, $0x38;
	[tilespmem:$0x1C100] =	vst v63  }
0xaf: {  	_ =	swait.ge [sflag:s21], $0x4000  }
0xb0: {  	[sflag:s21] =	ssyncset.done $0x0  }
0xb1: {  	[sflag:s21] =	ssyncadd.s32 $0xFFFFC000  }
0xb2: {  	_ =	sfence.sel $0x180000  }
0xb3: {  	[bflag:$0x0] =	sbarrier.arrive $0xFFFF  }
0xb4: {  	_ =	strace $0x90000059  }
0xb5: {  	s0 =	stileid.u32;
	[bflag:$0x2] =	sbarrier.arrive $0xFFFF  }
0xb6: {  	p0 =	sne.s32 s0, $0x0;
	s0 =	rddreg [dreg:$0x2]  }
0xb7: {  	s0 =	sadd.s32 @!p0 $0x100000, s0  }
0xb8: {  	[sflag:s0] =	ssyncadd.tile.s32 @!p0 $0x1;
	_ =	shalt  }
.Lfunc_end2:
_tile_overlayer_lowered:
.L_overlay_start_2:
0xb9: {  	(tag) =	ssettag $0x2  }
0xba: {  	s0 =	rddreg [dreg:$0x0];
	s2 =	stileid.u32  }
0xbb: {  	s1 =	rddreg [dreg:$0x1];
	p0 =	sne.s32 s2, $0x0  }
0xbc: {  	s3 =	rddreg [dreg:$0x2];
	[bflag:$0x3] =	sbarrier.arrive $0xFFFF;
	s2 =	simm.s32 @!p0 $0x1C03  }
0xbd: {  	[timem:s3], [sflag:s2] =	dma.local @!p0 [hbm:s0], s1  }
0xbe: {  	s0 =	simm.s32 @!p0 $0x3  }
0xbf: {  	_ =	swait.ge @!p0 [sflag:s0], s1  }
0xc0: {  	s1 =	ssub.s32 @!p0 $0x0, s1;
	[sflag:s0] =	ssyncset.done @!p0 $0x0  }
0xc1: {  	[sflag:s0] =	ssyncadd.s32 @!p0 s1  }
0xc2: {  	[bflag:$0x3] =	sbarrier.arrive $0xFFFF  }
0xc3: {  	_ =	shalt  }

// kernel: kernel.46.cloned.1.call-start
scs
__scs_entry_jumppad:
0x0: {  	(pc) =	sbr.rel $0x88, $3  }
0x1: {  	(tag) =	ssettag $0x0;
	lr =	simm.s32 $0x1  }
0x2: {  	[smem:$0x3F8F] =	sst lr;
	_ =	strace $0xD0000000  }
0x3: {  	_ = 	snop  }
0x4: {  	_ = 	snop  }
0x5: {  	_ = 	snop  }
0x6: {  	_ = 	snop  }
0x7: {  	_ = 	snop  }
__scs_overlays_trampoline_lowered:
0x8: {  	[smem:$0x3F9E] =	sst s0  }
0x9: {  	[smem:$0x3F9F] =	sst s1  }
0xa: {  	[smem:$0x3FA0] =	sst s2  }
0xb: {  	[smem:$0x3FA1] =	sst s3  }
0xc: {  	[smem:$0x3FA2] =	sst s4  }
0xd: {  	[smem:$0x3FA3] =	sst s5  }
0xe: {  	[smem:$0x3FA4] =	sst s6  }
0xf: {  	[smem:$0x3FA5] =	sst s7  }
0x10: {  	[smem:$0x3FA6] =	sst s8  }
0x11: {  	[smem:$0x3FA7] =	sst s9;
	s0 =	simm.s32 @!p0 $0x0  }
0x12: {  	s1 =	sld [smem:$0x3F8D];
	s0 =	simm.s32 @p0 $0x1  }
0x13: {  	[smem:$0x3FA8] =	sst s0;
	s0 =	simm.s32 @!p1 $0x0  }
0x14: {  	s2 =	sld [smem:$0x3F8C];
	s0 =	simm.s32 @p1 $0x1  }
0x15: {  	[smem:$0x3FA9] =	sst s0;
	s0 =	simm.s32 @!p2 $0x0  }
0x16: {  	s3 =	sld [smem:$0x3FDB];
	s0 =	simm.s32 @p2 $0x1  }
0x17: {  	s4 =	simm.s32 $0x1BF5;
	[smem:$0x3FAB] =	sst s0  }
0x18: {  	s0 =	sld [smem:$0x3F8E];
	_ =	swait.ge [sflag:s4], $0x0  }
0x19: {  	s7 =	sld [smem:$0x3F8F]  }
0x1a: {  	s8 =	sadd.s32 $0xFFFFE003, lr  }
0x1b: {  	s9 =	sadd.s32 $0xFFFFFEF7, lr;
	s5 =	simm.s32 $0xFFFFFFFF;
	p2 =	slt.u32 s8, $0xFFFFF086  }
0x1c: {  	p1 =	slt.u32 s9, $0xF7A;
	s5 =	simm.s32 @!p2 $0x0  }
0x1d: {  	s5 =	simm.s32 @p1 $0x1;
	p0 =	seq.s32 s7, s2  }
0x1e: {  	s7 =	smul.u32 @!p0 $0xF7A, s2;
	p2 =	seq.s32 @!p0 s5, $0x0  }
0x1f: {  	s9 =	smul.u32 $0xF7A, s1;
	s8 =	simm.s32 @!p0 $0x1BF5;
	p2 =	por !p2, p0  }
0x20: {  	[sflag:s8] =	ssyncset.s32 @!p0 $0xFFFFF086;
	s6 =	sadd.s32 @!p0 s3, s7;
	s7 =	simm.s32 @!p0 $0x108  }
0x21: {  	s3 =	sadd.s32 s3, s9;
	s6 =	sadd.s32 @!p0 $0x88, s6;
	s7 =	simm.s32 @p2 $0x1082  }
0x22: {  	[simem:s7], [sflag:s8] =	dma.local @!p0 [hbm:s6], $0xF7A  }
0x23: {  	s9 =	sor.u32 $0xD0000000, s2;
	s6 =	simm.s32 $0x108;
	_ =	swait.ge @!p0 [sflag:s8], $0x0  }
0x24: {  	s3 =	sadd.s32 $0x88, s3;
	s6 =	simm.s32 @!p1 $0x1082;
	[sflag:s4] =	ssyncset.s32 $0xFFFFF086  }
0x25: {  	[simem:s6], [sflag:s4] =	dma.local [hbm:s3], $0xF7A  }
0x26: {  	[smem:$0x3F8F] =	sst s1;
	(tag) =	ssettag s2;
	_ =	strace s9  }
0x27: {  	s1 =	sld [smem:$0x3F9F]  }
0x28: {  	s2 =	sld [smem:$0x3FA0]  }
0x29: {  	s4 =	sld [smem:$0x3FA2]  }
0x2a: {  	p0 =	seq.s32 s5, $0x0;
	s5 =	sld [smem:$0x3FA3]  }
0x2b: {  	s6 =	sld [smem:$0x3FA4]  }
0x2c: {  	s7 =	sld [smem:$0x3FA5]  }
0x2d: {  	s3 =	simm.s32 $0x108;
	s8 =	sld [smem:$0x3FA6]  }
0x2e: {  	s3 =	simm.s32 @!p0 $0x1082;
	s9 =	sld [smem:$0x3FA7]  }
0x2f: {  	lr =	sadd.s32 s0, s3;
	s0 =	sld [smem:$0x3F9E]  }
0x30: {  	s3 =	sld [smem:$0x3FA1]  }
0x31: {  	[smem:$0x3FAA] =	sst s10  }
0x32: {  	s10 =	sld [smem:$0x3FA8];
	_ =	sdelay $0x3  }
0x33: {  	p0 =	seq.s32 s10, $0x1;
	s10 =	sld [smem:$0x3FAA];
	_ =	sdelay $0x3  }
0x34: {  	[smem:$0x3FAA] =	sst s10  }
0x35: {  	s10 =	sld [smem:$0x3FA9];
	_ =	sdelay $0x3  }
0x36: {  	p1 =	seq.s32 s10, $0x1;
	s10 =	sld [smem:$0x3FAA];
	_ =	sdelay $0x3  }
0x37: {  	[smem:$0x3FAA] =	sst s10  }
0x38: {  	s10 =	sld [smem:$0x3FAB]  }
0x39: {  	_ = 	snop;
	(pc) =	sbr.ind lr, $3  }
0x3a: {  	_ = 	snop  }
0x3b: {  	_ = 	snop  }
0x3c: {  	p2 =	seq.s32 s10, $0x1;
	s10 =	sld [smem:$0x3FAA]  }
0x3d: {  	_ =	shalt  }
0x3e: {  	_ =	shalt  }
0x3f: {  	_ =	shalt  }
0x40: {  	_ =	shalt  }
0x41: {  	_ =	shalt  }
0x42: {  	_ =	shalt  }
0x43: {  	_ =	shalt  }
0x44: {  	_ =	shalt  }
0x45: {  	_ =	shalt  }
0x46: {  	_ =	shalt  }
0x47: {  	_ =	shalt  }
0x48: {  	_ =	shalt  }
0x49: {  	_ =	shalt  }
0x4a: {  	_ =	shalt  }
0x4b: {  	_ =	shalt  }
0x4c: {  	_ =	shalt  }
0x4d: {  	_ =	shalt  }
0x4e: {  	_ =	shalt  }
0x4f: {  	_ =	shalt  }
0x50: {  	_ =	shalt  }
0x51: {  	_ =	shalt  }
0x52: {  	_ =	shalt  }
0x53: {  	_ =	shalt  }
0x54: {  	_ =	shalt  }
0x55: {  	_ =	shalt  }
0x56: {  	_ =	shalt  }
0x57: {  	_ =	shalt  }
0x58: {  	_ =	shalt  }
0x59: {  	_ =	shalt  }
0x5a: {  	_ =	shalt  }
0x5b: {  	_ =	shalt  }
0x5c: {  	_ =	shalt  }
0x5d: {  	_ =	shalt  }
0x5e: {  	_ =	shalt  }
0x5f: {  	_ =	shalt  }
0x60: {  	_ =	shalt  }
0x61: {  	_ =	shalt  }
0x62: {  	_ =	shalt  }
0x63: {  	_ =	shalt  }
0x64: {  	_ =	shalt  }
0x65: {  	_ =	shalt  }
0x66: {  	_ =	shalt  }
0x67: {  	_ =	shalt  }
0x68: {  	_ =	shalt  }
0x69: {  	_ =	shalt  }
0x6a: {  	_ =	shalt  }
0x6b: {  	_ =	shalt  }
0x6c: {  	_ =	shalt  }
0x6d: {  	_ =	shalt  }
0x6e: {  	_ =	shalt  }
0x6f: {  	_ =	shalt  }
0x70: {  	_ =	shalt  }
0x71: {  	_ =	shalt  }
0x72: {  	_ =	shalt  }
0x73: {  	_ =	shalt  }
0x74: {  	_ =	shalt  }
0x75: {  	_ =	shalt  }
0x76: {  	_ =	shalt  }
0x77: {  	_ =	shalt  }
0x78: {  	_ =	shalt  }
0x79: {  	_ =	shalt  }
0x7a: {  	_ =	shalt  }
0x7b: {  	_ =	shalt  }
0x7c: {  	_ =	shalt  }
0x7d: {  	_ =	shalt  }
0x7e: {  	_ =	shalt  }
0x7f: {  	_ =	shalt  }
0x80: {  	_ =	shalt  }
0x81: {  	_ =	shalt  }
0x82: {  	_ =	shalt  }
0x83: {  	_ =	shalt  }
0x84: {  	_ =	shalt  }
0x85: {  	_ =	shalt  }
0x86: {  	_ =	shalt  }
0x87: {  	_ =	shalt  }
.Lfunc_end0:
.L_simem_size_0:
called_computation.6_lowered:
.L_overlay_start_0:
0x88: {  	s2 =	sld [smem:$0x3FD9]  }
0x89: {  	s3 =	sld [smem:$0x3FFE];
	_ =	sdelay $0x1  }
0x8a: {  	s1 =	srdreg.scid  }
0x8b: {  	s0 =	sand.u32 $0x1, s1  }
0x8c: {  	s16 =	sshll.u32 s0, $0xA;
	s2 =	sadd.s32 s3, s2  }
0x8d: {  	s2 =	sadd.s32 s2, s16  }
0x8e: {  	[smem:$0x3FB6] =	sst s2  }
0x8f: {  	_ = 	snop  }
0x90: {  	(tm) =	ssettm $0x1  }
0x91: {  	s17 =	sld [smem:$0x3FFB];
	_ =	sdelay $0x3  }
0x92: {  	_ =	strace s17  }
0x93: {  	s2 =	sld [smem:$0x3FFC];
	_ =	sdelay $0x3  }
0x94: {  	_ =	strace s2  }
0x95: {  	s2 =	sld [smem:$0x3FFD];
	_ =	sdelay $0x3  }
0x96: {  	_ =	strace s2  }
0x97: {  	_ =	strace $0x8FFFFFFF  }
0x98: {  	s18 =	sld [smem:$0x3FDB];
	_ =	sdelay $0x1  }
0x99: {  	s19 =	simm.s32 $_scs_section_size  }
0x9a: {  	s4 =	simm.s32 $_size__tile_overlayer_lowered;
	s5 =	simm.s32 $_tile_overlayer_lowered  }
0x9b: {  	s22 =	simm.s32 $0x1BFF;
	s21 =	sshll.u32 s5, $0x1;
	s2 =	sadd.s32 s19, s18  }
0x9c: {  	s6 =	simm.s32 $0x0;
	s20 =	sshll.u32 s4, $0x1;
	s4 =	sadd.s32 s21, s2  }
0x9d: {  	[timem:s6], [sflag:s22] =	dma.local [hbm:s4], s20  }
0x9e: {  	_ =	swait.ge [sflag:s22], s20  }
0x9f: {  	s3 =	ssub.s32 $0x0, s20;
	[sflag:s22] =	ssyncset.done $0x0  }
0xa0: {  	[sflag:s22] =	ssyncadd.s32 s3;
	_ =	sdelay $0x1  }
0xa1: {  	s23 =	simm.s32 $0x1B8B  }
0xa2: {  	_ =	swait.ge [sflag:s23], $0x1  }
0xa3: {  	[sflag:s23] =	ssyncset.done $0x0  }
0xa4: {  	s25 =	simm.s32 $0x1B8E;
	s24 =	sld [smem:$0x3FFE];
	[sflag:s23] =	ssyncadd.s32 $0xFFFFFFFF  }
0xa5: {  	s26 =	simm.s32 $execute0_lowered;
	[smem:$0x3FD2] =	sst s25  }
0xa6: {  	s4 =	sshll.u32 s26, $0x1;
	_ =	strace $0x80000055;
	[dreg:$0x1] =	wrdreg $0xFFFFFFFF  }
0xa7: {  	s28 =	simm.s32 $_size_execute0_lowered;
	s2 =	sadd.s32 s2, s4;
	[dreg:$0x0] =	wrdreg $0x0  }
0xa8: {  	s4 =	sshll.u32 s28, $0x1;
	[dreg:$0x2] =	wrdreg s2  }
0xa9: {  	[dreg:$0x3] =	wrdreg s4  }
0xaa: {  	[dreg:$0x4] =	wrdreg $0xC0  }
0xab: {  	_ =	task [dreg:s6], $0x5FFFF  }
0xac: {  	[dreg:$0x1] =	wrdreg $0xFFFFFFFF  }
0xad: {  	[dreg:$0x0] =	wrdreg $0x60  }
0xae: {  	[dreg:$0x2] =	wrdreg s24  }
0xaf: {  	[dreg:$0x3] =	wrdreg $0x40000  }
0xb0: {  	[dreg:$0x4] =	wrdreg $0xA  }
0xb1: {  	_ =	task.clear_ibuf [dreg:s6], $0x5FFFF;
	_ =	strace $0x90000055  }
0xb2: {  	s29 =	simm.s32 $0xA;
	_ =	strace $0x80000057  }
0xb3: {  	_ =	swait.ge [sflag:s29], $0x1  }
0xb4: {  	[sflag:s29] =	ssyncadd.s32 $0xFFFFFFFF  }
0xb5: {  	_ =	strace $0x90000057  }
0xb6: {  	_ =	sfence  }
0xb7: {  	s30 =	sld [smem:$0x0];
	_ =	sdelay $0x2  }
0xb8: {  	s31 =	sshll.u32 s1, $0xD;
	s1 =	sshrl.u32 s1, $0x2  }
0xb9: {  	s3 =	sand.u32 $0x4000, s31;
	s1 =	sadd.s32 s1, s30  }
0xba: {  	s0 =	sor.u32 s3, s0;
	s1 =	sshll.u32 s1, $0x11  }
0xbb: {  	s0 =	sor.u32 s1, s0  }
0xbc: {  	s0 =	sadd.s32 $0x8F2B, s0  }
0xbd: {  	[sflag:s0] =	ssyncadd.remote.s32 $0x1  }
0xbe: {  	_ =	sfence.sel $0xFFFF  }
0xbf: {  	[dreg:$0x0] =	wrdreg $0xFFFFFFFF;
	(pc) =	sbr.abs _section_cstart, $3  }
0xc0: {  	[dreg:$0x1] =	wrdreg $0xFFFFFFFF  }
0xc1: {  	_ =	task.clear_ibuf [dreg:s6], $0x2FFFF;
	_ =	strace $0x9FFFFFFF  }
0xc2: {  	(tm) =	ssettm $0x7FFFFFFF  }
0xc3: {  	_ =	shalt  }
tec
execute0_lowered:
.L_overlay_start_1:
0x0: {  	(tag) =	ssettag $0x1  }
0x1: {  	s0 =	rddreg [dreg:$0x0]  }
0x2: {  	s1 =	rddreg [dreg:$0x1]  }
0x3: {  	s3 =	simm.s32 $0x0;
	s4 =	srdreg.scid;
	s2 =	stileid.u32  }
0x4: {  	s28 =	simm.s32 $0x2;
	s29 =	simm.s32 $0x0;
	[smem:$0x7FF] =	sst s3  }
0x5: {  	s18 =	sand.u32 $0x1, s4;
	s5 =	smul.u32 $0x280, s2;
	s20 =	sadd.s32 $0x507C00, s0  }
0x6: {  	s19 =	sadd.s32 $0xDE00, s0;
	s17 =	sadd.s32 $0x511A00, s0;
	s9 =	smul.u32 $0x50000, s2  }
0x7: {  	s7 =	sshll.u32 s2, $0x1;
	_ =	strace $0x80000056;
	s6 =	smul.u32 $0x2800, s18  }
0x8: {  	s7 =	sor.u32 s18, s7;
	s21 =	ssub.s32 $0x2, s18;
	s26 =	smul.u32 $0x27800, s18  }
0x9: {  	[dreg:$0x3] =	wrdreg s17;
	s7 =	smul.u32 $0x2780, s7;
	s8 =	sshrl.u32 s21, $0x1  }
0xa: {  	s23 =	sshrl.u32 s9, $0x2;
	s5 =	sadd.s32 s6, s5;
	s8 =	ssub.s32 s21, s8  }
0xb: {  	s21 =	smul.u32 $0x4F00, s2;
	s5 =	sshll.u32 s5, $0x4;
	s22 =	sadd.s32 $0x2700, s7  }
0xc: {  	s8 =	smax.u32 s8, $0x1;
	s0 =	sadd.s32 s5, s0;
	s7 =	sshrl.u32 s22, $0x3  }
0xd: {  	s24 =	sshll.u32 s22, $0x4;
	s5 =	sadd.s32 s23, s1;
	s22 =	smul.u32 $0x2780, s18  }
0xe: {  	s23 =	smul.u32 $0x4F000, s2;
	s25 =	sadd.s32 s20, s7;
	s7 =	sadd.s32 s19, s24  }
0xf: {  	s9 =	sadd.s32 $0x4000, s5;
	s10 =	sadd.s32 $0x8000, s5;
	s11 =	sadd.s32 $0xC000, s5  }
0x10: {  	s12 =	sadd.s32 $0x10000, s5;
	s13 =	sadd.s32 $0x56C000, s0;
	s14 =	sadd.s32 $0x56C800, s0  }
0x11: {  	s15 =	sadd.s32 $0x56D000, s0;
	s16 =	sadd.s32 $0x56D800, s0;
	s17 =	sadd.s32 $0x56E000, s0  }
0x12: {  	s24 =	simm.s32 $0x18080;
	[dreg:$0x4] =	wrdreg s25;
	s30 =	sadd.s32 s22, s21  }
0x13: {  	s19 =	sadd.s32 s23, s19;
	s23 =	simm.s32 $0x1C080;
	s25 =	simm.s32 $0x1  }
0x14: {  	s21 =	sshrl.u32 s30, $0x3;
	s22 =	sadd.s32 $0x80, s30;
	s18 =	sadd.s32 s26, s19  }
0x15: {  	s26 =	simm.s32 $0x80;
	s19 =	sadd.s32 s21, s20;
	s31 =	sshrl.u32 s22, $0x3  }
0x16: {  	s21 =	simm.s32 $0x3;
	s22 =	simm.s32 $0x18000;
	s20 =	sadd.s32 s31, s20  }
.LBB2_1:
0x17: {  	s0 =	rddreg [dreg:$0x3]  }
0x18: {  	[tilespmem:s3], [sflag:$0x3] =	stream.linear.gather [hbm4b:s0+s3], $0x4000, $0x38;
	[tilespmem:$0x1C100] =	vst v63  }
0x19: {  	_ =	swait.ge [sflag:s21], $0x4000  }
0x1a: {  	[sflag:s21] =	ssyncset.done $0x0  }
0x1b: {  	[sflag:s21] =	ssyncadd.s32 $0xFFFFC000  }
0x1c: {  	[spmem:s5] =	stream.linear.scatter [tilespmem:s3], [sflag:$0x3], $0x4000, $0x38;
	[tilespmem:$0x1C100] =	vst v63  }
0x1d: {  	_ =	swait.ge [sflag:s21], $0x4000  }
0x1e: {  	[sflag:s21] =	ssyncset.done $0x0  }
0x1f: {  	[sflag:s21] =	ssyncadd.s32 $0xFFFFC000  }
0x20: {  	[spmem:s9] =	stream.linear.scatter [tilespmem:s3], [sflag:$0x3], $0x4000, $0x38;
	[tilespmem:$0x1C100] =	vst v63  }
0x21: {  	_ =	swait.ge [sflag:s21], $0x4000  }
0x22: {  	[sflag:s21] =	ssyncset.done $0x0  }
0x23: {  	[sflag:s21] =	ssyncadd.s32 $0xFFFFC000  }
0x24: {  	[spmem:s10] =	stream.linear.scatter [tilespmem:s3], [sflag:$0x3], $0x4000, $0x38;
	[tilespmem:$0x1C100] =	vst v63  }
0x25: {  	_ =	swait.ge [sflag:s21], $0x4000  }
0x26: {  	[sflag:s21] =	ssyncset.done $0x0  }
0x27: {  	[sflag:s21] =	ssyncadd.s32 $0xFFFFC000  }
0x28: {  	[spmem:s11] =	stream.linear.scatter [tilespmem:s3], [sflag:$0x3], $0x4000, $0x38;
	[tilespmem:$0x1C100] =	vst v63  }
0x29: {  	_ =	swait.ge [sflag:s21], $0x4000  }
0x2a: {  	[sflag:s21] =	ssyncset.done $0x0  }
0x2b: {  	[sflag:s21] =	ssyncadd.s32 $0xFFFFC000  }
0x2c: {  	[spmem:s12] =	stream.linear.scatter [tilespmem:s3], [sflag:$0x3], $0x4000, $0x38;
	[tilespmem:$0x1C100] =	vst v63  }
0x2d: {  	_ =	swait.ge [sflag:s21], $0x4000  }
0x2e: {  	[sflag:s21] =	ssyncset.done $0x0  }
0x2f: {  	[sflag:s21] =	ssyncadd.s32 $0xFFFFC000  }
0x30: {  	s2 =	sadd.s32 $0x0, s19;
	[bflag:$0x0] =	sbarrier.arrive $0xFFFF  }
0x31: {  	[tilespmem:s22], [sflag:$0x3] =	stream.linear.gather [hbm4b:s2+s3], $0x80, $0x38;
	[tilespmem:$0x1C100] =	vst v63  }
0x32: {  	_ =	swait.ge [sflag:s21], $0x80  }
0x33: {  	[sflag:s21] =	ssyncset.done $0x0  }
0x34: {  	s4 =	sadd.s32 $0x0, s20;
	[sflag:s21] =	ssyncadd.s32 $0xFFFFFF80  }
0x35: {  	[tilespmem:s23], [sflag:$0x3] =	stream.linear.gather [hbm4b:s4+s3], $0x80, $0x38;
	[tilespmem:$0x1C100] =	vst v63  }
0x36: {  	_ =	swait.ge [sflag:s21], $0x80  }
0x37: {  	[sflag:s21] =	ssyncset.done $0x0  }
0x38: {  	[sflag:s21] =	ssyncadd.s32 $0xFFFFFF80  }
0x39: {  	[tilespmem:s3], [sflag:$0x1] =	stream.linear.gather [hbm4b:s18+s3], $0x4000, $0x38;
	[tilespmem:$0x1C100] =	vst v63  }
0x3a: {  	s6 =	sadd.s32 $0x800, s18  }
0x3b: {  	[tilespmem:s24], [sflag:$0x2] =	stream.linear.gather [hbm4b:s6+s3], $0x4000, $0x38;
	[tilespmem:$0x1C100] =	vst v63  }
0x3c: {  	_ =	swait.ge [sflag:s25], $0x4000  }
0x3d: {  	[sflag:s25] =	ssyncset.done $0x0  }
0x3e: {  	[sflag:s25] =	ssyncadd.s32 $0xFFFFC000  }
0x3f: {  	[spmem:s1] =	stream.indirect.scatter.add.f32 [tilespmem:s3], [sflag:$0x3], $0x80, s22, s26, $0xb8;
	[tilespmem:$0x1C100] =	vst v63  }
0x40: {  	_ =	swait.ge [sflag:s21], $0x4000  }
0x41: {  	[sflag:s21] =	ssyncset.done $0x0  }
0x42: {  	[sflag:s21] =	ssyncadd.s32 $0xFFFFC000  }
0x43: {  	_ =	swait.ge [sflag:s28], $0x4000  }
0x44: {  	[sflag:s28] =	ssyncset.done $0x0  }
0x45: {  	[sflag:s28] =	ssyncadd.s32 $0xFFFFC000  }
0x46: {  	[spmem:s1] =	stream.indirect.scatter.add.f32 [tilespmem:s24], [sflag:$0x3], $0x80, s23, s26, $0xb8;
	[tilespmem:$0x1C100] =	vst v63  }
0x47: {  	s31 =	simm.s32 $0x20;
	_ =	swait.ge [sflag:s21], $0x4000  }
0x48: {  	s30 =	sadd.s32 $0x1000, s18;
	s0 =	simm.s32 $0x40;
	[sflag:s21] =	ssyncset.done $0x0  }
.LBB2_2:
0x49: {  	s2 =	sadd.s32 s31, s19  }
0x4a: {  	[sflag:s21] =	ssyncadd.s32 $0xFFFFC000;
	s4 =	smov.u32 s0;
	s6 =	sadd.s32 $0x20, s0  }
0x4b: {  	[tilespmem:s22], [sflag:$0x3] =	stream.linear.gather [hbm4b:s2+s3], $0x80, $0x38;
	[tilespmem:$0x1C100] =	vst v63  }
0x4c: {  	p0 =	sne.s32 s0, $0x4C0;
	_ =	swait.ge [sflag:s21], $0x80  }
0x4d: {  	[sflag:s21] =	ssyncset.done $0x0  }
0x4e: {  	s0 =	sadd.s32 s31, s20;
	s31 =	smov.u32 s4;
	[sflag:s21] =	ssyncadd.s32 $0xFFFFFF80  }
0x4f: {  	[tilespmem:s23], [sflag:$0x3] =	stream.linear.gather [hbm4b:s0+s3], $0x80, $0x38;
	[tilespmem:$0x1C100] =	vst v63  }
0x50: {  	_ =	swait.ge [sflag:s21], $0x80  }
0x51: {  	[sflag:s21] =	ssyncset.done $0x0  }
0x52: {  	[sflag:s21] =	ssyncadd.s32 $0xFFFFFF80  }
0x53: {  	[tilespmem:s3], [sflag:$0x1] =	stream.linear.gather [hbm4b:s30+s3], $0x4000, $0x38;
	[tilespmem:$0x1C100] =	vst v63  }
0x54: {  	s0 =	sadd.s32 $0x800, s30  }
0x55: {  	[tilespmem:s24], [sflag:$0x2] =	stream.linear.gather [hbm4b:s0+s3], $0x4000, $0x38;
	[tilespmem:$0x1C100] =	vst v63  }
0x56: {  	_ =	swait.ge [sflag:s25], $0x4000  }
0x57: {  	[sflag:s25] =	ssyncset.done $0x0  }
0x58: {  	[sflag:s25] =	ssyncadd.s32 $0xFFFFC000  }
0x59: {  	[spmem:s1] =	stream.indirect.scatter.add.f32 [tilespmem:s3], [sflag:$0x3], $0x80, s22, s26, $0xb8;
	[tilespmem:$0x1C100] =	vst v63  }
0x5a: {  	_ =	swait.ge [sflag:s21], $0x4000  }
0x5b: {  	[sflag:s21] =	ssyncset.done $0x0  }
0x5c: {  	[sflag:s21] =	ssyncadd.s32 $0xFFFFC000  }
0x5d: {  	_ =	swait.ge [sflag:s28], $0x4000  }
.Ltmp0:
0x5e: {  	[sflag:s28] =	ssyncset.done $0x0;
	(pc) =	sbr.rel @p0 .LBB2_2-.Ltmp0, $4  }
0x5f: {  	[sflag:s28] =	ssyncadd.s32 $0xFFFFC000  }
0x60: {  	[spmem:s1] =	stream.indirect.scatter.add.f32 [tilespmem:s24], [sflag:$0x3], $0x80, s23, s26, $0xb8;
	[tilespmem:$0x1C100] =	vst v63  }
0x61: {  	_ =	swait.ge [sflag:s21], $0x4000  }
0x62: {  	s30 =	sadd.s32 $0x1000, s30;
	s0 =	smov.u32 s6;
	[sflag:s21] =	ssyncset.done $0x0  }
0x63: {  	s0 =	sadd.s32 s31, s19;
	[sflag:s21] =	ssyncadd.s32 $0xFFFFC000  }
0x64: {  	[tilespmem:s22], [sflag:$0x3] =	stream.linear.gather [hbm4b:s0+s3], $0x80, $0x38;
	[tilespmem:$0x1C100] =	vst v63  }
0x65: {  	_ =	swait.ge [sflag:s21], $0x80  }
0x66: {  	[sflag:s21] =	ssyncset.done $0x0  }
0x67: {  	s6 =	sadd.s32 s31, s20;
	[sflag:s21] =	ssyncadd.s32 $0xFFFFFF80  }
0x68: {  	[tilespmem:s23], [sflag:$0x3] =	stream.linear.gather [hbm4b:s6+s3], $0x80, $0x38;
	[tilespmem:$0x1C100] =	vst v63  }
0x69: {  	_ =	swait.ge [sflag:s21], $0x80  }
0x6a: {  	[sflag:s21] =	ssyncset.done $0x0  }
0x6b: {  	[sflag:s21] =	ssyncadd.s32 $0xFFFFFF80  }
0x6c: {  	[tilespmem:s3], [sflag:$0x1] =	stream.linear.gather [hbm4b:s30+s3], $0x4000, $0x38;
	[tilespmem:$0x1C100] =	vst v63  }
0x6d: {  	s30 =	sadd.s32 $0x800, s30  }
0x6e: {  	[tilespmem:s24], [sflag:$0x2] =	stream.linear.gather [hbm4b:s30+s3], $0x4000, $0x38;
	[tilespmem:$0x1C100] =	vst v63  }
0x6f: {  	_ =	swait.ge [sflag:s25], $0x4000  }
0x70: {  	[sflag:s25] =	ssyncset.done $0x0  }
0x71: {  	[sflag:s25] =	ssyncadd.s32 $0xFFFFC000  }
0x72: {  	[spmem:s1] =	stream.indirect.scatter.add.f32 [tilespmem:s3], [sflag:$0x3], $0x80, s22, s26, $0xb8;
	[tilespmem:$0x1C100] =	vst v63  }
0x73: {  	_ =	swait.ge [sflag:s21], $0x4000  }
0x74: {  	[sflag:s21] =	ssyncset.done $0x0  }
0x75: {  	[sflag:s21] =	ssyncadd.s32 $0xFFFFC000  }
0x76: {  	_ =	swait.ge [sflag:s28], $0x4000  }
0x77: {  	[sflag:s28] =	ssyncset.done $0x0  }
0x78: {  	[sflag:s28] =	ssyncadd.s32 $0xFFFFC000  }
0x79: {  	[spmem:s1] =	stream.indirect.scatter.add.f32 [tilespmem:s24], [sflag:$0x3], $0x80, s23, s26, $0xb8;
	[tilespmem:$0x1C100] =	vst v63  }
0x7a: {  	_ =	swait.ge [sflag:s21], $0x4000  }
0x7b: {  	[sflag:s21] =	ssyncset.done $0x0  }
0x7c: {  	s31 =	rddreg [dreg:$0x4];
	[sflag:s21] =	ssyncadd.s32 $0xFFFFC000  }
0x7d: {  	[tilespmem:s22], [sflag:$0x3] =	stream.linear.gather [hbm4b:s31+s3], $0x80, $0x38;
	[tilespmem:$0x1C100] =	vst v63  }
0x7e: {  	_ =	swait.ge [sflag:s21], $0x80  }
0x7f: {  	[sflag:s21] =	ssyncset.done $0x0  }
0x80: {  	[sflag:s21] =	ssyncadd.s32 $0xFFFFFF80  }
0x81: {  	[tilespmem:s3], [sflag:$0x3] =	stream.linear.gather [hbm4b:s7+s3], $0x4000, $0x38;
	[tilespmem:$0x1C100] =	vst v63  }
0x82: {  	_ =	swait.ge [sflag:s21], $0x4000  }
0x83: {  	[sflag:s21] =	ssyncset.done $0x0  }
0x84: {  	[sflag:s21] =	ssyncadd.s32 $0xFFFFC000  }
0x85: {  	[spmem:s1] =	stream.indirect.scatter.add.f32 [tilespmem:s3], [sflag:$0x3], $0x80, s22, s26, $0xb8;
	[tilespmem:$0x1C100] =	vst v63  }
0x86: {  	_ =	swait.ge [sflag:s21], $0x4000  }
0x87: {  	[sflag:s21] =	ssyncset.done $0x0  }
0x88: {  	[sflag:s21] =	ssyncadd.s32 $0xFFFFC000  }
0x89: {  	[bflag:$0x0] =	sbarrier.arrive $0xFFFF  }
0x8a: {  	[tilespmem:s3], [sflag:$0x3] =	stream.linear.gather [spmem:s5], $0x4000, $0x38;
	[tilespmem:$0x1C100] =	vst v63  }
0x8b: {  	_ =	swait.ge [sflag:s21], $0x4000  }
0x8c: {  	[sflag:s21] =	ssyncset.done $0x0  }
0x8d: {  	[sflag:s21] =	ssyncadd.s32 $0xFFFFC000  }
0x8e: {  	[hbm4b:s13+s3] =	stream.linear.scatter [tilespmem:s3], [sflag:$0x3], $0x4000, $0x38;
	[tilespmem:$0x1C100] =	vst v63  }
0x8f: {  	_ =	swait.ge [sflag:s21], $0x4000  }
0x90: {  	[sflag:s21] =	ssyncset.done $0x0  }
0x91: {  	[sflag:s21] =	ssyncadd.s32 $0xFFFFC000  }
0x92: {  	[tilespmem:s3], [sflag:$0x3] =	stream.linear.gather [spmem:s9], $0x4000, $0x38;
	[tilespmem:$0x1C100] =	vst v63  }
0x93: {  	_ =	swait.ge [sflag:s21], $0x4000  }
0x94: {  	[sflag:s21] =	ssyncset.done $0x0  }
0x95: {  	[sflag:s21] =	ssyncadd.s32 $0xFFFFC000  }
0x96: {  	[hbm4b:s14+s3] =	stream.linear.scatter [tilespmem:s3], [sflag:$0x3], $0x4000, $0x38;
	[tilespmem:$0x1C100] =	vst v63  }
0x97: {  	_ =	swait.ge [sflag:s21], $0x4000  }
0x98: {  	[sflag:s21] =	ssyncset.done $0x0  }
0x99: {  	[sflag:s21] =	ssyncadd.s32 $0xFFFFC000  }
0x9a: {  	[tilespmem:s3], [sflag:$0x3] =	stream.linear.gather [spmem:s10], $0x4000, $0x38;
	[tilespmem:$0x1C100] =	vst v63  }
0x9b: {  	_ =	swait.ge [sflag:s21], $0x4000  }
0x9c: {  	[sflag:s21] =	ssyncset.done $0x0  }
0x9d: {  	[sflag:s21] =	ssyncadd.s32 $0xFFFFC000  }
0x9e: {  	[hbm4b:s15+s3] =	stream.linear.scatter [tilespmem:s3], [sflag:$0x3], $0x4000, $0x38;
	[tilespmem:$0x1C100] =	vst v63  }
0x9f: {  	_ =	swait.ge [sflag:s21], $0x4000  }
0xa0: {  	[sflag:s21] =	ssyncset.done $0x0  }
0xa1: {  	[sflag:s21] =	ssyncadd.s32 $0xFFFFC000  }
0xa2: {  	[tilespmem:s3], [sflag:$0x3] =	stream.linear.gather [spmem:s11], $0x4000, $0x38;
	[tilespmem:$0x1C100] =	vst v63  }
0xa3: {  	_ =	swait.ge [sflag:s21], $0x4000  }
0xa4: {  	[sflag:s21] =	ssyncset.done $0x0  }
0xa5: {  	[sflag:s21] =	ssyncadd.s32 $0xFFFFC000  }
0xa6: {  	[hbm4b:s16+s3] =	stream.linear.scatter [tilespmem:s3], [sflag:$0x3], $0x4000, $0x38;
	[tilespmem:$0x1C100] =	vst v63  }
0xa7: {  	_ =	swait.ge [sflag:s21], $0x4000  }
0xa8: {  	[sflag:s21] =	ssyncset.done $0x0  }
0xa9: {  	[sflag:s21] =	ssyncadd.s32 $0xFFFFC000  }
0xaa: {  	[tilespmem:s3], [sflag:$0x3] =	stream.linear.gather [spmem:s12], $0x4000, $0x38;
	[tilespmem:$0x1C100] =	vst v63  }
0xab: {  	s29 =	sadd.s32 $0x1, s29;
	_ =	swait.ge [sflag:s21], $0x4000  }
0xac: {  	p0 =	sne.s32 s29, s8;
	[sflag:s21] =	ssyncset.done $0x0  }
.Ltmp1:
0xad: {  	[sflag:s21] =	ssyncadd.s32 $0xFFFFC000;
	(pc) =	sbr.rel @p0 .LBB2_1-.Ltmp1, $4  }
0xae: {  	[hbm4b:s17+s3] =	stream.linear.scatter [tilespmem:s3], [sflag:$0x3], $0x4000, $0x38;
	[tilespmem:$0x1C100] =	vst v63  }
0xaf: {  	_ =	swait.ge [sflag:s21], $0x4000  }
0xb0: {  	[sflag:s21] =	ssyncset.done $0x0  }
0xb1: {  	[sflag:s21] =	ssyncadd.s32 $0xFFFFC000  }
0xb2: {  	_ =	sfence.sel $0x180000  }
0xb3: {  	[bflag:$0x0] =	sbarrier.arrive $0xFFFF  }
0xb4: {  	_ =	strace $0x90000056  }
0xb5: {  	s0 =	stileid.u32;
	[bflag:$0x2] =	sbarrier.arrive $0xFFFF  }
0xb6: {  	p0 =	sne.s32 s0, $0x0;
	s0 =	rddreg [dreg:$0x2]  }
0xb7: {  	s0 =	sadd.s32 @!p0 $0x100000, s0  }
0xb8: {  	[sflag:s0] =	ssyncadd.tile.s32 @!p0 $0x1;
	_ =	shalt  }
.Lfunc_end2:
_tile_overlayer_lowered:
.L_overlay_start_2:
0xb9: {  	(tag) =	ssettag $0x2  }
0xba: {  	s0 =	rddreg [dreg:$0x0];
	s2 =	stileid.u32  }
0xbb: {  	s1 =	rddreg [dreg:$0x1];
	p0 =	sne.s32 s2, $0x0  }
0xbc: {  	s3 =	rddreg [dreg:$0x2];
	[bflag:$0x3] =	sbarrier.arrive $0xFFFF;
	s2 =	simm.s32 @!p0 $0x1C03  }
0xbd: {  	[timem:s3], [sflag:s2] =	dma.local @!p0 [hbm:s0], s1  }
0xbe: {  	s0 =	simm.s32 @!p0 $0x3  }
0xbf: {  	_ =	swait.ge @!p0 [sflag:s0], s1  }
0xc0: {  	s1 =	ssub.s32 @!p0 $0x0, s1;
	[sflag:s0] =	ssyncset.done @!p0 $0x0  }
0xc1: {  	[sflag:s0] =	ssyncadd.s32 @!p0 s1  }
0xc2: {  	[bflag:$0x3] =	sbarrier.arrive $0xFFFF  }
0xc3: {  	_ =	shalt  }

// kernel: kernel.49.cloned.1.call-start
scs
__scs_entry_jumppad:
0x0: {  	(pc) =	sbr.rel $0x88, $3  }
0x1: {  	(tag) =	ssettag $0x0;
	lr =	simm.s32 $0x1  }
0x2: {  	[smem:$0x3F8F] =	sst lr;
	_ =	strace $0xD0000000  }
0x3: {  	_ = 	snop  }
0x4: {  	_ = 	snop  }
0x5: {  	_ = 	snop  }
0x6: {  	_ = 	snop  }
0x7: {  	_ = 	snop  }
__scs_overlays_trampoline_lowered:
0x8: {  	[smem:$0x3F9E] =	sst s0  }
0x9: {  	[smem:$0x3F9F] =	sst s1  }
0xa: {  	[smem:$0x3FA0] =	sst s2  }
0xb: {  	[smem:$0x3FA1] =	sst s3  }
0xc: {  	[smem:$0x3FA2] =	sst s4  }
0xd: {  	[smem:$0x3FA3] =	sst s5  }
0xe: {  	[smem:$0x3FA4] =	sst s6  }
0xf: {  	[smem:$0x3FA5] =	sst s7  }
0x10: {  	[smem:$0x3FA6] =	sst s8  }
0x11: {  	[smem:$0x3FA7] =	sst s9;
	s0 =	simm.s32 @!p0 $0x0  }
0x12: {  	s1 =	sld [smem:$0x3F8D];
	s0 =	simm.s32 @p0 $0x1  }
0x13: {  	[smem:$0x3FA8] =	sst s0;
	s0 =	simm.s32 @!p1 $0x0  }
0x14: {  	s2 =	sld [smem:$0x3F8C];
	s0 =	simm.s32 @p1 $0x1  }
0x15: {  	[smem:$0x3FA9] =	sst s0;
	s0 =	simm.s32 @!p2 $0x0  }
0x16: {  	s3 =	sld [smem:$0x3FDB];
	s0 =	simm.s32 @p2 $0x1  }
0x17: {  	s4 =	simm.s32 $0x1BF5;
	[smem:$0x3FAB] =	sst s0  }
0x18: {  	s0 =	sld [smem:$0x3F8E];
	_ =	swait.ge [sflag:s4], $0x0  }
0x19: {  	s7 =	sld [smem:$0x3F8F]  }
0x1a: {  	s8 =	sadd.s32 $0xFFFFE003, lr  }
0x1b: {  	s9 =	sadd.s32 $0xFFFFFEF7, lr;
	s5 =	simm.s32 $0xFFFFFFFF;
	p2 =	slt.u32 s8, $0xFFFFF086  }
0x1c: {  	p1 =	slt.u32 s9, $0xF7A;
	s5 =	simm.s32 @!p2 $0x0  }
0x1d: {  	s5 =	simm.s32 @p1 $0x1;
	p0 =	seq.s32 s7, s2  }
0x1e: {  	s7 =	smul.u32 @!p0 $0xF7A, s2;
	p2 =	seq.s32 @!p0 s5, $0x0  }
0x1f: {  	s9 =	smul.u32 $0xF7A, s1;
	s8 =	simm.s32 @!p0 $0x1BF5;
	p2 =	por !p2, p0  }
0x20: {  	[sflag:s8] =	ssyncset.s32 @!p0 $0xFFFFF086;
	s6 =	sadd.s32 @!p0 s3, s7;
	s7 =	simm.s32 @!p0 $0x108  }
0x21: {  	s3 =	sadd.s32 s3, s9;
	s6 =	sadd.s32 @!p0 $0x88, s6;
	s7 =	simm.s32 @p2 $0x1082  }
0x22: {  	[simem:s7], [sflag:s8] =	dma.local @!p0 [hbm:s6], $0xF7A  }
0x23: {  	s9 =	sor.u32 $0xD0000000, s2;
	s6 =	simm.s32 $0x108;
	_ =	swait.ge @!p0 [sflag:s8], $0x0  }
0x24: {  	s3 =	sadd.s32 $0x88, s3;
	s6 =	simm.s32 @!p1 $0x1082;
	[sflag:s4] =	ssyncset.s32 $0xFFFFF086  }
0x25: {  	[simem:s6], [sflag:s4] =	dma.local [hbm:s3], $0xF7A  }
0x26: {  	[smem:$0x3F8F] =	sst s1;
	(tag) =	ssettag s2;
	_ =	strace s9  }
0x27: {  	s1 =	sld [smem:$0x3F9F]  }
0x28: {  	s2 =	sld [smem:$0x3FA0]  }
0x29: {  	s4 =	sld [smem:$0x3FA2]  }
0x2a: {  	p0 =	seq.s32 s5, $0x0;
	s5 =	sld [smem:$0x3FA3]  }
0x2b: {  	s6 =	sld [smem:$0x3FA4]  }
0x2c: {  	s7 =	sld [smem:$0x3FA5]  }
0x2d: {  	s3 =	simm.s32 $0x108;
	s8 =	sld [smem:$0x3FA6]  }
0x2e: {  	s3 =	simm.s32 @!p0 $0x1082;
	s9 =	sld [smem:$0x3FA7]  }
0x2f: {  	lr =	sadd.s32 s0, s3;
	s0 =	sld [smem:$0x3F9E]  }
0x30: {  	s3 =	sld [smem:$0x3FA1]  }
0x31: {  	[smem:$0x3FAA] =	sst s10  }
0x32: {  	s10 =	sld [smem:$0x3FA8];
	_ =	sdelay $0x3  }
0x33: {  	p0 =	seq.s32 s10, $0x1;
	s10 =	sld [smem:$0x3FAA];
	_ =	sdelay $0x3  }
0x34: {  	[smem:$0x3FAA] =	sst s10  }
0x35: {  	s10 =	sld [smem:$0x3FA9];
	_ =	sdelay $0x3  }
0x36: {  	p1 =	seq.s32 s10, $0x1;
	s10 =	sld [smem:$0x3FAA];
	_ =	sdelay $0x3  }
0x37: {  	[smem:$0x3FAA] =	sst s10  }
0x38: {  	s10 =	sld [smem:$0x3FAB]  }
0x39: {  	_ = 	snop;
	(pc) =	sbr.ind lr, $3  }
0x3a: {  	_ = 	snop  }
0x3b: {  	_ = 	snop  }
0x3c: {  	p2 =	seq.s32 s10, $0x1;
	s10 =	sld [smem:$0x3FAA]  }
0x3d: {  	_ =	shalt  }
0x3e: {  	_ =	shalt  }
0x3f: {  	_ =	shalt  }
0x40: {  	_ =	shalt  }
0x41: {  	_ =	shalt  }
0x42: {  	_ =	shalt  }
0x43: {  	_ =	shalt  }
0x44: {  	_ =	shalt  }
0x45: {  	_ =	shalt  }
0x46: {  	_ =	shalt  }
0x47: {  	_ =	shalt  }
0x48: {  	_ =	shalt  }
0x49: {  	_ =	shalt  }
0x4a: {  	_ =	shalt  }
0x4b: {  	_ =	shalt  }
0x4c: {  	_ =	shalt  }
0x4d: {  	_ =	shalt  }
0x4e: {  	_ =	shalt  }
0x4f: {  	_ =	shalt  }
0x50: {  	_ =	shalt  }
0x51: {  	_ =	shalt  }
0x52: {  	_ =	shalt  }
0x53: {  	_ =	shalt  }
0x54: {  	_ =	shalt  }
0x55: {  	_ =	shalt  }
0x56: {  	_ =	shalt  }
0x57: {  	_ =	shalt  }
0x58: {  	_ =	shalt  }
0x59: {  	_ =	shalt  }
0x5a: {  	_ =	shalt  }
0x5b: {  	_ =	shalt  }
0x5c: {  	_ =	shalt  }
0x5d: {  	_ =	shalt  }
0x5e: {  	_ =	shalt  }
0x5f: {  	_ =	shalt  }
0x60: {  	_ =	shalt  }
0x61: {  	_ =	shalt  }
0x62: {  	_ =	shalt  }
0x63: {  	_ =	shalt  }
0x64: {  	_ =	shalt  }
0x65: {  	_ =	shalt  }
0x66: {  	_ =	shalt  }
0x67: {  	_ =	shalt  }
0x68: {  	_ =	shalt  }
0x69: {  	_ =	shalt  }
0x6a: {  	_ =	shalt  }
0x6b: {  	_ =	shalt  }
0x6c: {  	_ =	shalt  }
0x6d: {  	_ =	shalt  }
0x6e: {  	_ =	shalt  }
0x6f: {  	_ =	shalt  }
0x70: {  	_ =	shalt  }
0x71: {  	_ =	shalt  }
0x72: {  	_ =	shalt  }
0x73: {  	_ =	shalt  }
0x74: {  	_ =	shalt  }
0x75: {  	_ =	shalt  }
0x76: {  	_ =	shalt  }
0x77: {  	_ =	shalt  }
0x78: {  	_ =	shalt  }
0x79: {  	_ =	shalt  }
0x7a: {  	_ =	shalt  }
0x7b: {  	_ =	shalt  }
0x7c: {  	_ =	shalt  }
0x7d: {  	_ =	shalt  }
0x7e: {  	_ =	shalt  }
0x7f: {  	_ =	shalt  }
0x80: {  	_ =	shalt  }
0x81: {  	_ =	shalt  }
0x82: {  	_ =	shalt  }
0x83: {  	_ =	shalt  }
0x84: {  	_ =	shalt  }
0x85: {  	_ =	shalt  }
0x86: {  	_ =	shalt  }
0x87: {  	_ =	shalt  }
.Lfunc_end0:
.L_simem_size_0:
called_computation.7_lowered:
.L_overlay_start_0:
0x88: {  	s2 =	sld [smem:$0x3FD9]  }
0x89: {  	s3 =	sld [smem:$0x3FFE];
	_ =	sdelay $0x1  }
0x8a: {  	s1 =	srdreg.scid  }
0x8b: {  	s0 =	sand.u32 $0x1, s1  }
0x8c: {  	s16 =	sshll.u32 s0, $0xA;
	s2 =	sadd.s32 s3, s2  }
0x8d: {  	s2 =	sadd.s32 s2, s16  }
0x8e: {  	[smem:$0x3FB6] =	sst s2  }
0x8f: {  	_ = 	snop  }
0x90: {  	(tm) =	ssettm $0x1  }
0x91: {  	s17 =	sld [smem:$0x3FFB];
	_ =	sdelay $0x3  }
0x92: {  	_ =	strace s17  }
0x93: {  	s2 =	sld [smem:$0x3FFC];
	_ =	sdelay $0x3  }
0x94: {  	_ =	strace s2  }
0x95: {  	s2 =	sld [smem:$0x3FFD];
	_ =	sdelay $0x3  }
0x96: {  	_ =	strace s2  }
0x97: {  	_ =	strace $0x8FFFFFFF  }
0x98: {  	s18 =	sld [smem:$0x3FDB];
	_ =	sdelay $0x1  }
0x99: {  	s19 =	simm.s32 $_scs_section_size  }
0x9a: {  	s4 =	simm.s32 $_size__tile_overlayer_lowered;
	s5 =	simm.s32 $_tile_overlayer_lowered  }
0x9b: {  	s22 =	simm.s32 $0x1BFF;
	s21 =	sshll.u32 s5, $0x1;
	s2 =	sadd.s32 s19, s18  }
0x9c: {  	s6 =	simm.s32 $0x0;
	s20 =	sshll.u32 s4, $0x1;
	s4 =	sadd.s32 s21, s2  }
0x9d: {  	[timem:s6], [sflag:s22] =	dma.local [hbm:s4], s20  }
0x9e: {  	_ =	swait.ge [sflag:s22], s20  }
0x9f: {  	s3 =	ssub.s32 $0x0, s20;
	[sflag:s22] =	ssyncset.done $0x0  }
0xa0: {  	[sflag:s22] =	ssyncadd.s32 s3;
	_ =	sdelay $0x1  }
0xa1: {  	s23 =	simm.s32 $0x1B8B  }
0xa2: {  	_ =	swait.ge [sflag:s23], $0x1  }
0xa3: {  	[sflag:s23] =	ssyncset.done $0x0  }
0xa4: {  	s25 =	simm.s32 $0x1B8E;
	s24 =	sld [smem:$0x3FFE];
	[sflag:s23] =	ssyncadd.s32 $0xFFFFFFFF  }
0xa5: {  	s26 =	simm.s32 $execute0_lowered;
	[smem:$0x3FD2] =	sst s25  }
0xa6: {  	s4 =	sshll.u32 s26, $0x1;
	_ =	strace $0x8000005B;
	[dreg:$0x1] =	wrdreg $0xFFFFFFFF  }
0xa7: {  	s28 =	simm.s32 $_size_execute0_lowered;
	s2 =	sadd.s32 s2, s4;
	[dreg:$0x0] =	wrdreg $0x0  }
0xa8: {  	s4 =	sshll.u32 s28, $0x1;
	[dreg:$0x2] =	wrdreg s2  }
0xa9: {  	[dreg:$0x3] =	wrdreg s4  }
0xaa: {  	[dreg:$0x4] =	wrdreg $0xC0  }
0xab: {  	_ =	task [dreg:s6], $0x5FFFF  }
0xac: {  	[dreg:$0x1] =	wrdreg $0xFFFFFFFF  }
0xad: {  	[dreg:$0x0] =	wrdreg $0x60  }
0xae: {  	[dreg:$0x2] =	wrdreg s24  }
0xaf: {  	[dreg:$0x3] =	wrdreg $0x9  }
0xb0: {  	_ =	task.clear_ibuf [dreg:s6], $0x4FFFF;
	_ =	strace $0x9000005B  }
0xb1: {  	s29 =	simm.s32 $0x9;
	_ =	strace $0x8000005D  }
0xb2: {  	_ =	swait.ge [sflag:s29], $0x1  }
0xb3: {  	[sflag:s29] =	ssyncadd.s32 $0xFFFFFFFF  }
0xb4: {  	_ =	strace $0x9000005D  }
0xb5: {  	_ =	sfence  }
0xb6: {  	s30 =	sld [smem:$0x0];
	_ =	sdelay $0x2  }
0xb7: {  	s31 =	sshll.u32 s1, $0xD;
	s1 =	sshrl.u32 s1, $0x2  }
0xb8: {  	s3 =	sand.u32 $0x4000, s31;
	s1 =	sadd.s32 s1, s30  }
0xb9: {  	s0 =	sor.u32 s3, s0;
	s1 =	sshll.u32 s1, $0x11  }
0xba: {  	s0 =	sor.u32 s1, s0  }
0xbb: {  	s0 =	sadd.s32 $0x8F2B, s0  }
0xbc: {  	[sflag:s0] =	ssyncadd.remote.s32 $0x1  }
0xbd: {  	_ =	sfence.sel $0xFFFF  }
0xbe: {  	[dreg:$0x0] =	wrdreg $0xFFFFFFFF;
	(pc) =	sbr.abs _section_cstart, $3  }
0xbf: {  	[dreg:$0x1] =	wrdreg $0xFFFFFFFF  }
0xc0: {  	_ =	task.clear_ibuf [dreg:s6], $0x2FFFF;
	_ =	strace $0x9FFFFFFF  }
0xc1: {  	(tm) =	ssettm $0x7FFFFFFF  }
tec
execute0_lowered:
.L_overlay_start_1:
0x0: {  	(tag) =	ssettag $0x1  }
0x1: {  	s6 =	rddreg [dreg:$0x0]  }
0x2: {  	s0 =	rddreg [dreg:$0x1];
	s2 =	simm.s32 $0x0  }
0x3: {  	s3 =	srdreg.scid;
	s1 =	stileid.u32;
	s12 =	simm.s32 $0x5  }
0x4: {  	s13 =	simm.s32 $0x80;
	s14 =	simm.s32 $0x100;
	s15 =	simm.s32 $0x4100  }
0x5: {  	s16 =	simm.s32 $0x8100;
	s17 =	simm.s32 $0x1;
	s18 =	simm.s32 $0x2  }
0x6: {  	s19 =	simm.s32 $0x3;
	s20 =	simm.s32 $0x4;
	s8 =	smul.u32 $0x4F00, s1  }
0x7: {  	[smem:$0x7FF] =	sst s2;
	s7 =	sand.u32 $0x1, s3;
	s10 =	smul.u32 $0x4F000, s1  }
0x8: {  	s3 =	sadd.s32 $0xDE00, s6;
	s4 =	sadd.s32 $0x53A200, s6;
	s9 =	smul.u32 $0x2780, s7  }
0x9: {  	s5 =	sadd.s32 $0x512200, s6;
	s11 =	ssub.s32 $0x2, s7;
	s7 =	smul.u32 $0x27800, s7  }
0xa: {  	_ =	strace $0x8000005C;
	s10 =	sadd.s32 s10, s6;
	s8 =	sadd.s32 s9, s8  }
0xb: {  	s29 =	sshrl.u32 s11, $0x1;
	s31 =	sadd.s32 s7, s10;
	s8 =	sshrl.u32 s8, $0x3  }
0xc: {  	s9 =	ssub.s32 s11, s29;
	s7 =	sadd.s32 $0x56C000, s31;
	s30 =	sadd.s32 s8, s6  }
0xd: {  	s6 =	smax.u32 s9, $0x1;
	s8 =	sadd.s32 $0xA5C000, s31;
	s9 =	sadd.s32 $0xF4C000, s31  }
0xe: {  	s21 =	simm.s32 $0x0;
	s10 =	sadd.s32 $0x562200, s30;
	s11 =	sadd.s32 $0x507C00, s30  }
.LBB2_1:
0xf: {  	[tilespmem:s2], [sflag:$0x5] =	stream.linear.gather [hbm4b:s11+s2], $0x80, $0x38;
	[tilespmem:$0xC100] =	vst v63  }
0x10: {  	_ =	swait.ge [sflag:s12], $0x80  }
0x11: {  	[sflag:s12] =	ssyncset.done $0x0  }
0x12: {  	[sflag:s12] =	ssyncadd.s32 $0xFFFFFF80  }
0x13: {  	[tilespmem:s13], [sflag:$0x5] =	stream.linear.gather [hbm4b:s10+s2], $0x80, $0x38;
	[tilespmem:$0xC100] =	vst v63  }
0x14: {  	_ =	swait.ge [sflag:s12], $0x80  }
0x15: {  	[sflag:s12] =	ssyncset.done $0x0  }
0x16: {  	[sflag:s12] =	ssyncadd.s32 $0xFFFFFF80  }
0x17: {  	[tilespmem:s14], [sflag:$0x1] =	stream.indirect.gather [hbm4b:s3+s13], $0x80, s2, s13, $0xb8;
	[tilespmem:$0xC100] =	vst v63  }
0x18: {  	_ = 	snop  }
0x19: {  	[tilespmem:s15], [sflag:$0x2] =	stream.indirect.gather [hbm4b:s4+s13], $0x80, s13, s13, $0xb8;
	[tilespmem:$0xC100] =	vst v63  }
0x1a: {  	_ = 	snop  }
0x1b: {  	[tilespmem:s16], [sflag:$0x3] =	stream.indirect.gather [hbm4b:s5+s13], $0x80, s13, s13, $0xb8;
	[tilespmem:$0xC100] =	vst v63  }
0x1c: {  	_ =	swait.ge [sflag:s17], $0x4000  }
0x1d: {  	[sflag:s17] =	ssyncset.done $0x0  }
0x1e: {  	s22 =	sadd.s32 $0x0, s7;
	[sflag:s17] =	ssyncadd.s32 $0xFFFFC000  }
0x1f: {  	[hbm4b:s22+s2] =	stream.linear.scatter [tilespmem:s14], [sflag:$0x4], $0x4000, $0x38;
	[tilespmem:$0xC100] =	vst v63  }
0x20: {  	_ =	swait.ge [sflag:s18], $0x4000  }
0x21: {  	[sflag:s18] =	ssyncset.done $0x0  }
0x22: {  	s30 =	sadd.s32 $0x0, s8;
	[sflag:s18] =	ssyncadd.s32 $0xFFFFC000  }
0x23: {  	[hbm4b:s30+s2] =	stream.linear.scatter [tilespmem:s15], [sflag:$0x4], $0x4000, $0x38;
	[tilespmem:$0xC100] =	vst v63  }
0x24: {  	_ =	swait.ge [sflag:s19], $0x4000  }
0x25: {  	[sflag:s19] =	ssyncset.done $0x0  }
0x26: {  	s31 =	sadd.s32 $0x0, s9;
	[sflag:s19] =	ssyncadd.s32 $0xFFFFC000  }
0x27: {  	[hbm4b:s31+s2] =	stream.linear.scatter [tilespmem:s16], [sflag:$0x4], $0x4000, $0x38;
	[tilespmem:$0xC100] =	vst v63  }
0x28: {  	_ =	swait.ge [sflag:s20], $0x4000  }
0x29: {  	[sflag:s20] =	ssyncset.done $0x0  }
0x2a: {  	[sflag:s20] =	ssyncadd.s32 $0xFFFFC000  }
0x2b: {  	_ =	swait.ge [sflag:s20], $0x4000  }
0x2c: {  	[sflag:s20] =	ssyncset.done $0x0  }
0x2d: {  	[sflag:s20] =	ssyncadd.s32 $0xFFFFC000  }
0x2e: {  	s23 =	smov.u32 s10;
	_ =	swait.ge [sflag:s20], $0x4000  }
0x2f: {  	s24 =	smov.u32 s11;
	s22 =	simm.s32 $0x800;
	[sflag:s20] =	ssyncset.done $0x0  }
.LBB2_2:
0x30: {  	[sflag:s20] =	ssyncadd.s32 $0xFFFFC000  }
0x31: {  	s23 =	sadd.s32 $0x10, s23;
	s24 =	sadd.s32 $0x10, s24;
	s25 =	smov.u32 s22  }
0x32: {  	[tilespmem:s2], [sflag:$0x5] =	stream.linear.gather [hbm4b:s24+s2], $0x80, $0x38;
	[tilespmem:$0xC100] =	vst v63  }
0x33: {  	p0 =	sne.s32 s22, $0x27000;
	s22 =	sadd.s32 $0x800, s22;
	_ =	swait.ge [sflag:s12], $0x80  }
0x34: {  	[sflag:s12] =	ssyncset.done $0x0  }
0x35: {  	[sflag:s12] =	ssyncadd.s32 $0xFFFFFF80  }
0x36: {  	[tilespmem:s13], [sflag:$0x5] =	stream.linear.gather [hbm4b:s23+s2], $0x80, $0x38;
	[tilespmem:$0xC100] =	vst v63  }
0x37: {  	_ =	swait.ge [sflag:s12], $0x80  }
0x38: {  	[sflag:s12] =	ssyncset.done $0x0  }
0x39: {  	[sflag:s12] =	ssyncadd.s32 $0xFFFFFF80  }
0x3a: {  	[tilespmem:s14], [sflag:$0x1] =	stream.indirect.gather [hbm4b:s3+s13], $0x80, s2, s13, $0xb8;
	[tilespmem:$0xC100] =	vst v63  }
0x3b: {  	_ = 	snop  }
0x3c: {  	[tilespmem:s15], [sflag:$0x2] =	stream.indirect.gather [hbm4b:s4+s13], $0x80, s13, s13, $0xb8;
	[tilespmem:$0xC100] =	vst v63  }
0x3d: {  	_ = 	snop  }
0x3e: {  	[tilespmem:s16], [sflag:$0x3] =	stream.indirect.gather [hbm4b:s5+s13], $0x80, s13, s13, $0xb8;
	[tilespmem:$0xC100] =	vst v63  }
0x3f: {  	_ =	swait.ge [sflag:s17], $0x4000  }
0x40: {  	[sflag:s17] =	ssyncset.done $0x0  }
0x41: {  	s26 =	sadd.s32 s25, s7;
	[sflag:s17] =	ssyncadd.s32 $0xFFFFC000  }
0x42: {  	[hbm4b:s26+s2] =	stream.linear.scatter [tilespmem:s14], [sflag:$0x4], $0x4000, $0x38;
	[tilespmem:$0xC100] =	vst v63  }
0x43: {  	_ =	swait.ge [sflag:s18], $0x4000  }
0x44: {  	[sflag:s18] =	ssyncset.done $0x0  }
0x45: {  	s26 =	sadd.s32 s25, s8;
	[sflag:s18] =	ssyncadd.s32 $0xFFFFC000  }
0x46: {  	[hbm4b:s26+s2] =	stream.linear.scatter [tilespmem:s15], [sflag:$0x4], $0x4000, $0x38;
	[tilespmem:$0xC100] =	vst v63  }
0x47: {  	_ =	swait.ge [sflag:s19], $0x4000  }
0x48: {  	[sflag:s19] =	ssyncset.done $0x0  }
0x49: {  	s25 =	sadd.s32 s25, s9;
	[sflag:s19] =	ssyncadd.s32 $0xFFFFC000  }
0x4a: {  	[hbm4b:s25+s2] =	stream.linear.scatter [tilespmem:s16], [sflag:$0x4], $0x4000, $0x38;
	[tilespmem:$0xC100] =	vst v63  }
0x4b: {  	_ =	swait.ge [sflag:s20], $0x4000  }
0x4c: {  	[sflag:s20] =	ssyncset.done $0x0  }
0x4d: {  	[sflag:s20] =	ssyncadd.s32 $0xFFFFC000  }
.Ltmp0:
0x4e: {  	_ =	swait.ge [sflag:s20], $0x4000;
	(pc) =	sbr.rel @p0 .LBB2_2-.Ltmp0, $4  }
0x4f: {  	[sflag:s20] =	ssyncset.done $0x0  }
0x50: {  	[sflag:s20] =	ssyncadd.s32 $0xFFFFC000  }
0x51: {  	_ =	swait.ge [sflag:s20], $0x4000  }
0x52: {  	[sflag:s20] =	ssyncset.done $0x0  }
0x53: {  	s21 =	sadd.s32 $0x1, s21  }
0x54: {  	p0 =	sne.s32 s21, s6  }
.Ltmp1:
0x55: {  	_ = 	snop;
	(pc) =	sbr.rel @p0 .LBB2_1-.Ltmp1, $2  }
0x56: {  	_ =	sdelay $0x2  }
0x57: {  	[sflag:s20] =	ssyncadd.s32 $0xFFFFC000  }
0x58: {  	_ =	sfence.sel $0x180000  }
0x59: {  	[bflag:$0x0] =	sbarrier.arrive $0xFFFF  }
0x5a: {  	p0 =	sne.s32 s1, $0x0;
	_ =	strace $0x9000005C  }
0x5b: {  	s0 =	sadd.s32 @!p0 $0x100000, s0;
	[bflag:$0x2] =	sbarrier.arrive $0xFFFF  }
0x5c: {  	[sflag:s0] =	ssyncadd.tile.s32 @!p0 $0x1;
	_ =	shalt  }
.Lfunc_end2:
_tile_overlayer_lowered:
.L_overlay_start_2:
0x5d: {  	(tag) =	ssettag $0x2  }
0x5e: {  	s0 =	rddreg [dreg:$0x0];
	s2 =	stileid.u32  }
0x5f: {  	s1 =	rddreg [dreg:$0x1];
	p0 =	sne.s32 s2, $0x0  }
0x60: {  	s3 =	rddreg [dreg:$0x2];
	[bflag:$0x3] =	sbarrier.arrive $0xFFFF;
	s2 =	simm.s32 @!p0 $0x1C05  }
0x61: {  	[timem:s3], [sflag:s2] =	dma.local @!p0 [hbm:s0], s1  }
0x62: {  	s0 =	simm.s32 @!p0 $0x5  }
0x63: {  	_ =	swait.ge @!p0 [sflag:s0], s1  }
0x64: {  	s1 =	ssub.s32 @!p0 $0x0, s1;
	[sflag:s0] =	ssyncset.done @!p0 $0x0  }
0x65: {  	[sflag:s0] =	ssyncadd.s32 @!p0 s1  }
0x66: {  	[bflag:$0x3] =	sbarrier.arrive $0xFFFF  }
0x67: {  	_ =	shalt  }

// kernel: kernel.52.cloned.1.call-start
scs
__scs_entry_jumppad:
0x0: {  	(pc) =	sbr.rel $0x88, $3  }
0x1: {  	(tag) =	ssettag $0x0;
	lr =	simm.s32 $0x1  }
0x2: {  	[smem:$0x3F8F] =	sst lr;
	_ =	strace $0xD0000000  }
0x3: {  	_ = 	snop  }
0x4: {  	_ = 	snop  }
0x5: {  	_ = 	snop  }
0x6: {  	_ = 	snop  }
0x7: {  	_ = 	snop  }
__scs_overlays_trampoline_lowered:
0x8: {  	[smem:$0x3F9E] =	sst s0  }
0x9: {  	[smem:$0x3F9F] =	sst s1  }
0xa: {  	[smem:$0x3FA0] =	sst s2  }
0xb: {  	[smem:$0x3FA1] =	sst s3  }
0xc: {  	[smem:$0x3FA2] =	sst s4  }
0xd: {  	[smem:$0x3FA3] =	sst s5  }
0xe: {  	[smem:$0x3FA4] =	sst s6  }
0xf: {  	[smem:$0x3FA5] =	sst s7  }
0x10: {  	[smem:$0x3FA6] =	sst s8  }
0x11: {  	[smem:$0x3FA7] =	sst s9;
	s0 =	simm.s32 @!p0 $0x0  }
0x12: {  	s1 =	sld [smem:$0x3F8D];
	s0 =	simm.s32 @p0 $0x1  }
0x13: {  	[smem:$0x3FA8] =	sst s0;
	s0 =	simm.s32 @!p1 $0x0  }
0x14: {  	s2 =	sld [smem:$0x3F8C];
	s0 =	simm.s32 @p1 $0x1  }
0x15: {  	[smem:$0x3FA9] =	sst s0;
	s0 =	simm.s32 @!p2 $0x0  }
0x16: {  	s3 =	sld [smem:$0x3FDB];
	s0 =	simm.s32 @p2 $0x1  }
0x17: {  	s4 =	simm.s32 $0x1BF5;
	[smem:$0x3FAB] =	sst s0  }
0x18: {  	s0 =	sld [smem:$0x3F8E];
	_ =	swait.ge [sflag:s4], $0x0  }
0x19: {  	s7 =	sld [smem:$0x3F8F]  }
0x1a: {  	s8 =	sadd.s32 $0xFFFFE003, lr  }
0x1b: {  	s9 =	sadd.s32 $0xFFFFFEF7, lr;
	s5 =	simm.s32 $0xFFFFFFFF;
	p2 =	slt.u32 s8, $0xFFFFF086  }
0x1c: {  	p1 =	slt.u32 s9, $0xF7A;
	s5 =	simm.s32 @!p2 $0x0  }
0x1d: {  	s5 =	simm.s32 @p1 $0x1;
	p0 =	seq.s32 s7, s2  }
0x1e: {  	s7 =	smul.u32 @!p0 $0xF7A, s2;
	p2 =	seq.s32 @!p0 s5, $0x0  }
0x1f: {  	s9 =	smul.u32 $0xF7A, s1;
	s8 =	simm.s32 @!p0 $0x1BF5;
	p2 =	por !p2, p0  }
0x20: {  	[sflag:s8] =	ssyncset.s32 @!p0 $0xFFFFF086;
	s6 =	sadd.s32 @!p0 s3, s7;
	s7 =	simm.s32 @!p0 $0x108  }
0x21: {  	s3 =	sadd.s32 s3, s9;
	s6 =	sadd.s32 @!p0 $0x88, s6;
	s7 =	simm.s32 @p2 $0x1082  }
0x22: {  	[simem:s7], [sflag:s8] =	dma.local @!p0 [hbm:s6], $0xF7A  }
0x23: {  	s9 =	sor.u32 $0xD0000000, s2;
	s6 =	simm.s32 $0x108;
	_ =	swait.ge @!p0 [sflag:s8], $0x0  }
0x24: {  	s3 =	sadd.s32 $0x88, s3;
	s6 =	simm.s32 @!p1 $0x1082;
	[sflag:s4] =	ssyncset.s32 $0xFFFFF086  }
0x25: {  	[simem:s6], [sflag:s4] =	dma.local [hbm:s3], $0xF7A  }
0x26: {  	[smem:$0x3F8F] =	sst s1;
	(tag) =	ssettag s2;
	_ =	strace s9  }
0x27: {  	s1 =	sld [smem:$0x3F9F]  }
0x28: {  	s2 =	sld [smem:$0x3FA0]  }
0x29: {  	s4 =	sld [smem:$0x3FA2]  }
0x2a: {  	p0 =	seq.s32 s5, $0x0;
	s5 =	sld [smem:$0x3FA3]  }
0x2b: {  	s6 =	sld [smem:$0x3FA4]  }
0x2c: {  	s7 =	sld [smem:$0x3FA5]  }
0x2d: {  	s3 =	simm.s32 $0x108;
	s8 =	sld [smem:$0x3FA6]  }
0x2e: {  	s3 =	simm.s32 @!p0 $0x1082;
	s9 =	sld [smem:$0x3FA7]  }
0x2f: {  	lr =	sadd.s32 s0, s3;
	s0 =	sld [smem:$0x3F9E]  }
0x30: {  	s3 =	sld [smem:$0x3FA1]  }
0x31: {  	[smem:$0x3FAA] =	sst s10  }
0x32: {  	s10 =	sld [smem:$0x3FA8];
	_ =	sdelay $0x3  }
0x33: {  	p0 =	seq.s32 s10, $0x1;
	s10 =	sld [smem:$0x3FAA];
	_ =	sdelay $0x3  }
0x34: {  	[smem:$0x3FAA] =	sst s10  }
0x35: {  	s10 =	sld [smem:$0x3FA9];
	_ =	sdelay $0x3  }
0x36: {  	p1 =	seq.s32 s10, $0x1;
	s10 =	sld [smem:$0x3FAA];
	_ =	sdelay $0x3  }
0x37: {  	[smem:$0x3FAA] =	sst s10  }
0x38: {  	s10 =	sld [smem:$0x3FAB]  }
0x39: {  	_ = 	snop;
	(pc) =	sbr.ind lr, $3  }
0x3a: {  	_ = 	snop  }
0x3b: {  	_ = 	snop  }
0x3c: {  	p2 =	seq.s32 s10, $0x1;
	s10 =	sld [smem:$0x3FAA]  }
0x3d: {  	_ =	shalt  }
0x3e: {  	_ =	shalt  }
0x3f: {  	_ =	shalt  }
0x40: {  	_ =	shalt  }
0x41: {  	_ =	shalt  }
0x42: {  	_ =	shalt  }
0x43: {  	_ =	shalt  }
0x44: {  	_ =	shalt  }
0x45: {  	_ =	shalt  }
0x46: {  	_ =	shalt  }
0x47: {  	_ =	shalt  }
0x48: {  	_ =	shalt  }
0x49: {  	_ =	shalt  }
0x4a: {  	_ =	shalt  }
0x4b: {  	_ =	shalt  }
0x4c: {  	_ =	shalt  }
0x4d: {  	_ =	shalt  }
0x4e: {  	_ =	shalt  }
0x4f: {  	_ =	shalt  }
0x50: {  	_ =	shalt  }
0x51: {  	_ =	shalt  }
0x52: {  	_ =	shalt  }
0x53: {  	_ =	shalt  }
0x54: {  	_ =	shalt  }
0x55: {  	_ =	shalt  }
0x56: {  	_ =	shalt  }
0x57: {  	_ =	shalt  }
0x58: {  	_ =	shalt  }
0x59: {  	_ =	shalt  }
0x5a: {  	_ =	shalt  }
0x5b: {  	_ =	shalt  }
0x5c: {  	_ =	shalt  }
0x5d: {  	_ =	shalt  }
0x5e: {  	_ =	shalt  }
0x5f: {  	_ =	shalt  }
0x60: {  	_ =	shalt  }
0x61: {  	_ =	shalt  }
0x62: {  	_ =	shalt  }
0x63: {  	_ =	shalt  }
0x64: {  	_ =	shalt  }
0x65: {  	_ =	shalt  }
0x66: {  	_ =	shalt  }
0x67: {  	_ =	shalt  }
0x68: {  	_ =	shalt  }
0x69: {  	_ =	shalt  }
0x6a: {  	_ =	shalt  }
0x6b: {  	_ =	shalt  }
0x6c: {  	_ =	shalt  }
0x6d: {  	_ =	shalt  }
0x6e: {  	_ =	shalt  }
0x6f: {  	_ =	shalt  }
0x70: {  	_ =	shalt  }
0x71: {  	_ =	shalt  }
0x72: {  	_ =	shalt  }
0x73: {  	_ =	shalt  }
0x74: {  	_ =	shalt  }
0x75: {  	_ =	shalt  }
0x76: {  	_ =	shalt  }
0x77: {  	_ =	shalt  }
0x78: {  	_ =	shalt  }
0x79: {  	_ =	shalt  }
0x7a: {  	_ =	shalt  }
0x7b: {  	_ =	shalt  }
0x7c: {  	_ =	shalt  }
0x7d: {  	_ =	shalt  }
0x7e: {  	_ =	shalt  }
0x7f: {  	_ =	shalt  }
0x80: {  	_ =	shalt  }
0x81: {  	_ =	shalt  }
0x82: {  	_ =	shalt  }
0x83: {  	_ =	shalt  }
0x84: {  	_ =	shalt  }
0x85: {  	_ =	shalt  }
0x86: {  	_ =	shalt  }
0x87: {  	_ =	shalt  }
.Lfunc_end0:
.L_simem_size_0:
called_computation.8_lowered:
.L_overlay_start_0:
0x88: {  	s2 =	sld [smem:$0x3FD9]  }
0x89: {  	s3 =	sld [smem:$0x3FFE];
	_ =	sdelay $0x1  }
0x8a: {  	s1 =	srdreg.scid  }
0x8b: {  	s0 =	sand.u32 $0x1, s1  }
0x8c: {  	s17 =	sshll.u32 s0, $0xA;
	s2 =	sadd.s32 s3, s2  }
0x8d: {  	s2 =	sadd.s32 s2, s17  }
0x8e: {  	[smem:$0x3FB6] =	sst s2  }
0x8f: {  	_ = 	snop  }
0x90: {  	(tm) =	ssettm $0x1  }
0x91: {  	s18 =	sld [smem:$0x3FFB];
	_ =	sdelay $0x3  }
0x92: {  	_ =	strace s18  }
0x93: {  	s2 =	sld [smem:$0x3FFC];
	_ =	sdelay $0x3  }
0x94: {  	_ =	strace s2  }
0x95: {  	s2 =	sld [smem:$0x3FFD];
	_ =	sdelay $0x3  }
0x96: {  	_ =	strace s2  }
0x97: {  	_ =	strace $0x8FFFFFFF  }
0x98: {  	s19 =	sld [smem:$0x3FDB];
	_ =	sdelay $0x1  }
0x99: {  	s20 =	simm.s32 $_scs_section_size  }
0x9a: {  	s4 =	simm.s32 $_size__tile_overlayer_lowered;
	s5 =	simm.s32 $_tile_overlayer_lowered  }
0x9b: {  	s6 =	simm.s32 $0x1BFF;
	s21 =	sshll.u32 s5, $0x1;
	s3 =	sadd.s32 s20, s19  }
0x9c: {  	s22 =	simm.s32 $0x0;
	s4 =	sshll.u32 s4, $0x1;
	s5 =	sadd.s32 s21, s3  }
0x9d: {  	[timem:s22], [sflag:s6] =	dma.local [hbm:s5], s4  }
0x9e: {  	_ =	swait.ge [sflag:s6], s4  }
0x9f: {  	s4 =	ssub.s32 $0x0, s4;
	[sflag:s6] =	ssyncset.done $0x0  }
0xa0: {  	[sflag:s6] =	ssyncadd.s32 s4;
	_ =	sdelay $0x1  }
0xa1: {  	s23 =	simm.s32 $0x1B8B  }
0xa2: {  	_ =	swait.ge [sflag:s23], $0x1  }
0xa3: {  	[sflag:s23] =	ssyncset.done $0x0  }
0xa4: {  	[sflag:s23] =	ssyncadd.s32 $0xFFFFFFFF  }
0xa5: {  	s4 =	sld [smem:$0x0]  }
0xa6: {  	s5 =	sand.u32 $0xFFFFFFFE, s1  }
0xa7: {  	p0 =	sne.s32 s1, s5  }
0xa8: {  	s5 =	sshll.u32 @p0 s5, $0xE  }
0xa9: {  	s5 =	sadd.s32 @p0 $0x11B8D, s5;
	s6 =	sshll.u32 @p0 s4, $0x11  }
0xaa: {  	s5 =	sor.u32 @p0 s6, s5  }
0xab: {  	[sflag:s5] =	ssyncadd.remote.s32 @p0 $0x1;
	_ =	sdelay $0x1  }
0xac: {  	s5 =	simm.s32 @p0 $0x1B8D  }
0xad: {  	_ =	swait.eq @p0 [sflag:s5], $0x1  }
0xae: {  	[sflag:s5] =	ssyncadd.s32 @p0 $0xFFFFFFFF  }
0xaf: {  	s6 =	sshll.u32 @!p0 s1, $0xE  }
0xb0: {  	s6 =	sor.u32 @!p0 $0x4000, s6;
	s5 =	simm.s32 @!p0 $0x1B8D  }
0xb1: {  	s4 =	sshll.u32 @!p0 s4, $0x11;
	s6 =	sadd.s32 @!p0 $0x11B8D, s6;
	_ =	swait.eq @!p0 [sflag:s5], $0x1  }
0xb2: {  	s4 =	sor.u32 @!p0 s4, s6;
	[sflag:s5] =	ssyncadd.s32 @!p0 $0xFFFFFFFF  }
0xb3: {  	s25 =	simm.s32 $0x1B8E;
	s24 =	sld [smem:$0x3FFE];
	[sflag:s4] =	ssyncadd.remote.s32 @!p0 $0x1  }
0xb4: {  	s26 =	simm.s32 $execute0_lowered;
	[smem:$0x3FD2] =	sst s25  }
0xb5: {  	s5 =	sshll.u32 s26, $0x1;
	_ =	strace $0x80000061;
	[dreg:$0x1] =	wrdreg $0xFFFFFFFF  }
0xb6: {  	s28 =	simm.s32 $_size_execute0_lowered;
	s3 =	sadd.s32 s3, s5;
	[dreg:$0x0] =	wrdreg $0x0  }
0xb7: {  	s5 =	sshll.u32 s28, $0x1;
	[dreg:$0x2] =	wrdreg s3  }
0xb8: {  	[dreg:$0x3] =	wrdreg s5  }
0xb9: {  	[dreg:$0x4] =	wrdreg $0xC0  }
0xba: {  	_ =	task [dreg:s22], $0x5FFFF  }
0xbb: {  	[dreg:$0x1] =	wrdreg $0xFFFFFFFF  }
0xbc: {  	[dreg:$0x0] =	wrdreg $0x60  }
0xbd: {  	[dreg:$0x2] =	wrdreg s24  }
0xbe: {  	[dreg:$0x3] =	wrdreg $0x40000  }
0xbf: {  	[dreg:$0x4] =	wrdreg $0x9  }
0xc0: {  	_ =	task.clear_ibuf [dreg:s22], $0x5FFFF;
	_ =	strace $0x90000061  }
0xc1: {  	s29 =	simm.s32 $0x9;
	_ =	strace $0x80000063  }
0xc2: {  	_ =	swait.ge [sflag:s29], $0x1  }
0xc3: {  	[sflag:s29] =	ssyncadd.s32 $0xFFFFFFFF  }
0xc4: {  	_ =	strace $0x90000063  }
0xc5: {  	_ =	sfence  }
0xc6: {  	s30 =	sld [smem:$0x0];
	_ =	sdelay $0x2  }
0xc7: {  	s31 =	sshll.u32 s1, $0xD;
	s1 =	sshrl.u32 s1, $0x2  }
0xc8: {  	s4 =	sand.u32 $0x4000, s31;
	s1 =	sadd.s32 s1, s30  }
0xc9: {  	s0 =	sor.u32 s4, s0;
	s1 =	sshll.u32 s1, $0x11  }
0xca: {  	s0 =	sor.u32 s1, s0  }
0xcb: {  	s0 =	sadd.s32 $0x8F2B, s0  }
0xcc: {  	[sflag:s0] =	ssyncadd.remote.s32 $0x1  }
0xcd: {  	_ =	sfence.sel $0xFFFF  }
0xce: {  	[dreg:$0x0] =	wrdreg $0xFFFFFFFF;
	(pc) =	sbr.abs _section_cstart, $3  }
0xcf: {  	[dreg:$0x1] =	wrdreg $0xFFFFFFFF  }
0xd0: {  	_ =	task.clear_ibuf [dreg:s22], $0x2FFFF;
	_ =	strace $0x9FFFFFFF  }
0xd1: {  	(tm) =	ssettm $0x7FFFFFFF  }
tec
execute0_lowered:
.L_overlay_start_1:
0x0: {  	(tag) =	ssettag $0x1  }
0x1: {  	s0 =	rddreg [dreg:$0x0]  }
0x2: {  	s1 =	rddreg [dreg:$0x1]  }
0x3: {  	s3 =	simm.s32 $0x0;
	s4 =	srdreg.scid;
	s2 =	stileid.u32  }
0x4: {  	s28 =	simm.s32 $0x2;
	s29 =	simm.s32 $0x0;
	[smem:$0x7FF] =	sst s3  }
0x5: {  	s18 =	sand.u32 $0x1, s4;
	s5 =	smul.u32 $0x280, s2;
	s20 =	sadd.s32 $0x507C00, s0  }
0x6: {  	s19 =	sadd.s32 $0x143C000, s0;
	s17 =	sadd.s32 $0x511A00, s0;
	s9 =	smul.u32 $0x50000, s2  }
0x7: {  	s7 =	sshll.u32 s2, $0x1;
	_ =	strace $0x80000062;
	s6 =	smul.u32 $0x2800, s18  }
0x8: {  	s7 =	sor.u32 s18, s7;
	s21 =	ssub.s32 $0x2, s18;
	s26 =	smul.u32 $0x27800, s18  }
0x9: {  	[dreg:$0x3] =	wrdreg s17;
	s7 =	smul.u32 $0x2780, s7;
	s8 =	sshrl.u32 s21, $0x1  }
0xa: {  	s23 =	sshrl.u32 s9, $0x2;
	s5 =	sadd.s32 s6, s5;
	s8 =	ssub.s32 s21, s8  }
0xb: {  	s21 =	smul.u32 $0x4F00, s2;
	s5 =	sshll.u32 s5, $0x4;
	s22 =	sadd.s32 $0x2700, s7  }
0xc: {  	s8 =	smax.u32 s8, $0x1;
	s0 =	sadd.s32 s5, s0;
	s7 =	sshrl.u32 s22, $0x3  }
0xd: {  	s24 =	sshll.u32 s22, $0x4;
	s5 =	sadd.s32 s23, s1;
	s22 =	smul.u32 $0x2780, s18  }
0xe: {  	s23 =	smul.u32 $0x4F000, s2;
	s25 =	sadd.s32 s20, s7;
	s10 =	sadd.s32 $0x562200, s0  }
0xf: {  	s9 =	sadd.s32 $0x4000, s5;
	s11 =	sadd.s32 $0x8000, s5;
	s12 =	sadd.s32 $0x562A00, s0  }
0x10: {  	s13 =	sadd.s32 $0xC000, s5;
	s14 =	sadd.s32 $0x563200, s0;
	s15 =	sadd.s32 $0x10000, s5  }
0x11: {  	s7 =	sadd.s32 s19, s24;
	s16 =	sadd.s32 $0x563A00, s0;
	s17 =	sadd.s32 $0x564200, s0  }
0x12: {  	s24 =	simm.s32 $0x18080;
	[dreg:$0x4] =	wrdreg s25;
	s30 =	sadd.s32 s22, s21  }
0x13: {  	s19 =	sadd.s32 s23, s19;
	s23 =	simm.s32 $0x1C080;
	s25 =	simm.s32 $0x1  }
0x14: {  	s21 =	sshrl.u32 s30, $0x3;
	s22 =	sadd.s32 $0x80, s30;
	s18 =	sadd.s32 s26, s19  }
0x15: {  	s26 =	simm.s32 $0x80;
	s19 =	sadd.s32 s21, s20;
	s31 =	sshrl.u32 s22, $0x3  }
0x16: {  	s21 =	simm.s32 $0x3;
	s22 =	simm.s32 $0x18000;
	s20 =	sadd.s32 s31, s20  }
.LBB2_1:
0x17: {  	s0 =	rddreg [dreg:$0x3]  }
0x18: {  	[tilespmem:s3], [sflag:$0x3] =	stream.linear.gather [hbm4b:s0+s3], $0x4000, $0x38;
	[tilespmem:$0x1C100] =	vst v63  }
0x19: {  	_ =	swait.ge [sflag:s21], $0x4000  }
0x1a: {  	[sflag:s21] =	ssyncset.done $0x0  }
0x1b: {  	[sflag:s21] =	ssyncadd.s32 $0xFFFFC000  }
0x1c: {  	[spmem:s5] =	stream.linear.scatter [tilespmem:s3], [sflag:$0x3], $0x4000, $0x38;
	[tilespmem:$0x1C100] =	vst v63  }
0x1d: {  	_ =	swait.ge [sflag:s21], $0x4000  }
0x1e: {  	[sflag:s21] =	ssyncset.done $0x0  }
0x1f: {  	[sflag:s21] =	ssyncadd.s32 $0xFFFFC000  }
0x20: {  	[spmem:s9] =	stream.linear.scatter [tilespmem:s3], [sflag:$0x3], $0x4000, $0x38;
	[tilespmem:$0x1C100] =	vst v63  }
0x21: {  	_ =	swait.ge [sflag:s21], $0x4000  }
0x22: {  	[sflag:s21] =	ssyncset.done $0x0  }
0x23: {  	[sflag:s21] =	ssyncadd.s32 $0xFFFFC000  }
0x24: {  	[spmem:s11] =	stream.linear.scatter [tilespmem:s3], [sflag:$0x3], $0x4000, $0x38;
	[tilespmem:$0x1C100] =	vst v63  }
0x25: {  	_ =	swait.ge [sflag:s21], $0x4000  }
0x26: {  	[sflag:s21] =	ssyncset.done $0x0  }
0x27: {  	[sflag:s21] =	ssyncadd.s32 $0xFFFFC000  }
0x28: {  	[spmem:s13] =	stream.linear.scatter [tilespmem:s3], [sflag:$0x3], $0x4000, $0x38;
	[tilespmem:$0x1C100] =	vst v63  }
0x29: {  	_ =	swait.ge [sflag:s21], $0x4000  }
0x2a: {  	[sflag:s21] =	ssyncset.done $0x0  }
0x2b: {  	[sflag:s21] =	ssyncadd.s32 $0xFFFFC000  }
0x2c: {  	[spmem:s15] =	stream.linear.scatter [tilespmem:s3], [sflag:$0x3], $0x4000, $0x38;
	[tilespmem:$0x1C100] =	vst v63  }
0x2d: {  	_ =	swait.ge [sflag:s21], $0x4000  }
0x2e: {  	[sflag:s21] =	ssyncset.done $0x0  }
0x2f: {  	[sflag:s21] =	ssyncadd.s32 $0xFFFFC000  }
0x30: {  	s2 =	sadd.s32 $0x0, s19;
	[bflag:$0x0] =	sbarrier.arrive $0xFFFF  }
0x31: {  	[tilespmem:s22], [sflag:$0x3] =	stream.linear.gather [hbm4b:s2+s3], $0x80, $0x38;
	[tilespmem:$0x1C100] =	vst v63  }
0x32: {  	_ =	swait.ge [sflag:s21], $0x80  }
0x33: {  	[sflag:s21] =	ssyncset.done $0x0  }
0x34: {  	s4 =	sadd.s32 $0x0, s20;
	[sflag:s21] =	ssyncadd.s32 $0xFFFFFF80  }
0x35: {  	[tilespmem:s23], [sflag:$0x3] =	stream.linear.gather [hbm4b:s4+s3], $0x80, $0x38;
	[tilespmem:$0x1C100] =	vst v63  }
0x36: {  	_ =	swait.ge [sflag:s21], $0x80  }
0x37: {  	[sflag:s21] =	ssyncset.done $0x0  }
0x38: {  	[sflag:s21] =	ssyncadd.s32 $0xFFFFFF80  }
0x39: {  	[tilespmem:s3], [sflag:$0x1] =	stream.linear.gather [hbm4b:s18+s3], $0x4000, $0x38;
	[tilespmem:$0x1C100] =	vst v63  }
0x3a: {  	s6 =	sadd.s32 $0x800, s18  }
0x3b: {  	[tilespmem:s24], [sflag:$0x2] =	stream.linear.gather [hbm4b:s6+s3], $0x4000, $0x38;
	[tilespmem:$0x1C100] =	vst v63  }
0x3c: {  	_ =	swait.ge [sflag:s25], $0x4000  }
0x3d: {  	[sflag:s25] =	ssyncset.done $0x0  }
0x3e: {  	[sflag:s25] =	ssyncadd.s32 $0xFFFFC000  }
0x3f: {  	[spmem:s1] =	stream.indirect.scatter.add.f32 [tilespmem:s3], [sflag:$0x3], $0x80, s22, s26, $0xb8;
	[tilespmem:$0x1C100] =	vst v63  }
0x40: {  	_ =	swait.ge [sflag:s21], $0x4000  }
0x41: {  	[sflag:s21] =	ssyncset.done $0x0  }
0x42: {  	[sflag:s21] =	ssyncadd.s32 $0xFFFFC000  }
0x43: {  	_ =	swait.ge [sflag:s28], $0x4000  }
0x44: {  	[sflag:s28] =	ssyncset.done $0x0  }
0x45: {  	[sflag:s28] =	ssyncadd.s32 $0xFFFFC000  }
0x46: {  	[spmem:s1] =	stream.indirect.scatter.add.f32 [tilespmem:s24], [sflag:$0x3], $0x80, s23, s26, $0xb8;
	[tilespmem:$0x1C100] =	vst v63  }
0x47: {  	s31 =	simm.s32 $0x20;
	_ =	swait.ge [sflag:s21], $0x4000  }
0x48: {  	s30 =	sadd.s32 $0x1000, s18;
	s0 =	simm.s32 $0x40;
	[sflag:s21] =	ssyncset.done $0x0  }
.LBB2_2:
0x49: {  	s2 =	sadd.s32 s31, s19  }
0x4a: {  	[sflag:s21] =	ssyncadd.s32 $0xFFFFC000;
	s4 =	smov.u32 s0;
	s6 =	sadd.s32 $0x20, s0  }
0x4b: {  	[tilespmem:s22], [sflag:$0x3] =	stream.linear.gather [hbm4b:s2+s3], $0x80, $0x38;
	[tilespmem:$0x1C100] =	vst v63  }
0x4c: {  	p0 =	sne.s32 s0, $0x4C0;
	_ =	swait.ge [sflag:s21], $0x80  }
0x4d: {  	[sflag:s21] =	ssyncset.done $0x0  }
0x4e: {  	s0 =	sadd.s32 s31, s20;
	s31 =	smov.u32 s4;
	[sflag:s21] =	ssyncadd.s32 $0xFFFFFF80  }
0x4f: {  	[tilespmem:s23], [sflag:$0x3] =	stream.linear.gather [hbm4b:s0+s3], $0x80, $0x38;
	[tilespmem:$0x1C100] =	vst v63  }
0x50: {  	_ =	swait.ge [sflag:s21], $0x80  }
0x51: {  	[sflag:s21] =	ssyncset.done $0x0  }
0x52: {  	[sflag:s21] =	ssyncadd.s32 $0xFFFFFF80  }
0x53: {  	[tilespmem:s3], [sflag:$0x1] =	stream.linear.gather [hbm4b:s30+s3], $0x4000, $0x38;
	[tilespmem:$0x1C100] =	vst v63  }
0x54: {  	s0 =	sadd.s32 $0x800, s30  }
0x55: {  	[tilespmem:s24], [sflag:$0x2] =	stream.linear.gather [hbm4b:s0+s3], $0x4000, $0x38;
	[tilespmem:$0x1C100] =	vst v63  }
0x56: {  	_ =	swait.ge [sflag:s25], $0x4000  }
0x57: {  	[sflag:s25] =	ssyncset.done $0x0  }
0x58: {  	[sflag:s25] =	ssyncadd.s32 $0xFFFFC000  }
0x59: {  	[spmem:s1] =	stream.indirect.scatter.add.f32 [tilespmem:s3], [sflag:$0x3], $0x80, s22, s26, $0xb8;
	[tilespmem:$0x1C100] =	vst v63  }
0x5a: {  	_ =	swait.ge [sflag:s21], $0x4000  }
0x5b: {  	[sflag:s21] =	ssyncset.done $0x0  }
0x5c: {  	[sflag:s21] =	ssyncadd.s32 $0xFFFFC000  }
0x5d: {  	_ =	swait.ge [sflag:s28], $0x4000  }
.Ltmp0:
0x5e: {  	[sflag:s28] =	ssyncset.done $0x0;
	(pc) =	sbr.rel @p0 .LBB2_2-.Ltmp0, $4  }
0x5f: {  	[sflag:s28] =	ssyncadd.s32 $0xFFFFC000  }
0x60: {  	[spmem:s1] =	stream.indirect.scatter.add.f32 [tilespmem:s24], [sflag:$0x3], $0x80, s23, s26, $0xb8;
	[tilespmem:$0x1C100] =	vst v63  }
0x61: {  	_ =	swait.ge [sflag:s21], $0x4000  }
0x62: {  	s30 =	sadd.s32 $0x1000, s30;
	s0 =	smov.u32 s6;
	[sflag:s21] =	ssyncset.done $0x0  }
0x63: {  	s0 =	sadd.s32 s31, s19;
	[sflag:s21] =	ssyncadd.s32 $0xFFFFC000  }
0x64: {  	[tilespmem:s22], [sflag:$0x3] =	stream.linear.gather [hbm4b:s0+s3], $0x80, $0x38;
	[tilespmem:$0x1C100] =	vst v63  }
0x65: {  	_ =	swait.ge [sflag:s21], $0x80  }
0x66: {  	[sflag:s21] =	ssyncset.done $0x0  }
0x67: {  	s6 =	sadd.s32 s31, s20;
	[sflag:s21] =	ssyncadd.s32 $0xFFFFFF80  }
0x68: {  	[tilespmem:s23], [sflag:$0x3] =	stream.linear.gather [hbm4b:s6+s3], $0x80, $0x38;
	[tilespmem:$0x1C100] =	vst v63  }
0x69: {  	_ =	swait.ge [sflag:s21], $0x80  }
0x6a: {  	[sflag:s21] =	ssyncset.done $0x0  }
0x6b: {  	[sflag:s21] =	ssyncadd.s32 $0xFFFFFF80  }
0x6c: {  	[tilespmem:s3], [sflag:$0x1] =	stream.linear.gather [hbm4b:s30+s3], $0x4000, $0x38;
	[tilespmem:$0x1C100] =	vst v63  }
0x6d: {  	s30 =	sadd.s32 $0x800, s30  }
0x6e: {  	[tilespmem:s24], [sflag:$0x2] =	stream.linear.gather [hbm4b:s30+s3], $0x4000, $0x38;
	[tilespmem:$0x1C100] =	vst v63  }
0x6f: {  	_ =	swait.ge [sflag:s25], $0x4000  }
0x70: {  	[sflag:s25] =	ssyncset.done $0x0  }
0x71: {  	[sflag:s25] =	ssyncadd.s32 $0xFFFFC000  }
0x72: {  	[spmem:s1] =	stream.indirect.scatter.add.f32 [tilespmem:s3], [sflag:$0x3], $0x80, s22, s26, $0xb8;
	[tilespmem:$0x1C100] =	vst v63  }
0x73: {  	_ =	swait.ge [sflag:s21], $0x4000  }
0x74: {  	[sflag:s21] =	ssyncset.done $0x0  }
0x75: {  	[sflag:s21] =	ssyncadd.s32 $0xFFFFC000  }
0x76: {  	_ =	swait.ge [sflag:s28], $0x4000  }
0x77: {  	[sflag:s28] =	ssyncset.done $0x0  }
0x78: {  	[sflag:s28] =	ssyncadd.s32 $0xFFFFC000  }
0x79: {  	[spmem:s1] =	stream.indirect.scatter.add.f32 [tilespmem:s24], [sflag:$0x3], $0x80, s23, s26, $0xb8;
	[tilespmem:$0x1C100] =	vst v63  }
0x7a: {  	_ =	swait.ge [sflag:s21], $0x4000  }
0x7b: {  	[sflag:s21] =	ssyncset.done $0x0  }
0x7c: {  	s31 =	rddreg [dreg:$0x4];
	[sflag:s21] =	ssyncadd.s32 $0xFFFFC000  }
0x7d: {  	[tilespmem:s22], [sflag:$0x3] =	stream.linear.gather [hbm4b:s31+s3], $0x80, $0x38;
	[tilespmem:$0x1C100] =	vst v63  }
0x7e: {  	_ =	swait.ge [sflag:s21], $0x80  }
0x7f: {  	[sflag:s21] =	ssyncset.done $0x0  }
0x80: {  	[sflag:s21] =	ssyncadd.s32 $0xFFFFFF80  }
0x81: {  	[tilespmem:s3], [sflag:$0x3] =	stream.linear.gather [hbm4b:s7+s3], $0x4000, $0x38;
	[tilespmem:$0x1C100] =	vst v63  }
0x82: {  	_ =	swait.ge [sflag:s21], $0x4000  }
0x83: {  	[sflag:s21] =	ssyncset.done $0x0  }
0x84: {  	[sflag:s21] =	ssyncadd.s32 $0xFFFFC000  }
0x85: {  	[spmem:s1] =	stream.indirect.scatter.add.f32 [tilespmem:s3], [sflag:$0x3], $0x80, s22, s26, $0xb8;
	[tilespmem:$0x1C100] =	vst v63  }
0x86: {  	_ =	swait.ge [sflag:s21], $0x4000  }
0x87: {  	[sflag:s21] =	ssyncset.done $0x0  }
0x88: {  	[sflag:s21] =	ssyncadd.s32 $0xFFFFC000  }
0x89: {  	[bflag:$0x0] =	sbarrier.arrive $0xFFFF  }
0x8a: {  	[tilespmem:s3], [sflag:$0x3] =	stream.linear.gather [spmem:s5], $0x4000, $0x38;
	[tilespmem:$0x1C100] =	vst v63  }
0x8b: {  	_ =	swait.ge [sflag:s21], $0x4000  }
0x8c: {  	[sflag:s21] =	ssyncset.done $0x0  }
0x8d: {  	[sflag:s21] =	ssyncadd.s32 $0xFFFFC000  }
0x8e: {  	[hbm4b:s10+s3] =	stream.linear.scatter [tilespmem:s3], [sflag:$0x3], $0x4000, $0x38;
	[tilespmem:$0x1C100] =	vst v63  }
0x8f: {  	_ =	swait.ge [sflag:s21], $0x4000  }
0x90: {  	[sflag:s21] =	ssyncset.done $0x0  }
0x91: {  	[sflag:s21] =	ssyncadd.s32 $0xFFFFC000  }
0x92: {  	[tilespmem:s3], [sflag:$0x3] =	stream.linear.gather [spmem:s9], $0x4000, $0x38;
	[tilespmem:$0x1C100] =	vst v63  }
0x93: {  	_ =	swait.ge [sflag:s21], $0x4000  }
0x94: {  	[sflag:s21] =	ssyncset.done $0x0  }
0x95: {  	[sflag:s21] =	ssyncadd.s32 $0xFFFFC000  }
0x96: {  	[hbm4b:s12+s3] =	stream.linear.scatter [tilespmem:s3], [sflag:$0x3], $0x4000, $0x38;
	[tilespmem:$0x1C100] =	vst v63  }
0x97: {  	_ =	swait.ge [sflag:s21], $0x4000  }
0x98: {  	[sflag:s21] =	ssyncset.done $0x0  }
0x99: {  	[sflag:s21] =	ssyncadd.s32 $0xFFFFC000  }
0x9a: {  	[tilespmem:s3], [sflag:$0x3] =	stream.linear.gather [spmem:s11], $0x4000, $0x38;
	[tilespmem:$0x1C100] =	vst v63  }
0x9b: {  	_ =	swait.ge [sflag:s21], $0x4000  }
0x9c: {  	[sflag:s21] =	ssyncset.done $0x0  }
0x9d: {  	[sflag:s21] =	ssyncadd.s32 $0xFFFFC000  }
0x9e: {  	[hbm4b:s14+s3] =	stream.linear.scatter [tilespmem:s3], [sflag:$0x3], $0x4000, $0x38;
	[tilespmem:$0x1C100] =	vst v63  }
0x9f: {  	_ =	swait.ge [sflag:s21], $0x4000  }
0xa0: {  	[sflag:s21] =	ssyncset.done $0x0  }
0xa1: {  	[sflag:s21] =	ssyncadd.s32 $0xFFFFC000  }
0xa2: {  	[tilespmem:s3], [sflag:$0x3] =	stream.linear.gather [spmem:s13], $0x4000, $0x38;
	[tilespmem:$0x1C100] =	vst v63  }
0xa3: {  	_ =	swait.ge [sflag:s21], $0x4000  }
0xa4: {  	[sflag:s21] =	ssyncset.done $0x0  }
0xa5: {  	[sflag:s21] =	ssyncadd.s32 $0xFFFFC000  }
0xa6: {  	[hbm4b:s16+s3] =	stream.linear.scatter [tilespmem:s3], [sflag:$0x3], $0x4000, $0x38;
	[tilespmem:$0x1C100] =	vst v63  }
0xa7: {  	_ =	swait.ge [sflag:s21], $0x4000  }
0xa8: {  	[sflag:s21] =	ssyncset.done $0x0  }
0xa9: {  	[sflag:s21] =	ssyncadd.s32 $0xFFFFC000  }
0xaa: {  	[tilespmem:s3], [sflag:$0x3] =	stream.linear.gather [spmem:s15], $0x4000, $0x38;
	[tilespmem:$0x1C100] =	vst v63  }
0xab: {  	s29 =	sadd.s32 $0x1, s29;
	_ =	swait.ge [sflag:s21], $0x4000  }
0xac: {  	p0 =	sne.s32 s29, s8;
	[sflag:s21] =	ssyncset.done $0x0  }
.Ltmp1:
0xad: {  	[sflag:s21] =	ssyncadd.s32 $0xFFFFC000;
	(pc) =	sbr.rel @p0 .LBB2_1-.Ltmp1, $4  }
0xae: {  	[hbm4b:s17+s3] =	stream.linear.scatter [tilespmem:s3], [sflag:$0x3], $0x4000, $0x38;
	[tilespmem:$0x1C100] =	vst v63  }
0xaf: {  	_ =	swait.ge [sflag:s21], $0x4000  }
0xb0: {  	[sflag:s21] =	ssyncset.done $0x0  }
0xb1: {  	[sflag:s21] =	ssyncadd.s32 $0xFFFFC000  }
0xb2: {  	_ =	sfence.sel $0x180000  }
0xb3: {  	[bflag:$0x0] =	sbarrier.arrive $0xFFFF  }
0xb4: {  	_ =	strace $0x90000062  }
0xb5: {  	s0 =	stileid.u32;
	[bflag:$0x2] =	sbarrier.arrive $0xFFFF  }
0xb6: {  	p0 =	sne.s32 s0, $0x0;
	s0 =	rddreg [dreg:$0x2]  }
0xb7: {  	s0 =	sadd.s32 @!p0 $0x100000, s0  }
0xb8: {  	[sflag:s0] =	ssyncadd.tile.s32 @!p0 $0x1;
	_ =	shalt  }
.Lfunc_end2:
_tile_overlayer_lowered:
.L_overlay_start_2:
0xb9: {  	(tag) =	ssettag $0x2  }
0xba: {  	s0 =	rddreg [dreg:$0x0];
	s2 =	stileid.u32  }
0xbb: {  	s1 =	rddreg [dreg:$0x1];
	p0 =	sne.s32 s2, $0x0  }
0xbc: {  	s3 =	rddreg [dreg:$0x2];
	[bflag:$0x3] =	sbarrier.arrive $0xFFFF;
	s2 =	simm.s32 @!p0 $0x1C03  }
0xbd: {  	[timem:s3], [sflag:s2] =	dma.local @!p0 [hbm:s0], s1  }
0xbe: {  	s0 =	simm.s32 @!p0 $0x3  }
0xbf: {  	_ =	swait.ge @!p0 [sflag:s0], s1  }
0xc0: {  	s1 =	ssub.s32 @!p0 $0x0, s1;
	[sflag:s0] =	ssyncset.done @!p0 $0x0  }
0xc1: {  	[sflag:s0] =	ssyncadd.s32 @!p0 s1  }
0xc2: {  	[bflag:$0x3] =	sbarrier.arrive $0xFFFF  }
0xc3: {  	_ =	shalt  }

// kernel: kernel.55.cloned.1.call-start
scs
__scs_entry_jumppad:
0x0: {  	(pc) =	sbr.rel $0x88, $3  }
0x1: {  	(tag) =	ssettag $0x0;
	lr =	simm.s32 $0x1  }
0x2: {  	[smem:$0x3F8F] =	sst lr;
	_ =	strace $0xD0000000  }
0x3: {  	_ = 	snop  }
0x4: {  	_ = 	snop  }
0x5: {  	_ = 	snop  }
0x6: {  	_ = 	snop  }
0x7: {  	_ = 	snop  }
__scs_overlays_trampoline_lowered:
0x8: {  	[smem:$0x3F9E] =	sst s0  }
0x9: {  	[smem:$0x3F9F] =	sst s1  }
0xa: {  	[smem:$0x3FA0] =	sst s2  }
0xb: {  	[smem:$0x3FA1] =	sst s3  }
0xc: {  	[smem:$0x3FA2] =	sst s4  }
0xd: {  	[smem:$0x3FA3] =	sst s5  }
0xe: {  	[smem:$0x3FA4] =	sst s6  }
0xf: {  	[smem:$0x3FA5] =	sst s7  }
0x10: {  	[smem:$0x3FA6] =	sst s8  }
0x11: {  	[smem:$0x3FA7] =	sst s9;
	s0 =	simm.s32 @!p0 $0x0  }
0x12: {  	s1 =	sld [smem:$0x3F8D];
	s0 =	simm.s32 @p0 $0x1  }
0x13: {  	[smem:$0x3FA8] =	sst s0;
	s0 =	simm.s32 @!p1 $0x0  }
0x14: {  	s2 =	sld [smem:$0x3F8C];
	s0 =	simm.s32 @p1 $0x1  }
0x15: {  	[smem:$0x3FA9] =	sst s0;
	s0 =	simm.s32 @!p2 $0x0  }
0x16: {  	s3 =	sld [smem:$0x3FDB];
	s0 =	simm.s32 @p2 $0x1  }
0x17: {  	s4 =	simm.s32 $0x1BF5;
	[smem:$0x3FAB] =	sst s0  }
0x18: {  	s0 =	sld [smem:$0x3F8E];
	_ =	swait.ge [sflag:s4], $0x0  }
0x19: {  	s7 =	sld [smem:$0x3F8F]  }
0x1a: {  	s8 =	sadd.s32 $0xFFFFE003, lr  }
0x1b: {  	s9 =	sadd.s32 $0xFFFFFEF7, lr;
	s5 =	simm.s32 $0xFFFFFFFF;
	p2 =	slt.u32 s8, $0xFFFFF086  }
0x1c: {  	p1 =	slt.u32 s9, $0xF7A;
	s5 =	simm.s32 @!p2 $0x0  }
0x1d: {  	s5 =	simm.s32 @p1 $0x1;
	p0 =	seq.s32 s7, s2  }
0x1e: {  	s7 =	smul.u32 @!p0 $0xF7A, s2;
	p2 =	seq.s32 @!p0 s5, $0x0  }
0x1f: {  	s9 =	smul.u32 $0xF7A, s1;
	s8 =	simm.s32 @!p0 $0x1BF5;
	p2 =	por !p2, p0  }
0x20: {  	[sflag:s8] =	ssyncset.s32 @!p0 $0xFFFFF086;
	s6 =	sadd.s32 @!p0 s3, s7;
	s7 =	simm.s32 @!p0 $0x108  }
0x21: {  	s3 =	sadd.s32 s3, s9;
	s6 =	sadd.s32 @!p0 $0x88, s6;
	s7 =	simm.s32 @p2 $0x1082  }
0x22: {  	[simem:s7], [sflag:s8] =	dma.local @!p0 [hbm:s6], $0xF7A  }
0x23: {  	s9 =	sor.u32 $0xD0000000, s2;
	s6 =	simm.s32 $0x108;
	_ =	swait.ge @!p0 [sflag:s8], $0x0  }
0x24: {  	s3 =	sadd.s32 $0x88, s3;
	s6 =	simm.s32 @!p1 $0x1082;
	[sflag:s4] =	ssyncset.s32 $0xFFFFF086  }
0x25: {  	[simem:s6], [sflag:s4] =	dma.local [hbm:s3], $0xF7A  }
0x26: {  	[smem:$0x3F8F] =	sst s1;
	(tag) =	ssettag s2;
	_ =	strace s9  }
0x27: {  	s1 =	sld [smem:$0x3F9F]  }
0x28: {  	s2 =	sld [smem:$0x3FA0]  }
0x29: {  	s4 =	sld [smem:$0x3FA2]  }
0x2a: {  	p0 =	seq.s32 s5, $0x0;
	s5 =	sld [smem:$0x3FA3]  }
0x2b: {  	s6 =	sld [smem:$0x3FA4]  }
0x2c: {  	s7 =	sld [smem:$0x3FA5]  }
0x2d: {  	s3 =	simm.s32 $0x108;
	s8 =	sld [smem:$0x3FA6]  }
0x2e: {  	s3 =	simm.s32 @!p0 $0x1082;
	s9 =	sld [smem:$0x3FA7]  }
0x2f: {  	lr =	sadd.s32 s0, s3;
	s0 =	sld [smem:$0x3F9E]  }
0x30: {  	s3 =	sld [smem:$0x3FA1]  }
0x31: {  	[smem:$0x3FAA] =	sst s10  }
0x32: {  	s10 =	sld [smem:$0x3FA8];
	_ =	sdelay $0x3  }
0x33: {  	p0 =	seq.s32 s10, $0x1;
	s10 =	sld [smem:$0x3FAA];
	_ =	sdelay $0x3  }
0x34: {  	[smem:$0x3FAA] =	sst s10  }
0x35: {  	s10 =	sld [smem:$0x3FA9];
	_ =	sdelay $0x3  }
0x36: {  	p1 =	seq.s32 s10, $0x1;
	s10 =	sld [smem:$0x3FAA];
	_ =	sdelay $0x3  }
0x37: {  	[smem:$0x3FAA] =	sst s10  }
0x38: {  	s10 =	sld [smem:$0x3FAB]  }
0x39: {  	_ = 	snop;
	(pc) =	sbr.ind lr, $3  }
0x3a: {  	_ = 	snop  }
0x3b: {  	_ = 	snop  }
0x3c: {  	p2 =	seq.s32 s10, $0x1;
	s10 =	sld [smem:$0x3FAA]  }
0x3d: {  	_ =	shalt  }
0x3e: {  	_ =	shalt  }
0x3f: {  	_ =	shalt  }
0x40: {  	_ =	shalt  }
0x41: {  	_ =	shalt  }
0x42: {  	_ =	shalt  }
0x43: {  	_ =	shalt  }
0x44: {  	_ =	shalt  }
0x45: {  	_ =	shalt  }
0x46: {  	_ =	shalt  }
0x47: {  	_ =	shalt  }
0x48: {  	_ =	shalt  }
0x49: {  	_ =	shalt  }
0x4a: {  	_ =	shalt  }
0x4b: {  	_ =	shalt  }
0x4c: {  	_ =	shalt  }
0x4d: {  	_ =	shalt  }
0x4e: {  	_ =	shalt  }
0x4f: {  	_ =	shalt  }
0x50: {  	_ =	shalt  }
0x51: {  	_ =	shalt  }
0x52: {  	_ =	shalt  }
0x53: {  	_ =	shalt  }
0x54: {  	_ =	shalt  }
0x55: {  	_ =	shalt  }
0x56: {  	_ =	shalt  }
0x57: {  	_ =	shalt  }
0x58: {  	_ =	shalt  }
0x59: {  	_ =	shalt  }
0x5a: {  	_ =	shalt  }
0x5b: {  	_ =	shalt  }
0x5c: {  	_ =	shalt  }
0x5d: {  	_ =	shalt  }
0x5e: {  	_ =	shalt  }
0x5f: {  	_ =	shalt  }
0x60: {  	_ =	shalt  }
0x61: {  	_ =	shalt  }
0x62: {  	_ =	shalt  }
0x63: {  	_ =	shalt  }
0x64: {  	_ =	shalt  }
0x65: {  	_ =	shalt  }
0x66: {  	_ =	shalt  }
0x67: {  	_ =	shalt  }
0x68: {  	_ =	shalt  }
0x69: {  	_ =	shalt  }
0x6a: {  	_ =	shalt  }
0x6b: {  	_ =	shalt  }
0x6c: {  	_ =	shalt  }
0x6d: {  	_ =	shalt  }
0x6e: {  	_ =	shalt  }
0x6f: {  	_ =	shalt  }
0x70: {  	_ =	shalt  }
0x71: {  	_ =	shalt  }
0x72: {  	_ =	shalt  }
0x73: {  	_ =	shalt  }
0x74: {  	_ =	shalt  }
0x75: {  	_ =	shalt  }
0x76: {  	_ =	shalt  }
0x77: {  	_ =	shalt  }
0x78: {  	_ =	shalt  }
0x79: {  	_ =	shalt  }
0x7a: {  	_ =	shalt  }
0x7b: {  	_ =	shalt  }
0x7c: {  	_ =	shalt  }
0x7d: {  	_ =	shalt  }
0x7e: {  	_ =	shalt  }
0x7f: {  	_ =	shalt  }
0x80: {  	_ =	shalt  }
0x81: {  	_ =	shalt  }
0x82: {  	_ =	shalt  }
0x83: {  	_ =	shalt  }
0x84: {  	_ =	shalt  }
0x85: {  	_ =	shalt  }
0x86: {  	_ =	shalt  }
0x87: {  	_ =	shalt  }
.Lfunc_end0:
.L_simem_size_0:
called_computation.9_lowered:
.L_overlay_start_0:
0x88: {  	s2 =	sld [smem:$0x3FD9]  }
0x89: {  	s3 =	sld [smem:$0x3FFE];
	_ =	sdelay $0x1  }
0x8a: {  	s1 =	srdreg.scid  }
0x8b: {  	s0 =	sand.u32 $0x1, s1  }
0x8c: {  	s16 =	sshll.u32 s0, $0xA;
	s2 =	sadd.s32 s3, s2  }
0x8d: {  	s2 =	sadd.s32 s2, s16  }
0x8e: {  	[smem:$0x3FB6] =	sst s2  }
0x8f: {  	_ = 	snop  }
0x90: {  	(tm) =	ssettm $0x1  }
0x91: {  	s17 =	sld [smem:$0x3FFB];
	_ =	sdelay $0x3  }
0x92: {  	_ =	strace s17  }
0x93: {  	s2 =	sld [smem:$0x3FFC];
	_ =	sdelay $0x3  }
0x94: {  	_ =	strace s2  }
0x95: {  	s2 =	sld [smem:$0x3FFD];
	_ =	sdelay $0x3  }
0x96: {  	_ =	strace s2  }
0x97: {  	_ =	strace $0x8FFFFFFF  }
0x98: {  	s18 =	sld [smem:$0x3FDB];
	_ =	sdelay $0x1  }
0x99: {  	s19 =	simm.s32 $_scs_section_size  }
0x9a: {  	s4 =	simm.s32 $_size__tile_overlayer_lowered;
	s5 =	simm.s32 $_tile_overlayer_lowered  }
0x9b: {  	s22 =	simm.s32 $0x1BFF;
	s21 =	sshll.u32 s5, $0x1;
	s2 =	sadd.s32 s19, s18  }
0x9c: {  	s6 =	simm.s32 $0x0;
	s20 =	sshll.u32 s4, $0x1;
	s4 =	sadd.s32 s21, s2  }
0x9d: {  	[timem:s6], [sflag:s22] =	dma.local [hbm:s4], s20  }
0x9e: {  	_ =	swait.ge [sflag:s22], s20  }
0x9f: {  	s3 =	ssub.s32 $0x0, s20;
	[sflag:s22] =	ssyncset.done $0x0  }
0xa0: {  	[sflag:s22] =	ssyncadd.s32 s3;
	_ =	sdelay $0x1  }
0xa1: {  	s23 =	simm.s32 $0x1B8B  }
0xa2: {  	_ =	swait.ge [sflag:s23], $0x1  }
0xa3: {  	[sflag:s23] =	ssyncset.done $0x0  }
0xa4: {  	s25 =	simm.s32 $0x1B8E;
	s24 =	sld [smem:$0x3FFE];
	[sflag:s23] =	ssyncadd.s32 $0xFFFFFFFF  }
0xa5: {  	s26 =	simm.s32 $execute0_lowered;
	[smem:$0x3FD2] =	sst s25  }
0xa6: {  	s4 =	sshll.u32 s26, $0x1;
	_ =	strace $0x8000005E;
	[dreg:$0x1] =	wrdreg $0xFFFFFFFF  }
0xa7: {  	s28 =	simm.s32 $_size_execute0_lowered;
	s2 =	sadd.s32 s2, s4;
	[dreg:$0x0] =	wrdreg $0x0  }
0xa8: {  	s4 =	sshll.u32 s28, $0x1;
	[dreg:$0x2] =	wrdreg s2  }
0xa9: {  	[dreg:$0x3] =	wrdreg s4  }
0xaa: {  	[dreg:$0x4] =	wrdreg $0xC0  }
0xab: {  	_ =	task [dreg:s6], $0x5FFFF  }
0xac: {  	[dreg:$0x1] =	wrdreg $0xFFFFFFFF  }
0xad: {  	[dreg:$0x0] =	wrdreg $0x60  }
0xae: {  	[dreg:$0x2] =	wrdreg s24  }
0xaf: {  	[dreg:$0x3] =	wrdreg $0x40000  }
0xb0: {  	[dreg:$0x4] =	wrdreg $0xA  }
0xb1: {  	_ =	task.clear_ibuf [dreg:s6], $0x5FFFF;
	_ =	strace $0x9000005E  }
0xb2: {  	s29 =	simm.s32 $0xA;
	_ =	strace $0x80000060  }
0xb3: {  	_ =	swait.ge [sflag:s29], $0x1  }
0xb4: {  	[sflag:s29] =	ssyncadd.s32 $0xFFFFFFFF  }
0xb5: {  	_ =	strace $0x90000060  }
0xb6: {  	_ =	sfence  }
0xb7: {  	s30 =	sld [smem:$0x0];
	_ =	sdelay $0x2  }
0xb8: {  	s31 =	sshll.u32 s1, $0xD;
	s1 =	sshrl.u32 s1, $0x2  }
0xb9: {  	s3 =	sand.u32 $0x4000, s31;
	s1 =	sadd.s32 s1, s30  }
0xba: {  	s0 =	sor.u32 s3, s0;
	s1 =	sshll.u32 s1, $0x11  }
0xbb: {  	s0 =	sor.u32 s1, s0  }
0xbc: {  	s0 =	sadd.s32 $0x8F2B, s0  }
0xbd: {  	[sflag:s0] =	ssyncadd.remote.s32 $0x1  }
0xbe: {  	_ =	sfence.sel $0xFFFF  }
0xbf: {  	[dreg:$0x0] =	wrdreg $0xFFFFFFFF;
	(pc) =	sbr.abs _section_cstart, $3  }
0xc0: {  	[dreg:$0x1] =	wrdreg $0xFFFFFFFF  }
0xc1: {  	_ =	task.clear_ibuf [dreg:s6], $0x2FFFF;
	_ =	strace $0x9FFFFFFF  }
0xc2: {  	(tm) =	ssettm $0x7FFFFFFF  }
0xc3: {  	_ =	shalt  }
tec
execute0_lowered:
.L_overlay_start_1:
0x0: {  	(tag) =	ssettag $0x1  }
0x1: {  	s0 =	rddreg [dreg:$0x0]  }
0x2: {  	s1 =	rddreg [dreg:$0x1]  }
0x3: {  	s3 =	simm.s32 $0x0;
	s4 =	srdreg.scid;
	s2 =	stileid.u32  }
0x4: {  	s28 =	simm.s32 $0x2;
	s29 =	simm.s32 $0x0;
	[smem:$0x7FF] =	sst s3  }
0x5: {  	s18 =	sand.u32 $0x1, s4;
	s5 =	smul.u32 $0x280, s2;
	s20 =	sadd.s32 $0x507C00, s0  }
0x6: {  	s19 =	sadd.s32 $0xDE00, s0;
	s17 =	sadd.s32 $0x511A00, s0;
	s9 =	smul.u32 $0x50000, s2  }
0x7: {  	s7 =	sshll.u32 s2, $0x1;
	_ =	strace $0x8000005F;
	s6 =	smul.u32 $0x2800, s18  }
0x8: {  	s7 =	sor.u32 s18, s7;
	s21 =	ssub.s32 $0x2, s18;
	s26 =	smul.u32 $0x27800, s18  }
0x9: {  	[dreg:$0x3] =	wrdreg s17;
	s7 =	smul.u32 $0x2780, s7;
	s8 =	sshrl.u32 s21, $0x1  }
0xa: {  	s23 =	sshrl.u32 s9, $0x2;
	s5 =	sadd.s32 s6, s5;
	s8 =	ssub.s32 s21, s8  }
0xb: {  	s21 =	smul.u32 $0x4F00, s2;
	s5 =	sshll.u32 s5, $0x4;
	s22 =	sadd.s32 $0x2700, s7  }
0xc: {  	s8 =	smax.u32 s8, $0x1;
	s0 =	sadd.s32 s5, s0;
	s7 =	sshrl.u32 s22, $0x3  }
0xd: {  	s24 =	sshll.u32 s22, $0x4;
	s5 =	sadd.s32 s23, s1;
	s22 =	smul.u32 $0x2780, s18  }
0xe: {  	s23 =	smul.u32 $0x4F000, s2;
	s25 =	sadd.s32 s20, s7;
	s10 =	sadd.s32 $0x512200, s0  }
0xf: {  	s9 =	sadd.s32 $0x4000, s5;
	s11 =	sadd.s32 $0x8000, s5;
	s12 =	sadd.s32 $0x512A00, s0  }
0x10: {  	s13 =	sadd.s32 $0xC000, s5;
	s14 =	sadd.s32 $0x513200, s0;
	s15 =	sadd.s32 $0x10000, s5  }
0x11: {  	s7 =	sadd.s32 s19, s24;
	s16 =	sadd.s32 $0x513A00, s0;
	s17 =	sadd.s32 $0x514200, s0  }
0x12: {  	s24 =	simm.s32 $0x18080;
	[dreg:$0x4] =	wrdreg s25;
	s30 =	sadd.s32 s22, s21  }
0x13: {  	s19 =	sadd.s32 s23, s19;
	s23 =	simm.s32 $0x1C080;
	s25 =	simm.s32 $0x1  }
0x14: {  	s21 =	sshrl.u32 s30, $0x3;
	s22 =	sadd.s32 $0x80, s30;
	s18 =	sadd.s32 s26, s19  }
0x15: {  	s26 =	simm.s32 $0x80;
	s19 =	sadd.s32 s21, s20;
	s31 =	sshrl.u32 s22, $0x3  }
0x16: {  	s21 =	simm.s32 $0x3;
	s22 =	simm.s32 $0x18000;
	s20 =	sadd.s32 s31, s20  }
.LBB2_1:
0x17: {  	s0 =	rddreg [dreg:$0x3]  }
0x18: {  	[tilespmem:s3], [sflag:$0x3] =	stream.linear.gather [hbm4b:s0+s3], $0x4000, $0x38;
	[tilespmem:$0x1C100] =	vst v63  }
0x19: {  	_ =	swait.ge [sflag:s21], $0x4000  }
0x1a: {  	[sflag:s21] =	ssyncset.done $0x0  }
0x1b: {  	[sflag:s21] =	ssyncadd.s32 $0xFFFFC000  }
0x1c: {  	[spmem:s5] =	stream.linear.scatter [tilespmem:s3], [sflag:$0x3], $0x4000, $0x38;
	[tilespmem:$0x1C100] =	vst v63  }
0x1d: {  	_ =	swait.ge [sflag:s21], $0x4000  }
0x1e: {  	[sflag:s21] =	ssyncset.done $0x0  }
0x1f: {  	[sflag:s21] =	ssyncadd.s32 $0xFFFFC000  }
0x20: {  	[spmem:s9] =	stream.linear.scatter [tilespmem:s3], [sflag:$0x3], $0x4000, $0x38;
	[tilespmem:$0x1C100] =	vst v63  }
0x21: {  	_ =	swait.ge [sflag:s21], $0x4000  }
0x22: {  	[sflag:s21] =	ssyncset.done $0x0  }
0x23: {  	[sflag:s21] =	ssyncadd.s32 $0xFFFFC000  }
0x24: {  	[spmem:s11] =	stream.linear.scatter [tilespmem:s3], [sflag:$0x3], $0x4000, $0x38;
	[tilespmem:$0x1C100] =	vst v63  }
0x25: {  	_ =	swait.ge [sflag:s21], $0x4000  }
0x26: {  	[sflag:s21] =	ssyncset.done $0x0  }
0x27: {  	[sflag:s21] =	ssyncadd.s32 $0xFFFFC000  }
0x28: {  	[spmem:s13] =	stream.linear.scatter [tilespmem:s3], [sflag:$0x3], $0x4000, $0x38;
	[tilespmem:$0x1C100] =	vst v63  }
0x29: {  	_ =	swait.ge [sflag:s21], $0x4000  }
0x2a: {  	[sflag:s21] =	ssyncset.done $0x0  }
0x2b: {  	[sflag:s21] =	ssyncadd.s32 $0xFFFFC000  }
0x2c: {  	[spmem:s15] =	stream.linear.scatter [tilespmem:s3], [sflag:$0x3], $0x4000, $0x38;
	[tilespmem:$0x1C100] =	vst v63  }
0x2d: {  	_ =	swait.ge [sflag:s21], $0x4000  }
0x2e: {  	[sflag:s21] =	ssyncset.done $0x0  }
0x2f: {  	[sflag:s21] =	ssyncadd.s32 $0xFFFFC000  }
0x30: {  	s2 =	sadd.s32 $0x0, s19;
	[bflag:$0x0] =	sbarrier.arrive $0xFFFF  }
0x31: {  	[tilespmem:s22], [sflag:$0x3] =	stream.linear.gather [hbm4b:s2+s3], $0x80, $0x38;
	[tilespmem:$0x1C100] =	vst v63  }
0x32: {  	_ =	swait.ge [sflag:s21], $0x80  }
0x33: {  	[sflag:s21] =	ssyncset.done $0x0  }
0x34: {  	s4 =	sadd.s32 $0x0, s20;
	[sflag:s21] =	ssyncadd.s32 $0xFFFFFF80  }
0x35: {  	[tilespmem:s23], [sflag:$0x3] =	stream.linear.gather [hbm4b:s4+s3], $0x80, $0x38;
	[tilespmem:$0x1C100] =	vst v63  }
0x36: {  	_ =	swait.ge [sflag:s21], $0x80  }
0x37: {  	[sflag:s21] =	ssyncset.done $0x0  }
0x38: {  	[sflag:s21] =	ssyncadd.s32 $0xFFFFFF80  }
0x39: {  	[tilespmem:s3], [sflag:$0x1] =	stream.linear.gather [hbm4b:s18+s3], $0x4000, $0x38;
	[tilespmem:$0x1C100] =	vst v63  }
0x3a: {  	s6 =	sadd.s32 $0x800, s18  }
0x3b: {  	[tilespmem:s24], [sflag:$0x2] =	stream.linear.gather [hbm4b:s6+s3], $0x4000, $0x38;
	[tilespmem:$0x1C100] =	vst v63  }
0x3c: {  	_ =	swait.ge [sflag:s25], $0x4000  }
0x3d: {  	[sflag:s25] =	ssyncset.done $0x0  }
0x3e: {  	[sflag:s25] =	ssyncadd.s32 $0xFFFFC000  }
0x3f: {  	[spmem:s1] =	stream.indirect.scatter.add.f32 [tilespmem:s3], [sflag:$0x3], $0x80, s22, s26, $0xb8;
	[tilespmem:$0x1C100] =	vst v63  }
0x40: {  	_ =	swait.ge [sflag:s21], $0x4000  }
0x41: {  	[sflag:s21] =	ssyncset.done $0x0  }
0x42: {  	[sflag:s21] =	ssyncadd.s32 $0xFFFFC000  }
0x43: {  	_ =	swait.ge [sflag:s28], $0x4000  }
0x44: {  	[sflag:s28] =	ssyncset.done $0x0  }
0x45: {  	[sflag:s28] =	ssyncadd.s32 $0xFFFFC000  }
0x46: {  	[spmem:s1] =	stream.indirect.scatter.add.f32 [tilespmem:s24], [sflag:$0x3], $0x80, s23, s26, $0xb8;
	[tilespmem:$0x1C100] =	vst v63  }
0x47: {  	s31 =	simm.s32 $0x20;
	_ =	swait.ge [sflag:s21], $0x4000  }
0x48: {  	s30 =	sadd.s32 $0x1000, s18;
	s0 =	simm.s32 $0x40;
	[sflag:s21] =	ssyncset.done $0x0  }
.LBB2_2:
0x49: {  	s2 =	sadd.s32 s31, s19  }
0x4a: {  	[sflag:s21] =	ssyncadd.s32 $0xFFFFC000;
	s4 =	smov.u32 s0;
	s6 =	sadd.s32 $0x20, s0  }
0x4b: {  	[tilespmem:s22], [sflag:$0x3] =	stream.linear.gather [hbm4b:s2+s3], $0x80, $0x38;
	[tilespmem:$0x1C100] =	vst v63  }
0x4c: {  	p0 =	sne.s32 s0, $0x4C0;
	_ =	swait.ge [sflag:s21], $0x80  }
0x4d: {  	[sflag:s21] =	ssyncset.done $0x0  }
0x4e: {  	s0 =	sadd.s32 s31, s20;
	s31 =	smov.u32 s4;
	[sflag:s21] =	ssyncadd.s32 $0xFFFFFF80  }
0x4f: {  	[tilespmem:s23], [sflag:$0x3] =	stream.linear.gather [hbm4b:s0+s3], $0x80, $0x38;
	[tilespmem:$0x1C100] =	vst v63  }
0x50: {  	_ =	swait.ge [sflag:s21], $0x80  }
0x51: {  	[sflag:s21] =	ssyncset.done $0x0  }
0x52: {  	[sflag:s21] =	ssyncadd.s32 $0xFFFFFF80  }
0x53: {  	[tilespmem:s3], [sflag:$0x1] =	stream.linear.gather [hbm4b:s30+s3], $0x4000, $0x38;
	[tilespmem:$0x1C100] =	vst v63  }
0x54: {  	s0 =	sadd.s32 $0x800, s30  }
0x55: {  	[tilespmem:s24], [sflag:$0x2] =	stream.linear.gather [hbm4b:s0+s3], $0x4000, $0x38;
	[tilespmem:$0x1C100] =	vst v63  }
0x56: {  	_ =	swait.ge [sflag:s25], $0x4000  }
0x57: {  	[sflag:s25] =	ssyncset.done $0x0  }
0x58: {  	[sflag:s25] =	ssyncadd.s32 $0xFFFFC000  }
0x59: {  	[spmem:s1] =	stream.indirect.scatter.add.f32 [tilespmem:s3], [sflag:$0x3], $0x80, s22, s26, $0xb8;
	[tilespmem:$0x1C100] =	vst v63  }
0x5a: {  	_ =	swait.ge [sflag:s21], $0x4000  }
0x5b: {  	[sflag:s21] =	ssyncset.done $0x0  }
0x5c: {  	[sflag:s21] =	ssyncadd.s32 $0xFFFFC000  }
0x5d: {  	_ =	swait.ge [sflag:s28], $0x4000  }
.Ltmp0:
0x5e: {  	[sflag:s28] =	ssyncset.done $0x0;
	(pc) =	sbr.rel @p0 .LBB2_2-.Ltmp0, $4  }
0x5f: {  	[sflag:s28] =	ssyncadd.s32 $0xFFFFC000  }
0x60: {  	[spmem:s1] =	stream.indirect.scatter.add.f32 [tilespmem:s24], [sflag:$0x3], $0x80, s23, s26, $0xb8;
	[tilespmem:$0x1C100] =	vst v63  }
0x61: {  	_ =	swait.ge [sflag:s21], $0x4000  }
0x62: {  	s30 =	sadd.s32 $0x1000, s30;
	s0 =	smov.u32 s6;
	[sflag:s21] =	ssyncset.done $0x0  }
0x63: {  	s0 =	sadd.s32 s31, s19;
	[sflag:s21] =	ssyncadd.s32 $0xFFFFC000  }
0x64: {  	[tilespmem:s22], [sflag:$0x3] =	stream.linear.gather [hbm4b:s0+s3], $0x80, $0x38;
	[tilespmem:$0x1C100] =	vst v63  }
0x65: {  	_ =	swait.ge [sflag:s21], $0x80  }
0x66: {  	[sflag:s21] =	ssyncset.done $0x0  }
0x67: {  	s6 =	sadd.s32 s31, s20;
	[sflag:s21] =	ssyncadd.s32 $0xFFFFFF80  }
0x68: {  	[tilespmem:s23], [sflag:$0x3] =	stream.linear.gather [hbm4b:s6+s3], $0x80, $0x38;
	[tilespmem:$0x1C100] =	vst v63  }
0x69: {  	_ =	swait.ge [sflag:s21], $0x80  }
0x6a: {  	[sflag:s21] =	ssyncset.done $0x0  }
0x6b: {  	[sflag:s21] =	ssyncadd.s32 $0xFFFFFF80  }
0x6c: {  	[tilespmem:s3], [sflag:$0x1] =	stream.linear.gather [hbm4b:s30+s3], $0x4000, $0x38;
	[tilespmem:$0x1C100] =	vst v63  }
0x6d: {  	s30 =	sadd.s32 $0x800, s30  }
0x6e: {  	[tilespmem:s24], [sflag:$0x2] =	stream.linear.gather [hbm4b:s30+s3], $0x4000, $0x38;
	[tilespmem:$0x1C100] =	vst v63  }
0x6f: {  	_ =	swait.ge [sflag:s25], $0x4000  }
0x70: {  	[sflag:s25] =	ssyncset.done $0x0  }
0x71: {  	[sflag:s25] =	ssyncadd.s32 $0xFFFFC000  }
0x72: {  	[spmem:s1] =	stream.indirect.scatter.add.f32 [tilespmem:s3], [sflag:$0x3], $0x80, s22, s26, $0xb8;
	[tilespmem:$0x1C100] =	vst v63  }
0x73: {  	_ =	swait.ge [sflag:s21], $0x4000  }
0x74: {  	[sflag:s21] =	ssyncset.done $0x0  }
0x75: {  	[sflag:s21] =	ssyncadd.s32 $0xFFFFC000  }
0x76: {  	_ =	swait.ge [sflag:s28], $0x4000  }
0x77: {  	[sflag:s28] =	ssyncset.done $0x0  }
0x78: {  	[sflag:s28] =	ssyncadd.s32 $0xFFFFC000  }
0x79: {  	[spmem:s1] =	stream.indirect.scatter.add.f32 [tilespmem:s24], [sflag:$0x3], $0x80, s23, s26, $0xb8;
	[tilespmem:$0x1C100] =	vst v63  }
0x7a: {  	_ =	swait.ge [sflag:s21], $0x4000  }
0x7b: {  	[sflag:s21] =	ssyncset.done $0x0  }
0x7c: {  	s31 =	rddreg [dreg:$0x4];
	[sflag:s21] =	ssyncadd.s32 $0xFFFFC000  }
0x7d: {  	[tilespmem:s22], [sflag:$0x3] =	stream.linear.gather [hbm4b:s31+s3], $0x80, $0x38;
	[tilespmem:$0x1C100] =	vst v63  }
0x7e: {  	_ =	swait.ge [sflag:s21], $0x80  }
0x7f: {  	[sflag:s21] =	ssyncset.done $0x0  }
0x80: {  	[sflag:s21] =	ssyncadd.s32 $0xFFFFFF80  }
0x81: {  	[tilespmem:s3], [sflag:$0x3] =	stream.linear.gather [hbm4b:s7+s3], $0x4000, $0x38;
	[tilespmem:$0x1C100] =	vst v63  }
0x82: {  	_ =	swait.ge [sflag:s21], $0x4000  }
0x83: {  	[sflag:s21] =	ssyncset.done $0x0  }
0x84: {  	[sflag:s21] =	ssyncadd.s32 $0xFFFFC000  }
0x85: {  	[spmem:s1] =	stream.indirect.scatter.add.f32 [tilespmem:s3], [sflag:$0x3], $0x80, s22, s26, $0xb8;
	[tilespmem:$0x1C100] =	vst v63  }
0x86: {  	_ =	swait.ge [sflag:s21], $0x4000  }
0x87: {  	[sflag:s21] =	ssyncset.done $0x0  }
0x88: {  	[sflag:s21] =	ssyncadd.s32 $0xFFFFC000  }
0x89: {  	[bflag:$0x0] =	sbarrier.arrive $0xFFFF  }
0x8a: {  	[tilespmem:s3], [sflag:$0x3] =	stream.linear.gather [spmem:s5], $0x4000, $0x38;
	[tilespmem:$0x1C100] =	vst v63  }
0x8b: {  	_ =	swait.ge [sflag:s21], $0x4000  }
0x8c: {  	[sflag:s21] =	ssyncset.done $0x0  }
0x8d: {  	[sflag:s21] =	ssyncadd.s32 $0xFFFFC000  }
0x8e: {  	[hbm4b:s10+s3] =	stream.linear.scatter [tilespmem:s3], [sflag:$0x3], $0x4000, $0x38;
	[tilespmem:$0x1C100] =	vst v63  }
0x8f: {  	_ =	swait.ge [sflag:s21], $0x4000  }
0x90: {  	[sflag:s21] =	ssyncset.done $0x0  }
0x91: {  	[sflag:s21] =	ssyncadd.s32 $0xFFFFC000  }
0x92: {  	[tilespmem:s3], [sflag:$0x3] =	stream.linear.gather [spmem:s9], $0x4000, $0x38;
	[tilespmem:$0x1C100] =	vst v63  }
0x93: {  	_ =	swait.ge [sflag:s21], $0x4000  }
0x94: {  	[sflag:s21] =	ssyncset.done $0x0  }
0x95: {  	[sflag:s21] =	ssyncadd.s32 $0xFFFFC000  }
0x96: {  	[hbm4b:s12+s3] =	stream.linear.scatter [tilespmem:s3], [sflag:$0x3], $0x4000, $0x38;
	[tilespmem:$0x1C100] =	vst v63  }
0x97: {  	_ =	swait.ge [sflag:s21], $0x4000  }
0x98: {  	[sflag:s21] =	ssyncset.done $0x0  }
0x99: {  	[sflag:s21] =	ssyncadd.s32 $0xFFFFC000  }
0x9a: {  	[tilespmem:s3], [sflag:$0x3] =	stream.linear.gather [spmem:s11], $0x4000, $0x38;
	[tilespmem:$0x1C100] =	vst v63  }
0x9b: {  	_ =	swait.ge [sflag:s21], $0x4000  }
0x9c: {  	[sflag:s21] =	ssyncset.done $0x0  }
0x9d: {  	[sflag:s21] =	ssyncadd.s32 $0xFFFFC000  }
0x9e: {  	[hbm4b:s14+s3] =	stream.linear.scatter [tilespmem:s3], [sflag:$0x3], $0x4000, $0x38;
	[tilespmem:$0x1C100] =	vst v63  }
0x9f: {  	_ =	swait.ge [sflag:s21], $0x4000  }
0xa0: {  	[sflag:s21] =	ssyncset.done $0x0  }
0xa1: {  	[sflag:s21] =	ssyncadd.s32 $0xFFFFC000  }
0xa2: {  	[tilespmem:s3], [sflag:$0x3] =	stream.linear.gather [spmem:s13], $0x4000, $0x38;
	[tilespmem:$0x1C100] =	vst v63  }
0xa3: {  	_ =	swait.ge [sflag:s21], $0x4000  }
0xa4: {  	[sflag:s21] =	ssyncset.done $0x0  }
0xa5: {  	[sflag:s21] =	ssyncadd.s32 $0xFFFFC000  }
0xa6: {  	[hbm4b:s16+s3] =	stream.linear.scatter [tilespmem:s3], [sflag:$0x3], $0x4000, $0x38;
	[tilespmem:$0x1C100] =	vst v63  }
0xa7: {  	_ =	swait.ge [sflag:s21], $0x4000  }
0xa8: {  	[sflag:s21] =	ssyncset.done $0x0  }
0xa9: {  	[sflag:s21] =	ssyncadd.s32 $0xFFFFC000  }
0xaa: {  	[tilespmem:s3], [sflag:$0x3] =	stream.linear.gather [spmem:s15], $0x4000, $0x38;
	[tilespmem:$0x1C100] =	vst v63  }
0xab: {  	s29 =	sadd.s32 $0x1, s29;
	_ =	swait.ge [sflag:s21], $0x4000  }
0xac: {  	p0 =	sne.s32 s29, s8;
	[sflag:s21] =	ssyncset.done $0x0  }
.Ltmp1:
0xad: {  	[sflag:s21] =	ssyncadd.s32 $0xFFFFC000;
	(pc) =	sbr.rel @p0 .LBB2_1-.Ltmp1, $4  }
0xae: {  	[hbm4b:s17+s3] =	stream.linear.scatter [tilespmem:s3], [sflag:$0x3], $0x4000, $0x38;
	[tilespmem:$0x1C100] =	vst v63  }
0xaf: {  	_ =	swait.ge [sflag:s21], $0x4000  }
0xb0: {  	[sflag:s21] =	ssyncset.done $0x0  }
0xb1: {  	[sflag:s21] =	ssyncadd.s32 $0xFFFFC000  }
0xb2: {  	_ =	sfence.sel $0x180000  }
0xb3: {  	[bflag:$0x0] =	sbarrier.arrive $0xFFFF  }
0xb4: {  	_ =	strace $0x9000005F  }
0xb5: {  	s0 =	stileid.u32;
	[bflag:$0x2] =	sbarrier.arrive $0xFFFF  }
0xb6: {  	p0 =	sne.s32 s0, $0x0;
	s0 =	rddreg [dreg:$0x2]  }
0xb7: {  	s0 =	sadd.s32 @!p0 $0x100000, s0  }
0xb8: {  	[sflag:s0] =	ssyncadd.tile.s32 @!p0 $0x1;
	_ =	shalt  }
.Lfunc_end2:
_tile_overlayer_lowered:
.L_overlay_start_2:
0xb9: {  	(tag) =	ssettag $0x2  }
0xba: {  	s0 =	rddreg [dreg:$0x0];
	s2 =	stileid.u32  }
0xbb: {  	s1 =	rddreg [dreg:$0x1];
	p0 =	sne.s32 s2, $0x0  }
0xbc: {  	s3 =	rddreg [dreg:$0x2];
	[bflag:$0x3] =	sbarrier.arrive $0xFFFF;
	s2 =	simm.s32 @!p0 $0x1C03  }
0xbd: {  	[timem:s3], [sflag:s2] =	dma.local @!p0 [hbm:s0], s1  }
0xbe: {  	s0 =	simm.s32 @!p0 $0x3  }
0xbf: {  	_ =	swait.ge @!p0 [sflag:s0], s1  }
0xc0: {  	s1 =	ssub.s32 @!p0 $0x0, s1;
	[sflag:s0] =	ssyncset.done @!p0 $0x0  }
0xc1: {  	[sflag:s0] =	ssyncadd.s32 @!p0 s1  }
0xc2: {  	[bflag:$0x3] =	sbarrier.arrive $0xFFFF  }
0xc3: {  	_ =	shalt  }

</sc_bundles>
